<compile_context>
chip_gen: v7x
topology: tpu7x:2x2x1
jax: 0.10.2.dev20260603
libtpu: 0.0.44.dev20260713+nightly
codegen_flags: <defaults>
</compile_context>

<pallas_src>
import functools

import jax
import jax.numpy as jnp
from jax import lax
from jax.experimental import pallas as pl
from jax.experimental.pallas import tpu as pltpu
from jax.experimental.pallas import tpu_sc as plsc

HID = 768
INTER = 1024
NUM_ROUTED = 24
NUM_SHARED = 2
TOP_K = 6
RINTER = 256
N = 2048
NA = N * TOP_K
TILE = 128
NTILE = NA // TILE + NUM_ROUTED
NP = NTILE * TILE
NEG = -1e30


def _dispatch_kernel(
    xf_ref, gwt_ref, rb2_ref, sb2_ref, dest_ref, w6_ref, te_ref, bias_ref
):
    logits = jnp.dot(xf_ref[...], gwt_ref[...], preferred_element_type=jnp.float32)
    scores = jax.nn.sigmoid(logits)
    n, e = scores.shape
    col = lax.broadcasted_iota(jnp.int32, (n, e), 1)
    s = scores
    mask = jnp.zeros(scores.shape, dtype=jnp.bool_)
    picks = []
    for _ in range(TOP_K):
        m = jnp.max(s, axis=1, keepdims=True)
        is_max = s == m
        min_idx = jnp.min(jnp.where(is_max, col, e), axis=1, keepdims=True)
        pick = col == min_idx
        picks.append(pick)
        mask = mask | pick
        s = jnp.where(pick, NEG, s)
    sel = jnp.where(mask, scores, 0.0)
    denom = jnp.sum(sel, axis=1, keepdims=True) + 1e-9
    w_dense = sel / denom
    shared_b2 = jnp.sum(sb2_ref[...], axis=0, keepdims=True)
    bias_ref[...] = (
        jnp.dot(w_dense, rb2_ref[...], preferred_element_type=jnp.float32) + shared_b2
    )

    maskf = mask.astype(jnp.float32)
    ri = lax.broadcasted_iota(jnp.int32, (n, n), 0)
    ci = lax.broadcasted_iota(jnp.int32, (n, n), 1)
    tri = jnp.where(ci < ri, 1.0, 0.0)
    cum_excl = jnp.dot(tri, maskf, preferred_element_type=jnp.float32)
    counts = jnp.sum(maskf, axis=0, keepdims=True)
    tiles_e = jnp.floor((counts + (TILE - 1)) * (1.0 / TILE))
    ri24 = lax.broadcasted_iota(jnp.int32, (e, e), 0)
    ci24 = lax.broadcasted_iota(jnp.int32, (e, e), 1)
    ltri = jnp.where(ri24 < ci24, 1.0, 0.0)
    start_tiles = jnp.dot(tiles_e, ltri, preferred_element_type=jnp.float32)
    dest_mat = start_tiles * float(TILE) + cum_excl

    dcols, wcols = [], []
    for k in range(TOP_K):
        pk = picks[k]
        dcols.append(jnp.sum(jnp.where(pk, dest_mat, 0.0), axis=1, keepdims=True))
        wcols.append(jnp.sum(jnp.where(pk, w_dense, 0.0), axis=1, keepdims=True))
    dest_ref[...] = jnp.concatenate(dcols, axis=1).astype(jnp.int32)
    w6_ref[...] = jnp.concatenate(wcols, axis=1)

    ti = lax.broadcasted_iota(jnp.int32, (TILE, e), 0).astype(jnp.float32)
    ge = jnp.where(ti >= start_tiles, 1.0, 0.0)
    te_ref[...] = (jnp.sum(ge, axis=1, keepdims=True) - 1.0).astype(jnp.int32)


@functools.lru_cache(maxsize=None)
def _sc_mesh():
    return plsc.VectorSubcoreMesh(core_axis_name="c", subcore_axis_name="s")


def _sc_scatter(
    dest3, tok3, w63, zi, zf, stok_out, sw_out, idxv, tokv, wv, zvi, zvf, sh_tok, sh_w
):
    c = lax.axis_index("c")
    s = lax.axis_index("s")
    slot = NP // 16

    @pl.when(c == 0)
    def _():
        pltpu.sync_copy(zi.at[pl.ds(s * slot, slot)], zvi)
        pltpu.sync_copy(zf.at[pl.ds(s * slot, slot)], zvf)
        pltpu.sync_copy(zvi, sh_tok.at[pl.ds(s * slot, slot)])
        pltpu.sync_copy(zvf, sh_w.at[pl.ds(s * slot, slot)])
        plsc.subcore_barrier()
        pltpu.sync_copy(dest3.at[s], idxv)
        pltpu.sync_copy(tok3.at[s], tokv)
        pltpu.sync_copy(w63.at[s], wv)
        for j in range(NA // 16 // TILE):
            pltpu.sync_copy(tokv.at[j], sh_tok.at[idxv.at[j]], add=True)
            pltpu.sync_copy(wv.at[j], sh_w.at[idxv.at[j]], add=True)
        plsc.subcore_barrier()
        pltpu.sync_copy(sh_tok.at[pl.ds(s * slot, slot)], zvi)
        pltpu.sync_copy(sh_w.at[pl.ds(s * slot, slot)], zvf)
        pltpu.sync_copy(zvi, stok_out.at[pl.ds(s * slot, slot)])
        pltpu.sync_copy(zvf, sw_out.at[pl.ds(s * slot, slot)])


_GCH = 96


def _sc_gather(x_hbm, stok3, xs_out, idxv, rows_v):
    c = lax.axis_index("c")
    s = lax.axis_index("s")
    wid = s * 2 + c
    pltpu.sync_copy(stok3.at[wid], idxv)
    for j in range(NP // 32 // _GCH):
        pltpu.sync_copy(x_hbm.at[idxv.at[j]], rows_v)
        pltpu.sync_copy(rows_v, xs_out.at[pl.ds(wid * (NP // 32) + j * _GCH, _GCH)])


_HALF = HID // 2
_QTR = HID // 6


def _sc_combine(y_hbm, stok2, zrows, part_out, idxv, rows_v, wbuf, acc):
    c = lax.axis_index("c")
    s = lax.axis_index("s")
    pltpu.sync_copy(stok2.at[s], idxv)
    for p in range(3):
        pltpu.sync_copy(zrows, rows_v.at[pl.ds(0, 32)])
        for q in range(4):
            pltpu.sync_copy(
                rows_v.at[pl.ds(0, 32)], acc.at[pl.ds(s * (N // 16) + q * 32, 32)]
            )
        plsc.subcore_barrier()
        for j in range(NP // 16 // _GCH):
            pltpu.sync_copy(
                y_hbm.at[
                    pl.ds(s * (NP // 16) + j * _GCH, _GCH),
                    pl.ds(c * _HALF + p * _QTR, _QTR),
                ],
                rows_v,
            )
            pltpu.sync_copy(rows_v, acc.at[idxv.at[j]], add=True)
        plsc.subcore_barrier()
        pltpu.sync_copy(acc.at[pl.ds(s * (N // 16), N // 16)], wbuf)
        pltpu.sync_copy(
            wbuf, part_out.at[c, pl.ds(s * (N // 16), N // 16), pl.ds(p * _QTR, _QTR)]
        )


def _ffn_kernel(te_ref, xs_ref, w1_ref, b1_ref, w2_ref, swc_ref, y_ref):
    h = jnp.dot(xs_ref[...], w1_ref[0], preferred_element_type=jnp.float32)
    h = jax.nn.gelu(h + b1_ref[0])
    y_ref[...] = jnp.dot(h, w2_ref[0], preferred_element_type=jnp.float32) * swc_ref[...]


def _shared_kernel(x_ref, sw1_ref, sb1_ref, sw2_ref, part_ref, bias_ref, out_ref, sem):
    g = pl.program_id(0)

    @pl.when(g == 0)
    def _():
        pltpu.make_async_copy(bias_ref, out_ref, sem).start()
        pltpu.make_async_copy(bias_ref, out_ref, sem).wait()

    h = jnp.dot(x_ref[...], sw1_ref[0], preferred_element_type=jnp.float32)
    h = jax.nn.gelu(h + sb1_ref[0])
    out_ref[...] += jnp.dot(h, sw2_ref[0], preferred_element_type=jnp.float32)
    out_ref[:, pl.ds(g * _HALF, _HALF)] += part_ref[0]


def kernel(x, gate_W, sW1, sb1, sW2, sb2, rW1, rb1, rW2, rb2):
    b, s_, d = x.shape
    xf = x.reshape(-1, d)

    dest, w6, te2, bias_total = pl.pallas_call(
        _dispatch_kernel,
        out_shape=(
            jax.ShapeDtypeStruct((N, TOP_K), jnp.int32),
            jax.ShapeDtypeStruct((N, TOP_K), jnp.float32),
            jax.ShapeDtypeStruct((TILE, 1), jnp.int32),
            jax.ShapeDtypeStruct((N, HID), jnp.float32),
        ),
    )(xf, gate_W.T, rb2, sb2)

    dest3 = dest.reshape(16, NA // 16 // TILE, TILE)
    tok3 = jnp.repeat(jnp.arange(N, dtype=jnp.int32), TOP_K).reshape(
        16, NA // 16 // TILE, TILE
    )
    w63 = w6.reshape(16, NA // 16 // TILE, TILE)
    zi = jnp.zeros((NP,), jnp.int32)
    zf = jnp.zeros((NP,), jnp.float32)

    stok, sw = pl.kernel(
        _sc_scatter,
        out_type=(
            jax.ShapeDtypeStruct((NP,), jnp.int32),
            jax.ShapeDtypeStruct((NP,), jnp.float32),
        ),
        mesh=_sc_mesh(),
        scratch_types=[
            pltpu.VMEM((NA // 16 // TILE, TILE), jnp.int32),
            pltpu.VMEM((NA // 16 // TILE, TILE), jnp.int32),
            pltpu.VMEM((NA // 16 // TILE, TILE), jnp.float32),
            pltpu.VMEM((NP // 16,), jnp.int32),
            pltpu.VMEM((NP // 16,), jnp.float32),
            pltpu.VMEM_SHARED((NP,), jnp.int32),
            pltpu.VMEM_SHARED((NP,), jnp.float32),
        ],
    )(dest3, tok3, w63, zi, zf)

    stok3 = stok.reshape(32, NP // 32 // _GCH, _GCH)

    xs = pl.kernel(
        _sc_gather,
        out_type=jax.ShapeDtypeStruct((NP, HID), jnp.float32),
        mesh=_sc_mesh(),
        scratch_types=[
            pltpu.VMEM((NP // 32 // _GCH, _GCH), jnp.int32),
            pltpu.VMEM((_GCH, HID), jnp.float32),
        ],
    )(xf, stok3)

    te = te2.reshape(TILE)[:NTILE]
    swc = sw.reshape(NP, 1)
    rb1r = rb1.reshape(NUM_ROUTED, 1, RINTER)

    y = pl.pallas_call(
        _ffn_kernel,
        grid_spec=pltpu.PrefetchScalarGridSpec(
            num_scalar_prefetch=1,
            grid=(NTILE,),
            in_specs=[
                pl.BlockSpec((TILE, HID), lambda i, te_r: (i, 0)),
                pl.BlockSpec((1, HID, RINTER), lambda i, te_r: (te_r[i], 0, 0)),
                pl.BlockSpec((1, 1, RINTER), lambda i, te_r: (te_r[i], 0, 0)),
                pl.BlockSpec((1, RINTER, HID), lambda i, te_r: (te_r[i], 0, 0)),
                pl.BlockSpec((TILE, 1), lambda i, te_r: (i, 0)),
            ],
            out_specs=pl.BlockSpec((TILE, HID), lambda i, te_r: (i, 0)),
        ),
        out_shape=jax.ShapeDtypeStruct((NP, HID), jnp.float32),
    )(te, xs, rW1, rb1r, rW2, swc)

    zrows = jnp.zeros((32, _QTR), jnp.float32)
    stok2 = stok.reshape(16, NP // 16 // _GCH, _GCH)
    part = pl.kernel(
        _sc_combine,
        out_type=jax.ShapeDtypeStruct((2, N, _HALF), jnp.float32),
        mesh=_sc_mesh(),
        scratch_types=[
            pltpu.VMEM((NP // 16 // _GCH, _GCH), jnp.int32),
            pltpu.VMEM((_GCH, _QTR), jnp.float32),
            pltpu.VMEM((N // 16, _QTR), jnp.float32),
            pltpu.VMEM_SHARED((N, _QTR), jnp.float32),
        ],
    )(y, stok2, zrows)

    sb1r = sb1.reshape(NUM_SHARED, 1, INTER)
    out = pl.pallas_call(
        _shared_kernel,
        grid=(NUM_SHARED,),
        in_specs=[
            pl.BlockSpec((N, HID), lambda g: (0, 0)),
            pl.BlockSpec((1, HID, INTER), lambda g: (g, 0, 0)),
            pl.BlockSpec((1, 1, INTER), lambda g: (g, 0, 0)),
            pl.BlockSpec((1, INTER, HID), lambda g: (g, 0, 0)),
            pl.BlockSpec((1, N, _HALF), lambda g: (g, 0, 0)),
            pl.BlockSpec(memory_space=pl.ANY),
        ],
        out_specs=pl.BlockSpec((N, HID), lambda g: (0, 0)),
        out_shape=jax.ShapeDtypeStruct((N, HID), jnp.float32),
        scratch_shapes=[pltpu.SemaphoreType.DMA],
    )(xf, sW1, sb1r, sW2, part, bias_total)

    aux_loss = jnp.asarray(0.0, dtype=jnp.float32)
    return (out.reshape(b, s_, d), aux_loss)

# --- scband reference (transcript-rebuilt; emitter-appended) ---
"""Pipeline reference for scband-mo-e-76836964925535 (READ-ONLY COPY).

The authoritative reference and input builder live on the scoring server;
editing this copy changes nothing except your own understanding.
"""

import jax, jax.numpy as jnp
import numpy as np

HID = 768
INTER = 1024
SEG = 4
NUM_ROUTED = 24  # 6 * segmentation_factor
NUM_SHARED = 2
TOP_K = 6
RINTER = INTER // SEG  # 256
B, S = 1, 2048


def expert_ffn(xf, W1, b1, W2, b2):
    # ExpertFFN: Linear -> GELU -> (dropout inactive in eval) -> Linear
    return jax.nn.gelu(xf @ W1 + b1) @ W2 + b2


def setup_inputs(seed: int = 0) -> dict:
    key = jax.random.key(seed)
    ks = jax.random.split(key, 11)
    x = jax.random.normal(ks[0], (B, S, HID), dtype=jnp.float32)
    gate_W = (jax.random.normal(ks[1], (NUM_ROUTED, HID), dtype=jnp.float32)
              * (0.02 / np.sqrt(HID)))
    sW1 = jax.random.normal(ks[2], (NUM_SHARED, HID, INTER), dtype=jnp.float32) * 0.02
    sb1 = jnp.zeros((NUM_SHARED, INTER), dtype=jnp.float32)
    sW2 = jax.random.normal(ks[3], (NUM_SHARED, INTER, HID), dtype=jnp.float32) * 0.02
    sb2 = jnp.zeros((NUM_SHARED, HID), dtype=jnp.float32)
    rW1 = jax.random.normal(ks[4], (NUM_ROUTED, HID, RINTER), dtype=jnp.float32) * 0.02
    rb1 = jnp.zeros((NUM_ROUTED, RINTER), dtype=jnp.float32)
    rW2 = jax.random.normal(ks[5], (NUM_ROUTED, RINTER, HID), dtype=jnp.float32) * 0.02
    rb2 = jnp.zeros((NUM_ROUTED, HID), dtype=jnp.float32)
    return {"x": x, "gate_W": gate_W, "sW1": sW1, "sb1": sb1, "sW2": sW2,
            "sb2": sb2, "rW1": rW1, "rb1": rb1, "rW2": rW2, "rb2": rb2}


def reference(x, gate_W, sW1, sb1, sW2, sb2, rW1, rb1, rW2, rb2):
    b, s, d = x.shape
    x_flat = x.reshape(-1, d)
    n = x_flat.shape[0]
    # shared experts
    shared_out = jnp.zeros_like(x_flat)
    for e in range(NUM_SHARED):
        shared_out = shared_out + expert_ffn(x_flat, sW1[e], sb1[e], sW2[e], sb2[e])
    # routing (eval mode: no bias added, no EMA/bias update, no aux loss)
    logits = x_flat @ gate_W.T
    scores = jax.nn.sigmoid(logits)
    top_scores, top_indices = jax.lax.top_k(scores, TOP_K)
    top_weights = top_scores / (jnp.sum(top_scores, axis=-1, keepdims=True) + 1e-9)
    # combine routed experts; per-token weight for expert e is the topk weight
    # if selected else 0 -- mathematically identical to the gather/scatter_add
    # dispatch in the original module.
    combined = jnp.zeros_like(x_flat)
    for e in range(NUM_ROUTED):
        w_e = jnp.sum(jnp.where(top_indices == e, top_weights, 0.0), axis=-1)  # [N]
        h = expert_ffn(x_flat, rW1[e], rb1[e], rW2[e], rb2[e])
        combined = combined + w_e[:, None] * h
    output = shared_out + combined
    aux_loss = jnp.asarray(0.0, dtype=jnp.float32)
    return (output.reshape(b, s, d), aux_loss)

if __name__ == "__main__":
    import jax
    _d = setup_inputs()
    print(jax.jit(kernel)(*tuple(_d.values())))

</pallas_src>

<mosaic_0001>
#map = affine_map<(d0, d1) -> (0, 0)>
#map1 = affine_map<(d0, d1) -> (0, 0, 0)>
module attributes {stable_mosaic.version = 14 : i64} {
  func.func @_sc_gather(%arg0: i32, %arg1: i32, %arg2: memref<2048x768xf32, #tpu.memory_space<hbm>>, %arg3: memref<32x5x96xi32, #tpu.memory_space<hbm>>, %arg4: memref<15360x768xf32, #tpu.memory_space<hbm>>, %arg5: memref<5x96xi32, #tpu.memory_space<vmem>>, %arg6: memref<96x768xf32, #tpu.memory_space<vmem>>) attributes {dimension_semantics = [#tpu.dimension_semantics<core_parallel>, #tpu.dimension_semantics<subcore_parallel>], iteration_bounds = array<i64: 2, 16>, scalar_prefetch = 0 : i64, scratch_operands = 2 : i64, tpu.core_type = #tpu.core_type<sc_vector_subcore>, window_params = [{transform_indices = #map}, {transform_indices = #map1}, {transform_indices = #map}]} {
    %mul3A = arith.constant 2 : i32
    %mul3A_0 = arith.muli %arg1, %mul3A : i32
    %add3A = arith.addi %mul3A_0, %arg0 : i32
    "tpu.region"() ({
      %run_scoped3A_25 = tpu.sem_alloc : memref<!tpu.dma_semaphore, #tpu.memory_space<semaphore_mem>>
      %dma_start3A = arith.constant 0 : i32
      %dma_start3A_26 = arith.constant 0 : i32
      %dma_start3A_27 = tpu.memref_slice %arg3[%add3A, %dma_start3A, %dma_start3A_26] : memref<32x5x96xi32, #tpu.memory_space<hbm>> -> memref<1x5x96xi32, #tpu.memory_space<hbm>>
      %dma_start3A_28 = tpu.memref_squeeze %dma_start3A_27 : memref<1x5x96xi32, #tpu.memory_space<hbm>> -> memref<5x96xi32, #tpu.memory_space<hbm>>
      %dma_start3A_29 = arith.constant 0 : i32
      %dma_start3A_30 = arith.constant 0 : i32
      %dma_start3A_31 = tpu.memref_slice %arg3[%add3A, %dma_start3A_29, %dma_start3A_30] : memref<32x5x96xi32, #tpu.memory_space<hbm>> -> memref<1x5x96xi32, #tpu.memory_space<hbm>>
      %dma_start3A_32 = tpu.memref_squeeze %dma_start3A_31 : memref<1x5x96xi32, #tpu.memory_space<hbm>> -> memref<5x96xi32, #tpu.memory_space<hbm>>
      tpu.enqueue_dma source(%dma_start3A_32 : memref<5x96xi32, #tpu.memory_space<hbm>>) target(%arg5 : memref<5x96xi32, #tpu.memory_space<vmem>>) target_semaphore(%run_scoped3A_25 : memref<!tpu.dma_semaphore, #tpu.memory_space<semaphore_mem>>)
      %dma_wait3A = arith.constant 0 : i32
      %dma_wait3A_33 = arith.constant 0 : i32
      %dma_wait3A_34 = tpu.memref_slice %arg3[%add3A, %dma_wait3A, %dma_wait3A_33] : memref<32x5x96xi32, #tpu.memory_space<hbm>> -> memref<1x5x96xi32, #tpu.memory_space<hbm>>
      %dma_wait3A_35 = tpu.memref_squeeze %dma_wait3A_34 : memref<1x5x96xi32, #tpu.memory_space<hbm>> -> memref<5x96xi32, #tpu.memory_space<hbm>>
      %dma_wait3A_36 = arith.constant 0 : i32
      %dma_wait3A_37 = arith.constant 0 : i32
      %dma_wait3A_38 = tpu.memref_slice %arg3[%add3A, %dma_wait3A_36, %dma_wait3A_37] : memref<32x5x96xi32, #tpu.memory_space<hbm>> -> memref<1x5x96xi32, #tpu.memory_space<hbm>>
      %dma_wait3A_39 = tpu.memref_squeeze %dma_wait3A_38 : memref<1x5x96xi32, #tpu.memory_space<hbm>> -> memref<5x96xi32, #tpu.memory_space<hbm>>
      tpu.wait_dma2 semaphore(%run_scoped3A_25 : memref<!tpu.dma_semaphore, #tpu.memory_space<semaphore_mem>>) src(%dma_wait3A_39 : memref<5x96xi32, #tpu.memory_space<hbm>>) dst(%arg5 : memref<5x96xi32, #tpu.memory_space<vmem>>)
      tpu.yield
    }) : () -> ()
    %run_scoped3A = arith.constant 0 : i32
    "tpu.region"() ({
      %run_scoped3A_25 = tpu.sem_alloc : memref<!tpu.dma_semaphore, #tpu.memory_space<semaphore_mem>>
      %dma_start3A = arith.constant 0 : i32
      %dma_start3A_26 = tpu.memref_slice %arg5[%run_scoped3A, %dma_start3A] : memref<5x96xi32, #tpu.memory_space<vmem>> -> memref<1x96xi32, #tpu.memory_space<vmem>>
      %dma_start3A_27 = tpu.memref_squeeze %dma_start3A_26 : memref<1x96xi32, #tpu.memory_space<vmem>> -> memref<96xi32, #tpu.memory_space<vmem>>
      %dma_start3A_28 = arith.constant 0 : i32
      %dma_start3A_29 = arith.constant 0 : i32
      %dma_start3A_30 = tpu.memref_slice %arg2[%dma_start3A_28, %dma_start3A_29] : memref<2048x768xf32, #tpu.memory_space<hbm>> -> memref<2048x768xf32, #tpu.memory_space<hbm>>
      tpu.enqueue_indirect_dma source(%dma_start3A_30 : memref<2048x768xf32, #tpu.memory_space<hbm>>) target(%arg6 : memref<96x768xf32, #tpu.memory_space<vmem>>) offsets(%dma_start3A_27 : memref<96xi32, #tpu.memory_space<vmem>>) semaphore(%run_scoped3A_25 : memref<!tpu.dma_semaphore, #tpu.memory_space<semaphore_mem>>)
      %dma_wait3A = arith.constant 0 : i32
      %dma_wait3A_31 = tpu.memref_slice %arg5[%run_scoped3A, %dma_wait3A] : memref<5x96xi32, #tpu.memory_space<vmem>> -> memref<1x96xi32, #tpu.memory_space<vmem>>
      %dma_wait3A_32 = tpu.memref_squeeze %dma_wait3A_31 : memref<1x96xi32, #tpu.memory_space<vmem>> -> memref<96xi32, #tpu.memory_space<vmem>>
      %dma_wait3A_33 = arith.constant 0 : i32
      %dma_wait3A_34 = arith.constant 0 : i32
      %dma_wait3A_35 = tpu.memref_slice %arg2[%dma_wait3A_33, %dma_wait3A_34] : memref<2048x768xf32, #tpu.memory_space<hbm>> -> memref<2048x768xf32, #tpu.memory_space<hbm>>
      tpu.wait_indirect_dma semaphore(%run_scoped3A_25 : memref<!tpu.dma_semaphore, #tpu.memory_space<semaphore_mem>>) src(%dma_wait3A_35 : memref<2048x768xf32, #tpu.memory_space<hbm>>) dst(%arg6 : memref<96x768xf32, #tpu.memory_space<vmem>>)
      tpu.yield
    }) : () -> ()
    %mul3A_1 = arith.constant 480 : i32
    %mul3A_2 = arith.muli %add3A, %mul3A_1 : i32
    %add3A_3 = arith.constant 0 : i32
    %add3A_4 = arith.addi %mul3A_2, %add3A_3 : i32
    "tpu.region"() ({
      %run_scoped3A_25 = tpu.sem_alloc : memref<!tpu.dma_semaphore, #tpu.memory_space<semaphore_mem>>
      %dma_start3A = arith.constant 0 : i32
      %dma_start3A_26 = tpu.memref_slice %arg4[%add3A_4, %dma_start3A] : memref<15360x768xf32, #tpu.memory_space<hbm>> -> memref<96x768xf32, #tpu.memory_space<hbm>>
      %dma_start3A_27 = arith.constant 0 : i32
      %dma_start3A_28 = tpu.memref_slice %arg4[%add3A_4, %dma_start3A_27] : memref<15360x768xf32, #tpu.memory_space<hbm>> -> memref<96x768xf32, #tpu.memory_space<hbm>>
      tpu.enqueue_dma source(%arg6 : memref<96x768xf32, #tpu.memory_space<vmem>>) target(%dma_start3A_28 : memref<96x768xf32, #tpu.memory_space<hbm>>) target_semaphore(%run_scoped3A_25 : memref<!tpu.dma_semaphore, #tpu.memory_space<semaphore_mem>>)
      %dma_wait3A = arith.constant 0 : i32
      %dma_wait3A_29 = tpu.memref_slice %arg4[%add3A_4, %dma_wait3A] : memref<15360x768xf32, #tpu.memory_space<hbm>> -> memref<96x768xf32, #tpu.memory_space<hbm>>
      %dma_wait3A_30 = arith.constant 0 : i32
      %dma_wait3A_31 = tpu.memref_slice %arg4[%add3A_4, %dma_wait3A_30] : memref<15360x768xf32, #tpu.memory_space<hbm>> -> memref<96x768xf32, #tpu.memory_space<hbm>>
      tpu.wait_dma2 semaphore(%run_scoped3A_25 : memref<!tpu.dma_semaphore, #tpu.memory_space<semaphore_mem>>) src(%arg6 : memref<96x768xf32, #tpu.memory_space<vmem>>) dst(%dma_wait3A_31 : memref<96x768xf32, #tpu.memory_space<hbm>>)
      tpu.yield
    }) : () -> ()
    %run_scoped3A_5 = arith.constant 1 : i32
    "tpu.region"() ({
      %run_scoped3A_25 = tpu.sem_alloc : memref<!tpu.dma_semaphore, #tpu.memory_space<semaphore_mem>>
      %dma_start3A = arith.constant 0 : i32
      %dma_start3A_26 = tpu.memref_slice %arg5[%run_scoped3A_5, %dma_start3A] : memref<5x96xi32, #tpu.memory_space<vmem>> -> memref<1x96xi32, #tpu.memory_space<vmem>>
      %dma_start3A_27 = tpu.memref_squeeze %dma_start3A_26 : memref<1x96xi32, #tpu.memory_space<vmem>> -> memref<96xi32, #tpu.memory_space<vmem>>
      %dma_start3A_28 = arith.constant 0 : i32
      %dma_start3A_29 = arith.constant 0 : i32
      %dma_start3A_30 = tpu.memref_slice %arg2[%dma_start3A_28, %dma_start3A_29] : memref<2048x768xf32, #tpu.memory_space<hbm>> -> memref<2048x768xf32, #tpu.memory_space<hbm>>
      tpu.enqueue_indirect_dma source(%dma_start3A_30 : memref<2048x768xf32, #tpu.memory_space<hbm>>) target(%arg6 : memref<96x768xf32, #tpu.memory_space<vmem>>) offsets(%dma_start3A_27 : memref<96xi32, #tpu.memory_space<vmem>>) semaphore(%run_scoped3A_25 : memref<!tpu.dma_semaphore, #tpu.memory_space<semaphore_mem>>)
      %dma_wait3A = arith.constant 0 : i32
      %dma_wait3A_31 = tpu.memref_slice %arg5[%run_scoped3A_5, %dma_wait3A] : memref<5x96xi32, #tpu.memory_space<vmem>> -> memref<1x96xi32, #tpu.memory_space<vmem>>
      %dma_wait3A_32 = tpu.memref_squeeze %dma_wait3A_31 : memref<1x96xi32, #tpu.memory_space<vmem>> -> memref<96xi32, #tpu.memory_space<vmem>>
      %dma_wait3A_33 = arith.constant 0 : i32
      %dma_wait3A_34 = arith.constant 0 : i32
      %dma_wait3A_35 = tpu.memref_slice %arg2[%dma_wait3A_33, %dma_wait3A_34] : memref<2048x768xf32, #tpu.memory_space<hbm>> -> memref<2048x768xf32, #tpu.memory_space<hbm>>
      tpu.wait_indirect_dma semaphore(%run_scoped3A_25 : memref<!tpu.dma_semaphore, #tpu.memory_space<semaphore_mem>>) src(%dma_wait3A_35 : memref<2048x768xf32, #tpu.memory_space<hbm>>) dst(%arg6 : memref<96x768xf32, #tpu.memory_space<vmem>>)
      tpu.yield
    }) : () -> ()
    %mul3A_6 = arith.constant 480 : i32
    %mul3A_7 = arith.muli %add3A, %mul3A_6 : i32
    %add3A_8 = arith.constant 96 : i32
    %add3A_9 = arith.addi %mul3A_7, %add3A_8 : i32
    "tpu.region"() ({
      %run_scoped3A_25 = tpu.sem_alloc : memref<!tpu.dma_semaphore, #tpu.memory_space<semaphore_mem>>
      %dma_start3A = arith.constant 0 : i32
      %dma_start3A_26 = tpu.memref_slice %arg4[%add3A_9, %dma_start3A] : memref<15360x768xf32, #tpu.memory_space<hbm>> -> memref<96x768xf32, #tpu.memory_space<hbm>>
      %dma_start3A_27 = arith.constant 0 : i32
      %dma_start3A_28 = tpu.memref_slice %arg4[%add3A_9, %dma_start3A_27] : memref<15360x768xf32, #tpu.memory_space<hbm>> -> memref<96x768xf32, #tpu.memory_space<hbm>>
      tpu.enqueue_dma source(%arg6 : memref<96x768xf32, #tpu.memory_space<vmem>>) target(%dma_start3A_28 : memref<96x768xf32, #tpu.memory_space<hbm>>) target_semaphore(%run_scoped3A_25 : memref<!tpu.dma_semaphore, #tpu.memory_space<semaphore_mem>>)
      %dma_wait3A = arith.constant 0 : i32
      %dma_wait3A_29 = tpu.memref_slice %arg4[%add3A_9, %dma_wait3A] : memref<15360x768xf32, #tpu.memory_space<hbm>> -> memref<96x768xf32, #tpu.memory_space<hbm>>
      %dma_wait3A_30 = arith.constant 0 : i32
      %dma_wait3A_31 = tpu.memref_slice %arg4[%add3A_9, %dma_wait3A_30] : memref<15360x768xf32, #tpu.memory_space<hbm>> -> memref<96x768xf32, #tpu.memory_space<hbm>>
      tpu.wait_dma2 semaphore(%run_scoped3A_25 : memref<!tpu.dma_semaphore, #tpu.memory_space<semaphore_mem>>) src(%arg6 : memref<96x768xf32, #tpu.memory_space<vmem>>) dst(%dma_wait3A_31 : memref<96x768xf32, #tpu.memory_space<hbm>>)
      tpu.yield
    }) : () -> ()
    %run_scoped3A_10 = arith.constant 2 : i32
    "tpu.region"() ({
      %run_scoped3A_25 = tpu.sem_alloc : memref<!tpu.dma_semaphore, #tpu.memory_space<semaphore_mem>>
      %dma_start3A = arith.constant 0 : i32
      %dma_start3A_26 = tpu.memref_slice %arg5[%run_scoped3A_10, %dma_start3A] : memref<5x96xi32, #tpu.memory_space<vmem>> -> memref<1x96xi32, #tpu.memory_space<vmem>>
      %dma_start3A_27 = tpu.memref_squeeze %dma_start3A_26 : memref<1x96xi32, #tpu.memory_space<vmem>> -> memref<96xi32, #tpu.memory_space<vmem>>
      %dma_start3A_28 = arith.constant 0 : i32
      %dma_start3A_29 = arith.constant 0 : i32
      %dma_start3A_30 = tpu.memref_slice %arg2[%dma_start3A_28, %dma_start3A_29] : memref<2048x768xf32, #tpu.memory_space<hbm>> -> memref<2048x768xf32, #tpu.memory_space<hbm>>
      tpu.enqueue_indirect_dma source(%dma_start3A_30 : memref<2048x768xf32, #tpu.memory_space<hbm>>) target(%arg6 : memref<96x768xf32, #tpu.memory_space<vmem>>) offsets(%dma_start3A_27 : memref<96xi32, #tpu.memory_space<vmem>>) semaphore(%run_scoped3A_25 : memref<!tpu.dma_semaphore, #tpu.memory_space<semaphore_mem>>)
      %dma_wait3A = arith.constant 0 : i32
      %dma_wait3A_31 = tpu.memref_slice %arg5[%run_scoped3A_10, %dma_wait3A] : memref<5x96xi32, #tpu.memory_space<vmem>> -> memref<1x96xi32, #tpu.memory_space<vmem>>
      %dma_wait3A_32 = tpu.memref_squeeze %dma_wait3A_31 : memref<1x96xi32, #tpu.memory_space<vmem>> -> memref<96xi32, #tpu.memory_space<vmem>>
      %dma_wait3A_33 = arith.constant 0 : i32
      %dma_wait3A_34 = arith.constant 0 : i32
      %dma_wait3A_35 = tpu.memref_slice %arg2[%dma_wait3A_33, %dma_wait3A_34] : memref<2048x768xf32, #tpu.memory_space<hbm>> -> memref<2048x768xf32, #tpu.memory_space<hbm>>
      tpu.wait_indirect_dma semaphore(%run_scoped3A_25 : memref<!tpu.dma_semaphore, #tpu.memory_space<semaphore_mem>>) src(%dma_wait3A_35 : memref<2048x768xf32, #tpu.memory_space<hbm>>) dst(%arg6 : memref<96x768xf32, #tpu.memory_space<vmem>>)
      tpu.yield
    }) : () -> ()
    %mul3A_11 = arith.constant 480 : i32
    %mul3A_12 = arith.muli %add3A, %mul3A_11 : i32
    %add3A_13 = arith.constant 192 : i32
    %add3A_14 = arith.addi %mul3A_12, %add3A_13 : i32
    "tpu.region"() ({
      %run_scoped3A_25 = tpu.sem_alloc : memref<!tpu.dma_semaphore, #tpu.memory_space<semaphore_mem>>
      %dma_start3A = arith.constant 0 : i32
      %dma_start3A_26 = tpu.memref_slice %arg4[%add3A_14, %dma_start3A] : memref<15360x768xf32, #tpu.memory_space<hbm>> -> memref<96x768xf32, #tpu.memory_space<hbm>>
      %dma_start3A_27 = arith.constant 0 : i32
      %dma_start3A_28 = tpu.memref_slice %arg4[%add3A_14, %dma_start3A_27] : memref<15360x768xf32, #tpu.memory_space<hbm>> -> memref<96x768xf32, #tpu.memory_space<hbm>>
      tpu.enqueue_dma source(%arg6 : memref<96x768xf32, #tpu.memory_space<vmem>>) target(%dma_start3A_28 : memref<96x768xf32, #tpu.memory_space<hbm>>) target_semaphore(%run_scoped3A_25 : memref<!tpu.dma_semaphore, #tpu.memory_space<semaphore_mem>>)
      %dma_wait3A = arith.constant 0 : i32
      %dma_wait3A_29 = tpu.memref_slice %arg4[%add3A_14, %dma_wait3A] : memref<15360x768xf32, #tpu.memory_space<hbm>> -> memref<96x768xf32, #tpu.memory_space<hbm>>
      %dma_wait3A_30 = arith.constant 0 : i32
      %dma_wait3A_31 = tpu.memref_slice %arg4[%add3A_14, %dma_wait3A_30] : memref<15360x768xf32, #tpu.memory_space<hbm>> -> memref<96x768xf32, #tpu.memory_space<hbm>>
      tpu.wait_dma2 semaphore(%run_scoped3A_25 : memref<!tpu.dma_semaphore, #tpu.memory_space<semaphore_mem>>) src(%arg6 : memref<96x768xf32, #tpu.memory_space<vmem>>) dst(%dma_wait3A_31 : memref<96x768xf32, #tpu.memory_space<hbm>>)
      tpu.yield
    }) : () -> ()
    %run_scoped3A_15 = arith.constant 3 : i32
    "tpu.region"() ({
      %run_scoped3A_25 = tpu.sem_alloc : memref<!tpu.dma_semaphore, #tpu.memory_space<semaphore_mem>>
      %dma_start3A = arith.constant 0 : i32
      %dma_start3A_26 = tpu.memref_slice %arg5[%run_scoped3A_15, %dma_start3A] : memref<5x96xi32, #tpu.memory_space<vmem>> -> memref<1x96xi32, #tpu.memory_space<vmem>>
      %dma_start3A_27 = tpu.memref_squeeze %dma_start3A_26 : memref<1x96xi32, #tpu.memory_space<vmem>> -> memref<96xi32, #tpu.memory_space<vmem>>
      %dma_start3A_28 = arith.constant 0 : i32
      %dma_start3A_29 = arith.constant 0 : i32
      %dma_start3A_30 = tpu.memref_slice %arg2[%dma_start3A_28, %dma_start3A_29] : memref<2048x768xf32, #tpu.memory_space<hbm>> -> memref<2048x768xf32, #tpu.memory_space<hbm>>
      tpu.enqueue_indirect_dma source(%dma_start3A_30 : memref<2048x768xf32, #tpu.memory_space<hbm>>) target(%arg6 : memref<96x768xf32, #tpu.memory_space<vmem>>) offsets(%dma_start3A_27 : memref<96xi32, #tpu.memory_space<vmem>>) semaphore(%run_scoped3A_25 : memref<!tpu.dma_semaphore, #tpu.memory_space<semaphore_mem>>)
      %dma_wait3A = arith.constant 0 : i32
      %dma_wait3A_31 = tpu.memref_slice %arg5[%run_scoped3A_15, %dma_wait3A] : memref<5x96xi32, #tpu.memory_space<vmem>> -> memref<1x96xi32, #tpu.memory_space<vmem>>
      %dma_wait3A_32 = tpu.memref_squeeze %dma_wait3A_31 : memref<1x96xi32, #tpu.memory_space<vmem>> -> memref<96xi32, #tpu.memory_space<vmem>>
      %dma_wait3A_33 = arith.constant 0 : i32
      %dma_wait3A_34 = arith.constant 0 : i32
      %dma_wait3A_35 = tpu.memref_slice %arg2[%dma_wait3A_33, %dma_wait3A_34] : memref<2048x768xf32, #tpu.memory_space<hbm>> -> memref<2048x768xf32, #tpu.memory_space<hbm>>
      tpu.wait_indirect_dma semaphore(%run_scoped3A_25 : memref<!tpu.dma_semaphore, #tpu.memory_space<semaphore_mem>>) src(%dma_wait3A_35 : memref<2048x768xf32, #tpu.memory_space<hbm>>) dst(%arg6 : memref<96x768xf32, #tpu.memory_space<vmem>>)
      tpu.yield
    }) : () -> ()
    %mul3A_16 = arith.constant 480 : i32
    %mul3A_17 = arith.muli %add3A, %mul3A_16 : i32
    %add3A_18 = arith.constant 288 : i32
    %add3A_19 = arith.addi %mul3A_17, %add3A_18 : i32
    "tpu.region"() ({
      %run_scoped3A_25 = tpu.sem_alloc : memref<!tpu.dma_semaphore, #tpu.memory_space<semaphore_mem>>
      %dma_start3A = arith.constant 0 : i32
      %dma_start3A_26 = tpu.memref_slice %arg4[%add3A_19, %dma_start3A] : memref<15360x768xf32, #tpu.memory_space<hbm>> -> memref<96x768xf32, #tpu.memory_space<hbm>>
      %dma_start3A_27 = arith.constant 0 : i32
      %dma_start3A_28 = tpu.memref_slice %arg4[%add3A_19, %dma_start3A_27] : memref<15360x768xf32, #tpu.memory_space<hbm>> -> memref<96x768xf32, #tpu.memory_space<hbm>>
      tpu.enqueue_dma source(%arg6 : memref<96x768xf32, #tpu.memory_space<vmem>>) target(%dma_start3A_28 : memref<96x768xf32, #tpu.memory_space<hbm>>) target_semaphore(%run_scoped3A_25 : memref<!tpu.dma_semaphore, #tpu.memory_space<semaphore_mem>>)
      %dma_wait3A = arith.constant 0 : i32
      %dma_wait3A_29 = tpu.memref_slice %arg4[%add3A_19, %dma_wait3A] : memref<15360x768xf32, #tpu.memory_space<hbm>> -> memref<96x768xf32, #tpu.memory_space<hbm>>
      %dma_wait3A_30 = arith.constant 0 : i32
      %dma_wait3A_31 = tpu.memref_slice %arg4[%add3A_19, %dma_wait3A_30] : memref<15360x768xf32, #tpu.memory_space<hbm>> -> memref<96x768xf32, #tpu.memory_space<hbm>>
      tpu.wait_dma2 semaphore(%run_scoped3A_25 : memref<!tpu.dma_semaphore, #tpu.memory_space<semaphore_mem>>) src(%arg6 : memref<96x768xf32, #tpu.memory_space<vmem>>) dst(%dma_wait3A_31 : memref<96x768xf32, #tpu.memory_space<hbm>>)
      tpu.yield
    }) : () -> ()
    %run_scoped3A_20 = arith.constant 4 : i32
    "tpu.region"() ({
      %run_scoped3A_25 = tpu.sem_alloc : memref<!tpu.dma_semaphore, #tpu.memory_space<semaphore_mem>>
      %dma_start3A = arith.constant 0 : i32
      %dma_start3A_26 = tpu.memref_slice %arg5[%run_scoped3A_20, %dma_start3A] : memref<5x96xi32, #tpu.memory_space<vmem>> -> memref<1x96xi32, #tpu.memory_space<vmem>>
      %dma_start3A_27 = tpu.memref_squeeze %dma_start3A_26 : memref<1x96xi32, #tpu.memory_space<vmem>> -> memref<96xi32, #tpu.memory_space<vmem>>
      %dma_start3A_28 = arith.constant 0 : i32
      %dma_start3A_29 = arith.constant 0 : i32
      %dma_start3A_30 = tpu.memref_slice %arg2[%dma_start3A_28, %dma_start3A_29] : memref<2048x768xf32, #tpu.memory_space<hbm>> -> memref<2048x768xf32, #tpu.memory_space<hbm>>
      tpu.enqueue_indirect_dma source(%dma_start3A_30 : memref<2048x768xf32, #tpu.memory_space<hbm>>) target(%arg6 : memref<96x768xf32, #tpu.memory_space<vmem>>) offsets(%dma_start3A_27 : memref<96xi32, #tpu.memory_space<vmem>>) semaphore(%run_scoped3A_25 : memref<!tpu.dma_semaphore, #tpu.memory_space<semaphore_mem>>)
      %dma_wait3A = arith.constant 0 : i32
      %dma_wait3A_31 = tpu.memref_slice %arg5[%run_scoped3A_20, %dma_wait3A] : memref<5x96xi32, #tpu.memory_space<vmem>> -> memref<1x96xi32, #tpu.memory_space<vmem>>
      %dma_wait3A_32 = tpu.memref_squeeze %dma_wait3A_31 : memref<1x96xi32, #tpu.memory_space<vmem>> -> memref<96xi32, #tpu.memory_space<vmem>>
      %dma_wait3A_33 = arith.constant 0 : i32
      %dma_wait3A_34 = arith.constant 0 : i32
      %dma_wait3A_35 = tpu.memref_slice %arg2[%dma_wait3A_33, %dma_wait3A_34] : memref<2048x768xf32, #tpu.memory_space<hbm>> -> memref<2048x768xf32, #tpu.memory_space<hbm>>
      tpu.wait_indirect_dma semaphore(%run_scoped3A_25 : memref<!tpu.dma_semaphore, #tpu.memory_space<semaphore_mem>>) src(%dma_wait3A_35 : memref<2048x768xf32, #tpu.memory_space<hbm>>) dst(%arg6 : memref<96x768xf32, #tpu.memory_space<vmem>>)
      tpu.yield
    }) : () -> ()
    %mul3A_21 = arith.constant 480 : i32
    %mul3A_22 = arith.muli %add3A, %mul3A_21 : i32
    %add3A_23 = arith.constant 384 : i32
    %add3A_24 = arith.addi %mul3A_22, %add3A_23 : i32
    "tpu.region"() ({
      %run_scoped3A_25 = tpu.sem_alloc : memref<!tpu.dma_semaphore, #tpu.memory_space<semaphore_mem>>
      %dma_start3A = arith.constant 0 : i32
      %dma_start3A_26 = tpu.memref_slice %arg4[%add3A_24, %dma_start3A] : memref<15360x768xf32, #tpu.memory_space<hbm>> -> memref<96x768xf32, #tpu.memory_space<hbm>>
      %dma_start3A_27 = arith.constant 0 : i32
      %dma_start3A_28 = tpu.memref_slice %arg4[%add3A_24, %dma_start3A_27] : memref<15360x768xf32, #tpu.memory_space<hbm>> -> memref<96x768xf32, #tpu.memory_space<hbm>>
      tpu.enqueue_dma source(%arg6 : memref<96x768xf32, #tpu.memory_space<vmem>>) target(%dma_start3A_28 : memref<96x768xf32, #tpu.memory_space<hbm>>) target_semaphore(%run_scoped3A_25 : memref<!tpu.dma_semaphore, #tpu.memory_space<semaphore_mem>>)
      %dma_wait3A = arith.constant 0 : i32
      %dma_wait3A_29 = tpu.memref_slice %arg4[%add3A_24, %dma_wait3A] : memref<15360x768xf32, #tpu.memory_space<hbm>> -> memref<96x768xf32, #tpu.memory_space<hbm>>
      %dma_wait3A_30 = arith.constant 0 : i32
      %dma_wait3A_31 = tpu.memref_slice %arg4[%add3A_24, %dma_wait3A_30] : memref<15360x768xf32, #tpu.memory_space<hbm>> -> memref<96x768xf32, #tpu.memory_space<hbm>>
      tpu.wait_dma2 semaphore(%run_scoped3A_25 : memref<!tpu.dma_semaphore, #tpu.memory_space<semaphore_mem>>) src(%arg6 : memref<96x768xf32, #tpu.memory_space<vmem>>) dst(%dma_wait3A_31 : memref<96x768xf32, #tpu.memory_space<hbm>>)
      tpu.yield
    }) : () -> ()
    return
  }
}

#map = affine_map<(d0, d1) -> (0, 0, 0)>
#map1 = affine_map<(d0, d1) -> (0)>
module attributes {stable_mosaic.version = 14 : i64} {
  func.func @_sc_scatter(%arg0: i32, %arg1: i32, %arg2: memref<16x6x128xi32, #tpu.memory_space<hbm>>, %arg3: memref<16x6x128xi32, #tpu.memory_space<hbm>>, %arg4: memref<16x6x128xf32, #tpu.memory_space<hbm>>, %arg5: memref<15360xi32, #tpu.memory_space<hbm>>, %arg6: memref<15360xf32, #tpu.memory_space<hbm>>, %arg7: memref<15360xi32, #tpu.memory_space<hbm>>, %arg8: memref<15360xf32, #tpu.memory_space<hbm>>, %arg9: memref<6x128xi32, #tpu.memory_space<vmem>>, %arg10: memref<6x128xi32, #tpu.memory_space<vmem>>, %arg11: memref<6x128xf32, #tpu.memory_space<vmem>>, %arg12: memref<960xi32, #tpu.memory_space<vmem>>, %arg13: memref<960xf32, #tpu.memory_space<vmem>>, %arg14: memref<15360xi32, #tpu.memory_space<vmem_shared>>, %arg15: memref<15360xf32, #tpu.memory_space<vmem_shared>>) attributes {dimension_semantics = [#tpu.dimension_semantics<core_parallel>, #tpu.dimension_semantics<subcore_parallel>], iteration_bounds = array<i64: 2, 16>, scalar_prefetch = 0 : i64, scratch_operands = 7 : i64, tpu.core_type = #tpu.core_type<sc_vector_subcore>, window_params = [{transform_indices = #map}, {transform_indices = #map}, {transform_indices = #map}, {transform_indices = #map1}, {transform_indices = #map1}, {transform_indices = #map1}, {transform_indices = #map1}]} {
    %eq3A = arith.constant 0 : i32
    %eq3A_0 = arith.cmpi eq, %arg0, %eq3A : i32
    %convert_element_type3A = arith.extui %eq3A_0 : i1 to i32
    %cond3A = arith.constant 0 : i32
    %cond3A_1 = arith.cmpi ne, %convert_element_type3A, %cond3A : i32
    scf.if %cond3A_1 {
      %mul3A = arith.constant 960 : i32
      %mul3A_2 = arith.muli %arg1, %mul3A : i32
      "tpu.region"() ({
        %run_scoped3A_41 = tpu.sem_alloc : memref<!tpu.dma_semaphore, #tpu.memory_space<semaphore_mem>>
        %dma_start3A = tpu.memref_slice %arg5[%mul3A_2] : memref<15360xi32, #tpu.memory_space<hbm>> -> memref<960xi32, #tpu.memory_space<hbm>>
        %dma_start3A_42 = tpu.memref_slice %arg5[%mul3A_2] : memref<15360xi32, #tpu.memory_space<hbm>> -> memref<960xi32, #tpu.memory_space<hbm>>
        tpu.enqueue_dma source(%dma_start3A_42 : memref<960xi32, #tpu.memory_space<hbm>>) target(%arg12 : memref<960xi32, #tpu.memory_space<vmem>>) target_semaphore(%run_scoped3A_41 : memref<!tpu.dma_semaphore, #tpu.memory_space<semaphore_mem>>)
        %dma_wait3A = tpu.memref_slice %arg5[%mul3A_2] : memref<15360xi32, #tpu.memory_space<hbm>> -> memref<960xi32, #tpu.memory_space<hbm>>
        %dma_wait3A_43 = tpu.memref_slice %arg5[%mul3A_2] : memref<15360xi32, #tpu.memory_space<hbm>> -> memref<960xi32, #tpu.memory_space<hbm>>
        tpu.wait_dma2 semaphore(%run_scoped3A_41 : memref<!tpu.dma_semaphore, #tpu.memory_space<semaphore_mem>>) src(%dma_wait3A_43 : memref<960xi32, #tpu.memory_space<hbm>>) dst(%arg12 : memref<960xi32, #tpu.memory_space<vmem>>)
        tpu.yield
      }) : () -> ()
      %mul3A_3 = arith.constant 960 : i32
      %mul3A_4 = arith.muli %arg1, %mul3A_3 : i32
      "tpu.region"() ({
        %run_scoped3A_41 = tpu.sem_alloc : memref<!tpu.dma_semaphore, #tpu.memory_space<semaphore_mem>>
        %dma_start3A = tpu.memref_slice %arg6[%mul3A_4] : memref<15360xf32, #tpu.memory_space<hbm>> -> memref<960xf32, #tpu.memory_space<hbm>>
        %dma_start3A_42 = tpu.memref_slice %arg6[%mul3A_4] : memref<15360xf32, #tpu.memory_space<hbm>> -> memref<960xf32, #tpu.memory_space<hbm>>
        tpu.enqueue_dma source(%dma_start3A_42 : memref<960xf32, #tpu.memory_space<hbm>>) target(%arg13 : memref<960xf32, #tpu.memory_space<vmem>>) target_semaphore(%run_scoped3A_41 : memref<!tpu.dma_semaphore, #tpu.memory_space<semaphore_mem>>)
        %dma_wait3A = tpu.memref_slice %arg6[%mul3A_4] : memref<15360xf32, #tpu.memory_space<hbm>> -> memref<960xf32, #tpu.memory_space<hbm>>
        %dma_wait3A_43 = tpu.memref_slice %arg6[%mul3A_4] : memref<15360xf32, #tpu.memory_space<hbm>> -> memref<960xf32, #tpu.memory_space<hbm>>
        tpu.wait_dma2 semaphore(%run_scoped3A_41 : memref<!tpu.dma_semaphore, #tpu.memory_space<semaphore_mem>>) src(%dma_wait3A_43 : memref<960xf32, #tpu.memory_space<hbm>>) dst(%arg13 : memref<960xf32, #tpu.memory_space<vmem>>)
        tpu.yield
      }) : () -> ()
      %mul3A_5 = arith.constant 960 : i32
      %mul3A_6 = arith.muli %arg1, %mul3A_5 : i32
      "tpu.region"() ({
        %run_scoped3A_41 = tpu.sem_alloc : memref<!tpu.dma_semaphore, #tpu.memory_space<semaphore_mem>>
        %dma_start3A = tpu.memref_slice %arg14[%mul3A_6] : memref<15360xi32, #tpu.memory_space<vmem_shared>> -> memref<960xi32, #tpu.memory_space<vmem_shared>>
        %dma_start3A_42 = tpu.memref_slice %arg14[%mul3A_6] : memref<15360xi32, #tpu.memory_space<vmem_shared>> -> memref<960xi32, #tpu.memory_space<vmem_shared>>
        tpu.enqueue_dma source(%arg12 : memref<960xi32, #tpu.memory_space<vmem>>) target(%dma_start3A_42 : memref<960xi32, #tpu.memory_space<vmem_shared>>) target_semaphore(%run_scoped3A_41 : memref<!tpu.dma_semaphore, #tpu.memory_space<semaphore_mem>>)
        %dma_wait3A = tpu.memref_slice %arg14[%mul3A_6] : memref<15360xi32, #tpu.memory_space<vmem_shared>> -> memref<960xi32, #tpu.memory_space<vmem_shared>>
        %dma_wait3A_43 = tpu.memref_slice %arg14[%mul3A_6] : memref<15360xi32, #tpu.memory_space<vmem_shared>> -> memref<960xi32, #tpu.memory_space<vmem_shared>>
        tpu.wait_dma2 semaphore(%run_scoped3A_41 : memref<!tpu.dma_semaphore, #tpu.memory_space<semaphore_mem>>) src(%arg12 : memref<960xi32, #tpu.memory_space<vmem>>) dst(%dma_wait3A_43 : memref<960xi32, #tpu.memory_space<vmem_shared>>)
        tpu.yield
      }) : () -> ()
      %mul3A_7 = arith.constant 960 : i32
      %mul3A_8 = arith.muli %arg1, %mul3A_7 : i32
      "tpu.region"() ({
        %run_scoped3A_41 = tpu.sem_alloc : memref<!tpu.dma_semaphore, #tpu.memory_space<semaphore_mem>>
        %dma_start3A = tpu.memref_slice %arg15[%mul3A_8] : memref<15360xf32, #tpu.memory_space<vmem_shared>> -> memref<960xf32, #tpu.memory_space<vmem_shared>>
        %dma_start3A_42 = tpu.memref_slice %arg15[%mul3A_8] : memref<15360xf32, #tpu.memory_space<vmem_shared>> -> memref<960xf32, #tpu.memory_space<vmem_shared>>
        tpu.enqueue_dma source(%arg13 : memref<960xf32, #tpu.memory_space<vmem>>) target(%dma_start3A_42 : memref<960xf32, #tpu.memory_space<vmem_shared>>) target_semaphore(%run_scoped3A_41 : memref<!tpu.dma_semaphore, #tpu.memory_space<semaphore_mem>>)
        %dma_wait3A = tpu.memref_slice %arg15[%mul3A_8] : memref<15360xf32, #tpu.memory_space<vmem_shared>> -> memref<960xf32, #tpu.memory_space<vmem_shared>>
        %dma_wait3A_43 = tpu.memref_slice %arg15[%mul3A_8] : memref<15360xf32, #tpu.memory_space<vmem_shared>> -> memref<960xf32, #tpu.memory_space<vmem_shared>>
        tpu.wait_dma2 semaphore(%run_scoped3A_41 : memref<!tpu.dma_semaphore, #tpu.memory_space<semaphore_mem>>) src(%arg13 : memref<960xf32, #tpu.memory_space<vmem>>) dst(%dma_wait3A_43 : memref<960xf32, #tpu.memory_space<vmem_shared>>)
        tpu.yield
      }) : () -> ()
      %barrier3A = arith.constant 0 : index
      tpu.barrier barrier_id(%barrier3A)
      "tpu.region"() ({
        %run_scoped3A_41 = tpu.sem_alloc : memref<!tpu.dma_semaphore, #tpu.memory_space<semaphore_mem>>
        %dma_start3A = arith.constant 0 : i32
        %dma_start3A_42 = arith.constant 0 : i32
        %dma_start3A_43 = tpu.memref_slice %arg2[%arg1, %dma_start3A, %dma_start3A_42] : memref<16x6x128xi32, #tpu.memory_space<hbm>> -> memref<1x6x128xi32, #tpu.memory_space<hbm>>
        %dma_start3A_44 = tpu.memref_squeeze %dma_start3A_43 : memref<1x6x128xi32, #tpu.memory_space<hbm>> -> memref<6x128xi32, #tpu.memory_space<hbm>>
        %dma_start3A_45 = arith.constant 0 : i32
        %dma_start3A_46 = arith.constant 0 : i32
        %dma_start3A_47 = tpu.memref_slice %arg2[%arg1, %dma_start3A_45, %dma_start3A_46] : memref<16x6x128xi32, #tpu.memory_space<hbm>> -> memref<1x6x128xi32, #tpu.memory_space<hbm>>
        %dma_start3A_48 = tpu.memref_squeeze %dma_start3A_47 : memref<1x6x128xi32, #tpu.memory_space<hbm>> -> memref<6x128xi32, #tpu.memory_space<hbm>>
        tpu.enqueue_dma source(%dma_start3A_48 : memref<6x128xi32, #tpu.memory_space<hbm>>) target(%arg9 : memref<6x128xi32, #tpu.memory_space<vmem>>) target_semaphore(%run_scoped3A_41 : memref<!tpu.dma_semaphore, #tpu.memory_space<semaphore_mem>>)
        %dma_wait3A = arith.constant 0 : i32
        %dma_wait3A_49 = arith.constant 0 : i32
        %dma_wait3A_50 = tpu.memref_slice %arg2[%arg1, %dma_wait3A, %dma_wait3A_49] : memref<16x6x128xi32, #tpu.memory_space<hbm>> -> memref<1x6x128xi32, #tpu.memory_space<hbm>>
        %dma_wait3A_51 = tpu.memref_squeeze %dma_wait3A_50 : memref<1x6x128xi32, #tpu.memory_space<hbm>> -> memref<6x128xi32, #tpu.memory_space<hbm>>
        %dma_wait3A_52 = arith.constant 0 : i32
        %dma_wait3A_53 = arith.constant 0 : i32
        %dma_wait3A_54 = tpu.memref_slice %arg2[%arg1, %dma_wait3A_52, %dma_wait3A_53] : memref<16x6x128xi32, #tpu.memory_space<hbm>> -> memref<1x6x128xi32, #tpu.memory_space<hbm>>
        %dma_wait3A_55 = tpu.memref_squeeze %dma_wait3A_54 : memref<1x6x128xi32, #tpu.memory_space<hbm>> -> memref<6x128xi32, #tpu.memory_space<hbm>>
        tpu.wait_dma2 semaphore(%run_scoped3A_41 : memref<!tpu.dma_semaphore, #tpu.memory_space<semaphore_mem>>) src(%dma_wait3A_55 : memref<6x128xi32, #tpu.memory_space<hbm>>) dst(%arg9 : memref<6x128xi32, #tpu.memory_space<vmem>>)
        tpu.yield
      }) : () -> ()
      "tpu.region"() ({
        %run_scoped3A_41 = tpu.sem_alloc : memref<!tpu.dma_semaphore, #tpu.memory_space<semaphore_mem>>
        %dma_start3A = arith.constant 0 : i32
        %dma_start3A_42 = arith.constant 0 : i32
        %dma_start3A_43 = tpu.memref_slice %arg3[%arg1, %dma_start3A, %dma_start3A_42] : memref<16x6x128xi32, #tpu.memory_space<hbm>> -> memref<1x6x128xi32, #tpu.memory_space<hbm>>
        %dma_start3A_44 = tpu.memref_squeeze %dma_start3A_43 : memref<1x6x128xi32, #tpu.memory_space<hbm>> -> memref<6x128xi32, #tpu.memory_space<hbm>>
        %dma_start3A_45 = arith.constant 0 : i32
        %dma_start3A_46 = arith.constant 0 : i32
        %dma_start3A_47 = tpu.memref_slice %arg3[%arg1, %dma_start3A_45, %dma_start3A_46] : memref<16x6x128xi32, #tpu.memory_space<hbm>> -> memref<1x6x128xi32, #tpu.memory_space<hbm>>
        %dma_start3A_48 = tpu.memref_squeeze %dma_start3A_47 : memref<1x6x128xi32, #tpu.memory_space<hbm>> -> memref<6x128xi32, #tpu.memory_space<hbm>>
        tpu.enqueue_dma source(%dma_start3A_48 : memref<6x128xi32, #tpu.memory_space<hbm>>) target(%arg10 : memref<6x128xi32, #tpu.memory_space<vmem>>) target_semaphore(%run_scoped3A_41 : memref<!tpu.dma_semaphore, #tpu.memory_space<semaphore_mem>>)
        %dma_wait3A = arith.constant 0 : i32
        %dma_wait3A_49 = arith.constant 0 : i32
        %dma_wait3A_50 = tpu.memref_slice %arg3[%arg1, %dma_wait3A, %dma_wait3A_49] : memref<16x6x128xi32, #tpu.memory_space<hbm>> -> memref<1x6x128xi32, #tpu.memory_space<hbm>>
        %dma_wait3A_51 = tpu.memref_squeeze %dma_wait3A_50 : memref<1x6x128xi32, #tpu.memory_space<hbm>> -> memref<6x128xi32, #tpu.memory_space<hbm>>
        %dma_wait3A_52 = arith.constant 0 : i32
        %dma_wait3A_53 = arith.constant 0 : i32
        %dma_wait3A_54 = tpu.memref_slice %arg3[%arg1, %dma_wait3A_52, %dma_wait3A_53] : memref<16x6x128xi32, #tpu.memory_space<hbm>> -> memref<1x6x128xi32, #tpu.memory_space<hbm>>
        %dma_wait3A_55 = tpu.memref_squeeze %dma_wait3A_54 : memref<1x6x128xi32, #tpu.memory_space<hbm>> -> memref<6x128xi32, #tpu.memory_space<hbm>>
        tpu.wait_dma2 semaphore(%run_scoped3A_41 : memref<!tpu.dma_semaphore, #tpu.memory_space<semaphore_mem>>) src(%dma_wait3A_55 : memref<6x128xi32, #tpu.memory_space<hbm>>) dst(%arg10 : memref<6x128xi32, #tpu.memory_space<vmem>>)
        tpu.yield
      }) : () -> ()
      "tpu.region"() ({
        %run_scoped3A_41 = tpu.sem_alloc : memref<!tpu.dma_semaphore, #tpu.memory_space<semaphore_mem>>
        %dma_start3A = arith.constant 0 : i32
        %dma_start3A_42 = arith.constant 0 : i32
        %dma_start3A_43 = tpu.memref_slice %arg4[%arg1, %dma_start3A, %dma_start3A_42] : memref<16x6x128xf32, #tpu.memory_space<hbm>> -> memref<1x6x128xf32, #tpu.memory_space<hbm>>
        %dma_start3A_44 = tpu.memref_squeeze %dma_start3A_43 : memref<1x6x128xf32, #tpu.memory_space<hbm>> -> memref<6x128xf32, #tpu.memory_space<hbm>>
        %dma_start3A_45 = arith.constant 0 : i32
        %dma_start3A_46 = arith.constant 0 : i32
        %dma_start3A_47 = tpu.memref_slice %arg4[%arg1, %dma_start3A_45, %dma_start3A_46] : memref<16x6x128xf32, #tpu.memory_space<hbm>> -> memref<1x6x128xf32, #tpu.memory_space<hbm>>
        %dma_start3A_48 = tpu.memref_squeeze %dma_start3A_47 : memref<1x6x128xf32, #tpu.memory_space<hbm>> -> memref<6x128xf32, #tpu.memory_space<hbm>>
        tpu.enqueue_dma source(%dma_start3A_48 : memref<6x128xf32, #tpu.memory_space<hbm>>) target(%arg11 : memref<6x128xf32, #tpu.memory_space<vmem>>) target_semaphore(%run_scoped3A_41 : memref<!tpu.dma_semaphore, #tpu.memory_space<semaphore_mem>>)
        %dma_wait3A = arith.constant 0 : i32
        %dma_wait3A_49 = arith.constant 0 : i32
        %dma_wait3A_50 = tpu.memref_slice %arg4[%arg1, %dma_wait3A, %dma_wait3A_49] : memref<16x6x128xf32, #tpu.memory_space<hbm>> -> memref<1x6x128xf32, #tpu.memory_space<hbm>>
        %dma_wait3A_51 = tpu.memref_squeeze %dma_wait3A_50 : memref<1x6x128xf32, #tpu.memory_space<hbm>> -> memref<6x128xf32, #tpu.memory_space<hbm>>
        %dma_wait3A_52 = arith.constant 0 : i32
        %dma_wait3A_53 = arith.constant 0 : i32
        %dma_wait3A_54 = tpu.memref_slice %arg4[%arg1, %dma_wait3A_52, %dma_wait3A_53] : memref<16x6x128xf32, #tpu.memory_space<hbm>> -> memref<1x6x128xf32, #tpu.memory_space<hbm>>
        %dma_wait3A_55 = tpu.memref_squeeze %dma_wait3A_54 : memref<1x6x128xf32, #tpu.memory_space<hbm>> -> memref<6x128xf32, #tpu.memory_space<hbm>>
        tpu.wait_dma2 semaphore(%run_scoped3A_41 : memref<!tpu.dma_semaphore, #tpu.memory_space<semaphore_mem>>) src(%dma_wait3A_55 : memref<6x128xf32, #tpu.memory_space<hbm>>) dst(%arg11 : memref<6x128xf32, #tpu.memory_space<vmem>>)
        tpu.yield
      }) : () -> ()
      %run_scoped3A = arith.constant 0 : i32
      %run_scoped3A_9 = arith.constant 0 : i32
      "tpu.region"() ({
        %run_scoped3A_41 = tpu.sem_alloc : memref<!tpu.dma_semaphore, #tpu.memory_space<semaphore_mem>>
        %dma_start3A = arith.constant 0 : i32
        %dma_start3A_42 = tpu.memref_slice %arg10[%run_scoped3A, %dma_start3A] : memref<6x128xi32, #tpu.memory_space<vmem>> -> memref<1x128xi32, #tpu.memory_space<vmem>>
        %dma_start3A_43 = tpu.memref_squeeze %dma_start3A_42 : memref<1x128xi32, #tpu.memory_space<vmem>> -> memref<128xi32, #tpu.memory_space<vmem>>
        %dma_start3A_44 = arith.constant 0 : i32
        %dma_start3A_45 = tpu.memref_slice %arg9[%run_scoped3A_9, %dma_start3A_44] : memref<6x128xi32, #tpu.memory_space<vmem>> -> memref<1x128xi32, #tpu.memory_space<vmem>>
        %dma_start3A_46 = tpu.memref_squeeze %dma_start3A_45 : memref<1x128xi32, #tpu.memory_space<vmem>> -> memref<128xi32, #tpu.memory_space<vmem>>
        %dma_start3A_47 = arith.constant 0 : i32
        %dma_start3A_48 = tpu.memref_slice %arg14[%dma_start3A_47] : memref<15360xi32, #tpu.memory_space<vmem_shared>> -> memref<15360xi32, #tpu.memory_space<vmem_shared>>
        tpu.enqueue_indirect_dma source(%dma_start3A_43 : memref<128xi32, #tpu.memory_space<vmem>>) target(%dma_start3A_48 : memref<15360xi32, #tpu.memory_space<vmem_shared>>) offsets(%dma_start3A_46 : memref<128xi32, #tpu.memory_space<vmem>>) semaphore(%run_scoped3A_41 : memref<!tpu.dma_semaphore, #tpu.memory_space<semaphore_mem>>) {add = true}
        %dma_wait3A = arith.constant 0 : i32
        %dma_wait3A_49 = tpu.memref_slice %arg10[%run_scoped3A, %dma_wait3A] : memref<6x128xi32, #tpu.memory_space<vmem>> -> memref<1x128xi32, #tpu.memory_space<vmem>>
        %dma_wait3A_50 = tpu.memref_squeeze %dma_wait3A_49 : memref<1x128xi32, #tpu.memory_space<vmem>> -> memref<128xi32, #tpu.memory_space<vmem>>
        %dma_wait3A_51 = arith.constant 0 : i32
        %dma_wait3A_52 = tpu.memref_slice %arg9[%run_scoped3A_9, %dma_wait3A_51] : memref<6x128xi32, #tpu.memory_space<vmem>> -> memref<1x128xi32, #tpu.memory_space<vmem>>
        %dma_wait3A_53 = tpu.memref_squeeze %dma_wait3A_52 : memref<1x128xi32, #tpu.memory_space<vmem>> -> memref<128xi32, #tpu.memory_space<vmem>>
        %dma_wait3A_54 = arith.constant 0 : i32
        %dma_wait3A_55 = tpu.memref_slice %arg14[%dma_wait3A_54] : memref<15360xi32, #tpu.memory_space<vmem_shared>> -> memref<15360xi32, #tpu.memory_space<vmem_shared>>
        tpu.wait_indirect_dma semaphore(%run_scoped3A_41 : memref<!tpu.dma_semaphore, #tpu.memory_space<semaphore_mem>>) src(%dma_wait3A_50 : memref<128xi32, #tpu.memory_space<vmem>>) dst(%dma_wait3A_55 : memref<15360xi32, #tpu.memory_space<vmem_shared>>)
        tpu.yield
      }) : () -> ()
      %run_scoped3A_10 = arith.constant 0 : i32
      %run_scoped3A_11 = arith.constant 0 : i32
      "tpu.region"() ({
        %run_scoped3A_41 = tpu.sem_alloc : memref<!tpu.dma_semaphore, #tpu.memory_space<semaphore_mem>>
        %dma_start3A = arith.constant 0 : i32
        %dma_start3A_42 = tpu.memref_slice %arg11[%run_scoped3A_10, %dma_start3A] : memref<6x128xf32, #tpu.memory_space<vmem>> -> memref<1x128xf32, #tpu.memory_space<vmem>>
        %dma_start3A_43 = tpu.memref_squeeze %dma_start3A_42 : memref<1x128xf32, #tpu.memory_space<vmem>> -> memref<128xf32, #tpu.memory_space<vmem>>
        %dma_start3A_44 = arith.constant 0 : i32
        %dma_start3A_45 = tpu.memref_slice %arg9[%run_scoped3A_11, %dma_start3A_44] : memref<6x128xi32, #tpu.memory_space<vmem>> -> memref<1x128xi32, #tpu.memory_space<vmem>>
        %dma_start3A_46 = tpu.memref_squeeze %dma_start3A_45 : memref<1x128xi32, #tpu.memory_space<vmem>> -> memref<128xi32, #tpu.memory_space<vmem>>
        %dma_start3A_47 = arith.constant 0 : i32
        %dma_start3A_48 = tpu.memref_slice %arg15[%dma_start3A_47] : memref<15360xf32, #tpu.memory_space<vmem_shared>> -> memref<15360xf32, #tpu.memory_space<vmem_shared>>
        tpu.enqueue_indirect_dma source(%dma_start3A_43 : memref<128xf32, #tpu.memory_space<vmem>>) target(%dma_start3A_48 : memref<15360xf32, #tpu.memory_space<vmem_shared>>) offsets(%dma_start3A_46 : memref<128xi32, #tpu.memory_space<vmem>>) semaphore(%run_scoped3A_41 : memref<!tpu.dma_semaphore, #tpu.memory_space<semaphore_mem>>) {add = true}
        %dma_wait3A = arith.constant 0 : i32
        %dma_wait3A_49 = tpu.memref_slice %arg11[%run_scoped3A_10, %dma_wait3A] : memref<6x128xf32, #tpu.memory_space<vmem>> -> memref<1x128xf32, #tpu.memory_space<vmem>>
        %dma_wait3A_50 = tpu.memref_squeeze %dma_wait3A_49 : memref<1x128xf32, #tpu.memory_space<vmem>> -> memref<128xf32, #tpu.memory_space<vmem>>
        %dma_wait3A_51 = arith.constant 0 : i32
        %dma_wait3A_52 = tpu.memref_slice %arg9[%run_scoped3A_11, %dma_wait3A_51] : memref<6x128xi32, #tpu.memory_space<vmem>> -> memref<1x128xi32, #tpu.memory_space<vmem>>
        %dma_wait3A_53 = tpu.memref_squeeze %dma_wait3A_52 : memref<1x128xi32, #tpu.memory_space<vmem>> -> memref<128xi32, #tpu.memory_space<vmem>>
        %dma_wait3A_54 = arith.constant 0 : i32
        %dma_wait3A_55 = tpu.memref_slice %arg15[%dma_wait3A_54] : memref<15360xf32, #tpu.memory_space<vmem_shared>> -> memref<15360xf32, #tpu.memory_space<vmem_shared>>
        tpu.wait_indirect_dma semaphore(%run_scoped3A_41 : memref<!tpu.dma_semaphore, #tpu.memory_space<semaphore_mem>>) src(%dma_wait3A_50 : memref<128xf32, #tpu.memory_space<vmem>>) dst(%dma_wait3A_55 : memref<15360xf32, #tpu.memory_space<vmem_shared>>)
        tpu.yield
      }) : () -> ()
      %run_scoped3A_12 = arith.constant 1 : i32
      %run_scoped3A_13 = arith.constant 1 : i32
      "tpu.region"() ({
        %run_scoped3A_41 = tpu.sem_alloc : memref<!tpu.dma_semaphore, #tpu.memory_space<semaphore_mem>>
        %dma_start3A = arith.constant 0 : i32
        %dma_start3A_42 = tpu.memref_slice %arg10[%run_scoped3A_12, %dma_start3A] : memref<6x128xi32, #tpu.memory_space<vmem>> -> memref<1x128xi32, #tpu.memory_space<vmem>>
        %dma_start3A_43 = tpu.memref_squeeze %dma_start3A_42 : memref<1x128xi32, #tpu.memory_space<vmem>> -> memref<128xi32, #tpu.memory_space<vmem>>
        %dma_start3A_44 = arith.constant 0 : i32
        %dma_start3A_45 = tpu.memref_slice %arg9[%run_scoped3A_13, %dma_start3A_44] : memref<6x128xi32, #tpu.memory_space<vmem>> -> memref<1x128xi32, #tpu.memory_space<vmem>>
        %dma_start3A_46 = tpu.memref_squeeze %dma_start3A_45 : memref<1x128xi32, #tpu.memory_space<vmem>> -> memref<128xi32, #tpu.memory_space<vmem>>
        %dma_start3A_47 = arith.constant 0 : i32
        %dma_start3A_48 = tpu.memref_slice %arg14[%dma_start3A_47] : memref<15360xi32, #tpu.memory_space<vmem_shared>> -> memref<15360xi32, #tpu.memory_space<vmem_shared>>
        tpu.enqueue_indirect_dma source(%dma_start3A_43 : memref<128xi32, #tpu.memory_space<vmem>>) target(%dma_start3A_48 : memref<15360xi32, #tpu.memory_space<vmem_shared>>) offsets(%dma_start3A_46 : memref<128xi32, #tpu.memory_space<vmem>>) semaphore(%run_scoped3A_41 : memref<!tpu.dma_semaphore, #tpu.memory_space<semaphore_mem>>) {add = true}
        %dma_wait3A = arith.constant 0 : i32
        %dma_wait3A_49 = tpu.memref_slice %arg10[%run_scoped3A_12, %dma_wait3A] : memref<6x128xi32, #tpu.memory_space<vmem>> -> memref<1x128xi32, #tpu.memory_space<vmem>>
        %dma_wait3A_50 = tpu.memref_squeeze %dma_wait3A_49 : memref<1x128xi32, #tpu.memory_space<vmem>> -> memref<128xi32, #tpu.memory_space<vmem>>
        %dma_wait3A_51 = arith.constant 0 : i32
        %dma_wait3A_52 = tpu.memref_slice %arg9[%run_scoped3A_13, %dma_wait3A_51] : memref<6x128xi32, #tpu.memory_space<vmem>> -> memref<1x128xi32, #tpu.memory_space<vmem>>
        %dma_wait3A_53 = tpu.memref_squeeze %dma_wait3A_52 : memref<1x128xi32, #tpu.memory_space<vmem>> -> memref<128xi32, #tpu.memory_space<vmem>>
        %dma_wait3A_54 = arith.constant 0 : i32
        %dma_wait3A_55 = tpu.memref_slice %arg14[%dma_wait3A_54] : memref<15360xi32, #tpu.memory_space<vmem_shared>> -> memref<15360xi32, #tpu.memory_space<vmem_shared>>
        tpu.wait_indirect_dma semaphore(%run_scoped3A_41 : memref<!tpu.dma_semaphore, #tpu.memory_space<semaphore_mem>>) src(%dma_wait3A_50 : memref<128xi32, #tpu.memory_space<vmem>>) dst(%dma_wait3A_55 : memref<15360xi32, #tpu.memory_space<vmem_shared>>)
        tpu.yield
      }) : () -> ()
      %run_scoped3A_14 = arith.constant 1 : i32
      %run_scoped3A_15 = arith.constant 1 : i32
      "tpu.region"() ({
        %run_scoped3A_41 = tpu.sem_alloc : memref<!tpu.dma_semaphore, #tpu.memory_space<semaphore_mem>>
        %dma_start3A = arith.constant 0 : i32
        %dma_start3A_42 = tpu.memref_slice %arg11[%run_scoped3A_14, %dma_start3A] : memref<6x128xf32, #tpu.memory_space<vmem>> -> memref<1x128xf32, #tpu.memory_space<vmem>>
        %dma_start3A_43 = tpu.memref_squeeze %dma_start3A_42 : memref<1x128xf32, #tpu.memory_space<vmem>> -> memref<128xf32, #tpu.memory_space<vmem>>
        %dma_start3A_44 = arith.constant 0 : i32
        %dma_start3A_45 = tpu.memref_slice %arg9[%run_scoped3A_15, %dma_start3A_44] : memref<6x128xi32, #tpu.memory_space<vmem>> -> memref<1x128xi32, #tpu.memory_space<vmem>>
        %dma_start3A_46 = tpu.memref_squeeze %dma_start3A_45 : memref<1x128xi32, #tpu.memory_space<vmem>> -> memref<128xi32, #tpu.memory_space<vmem>>
        %dma_start3A_47 = arith.constant 0 : i32
        %dma_start3A_48 = tpu.memref_slice %arg15[%dma_start3A_47] : memref<15360xf32, #tpu.memory_space<vmem_shared>> -> memref<15360xf32, #tpu.memory_space<vmem_shared>>
        tpu.enqueue_indirect_dma source(%dma_start3A_43 : memref<128xf32, #tpu.memory_space<vmem>>) target(%dma_start3A_48 : memref<15360xf32, #tpu.memory_space<vmem_shared>>) offsets(%dma_start3A_46 : memref<128xi32, #tpu.memory_space<vmem>>) semaphore(%run_scoped3A_41 : memref<!tpu.dma_semaphore, #tpu.memory_space<semaphore_mem>>) {add = true}
        %dma_wait3A = arith.constant 0 : i32
        %dma_wait3A_49 = tpu.memref_slice %arg11[%run_scoped3A_14, %dma_wait3A] : memref<6x128xf32, #tpu.memory_space<vmem>> -> memref<1x128xf32, #tpu.memory_space<vmem>>
        %dma_wait3A_50 = tpu.memref_squeeze %dma_wait3A_49 : memref<1x128xf32, #tpu.memory_space<vmem>> -> memref<128xf32, #tpu.memory_space<vmem>>
        %dma_wait3A_51 = arith.constant 0 : i32
        %dma_wait3A_52 = tpu.memref_slice %arg9[%run_scoped3A_15, %dma_wait3A_51] : memref<6x128xi32, #tpu.memory_space<vmem>> -> memref<1x128xi32, #tpu.memory_space<vmem>>
        %dma_wait3A_53 = tpu.memref_squeeze %dma_wait3A_52 : memref<1x128xi32, #tpu.memory_space<vmem>> -> memref<128xi32, #tpu.memory_space<vmem>>
        %dma_wait3A_54 = arith.constant 0 : i32
        %dma_wait3A_55 = tpu.memref_slice %arg15[%dma_wait3A_54] : memref<15360xf32, #tpu.memory_space<vmem_shared>> -> memref<15360xf32, #tpu.memory_space<vmem_shared>>
        tpu.wait_indirect_dma semaphore(%run_scoped3A_41 : memref<!tpu.dma_semaphore, #tpu.memory_space<semaphore_mem>>) src(%dma_wait3A_50 : memref<128xf32, #tpu.memory_space<vmem>>) dst(%dma_wait3A_55 : memref<15360xf32, #tpu.memory_space<vmem_shared>>)
        tpu.yield
      }) : () -> ()
      %run_scoped3A_16 = arith.constant 2 : i32
      %run_scoped3A_17 = arith.constant 2 : i32
      "tpu.region"() ({
        %run_scoped3A_41 = tpu.sem_alloc : memref<!tpu.dma_semaphore, #tpu.memory_space<semaphore_mem>>
        %dma_start3A = arith.constant 0 : i32
        %dma_start3A_42 = tpu.memref_slice %arg10[%run_scoped3A_16, %dma_start3A] : memref<6x128xi32, #tpu.memory_space<vmem>> -> memref<1x128xi32, #tpu.memory_space<vmem>>
        %dma_start3A_43 = tpu.memref_squeeze %dma_start3A_42 : memref<1x128xi32, #tpu.memory_space<vmem>> -> memref<128xi32, #tpu.memory_space<vmem>>
        %dma_start3A_44 = arith.constant 0 : i32
        %dma_start3A_45 = tpu.memref_slice %arg9[%run_scoped3A_17, %dma_start3A_44] : memref<6x128xi32, #tpu.memory_space<vmem>> -> memref<1x128xi32, #tpu.memory_space<vmem>>
        %dma_start3A_46 = tpu.memref_squeeze %dma_start3A_45 : memref<1x128xi32, #tpu.memory_space<vmem>> -> memref<128xi32, #tpu.memory_space<vmem>>
        %dma_start3A_47 = arith.constant 0 : i32
        %dma_start3A_48 = tpu.memref_slice %arg14[%dma_start3A_47] : memref<15360xi32, #tpu.memory_space<vmem_shared>> -> memref<15360xi32, #tpu.memory_space<vmem_shared>>
        tpu.enqueue_indirect_dma source(%dma_start3A_43 : memref<128xi32, #tpu.memory_space<vmem>>) target(%dma_start3A_48 : memref<15360xi32, #tpu.memory_space<vmem_shared>>) offsets(%dma_start3A_46 : memref<128xi32, #tpu.memory_space<vmem>>) semaphore(%run_scoped3A_41 : memref<!tpu.dma_semaphore, #tpu.memory_space<semaphore_mem>>) {add = true}
        %dma_wait3A = arith.constant 0 : i32
        %dma_wait3A_49 = tpu.memref_slice %arg10[%run_scoped3A_16, %dma_wait3A] : memref<6x128xi32, #tpu.memory_space<vmem>> -> memref<1x128xi32, #tpu.memory_space<vmem>>
        %dma_wait3A_50 = tpu.memref_squeeze %dma_wait3A_49 : memref<1x128xi32, #tpu.memory_space<vmem>> -> memref<128xi32, #tpu.memory_space<vmem>>
        %dma_wait3A_51 = arith.constant 0 : i32
        %dma_wait3A_52 = tpu.memref_slice %arg9[%run_scoped3A_17, %dma_wait3A_51] : memref<6x128xi32, #tpu.memory_space<vmem>> -> memref<1x128xi32, #tpu.memory_space<vmem>>
        %dma_wait3A_53 = tpu.memref_squeeze %dma_wait3A_52 : memref<1x128xi32, #tpu.memory_space<vmem>> -> memref<128xi32, #tpu.memory_space<vmem>>
        %dma_wait3A_54 = arith.constant 0 : i32
        %dma_wait3A_55 = tpu.memref_slice %arg14[%dma_wait3A_54] : memref<15360xi32, #tpu.memory_space<vmem_shared>> -> memref<15360xi32, #tpu.memory_space<vmem_shared>>
        tpu.wait_indirect_dma semaphore(%run_scoped3A_41 : memref<!tpu.dma_semaphore, #tpu.memory_space<semaphore_mem>>) src(%dma_wait3A_50 : memref<128xi32, #tpu.memory_space<vmem>>) dst(%dma_wait3A_55 : memref<15360xi32, #tpu.memory_space<vmem_shared>>)
        tpu.yield
      }) : () -> ()
      %run_scoped3A_18 = arith.constant 2 : i32
      %run_scoped3A_19 = arith.constant 2 : i32
      "tpu.region"() ({
        %run_scoped3A_41 = tpu.sem_alloc : memref<!tpu.dma_semaphore, #tpu.memory_space<semaphore_mem>>
        %dma_start3A = arith.constant 0 : i32
        %dma_start3A_42 = tpu.memref_slice %arg11[%run_scoped3A_18, %dma_start3A] : memref<6x128xf32, #tpu.memory_space<vmem>> -> memref<1x128xf32, #tpu.memory_space<vmem>>
        %dma_start3A_43 = tpu.memref_squeeze %dma_start3A_42 : memref<1x128xf32, #tpu.memory_space<vmem>> -> memref<128xf32, #tpu.memory_space<vmem>>
        %dma_start3A_44 = arith.constant 0 : i32
        %dma_start3A_45 = tpu.memref_slice %arg9[%run_scoped3A_19, %dma_start3A_44] : memref<6x128xi32, #tpu.memory_space<vmem>> -> memref<1x128xi32, #tpu.memory_space<vmem>>
        %dma_start3A_46 = tpu.memref_squeeze %dma_start3A_45 : memref<1x128xi32, #tpu.memory_space<vmem>> -> memref<128xi32, #tpu.memory_space<vmem>>
        %dma_start3A_47 = arith.constant 0 : i32
        %dma_start3A_48 = tpu.memref_slice %arg15[%dma_start3A_47] : memref<15360xf32, #tpu.memory_space<vmem_shared>> -> memref<15360xf32, #tpu.memory_space<vmem_shared>>
        tpu.enqueue_indirect_dma source(%dma_start3A_43 : memref<128xf32, #tpu.memory_space<vmem>>) target(%dma_start3A_48 : memref<15360xf32, #tpu.memory_space<vmem_shared>>) offsets(%dma_start3A_46 : memref<128xi32, #tpu.memory_space<vmem>>) semaphore(%run_scoped3A_41 : memref<!tpu.dma_semaphore, #tpu.memory_space<semaphore_mem>>) {add = true}
        %dma_wait3A = arith.constant 0 : i32
        %dma_wait3A_49 = tpu.memref_slice %arg11[%run_scoped3A_18, %dma_wait3A] : memref<6x128xf32, #tpu.memory_space<vmem>> -> memref<1x128xf32, #tpu.memory_space<vmem>>
        %dma_wait3A_50 = tpu.memref_squeeze %dma_wait3A_49 : memref<1x128xf32, #tpu.memory_space<vmem>> -> memref<128xf32, #tpu.memory_space<vmem>>
        %dma_wait3A_51 = arith.constant 0 : i32
        %dma_wait3A_52 = tpu.memref_slice %arg9[%run_scoped3A_19, %dma_wait3A_51] : memref<6x128xi32, #tpu.memory_space<vmem>> -> memref<1x128xi32, #tpu.memory_space<vmem>>
        %dma_wait3A_53 = tpu.memref_squeeze %dma_wait3A_52 : memref<1x128xi32, #tpu.memory_space<vmem>> -> memref<128xi32, #tpu.memory_space<vmem>>
        %dma_wait3A_54 = arith.constant 0 : i32
        %dma_wait3A_55 = tpu.memref_slice %arg15[%dma_wait3A_54] : memref<15360xf32, #tpu.memory_space<vmem_shared>> -> memref<15360xf32, #tpu.memory_space<vmem_shared>>
        tpu.wait_indirect_dma semaphore(%run_scoped3A_41 : memref<!tpu.dma_semaphore, #tpu.memory_space<semaphore_mem>>) src(%dma_wait3A_50 : memref<128xf32, #tpu.memory_space<vmem>>) dst(%dma_wait3A_55 : memref<15360xf32, #tpu.memory_space<vmem_shared>>)
        tpu.yield
      }) : () -> ()
      %run_scoped3A_20 = arith.constant 3 : i32
      %run_scoped3A_21 = arith.constant 3 : i32
      "tpu.region"() ({
        %run_scoped3A_41 = tpu.sem_alloc : memref<!tpu.dma_semaphore, #tpu.memory_space<semaphore_mem>>
        %dma_start3A = arith.constant 0 : i32
        %dma_start3A_42 = tpu.memref_slice %arg10[%run_scoped3A_20, %dma_start3A] : memref<6x128xi32, #tpu.memory_space<vmem>> -> memref<1x128xi32, #tpu.memory_space<vmem>>
        %dma_start3A_43 = tpu.memref_squeeze %dma_start3A_42 : memref<1x128xi32, #tpu.memory_space<vmem>> -> memref<128xi32, #tpu.memory_space<vmem>>
        %dma_start3A_44 = arith.constant 0 : i32
        %dma_start3A_45 = tpu.memref_slice %arg9[%run_scoped3A_21, %dma_start3A_44] : memref<6x128xi32, #tpu.memory_space<vmem>> -> memref<1x128xi32, #tpu.memory_space<vmem>>
        %dma_start3A_46 = tpu.memref_squeeze %dma_start3A_45 : memref<1x128xi32, #tpu.memory_space<vmem>> -> memref<128xi32, #tpu.memory_space<vmem>>
        %dma_start3A_47 = arith.constant 0 : i32
        %dma_start3A_48 = tpu.memref_slice %arg14[%dma_start3A_47] : memref<15360xi32, #tpu.memory_space<vmem_shared>> -> memref<15360xi32, #tpu.memory_space<vmem_shared>>
        tpu.enqueue_indirect_dma source(%dma_start3A_43 : memref<128xi32, #tpu.memory_space<vmem>>) target(%dma_start3A_48 : memref<15360xi32, #tpu.memory_space<vmem_shared>>) offsets(%dma_start3A_46 : memref<128xi32, #tpu.memory_space<vmem>>) semaphore(%run_scoped3A_41 : memref<!tpu.dma_semaphore, #tpu.memory_space<semaphore_mem>>) {add = true}
        %dma_wait3A = arith.constant 0 : i32
        %dma_wait3A_49 = tpu.memref_slice %arg10[%run_scoped3A_20, %dma_wait3A] : memref<6x128xi32, #tpu.memory_space<vmem>> -> memref<1x128xi32, #tpu.memory_space<vmem>>
        %dma_wait3A_50 = tpu.memref_squeeze %dma_wait3A_49 : memref<1x128xi32, #tpu.memory_space<vmem>> -> memref<128xi32, #tpu.memory_space<vmem>>
        %dma_wait3A_51 = arith.constant 0 : i32
        %dma_wait3A_52 = tpu.memref_slice %arg9[%run_scoped3A_21, %dma_wait3A_51] : memref<6x128xi32, #tpu.memory_space<vmem>> -> memref<1x128xi32, #tpu.memory_space<vmem>>
        %dma_wait3A_53 = tpu.memref_squeeze %dma_wait3A_52 : memref<1x128xi32, #tpu.memory_space<vmem>> -> memref<128xi32, #tpu.memory_space<vmem>>
        %dma_wait3A_54 = arith.constant 0 : i32
        %dma_wait3A_55 = tpu.memref_slice %arg14[%dma_wait3A_54] : memref<15360xi32, #tpu.memory_space<vmem_shared>> -> memref<15360xi32, #tpu.memory_space<vmem_shared>>
        tpu.wait_indirect_dma semaphore(%run_scoped3A_41 : memref<!tpu.dma_semaphore, #tpu.memory_space<semaphore_mem>>) src(%dma_wait3A_50 : memref<128xi32, #tpu.memory_space<vmem>>) dst(%dma_wait3A_55 : memref<15360xi32, #tpu.memory_space<vmem_shared>>)
        tpu.yield
      }) : () -> ()
      %run_scoped3A_22 = arith.constant 3 : i32
      %run_scoped3A_23 = arith.constant 3 : i32
      "tpu.region"() ({
        %run_scoped3A_41 = tpu.sem_alloc : memref<!tpu.dma_semaphore, #tpu.memory_space<semaphore_mem>>
        %dma_start3A = arith.constant 0 : i32
        %dma_start3A_42 = tpu.memref_slice %arg11[%run_scoped3A_22, %dma_start3A] : memref<6x128xf32, #tpu.memory_space<vmem>> -> memref<1x128xf32, #tpu.memory_space<vmem>>
        %dma_start3A_43 = tpu.memref_squeeze %dma_start3A_42 : memref<1x128xf32, #tpu.memory_space<vmem>> -> memref<128xf32, #tpu.memory_space<vmem>>
        %dma_start3A_44 = arith.constant 0 : i32
        %dma_start3A_45 = tpu.memref_slice %arg9[%run_scoped3A_23, %dma_start3A_44] : memref<6x128xi32, #tpu.memory_space<vmem>> -> memref<1x128xi32, #tpu.memory_space<vmem>>
        %dma_start3A_46 = tpu.memref_squeeze %dma_start3A_45 : memref<1x128xi32, #tpu.memory_space<vmem>> -> memref<128xi32, #tpu.memory_space<vmem>>
        %dma_start3A_47 = arith.constant 0 : i32
        %dma_start3A_48 = tpu.memref_slice %arg15[%dma_start3A_47] : memref<15360xf32, #tpu.memory_space<vmem_shared>> -> memref<15360xf32, #tpu.memory_space<vmem_shared>>
        tpu.enqueue_indirect_dma source(%dma_start3A_43 : memref<128xf32, #tpu.memory_space<vmem>>) target(%dma_start3A_48 : memref<15360xf32, #tpu.memory_space<vmem_shared>>) offsets(%dma_start3A_46 : memref<128xi32, #tpu.memory_space<vmem>>) semaphore(%run_scoped3A_41 : memref<!tpu.dma_semaphore, #tpu.memory_space<semaphore_mem>>) {add = true}
        %dma_wait3A = arith.constant 0 : i32
        %dma_wait3A_49 = tpu.memref_slice %arg11[%run_scoped3A_22, %dma_wait3A] : memref<6x128xf32, #tpu.memory_space<vmem>> -> memref<1x128xf32, #tpu.memory_space<vmem>>
        %dma_wait3A_50 = tpu.memref_squeeze %dma_wait3A_49 : memref<1x128xf32, #tpu.memory_space<vmem>> -> memref<128xf32, #tpu.memory_space<vmem>>
        %dma_wait3A_51 = arith.constant 0 : i32
        %dma_wait3A_52 = tpu.memref_slice %arg9[%run_scoped3A_23, %dma_wait3A_51] : memref<6x128xi32, #tpu.memory_space<vmem>> -> memref<1x128xi32, #tpu.memory_space<vmem>>
        %dma_wait3A_53 = tpu.memref_squeeze %dma_wait3A_52 : memref<1x128xi32, #tpu.memory_space<vmem>> -> memref<128xi32, #tpu.memory_space<vmem>>
        %dma_wait3A_54 = arith.constant 0 : i32
        %dma_wait3A_55 = tpu.memref_slice %arg15[%dma_wait3A_54] : memref<15360xf32, #tpu.memory_space<vmem_shared>> -> memref<15360xf32, #tpu.memory_space<vmem_shared>>
        tpu.wait_indirect_dma semaphore(%run_scoped3A_41 : memref<!tpu.dma_semaphore, #tpu.memory_space<semaphore_mem>>) src(%dma_wait3A_50 : memref<128xf32, #tpu.memory_space<vmem>>) dst(%dma_wait3A_55 : memref<15360xf32, #tpu.memory_space<vmem_shared>>)
        tpu.yield
      }) : () -> ()
      %run_scoped3A_24 = arith.constant 4 : i32
      %run_scoped3A_25 = arith.constant 4 : i32
      "tpu.region"() ({
        %run_scoped3A_41 = tpu.sem_alloc : memref<!tpu.dma_semaphore, #tpu.memory_space<semaphore_mem>>
        %dma_start3A = arith.constant 0 : i32
        %dma_start3A_42 = tpu.memref_slice %arg10[%run_scoped3A_24, %dma_start3A] : memref<6x128xi32, #tpu.memory_space<vmem>> -> memref<1x128xi32, #tpu.memory_space<vmem>>
        %dma_start3A_43 = tpu.memref_squeeze %dma_start3A_42 : memref<1x128xi32, #tpu.memory_space<vmem>> -> memref<128xi32, #tpu.memory_space<vmem>>
        %dma_start3A_44 = arith.constant 0 : i32
        %dma_start3A_45 = tpu.memref_slice %arg9[%run_scoped3A_25, %dma_start3A_44] : memref<6x128xi32, #tpu.memory_space<vmem>> -> memref<1x128xi32, #tpu.memory_space<vmem>>
        %dma_start3A_46 = tpu.memref_squeeze %dma_start3A_45 : memref<1x128xi32, #tpu.memory_space<vmem>> -> memref<128xi32, #tpu.memory_space<vmem>>
        %dma_start3A_47 = arith.constant 0 : i32
        %dma_start3A_48 = tpu.memref_slice %arg14[%dma_start3A_47] : memref<15360xi32, #tpu.memory_space<vmem_shared>> -> memref<15360xi32, #tpu.memory_space<vmem_shared>>
        tpu.enqueue_indirect_dma source(%dma_start3A_43 : memref<128xi32, #tpu.memory_space<vmem>>) target(%dma_start3A_48 : memref<15360xi32, #tpu.memory_space<vmem_shared>>) offsets(%dma_start3A_46 : memref<128xi32, #tpu.memory_space<vmem>>) semaphore(%run_scoped3A_41 : memref<!tpu.dma_semaphore, #tpu.memory_space<semaphore_mem>>) {add = true}
        %dma_wait3A = arith.constant 0 : i32
        %dma_wait3A_49 = tpu.memref_slice %arg10[%run_scoped3A_24, %dma_wait3A] : memref<6x128xi32, #tpu.memory_space<vmem>> -> memref<1x128xi32, #tpu.memory_space<vmem>>
        %dma_wait3A_50 = tpu.memref_squeeze %dma_wait3A_49 : memref<1x128xi32, #tpu.memory_space<vmem>> -> memref<128xi32, #tpu.memory_space<vmem>>
        %dma_wait3A_51 = arith.constant 0 : i32
        %dma_wait3A_52 = tpu.memref_slice %arg9[%run_scoped3A_25, %dma_wait3A_51] : memref<6x128xi32, #tpu.memory_space<vmem>> -> memref<1x128xi32, #tpu.memory_space<vmem>>
        %dma_wait3A_53 = tpu.memref_squeeze %dma_wait3A_52 : memref<1x128xi32, #tpu.memory_space<vmem>> -> memref<128xi32, #tpu.memory_space<vmem>>
        %dma_wait3A_54 = arith.constant 0 : i32
        %dma_wait3A_55 = tpu.memref_slice %arg14[%dma_wait3A_54] : memref<15360xi32, #tpu.memory_space<vmem_shared>> -> memref<15360xi32, #tpu.memory_space<vmem_shared>>
        tpu.wait_indirect_dma semaphore(%run_scoped3A_41 : memref<!tpu.dma_semaphore, #tpu.memory_space<semaphore_mem>>) src(%dma_wait3A_50 : memref<128xi32, #tpu.memory_space<vmem>>) dst(%dma_wait3A_55 : memref<15360xi32, #tpu.memory_space<vmem_shared>>)
        tpu.yield
      }) : () -> ()
      %run_scoped3A_26 = arith.constant 4 : i32
      %run_scoped3A_27 = arith.constant 4 : i32
      "tpu.region"() ({
        %run_scoped3A_41 = tpu.sem_alloc : memref<!tpu.dma_semaphore, #tpu.memory_space<semaphore_mem>>
        %dma_start3A = arith.constant 0 : i32
        %dma_start3A_42 = tpu.memref_slice %arg11[%run_scoped3A_26, %dma_start3A] : memref<6x128xf32, #tpu.memory_space<vmem>> -> memref<1x128xf32, #tpu.memory_space<vmem>>
        %dma_start3A_43 = tpu.memref_squeeze %dma_start3A_42 : memref<1x128xf32, #tpu.memory_space<vmem>> -> memref<128xf32, #tpu.memory_space<vmem>>
        %dma_start3A_44 = arith.constant 0 : i32
        %dma_start3A_45 = tpu.memref_slice %arg9[%run_scoped3A_27, %dma_start3A_44] : memref<6x128xi32, #tpu.memory_space<vmem>> -> memref<1x128xi32, #tpu.memory_space<vmem>>
        %dma_start3A_46 = tpu.memref_squeeze %dma_start3A_45 : memref<1x128xi32, #tpu.memory_space<vmem>> -> memref<128xi32, #tpu.memory_space<vmem>>
        %dma_start3A_47 = arith.constant 0 : i32
        %dma_start3A_48 = tpu.memref_slice %arg15[%dma_start3A_47] : memref<15360xf32, #tpu.memory_space<vmem_shared>> -> memref<15360xf32, #tpu.memory_space<vmem_shared>>
        tpu.enqueue_indirect_dma source(%dma_start3A_43 : memref<128xf32, #tpu.memory_space<vmem>>) target(%dma_start3A_48 : memref<15360xf32, #tpu.memory_space<vmem_shared>>) offsets(%dma_start3A_46 : memref<128xi32, #tpu.memory_space<vmem>>) semaphore(%run_scoped3A_41 : memref<!tpu.dma_semaphore, #tpu.memory_space<semaphore_mem>>) {add = true}
        %dma_wait3A = arith.constant 0 : i32
        %dma_wait3A_49 = tpu.memref_slice %arg11[%run_scoped3A_26, %dma_wait3A] : memref<6x128xf32, #tpu.memory_space<vmem>> -> memref<1x128xf32, #tpu.memory_space<vmem>>
        %dma_wait3A_50 = tpu.memref_squeeze %dma_wait3A_49 : memref<1x128xf32, #tpu.memory_space<vmem>> -> memref<128xf32, #tpu.memory_space<vmem>>
        %dma_wait3A_51 = arith.constant 0 : i32
        %dma_wait3A_52 = tpu.memref_slice %arg9[%run_scoped3A_27, %dma_wait3A_51] : memref<6x128xi32, #tpu.memory_space<vmem>> -> memref<1x128xi32, #tpu.memory_space<vmem>>
        %dma_wait3A_53 = tpu.memref_squeeze %dma_wait3A_52 : memref<1x128xi32, #tpu.memory_space<vmem>> -> memref<128xi32, #tpu.memory_space<vmem>>
        %dma_wait3A_54 = arith.constant 0 : i32
        %dma_wait3A_55 = tpu.memref_slice %arg15[%dma_wait3A_54] : memref<15360xf32, #tpu.memory_space<vmem_shared>> -> memref<15360xf32, #tpu.memory_space<vmem_shared>>
        tpu.wait_indirect_dma semaphore(%run_scoped3A_41 : memref<!tpu.dma_semaphore, #tpu.memory_space<semaphore_mem>>) src(%dma_wait3A_50 : memref<128xf32, #tpu.memory_space<vmem>>) dst(%dma_wait3A_55 : memref<15360xf32, #tpu.memory_space<vmem_shared>>)
        tpu.yield
      }) : () -> ()
      %run_scoped3A_28 = arith.constant 5 : i32
      %run_scoped3A_29 = arith.constant 5 : i32
      "tpu.region"() ({
        %run_scoped3A_41 = tpu.sem_alloc : memref<!tpu.dma_semaphore, #tpu.memory_space<semaphore_mem>>
        %dma_start3A = arith.constant 0 : i32
        %dma_start3A_42 = tpu.memref_slice %arg10[%run_scoped3A_28, %dma_start3A] : memref<6x128xi32, #tpu.memory_space<vmem>> -> memref<1x128xi32, #tpu.memory_space<vmem>>
        %dma_start3A_43 = tpu.memref_squeeze %dma_start3A_42 : memref<1x128xi32, #tpu.memory_space<vmem>> -> memref<128xi32, #tpu.memory_space<vmem>>
        %dma_start3A_44 = arith.constant 0 : i32
        %dma_start3A_45 = tpu.memref_slice %arg9[%run_scoped3A_29, %dma_start3A_44] : memref<6x128xi32, #tpu.memory_space<vmem>> -> memref<1x128xi32, #tpu.memory_space<vmem>>
        %dma_start3A_46 = tpu.memref_squeeze %dma_start3A_45 : memref<1x128xi32, #tpu.memory_space<vmem>> -> memref<128xi32, #tpu.memory_space<vmem>>
        %dma_start3A_47 = arith.constant 0 : i32
        %dma_start3A_48 = tpu.memref_slice %arg14[%dma_start3A_47] : memref<15360xi32, #tpu.memory_space<vmem_shared>> -> memref<15360xi32, #tpu.memory_space<vmem_shared>>
        tpu.enqueue_indirect_dma source(%dma_start3A_43 : memref<128xi32, #tpu.memory_space<vmem>>) target(%dma_start3A_48 : memref<15360xi32, #tpu.memory_space<vmem_shared>>) offsets(%dma_start3A_46 : memref<128xi32, #tpu.memory_space<vmem>>) semaphore(%run_scoped3A_41 : memref<!tpu.dma_semaphore, #tpu.memory_space<semaphore_mem>>) {add = true}
        %dma_wait3A = arith.constant 0 : i32
        %dma_wait3A_49 = tpu.memref_slice %arg10[%run_scoped3A_28, %dma_wait3A] : memref<6x128xi32, #tpu.memory_space<vmem>> -> memref<1x128xi32, #tpu.memory_space<vmem>>
        %dma_wait3A_50 = tpu.memref_squeeze %dma_wait3A_49 : memref<1x128xi32, #tpu.memory_space<vmem>> -> memref<128xi32, #tpu.memory_space<vmem>>
        %dma_wait3A_51 = arith.constant 0 : i32
        %dma_wait3A_52 = tpu.memref_slice %arg9[%run_scoped3A_29, %dma_wait3A_51] : memref<6x128xi32, #tpu.memory_space<vmem>> -> memref<1x128xi32, #tpu.memory_space<vmem>>
        %dma_wait3A_53 = tpu.memref_squeeze %dma_wait3A_52 : memref<1x128xi32, #tpu.memory_space<vmem>> -> memref<128xi32, #tpu.memory_space<vmem>>
        %dma_wait3A_54 = arith.constant 0 : i32
        %dma_wait3A_55 = tpu.memref_slice %arg14[%dma_wait3A_54] : memref<15360xi32, #tpu.memory_space<vmem_shared>> -> memref<15360xi32, #tpu.memory_space<vmem_shared>>
        tpu.wait_indirect_dma semaphore(%run_scoped3A_41 : memref<!tpu.dma_semaphore, #tpu.memory_space<semaphore_mem>>) src(%dma_wait3A_50 : memref<128xi32, #tpu.memory_space<vmem>>) dst(%dma_wait3A_55 : memref<15360xi32, #tpu.memory_space<vmem_shared>>)
        tpu.yield
      }) : () -> ()
      %run_scoped3A_30 = arith.constant 5 : i32
      %run_scoped3A_31 = arith.constant 5 : i32
      "tpu.region"() ({
        %run_scoped3A_41 = tpu.sem_alloc : memref<!tpu.dma_semaphore, #tpu.memory_space<semaphore_mem>>
        %dma_start3A = arith.constant 0 : i32
        %dma_start3A_42 = tpu.memref_slice %arg11[%run_scoped3A_30, %dma_start3A] : memref<6x128xf32, #tpu.memory_space<vmem>> -> memref<1x128xf32, #tpu.memory_space<vmem>>
        %dma_start3A_43 = tpu.memref_squeeze %dma_start3A_42 : memref<1x128xf32, #tpu.memory_space<vmem>> -> memref<128xf32, #tpu.memory_space<vmem>>
        %dma_start3A_44 = arith.constant 0 : i32
        %dma_start3A_45 = tpu.memref_slice %arg9[%run_scoped3A_31, %dma_start3A_44] : memref<6x128xi32, #tpu.memory_space<vmem>> -> memref<1x128xi32, #tpu.memory_space<vmem>>
        %dma_start3A_46 = tpu.memref_squeeze %dma_start3A_45 : memref<1x128xi32, #tpu.memory_space<vmem>> -> memref<128xi32, #tpu.memory_space<vmem>>
        %dma_start3A_47 = arith.constant 0 : i32
        %dma_start3A_48 = tpu.memref_slice %arg15[%dma_start3A_47] : memref<15360xf32, #tpu.memory_space<vmem_shared>> -> memref<15360xf32, #tpu.memory_space<vmem_shared>>
        tpu.enqueue_indirect_dma source(%dma_start3A_43 : memref<128xf32, #tpu.memory_space<vmem>>) target(%dma_start3A_48 : memref<15360xf32, #tpu.memory_space<vmem_shared>>) offsets(%dma_start3A_46 : memref<128xi32, #tpu.memory_space<vmem>>) semaphore(%run_scoped3A_41 : memref<!tpu.dma_semaphore, #tpu.memory_space<semaphore_mem>>) {add = true}
        %dma_wait3A = arith.constant 0 : i32
        %dma_wait3A_49 = tpu.memref_slice %arg11[%run_scoped3A_30, %dma_wait3A] : memref<6x128xf32, #tpu.memory_space<vmem>> -> memref<1x128xf32, #tpu.memory_space<vmem>>
        %dma_wait3A_50 = tpu.memref_squeeze %dma_wait3A_49 : memref<1x128xf32, #tpu.memory_space<vmem>> -> memref<128xf32, #tpu.memory_space<vmem>>
        %dma_wait3A_51 = arith.constant 0 : i32
        %dma_wait3A_52 = tpu.memref_slice %arg9[%run_scoped3A_31, %dma_wait3A_51] : memref<6x128xi32, #tpu.memory_space<vmem>> -> memref<1x128xi32, #tpu.memory_space<vmem>>
        %dma_wait3A_53 = tpu.memref_squeeze %dma_wait3A_52 : memref<1x128xi32, #tpu.memory_space<vmem>> -> memref<128xi32, #tpu.memory_space<vmem>>
        %dma_wait3A_54 = arith.constant 0 : i32
        %dma_wait3A_55 = tpu.memref_slice %arg15[%dma_wait3A_54] : memref<15360xf32, #tpu.memory_space<vmem_shared>> -> memref<15360xf32, #tpu.memory_space<vmem_shared>>
        tpu.wait_indirect_dma semaphore(%run_scoped3A_41 : memref<!tpu.dma_semaphore, #tpu.memory_space<semaphore_mem>>) src(%dma_wait3A_50 : memref<128xf32, #tpu.memory_space<vmem>>) dst(%dma_wait3A_55 : memref<15360xf32, #tpu.memory_space<vmem_shared>>)
        tpu.yield
      }) : () -> ()
      %barrier3A_32 = arith.constant 0 : index
      tpu.barrier barrier_id(%barrier3A_32)
      %mul3A_33 = arith.constant 960 : i32
      %mul3A_34 = arith.muli %arg1, %mul3A_33 : i32
      "tpu.region"() ({
        %run_scoped3A_41 = tpu.sem_alloc : memref<!tpu.dma_semaphore, #tpu.memory_space<semaphore_mem>>
        %dma_start3A = tpu.memref_slice %arg14[%mul3A_34] : memref<15360xi32, #tpu.memory_space<vmem_shared>> -> memref<960xi32, #tpu.memory_space<vmem_shared>>
        %dma_start3A_42 = tpu.memref_slice %arg14[%mul3A_34] : memref<15360xi32, #tpu.memory_space<vmem_shared>> -> memref<960xi32, #tpu.memory_space<vmem_shared>>
        tpu.enqueue_dma source(%dma_start3A_42 : memref<960xi32, #tpu.memory_space<vmem_shared>>) target(%arg12 : memref<960xi32, #tpu.memory_space<vmem>>) target_semaphore(%run_scoped3A_41 : memref<!tpu.dma_semaphore, #tpu.memory_space<semaphore_mem>>)
        %dma_wait3A = tpu.memref_slice %arg14[%mul3A_34] : memref<15360xi32, #tpu.memory_space<vmem_shared>> -> memref<960xi32, #tpu.memory_space<vmem_shared>>
        %dma_wait3A_43 = tpu.memref_slice %arg14[%mul3A_34] : memref<15360xi32, #tpu.memory_space<vmem_shared>> -> memref<960xi32, #tpu.memory_space<vmem_shared>>
        tpu.wait_dma2 semaphore(%run_scoped3A_41 : memref<!tpu.dma_semaphore, #tpu.memory_space<semaphore_mem>>) src(%dma_wait3A_43 : memref<960xi32, #tpu.memory_space<vmem_shared>>) dst(%arg12 : memref<960xi32, #tpu.memory_space<vmem>>)
        tpu.yield
      }) : () -> ()
      %mul3A_35 = arith.constant 960 : i32
      %mul3A_36 = arith.muli %arg1, %mul3A_35 : i32
      "tpu.region"() ({
        %run_scoped3A_41 = tpu.sem_alloc : memref<!tpu.dma_semaphore, #tpu.memory_space<semaphore_mem>>
        %dma_start3A = tpu.memref_slice %arg15[%mul3A_36] : memref<15360xf32, #tpu.memory_space<vmem_shared>> -> memref<960xf32, #tpu.memory_space<vmem_shared>>
        %dma_start3A_42 = tpu.memref_slice %arg15[%mul3A_36] : memref<15360xf32, #tpu.memory_space<vmem_shared>> -> memref<960xf32, #tpu.memory_space<vmem_shared>>
        tpu.enqueue_dma source(%dma_start3A_42 : memref<960xf32, #tpu.memory_space<vmem_shared>>) target(%arg13 : memref<960xf32, #tpu.memory_space<vmem>>) target_semaphore(%run_scoped3A_41 : memref<!tpu.dma_semaphore, #tpu.memory_space<semaphore_mem>>)
        %dma_wait3A = tpu.memref_slice %arg15[%mul3A_36] : memref<15360xf32, #tpu.memory_space<vmem_shared>> -> memref<960xf32, #tpu.memory_space<vmem_shared>>
        %dma_wait3A_43 = tpu.memref_slice %arg15[%mul3A_36] : memref<15360xf32, #tpu.memory_space<vmem_shared>> -> memref<960xf32, #tpu.memory_space<vmem_shared>>
        tpu.wait_dma2 semaphore(%run_scoped3A_41 : memref<!tpu.dma_semaphore, #tpu.memory_space<semaphore_mem>>) src(%dma_wait3A_43 : memref<960xf32, #tpu.memory_space<vmem_shared>>) dst(%arg13 : memref<960xf32, #tpu.memory_space<vmem>>)
        tpu.yield
      }) : () -> ()
      %mul3A_37 = arith.constant 960 : i32
      %mul3A_38 = arith.muli %arg1, %mul3A_37 : i32
      "tpu.region"() ({
        %run_scoped3A_41 = tpu.sem_alloc : memref<!tpu.dma_semaphore, #tpu.memory_space<semaphore_mem>>
        %dma_start3A = tpu.memref_slice %arg7[%mul3A_38] : memref<15360xi32, #tpu.memory_space<hbm>> -> memref<960xi32, #tpu.memory_space<hbm>>
        %dma_start3A_42 = tpu.memref_slice %arg7[%mul3A_38] : memref<15360xi32, #tpu.memory_space<hbm>> -> memref<960xi32, #tpu.memory_space<hbm>>
        tpu.enqueue_dma source(%arg12 : memref<960xi32, #tpu.memory_space<vmem>>) target(%dma_start3A_42 : memref<960xi32, #tpu.memory_space<hbm>>) target_semaphore(%run_scoped3A_41 : memref<!tpu.dma_semaphore, #tpu.memory_space<semaphore_mem>>)
        %dma_wait3A = tpu.memref_slice %arg7[%mul3A_38] : memref<15360xi32, #tpu.memory_space<hbm>> -> memref<960xi32, #tpu.memory_space<hbm>>
        %dma_wait3A_43 = tpu.memref_slice %arg7[%mul3A_38] : memref<15360xi32, #tpu.memory_space<hbm>> -> memref<960xi32, #tpu.memory_space<hbm>>
        tpu.wait_dma2 semaphore(%run_scoped3A_41 : memref<!tpu.dma_semaphore, #tpu.memory_space<semaphore_mem>>) src(%arg12 : memref<960xi32, #tpu.memory_space<vmem>>) dst(%dma_wait3A_43 : memref<960xi32, #tpu.memory_space<hbm>>)
        tpu.yield
      }) : () -> ()
      %mul3A_39 = arith.constant 960 : i32
      %mul3A_40 = arith.muli %arg1, %mul3A_39 : i32
      "tpu.region"() ({
        %run_scoped3A_41 = tpu.sem_alloc : memref<!tpu.dma_semaphore, #tpu.memory_space<semaphore_mem>>
        %dma_start3A = tpu.memref_slice %arg8[%mul3A_40] : memref<15360xf32, #tpu.memory_space<hbm>> -> memref<960xf32, #tpu.memory_space<hbm>>
        %dma_start3A_42 = tpu.memref_slice %arg8[%mul3A_40] : memref<15360xf32, #tpu.memory_space<hbm>> -> memref<960xf32, #tpu.memory_space<hbm>>
        tpu.enqueue_dma source(%arg13 : memref<960xf32, #tpu.memory_space<vmem>>) target(%dma_start3A_42 : memref<960xf32, #tpu.memory_space<hbm>>) target_semaphore(%run_scoped3A_41 : memref<!tpu.dma_semaphore, #tpu.memory_space<semaphore_mem>>)
        %dma_wait3A = tpu.memref_slice %arg8[%mul3A_40] : memref<15360xf32, #tpu.memory_space<hbm>> -> memref<960xf32, #tpu.memory_space<hbm>>
        %dma_wait3A_43 = tpu.memref_slice %arg8[%mul3A_40] : memref<15360xf32, #tpu.memory_space<hbm>> -> memref<960xf32, #tpu.memory_space<hbm>>
        tpu.wait_dma2 semaphore(%run_scoped3A_41 : memref<!tpu.dma_semaphore, #tpu.memory_space<semaphore_mem>>) src(%arg13 : memref<960xf32, #tpu.memory_space<vmem>>) dst(%dma_wait3A_43 : memref<960xf32, #tpu.memory_space<hbm>>)
        tpu.yield
      }) : () -> ()
    } else {
    }
    return
  }
}

#map = affine_map<(d0, d1) -> (0, 0)>
#map1 = affine_map<(d0, d1) -> (0, 0, 0)>
module attributes {stable_mosaic.version = 14 : i64} {
  func.func @_sc_combine(%arg0: i32, %arg1: i32, %arg2: memref<15360x768xf32, #tpu.memory_space<hbm>>, %arg3: memref<16x10x96xi32, #tpu.memory_space<hbm>>, %arg4: memref<32x128xf32, #tpu.memory_space<hbm>>, %arg5: memref<2x2048x384xf32, #tpu.memory_space<hbm>>, %arg6: memref<10x96xi32, #tpu.memory_space<vmem>>, %arg7: memref<96x128xf32, #tpu.memory_space<vmem>>, %arg8: memref<128x128xf32, #tpu.memory_space<vmem>>, %arg9: memref<2048x128xf32, #tpu.memory_space<vmem_shared>>) attributes {dimension_semantics = [#tpu.dimension_semantics<core_parallel>, #tpu.dimension_semantics<subcore_parallel>], iteration_bounds = array<i64: 2, 16>, scalar_prefetch = 0 : i64, scratch_operands = 4 : i64, tpu.core_type = #tpu.core_type<sc_vector_subcore>, window_params = [{transform_indices = #map}, {transform_indices = #map1}, {transform_indices = #map}, {transform_indices = #map1}]} {
    "tpu.region"() ({
      %run_scoped3A_332 = tpu.sem_alloc : memref<!tpu.dma_semaphore, #tpu.memory_space<semaphore_mem>>
      %dma_start3A = arith.constant 0 : i32
      %dma_start3A_333 = arith.constant 0 : i32
      %dma_start3A_334 = tpu.memref_slice %arg3[%arg1, %dma_start3A, %dma_start3A_333] : memref<16x10x96xi32, #tpu.memory_space<hbm>> -> memref<1x10x96xi32, #tpu.memory_space<hbm>>
      %dma_start3A_335 = tpu.memref_squeeze %dma_start3A_334 : memref<1x10x96xi32, #tpu.memory_space<hbm>> -> memref<10x96xi32, #tpu.memory_space<hbm>>
      %dma_start3A_336 = arith.constant 0 : i32
      %dma_start3A_337 = arith.constant 0 : i32
      %dma_start3A_338 = tpu.memref_slice %arg3[%arg1, %dma_start3A_336, %dma_start3A_337] : memref<16x10x96xi32, #tpu.memory_space<hbm>> -> memref<1x10x96xi32, #tpu.memory_space<hbm>>
      %dma_start3A_339 = tpu.memref_squeeze %dma_start3A_338 : memref<1x10x96xi32, #tpu.memory_space<hbm>> -> memref<10x96xi32, #tpu.memory_space<hbm>>
      tpu.enqueue_dma source(%dma_start3A_339 : memref<10x96xi32, #tpu.memory_space<hbm>>) target(%arg6 : memref<10x96xi32, #tpu.memory_space<vmem>>) target_semaphore(%run_scoped3A_332 : memref<!tpu.dma_semaphore, #tpu.memory_space<semaphore_mem>>)
      %dma_wait3A = arith.constant 0 : i32
      %dma_wait3A_340 = arith.constant 0 : i32
      %dma_wait3A_341 = tpu.memref_slice %arg3[%arg1, %dma_wait3A, %dma_wait3A_340] : memref<16x10x96xi32, #tpu.memory_space<hbm>> -> memref<1x10x96xi32, #tpu.memory_space<hbm>>
      %dma_wait3A_342 = tpu.memref_squeeze %dma_wait3A_341 : memref<1x10x96xi32, #tpu.memory_space<hbm>> -> memref<10x96xi32, #tpu.memory_space<hbm>>
      %dma_wait3A_343 = arith.constant 0 : i32
      %dma_wait3A_344 = arith.constant 0 : i32
      %dma_wait3A_345 = tpu.memref_slice %arg3[%arg1, %dma_wait3A_343, %dma_wait3A_344] : memref<16x10x96xi32, #tpu.memory_space<hbm>> -> memref<1x10x96xi32, #tpu.memory_space<hbm>>
      %dma_wait3A_346 = tpu.memref_squeeze %dma_wait3A_345 : memref<1x10x96xi32, #tpu.memory_space<hbm>> -> memref<10x96xi32, #tpu.memory_space<hbm>>
      tpu.wait_dma2 semaphore(%run_scoped3A_332 : memref<!tpu.dma_semaphore, #tpu.memory_space<semaphore_mem>>) src(%dma_wait3A_346 : memref<10x96xi32, #tpu.memory_space<hbm>>) dst(%arg6 : memref<10x96xi32, #tpu.memory_space<vmem>>)
      tpu.yield
    }) : () -> ()
    "tpu.region"() ({
      %run_scoped3A_332 = tpu.sem_alloc : memref<!tpu.dma_semaphore, #tpu.memory_space<semaphore_mem>>
      %dma_start3A = arith.constant 0 : i32
      %dma_start3A_333 = arith.constant 0 : i32
      %dma_start3A_334 = tpu.memref_slice %arg7[%dma_start3A, %dma_start3A_333] : memref<96x128xf32, #tpu.memory_space<vmem>> -> memref<32x128xf32, #tpu.memory_space<vmem>>
      %dma_start3A_335 = arith.constant 0 : i32
      %dma_start3A_336 = arith.constant 0 : i32
      %dma_start3A_337 = tpu.memref_slice %arg7[%dma_start3A_335, %dma_start3A_336] : memref<96x128xf32, #tpu.memory_space<vmem>> -> memref<32x128xf32, #tpu.memory_space<vmem>>
      tpu.enqueue_dma source(%arg4 : memref<32x128xf32, #tpu.memory_space<hbm>>) target(%dma_start3A_337 : memref<32x128xf32, #tpu.memory_space<vmem>>) target_semaphore(%run_scoped3A_332 : memref<!tpu.dma_semaphore, #tpu.memory_space<semaphore_mem>>)
      %dma_wait3A = arith.constant 0 : i32
      %dma_wait3A_338 = arith.constant 0 : i32
      %dma_wait3A_339 = tpu.memref_slice %arg7[%dma_wait3A, %dma_wait3A_338] : memref<96x128xf32, #tpu.memory_space<vmem>> -> memref<32x128xf32, #tpu.memory_space<vmem>>
      %dma_wait3A_340 = arith.constant 0 : i32
      %dma_wait3A_341 = arith.constant 0 : i32
      %dma_wait3A_342 = tpu.memref_slice %arg7[%dma_wait3A_340, %dma_wait3A_341] : memref<96x128xf32, #tpu.memory_space<vmem>> -> memref<32x128xf32, #tpu.memory_space<vmem>>
      tpu.wait_dma2 semaphore(%run_scoped3A_332 : memref<!tpu.dma_semaphore, #tpu.memory_space<semaphore_mem>>) src(%arg4 : memref<32x128xf32, #tpu.memory_space<hbm>>) dst(%dma_wait3A_342 : memref<32x128xf32, #tpu.memory_space<vmem>>)
      tpu.yield
    }) : () -> ()
    %mul3A = arith.constant 128 : i32
    %mul3A_0 = arith.muli %arg1, %mul3A : i32
    %add3A = arith.constant 0 : i32
    %add3A_1 = arith.addi %mul3A_0, %add3A : i32
    "tpu.region"() ({
      %run_scoped3A_332 = tpu.sem_alloc : memref<!tpu.dma_semaphore, #tpu.memory_space<semaphore_mem>>
      %dma_start3A = arith.constant 0 : i32
      %dma_start3A_333 = arith.constant 0 : i32
      %dma_start3A_334 = tpu.memref_slice %arg7[%dma_start3A, %dma_start3A_333] : memref<96x128xf32, #tpu.memory_space<vmem>> -> memref<32x128xf32, #tpu.memory_space<vmem>>
      %dma_start3A_335 = arith.constant 0 : i32
      %dma_start3A_336 = tpu.memref_slice %arg9[%add3A_1, %dma_start3A_335] : memref<2048x128xf32, #tpu.memory_space<vmem_shared>> -> memref<32x128xf32, #tpu.memory_space<vmem_shared>>
      %dma_start3A_337 = arith.constant 0 : i32
      %dma_start3A_338 = tpu.memref_slice %arg9[%add3A_1, %dma_start3A_337] : memref<2048x128xf32, #tpu.memory_space<vmem_shared>> -> memref<32x128xf32, #tpu.memory_space<vmem_shared>>
      %dma_start3A_339 = arith.constant 0 : i32
      %dma_start3A_340 = arith.constant 0 : i32
      %dma_start3A_341 = tpu.memref_slice %arg7[%dma_start3A_339, %dma_start3A_340] : memref<96x128xf32, #tpu.memory_space<vmem>> -> memref<32x128xf32, #tpu.memory_space<vmem>>
      tpu.enqueue_dma source(%dma_start3A_341 : memref<32x128xf32, #tpu.memory_space<vmem>>) target(%dma_start3A_338 : memref<32x128xf32, #tpu.memory_space<vmem_shared>>) target_semaphore(%run_scoped3A_332 : memref<!tpu.dma_semaphore, #tpu.memory_space<semaphore_mem>>)
      %dma_wait3A = arith.constant 0 : i32
      %dma_wait3A_342 = arith.constant 0 : i32
      %dma_wait3A_343 = tpu.memref_slice %arg7[%dma_wait3A, %dma_wait3A_342] : memref<96x128xf32, #tpu.memory_space<vmem>> -> memref<32x128xf32, #tpu.memory_space<vmem>>
      %dma_wait3A_344 = arith.constant 0 : i32
      %dma_wait3A_345 = tpu.memref_slice %arg9[%add3A_1, %dma_wait3A_344] : memref<2048x128xf32, #tpu.memory_space<vmem_shared>> -> memref<32x128xf32, #tpu.memory_space<vmem_shared>>
      %dma_wait3A_346 = arith.constant 0 : i32
      %dma_wait3A_347 = tpu.memref_slice %arg9[%add3A_1, %dma_wait3A_346] : memref<2048x128xf32, #tpu.memory_space<vmem_shared>> -> memref<32x128xf32, #tpu.memory_space<vmem_shared>>
      %dma_wait3A_348 = arith.constant 0 : i32
      %dma_wait3A_349 = arith.constant 0 : i32
      %dma_wait3A_350 = tpu.memref_slice %arg7[%dma_wait3A_348, %dma_wait3A_349] : memref<96x128xf32, #tpu.memory_space<vmem>> -> memref<32x128xf32, #tpu.memory_space<vmem>>
      tpu.wait_dma2 semaphore(%run_scoped3A_332 : memref<!tpu.dma_semaphore, #tpu.memory_space<semaphore_mem>>) src(%dma_wait3A_350 : memref<32x128xf32, #tpu.memory_space<vmem>>) dst(%dma_wait3A_347 : memref<32x128xf32, #tpu.memory_space<vmem_shared>>)
      tpu.yield
    }) : () -> ()
    %mul3A_2 = arith.constant 128 : i32
    %mul3A_3 = arith.muli %arg1, %mul3A_2 : i32
    %add3A_4 = arith.constant 32 : i32
    %add3A_5 = arith.addi %mul3A_3, %add3A_4 : i32
    "tpu.region"() ({
      %run_scoped3A_332 = tpu.sem_alloc : memref<!tpu.dma_semaphore, #tpu.memory_space<semaphore_mem>>
      %dma_start3A = arith.constant 0 : i32
      %dma_start3A_333 = arith.constant 0 : i32
      %dma_start3A_334 = tpu.memref_slice %arg7[%dma_start3A, %dma_start3A_333] : memref<96x128xf32, #tpu.memory_space<vmem>> -> memref<32x128xf32, #tpu.memory_space<vmem>>
      %dma_start3A_335 = arith.constant 0 : i32
      %dma_start3A_336 = tpu.memref_slice %arg9[%add3A_5, %dma_start3A_335] : memref<2048x128xf32, #tpu.memory_space<vmem_shared>> -> memref<32x128xf32, #tpu.memory_space<vmem_shared>>
      %dma_start3A_337 = arith.constant 0 : i32
      %dma_start3A_338 = tpu.memref_slice %arg9[%add3A_5, %dma_start3A_337] : memref<2048x128xf32, #tpu.memory_space<vmem_shared>> -> memref<32x128xf32, #tpu.memory_space<vmem_shared>>
      %dma_start3A_339 = arith.constant 0 : i32
      %dma_start3A_340 = arith.constant 0 : i32
      %dma_start3A_341 = tpu.memref_slice %arg7[%dma_start3A_339, %dma_start3A_340] : memref<96x128xf32, #tpu.memory_space<vmem>> -> memref<32x128xf32, #tpu.memory_space<vmem>>
      tpu.enqueue_dma source(%dma_start3A_341 : memref<32x128xf32, #tpu.memory_space<vmem>>) target(%dma_start3A_338 : memref<32x128xf32, #tpu.memory_space<vmem_shared>>) target_semaphore(%run_scoped3A_332 : memref<!tpu.dma_semaphore, #tpu.memory_space<semaphore_mem>>)
      %dma_wait3A = arith.constant 0 : i32
      %dma_wait3A_342 = arith.constant 0 : i32
      %dma_wait3A_343 = tpu.memref_slice %arg7[%dma_wait3A, %dma_wait3A_342] : memref<96x128xf32, #tpu.memory_space<vmem>> -> memref<32x128xf32, #tpu.memory_space<vmem>>
      %dma_wait3A_344 = arith.constant 0 : i32
      %dma_wait3A_345 = tpu.memref_slice %arg9[%add3A_5, %dma_wait3A_344] : memref<2048x128xf32, #tpu.memory_space<vmem_shared>> -> memref<32x128xf32, #tpu.memory_space<vmem_shared>>
      %dma_wait3A_346 = arith.constant 0 : i32
      %dma_wait3A_347 = tpu.memref_slice %arg9[%add3A_5, %dma_wait3A_346] : memref<2048x128xf32, #tpu.memory_space<vmem_shared>> -> memref<32x128xf32, #tpu.memory_space<vmem_shared>>
      %dma_wait3A_348 = arith.constant 0 : i32
      %dma_wait3A_349 = arith.constant 0 : i32
      %dma_wait3A_350 = tpu.memref_slice %arg7[%dma_wait3A_348, %dma_wait3A_349] : memref<96x128xf32, #tpu.memory_space<vmem>> -> memref<32x128xf32, #tpu.memory_space<vmem>>
      tpu.wait_dma2 semaphore(%run_scoped3A_332 : memref<!tpu.dma_semaphore, #tpu.memory_space<semaphore_mem>>) src(%dma_wait3A_350 : memref<32x128xf32, #tpu.memory_space<vmem>>) dst(%dma_wait3A_347 : memref<32x128xf32, #tpu.memory_space<vmem_shared>>)
      tpu.yield
    }) : () -> ()
    %mul3A_6 = arith.constant 128 : i32
    %mul3A_7 = arith.muli %arg1, %mul3A_6 : i32
    %add3A_8 = arith.constant 64 : i32
    %add3A_9 = arith.addi %mul3A_7, %add3A_8 : i32
    "tpu.region"() ({
      %run_scoped3A_332 = tpu.sem_alloc : memref<!tpu.dma_semaphore, #tpu.memory_space<semaphore_mem>>
      %dma_start3A = arith.constant 0 : i32
      %dma_start3A_333 = arith.constant 0 : i32
      %dma_start3A_334 = tpu.memref_slice %arg7[%dma_start3A, %dma_start3A_333] : memref<96x128xf32, #tpu.memory_space<vmem>> -> memref<32x128xf32, #tpu.memory_space<vmem>>
      %dma_start3A_335 = arith.constant 0 : i32
      %dma_start3A_336 = tpu.memref_slice %arg9[%add3A_9, %dma_start3A_335] : memref<2048x128xf32, #tpu.memory_space<vmem_shared>> -> memref<32x128xf32, #tpu.memory_space<vmem_shared>>
      %dma_start3A_337 = arith.constant 0 : i32
      %dma_start3A_338 = tpu.memref_slice %arg9[%add3A_9, %dma_start3A_337] : memref<2048x128xf32, #tpu.memory_space<vmem_shared>> -> memref<32x128xf32, #tpu.memory_space<vmem_shared>>
      %dma_start3A_339 = arith.constant 0 : i32
      %dma_start3A_340 = arith.constant 0 : i32
      %dma_start3A_341 = tpu.memref_slice %arg7[%dma_start3A_339, %dma_start3A_340] : memref<96x128xf32, #tpu.memory_space<vmem>> -> memref<32x128xf32, #tpu.memory_space<vmem>>
      tpu.enqueue_dma source(%dma_start3A_341 : memref<32x128xf32, #tpu.memory_space<vmem>>) target(%dma_start3A_338 : memref<32x128xf32, #tpu.memory_space<vmem_shared>>) target_semaphore(%run_scoped3A_332 : memref<!tpu.dma_semaphore, #tpu.memory_space<semaphore_mem>>)
      %dma_wait3A = arith.constant 0 : i32
      %dma_wait3A_342 = arith.constant 0 : i32
      %dma_wait3A_343 = tpu.memref_slice %arg7[%dma_wait3A, %dma_wait3A_342] : memref<96x128xf32, #tpu.memory_space<vmem>> -> memref<32x128xf32, #tpu.memory_space<vmem>>
      %dma_wait3A_344 = arith.constant 0 : i32
      %dma_wait3A_345 = tpu.memref_slice %arg9[%add3A_9, %dma_wait3A_344] : memref<2048x128xf32, #tpu.memory_space<vmem_shared>> -> memref<32x128xf32, #tpu.memory_space<vmem_shared>>
      %dma_wait3A_346 = arith.constant 0 : i32
      %dma_wait3A_347 = tpu.memref_slice %arg9[%add3A_9, %dma_wait3A_346] : memref<2048x128xf32, #tpu.memory_space<vmem_shared>> -> memref<32x128xf32, #tpu.memory_space<vmem_shared>>
      %dma_wait3A_348 = arith.constant 0 : i32
      %dma_wait3A_349 = arith.constant 0 : i32
      %dma_wait3A_350 = tpu.memref_slice %arg7[%dma_wait3A_348, %dma_wait3A_349] : memref<96x128xf32, #tpu.memory_space<vmem>> -> memref<32x128xf32, #tpu.memory_space<vmem>>
      tpu.wait_dma2 semaphore(%run_scoped3A_332 : memref<!tpu.dma_semaphore, #tpu.memory_space<semaphore_mem>>) src(%dma_wait3A_350 : memref<32x128xf32, #tpu.memory_space<vmem>>) dst(%dma_wait3A_347 : memref<32x128xf32, #tpu.memory_space<vmem_shared>>)
      tpu.yield
    }) : () -> ()
    %mul3A_10 = arith.constant 128 : i32
    %mul3A_11 = arith.muli %arg1, %mul3A_10 : i32
    %add3A_12 = arith.constant 96 : i32
    %add3A_13 = arith.addi %mul3A_11, %add3A_12 : i32
    "tpu.region"() ({
      %run_scoped3A_332 = tpu.sem_alloc : memref<!tpu.dma_semaphore, #tpu.memory_space<semaphore_mem>>
      %dma_start3A = arith.constant 0 : i32
      %dma_start3A_333 = arith.constant 0 : i32
      %dma_start3A_334 = tpu.memref_slice %arg7[%dma_start3A, %dma_start3A_333] : memref<96x128xf32, #tpu.memory_space<vmem>> -> memref<32x128xf32, #tpu.memory_space<vmem>>
      %dma_start3A_335 = arith.constant 0 : i32
      %dma_start3A_336 = tpu.memref_slice %arg9[%add3A_13, %dma_start3A_335] : memref<2048x128xf32, #tpu.memory_space<vmem_shared>> -> memref<32x128xf32, #tpu.memory_space<vmem_shared>>
      %dma_start3A_337 = arith.constant 0 : i32
      %dma_start3A_338 = tpu.memref_slice %arg9[%add3A_13, %dma_start3A_337] : memref<2048x128xf32, #tpu.memory_space<vmem_shared>> -> memref<32x128xf32, #tpu.memory_space<vmem_shared>>
      %dma_start3A_339 = arith.constant 0 : i32
      %dma_start3A_340 = arith.constant 0 : i32
      %dma_start3A_341 = tpu.memref_slice %arg7[%dma_start3A_339, %dma_start3A_340] : memref<96x128xf32, #tpu.memory_space<vmem>> -> memref<32x128xf32, #tpu.memory_space<vmem>>
      tpu.enqueue_dma source(%dma_start3A_341 : memref<32x128xf32, #tpu.memory_space<vmem>>) target(%dma_start3A_338 : memref<32x128xf32, #tpu.memory_space<vmem_shared>>) target_semaphore(%run_scoped3A_332 : memref<!tpu.dma_semaphore, #tpu.memory_space<semaphore_mem>>)
      %dma_wait3A = arith.constant 0 : i32
      %dma_wait3A_342 = arith.constant 0 : i32
      %dma_wait3A_343 = tpu.memref_slice %arg7[%dma_wait3A, %dma_wait3A_342] : memref<96x128xf32, #tpu.memory_space<vmem>> -> memref<32x128xf32, #tpu.memory_space<vmem>>
      %dma_wait3A_344 = arith.constant 0 : i32
      %dma_wait3A_345 = tpu.memref_slice %arg9[%add3A_13, %dma_wait3A_344] : memref<2048x128xf32, #tpu.memory_space<vmem_shared>> -> memref<32x128xf32, #tpu.memory_space<vmem_shared>>
      %dma_wait3A_346 = arith.constant 0 : i32
      %dma_wait3A_347 = tpu.memref_slice %arg9[%add3A_13, %dma_wait3A_346] : memref<2048x128xf32, #tpu.memory_space<vmem_shared>> -> memref<32x128xf32, #tpu.memory_space<vmem_shared>>
      %dma_wait3A_348 = arith.constant 0 : i32
      %dma_wait3A_349 = arith.constant 0 : i32
      %dma_wait3A_350 = tpu.memref_slice %arg7[%dma_wait3A_348, %dma_wait3A_349] : memref<96x128xf32, #tpu.memory_space<vmem>> -> memref<32x128xf32, #tpu.memory_space<vmem>>
      tpu.wait_dma2 semaphore(%run_scoped3A_332 : memref<!tpu.dma_semaphore, #tpu.memory_space<semaphore_mem>>) src(%dma_wait3A_350 : memref<32x128xf32, #tpu.memory_space<vmem>>) dst(%dma_wait3A_347 : memref<32x128xf32, #tpu.memory_space<vmem_shared>>)
      tpu.yield
    }) : () -> ()
    %barrier3A = arith.constant 0 : index
    tpu.barrier barrier_id(%barrier3A)
    %mul3A_14 = arith.constant 960 : i32
    %mul3A_15 = arith.muli %arg1, %mul3A_14 : i32
    %add3A_16 = arith.constant 0 : i32
    %add3A_17 = arith.addi %mul3A_15, %add3A_16 : i32
    %mul3A_18 = arith.constant 384 : i32
    %mul3A_19 = arith.muli %arg0, %mul3A_18 : i32
    %add3A_20 = arith.constant 0 : i32
    %add3A_21 = arith.addi %mul3A_19, %add3A_20 : i32
    "tpu.region"() ({
      %run_scoped3A_332 = tpu.sem_alloc : memref<!tpu.dma_semaphore, #tpu.memory_space<semaphore_mem>>
      %dma_start3A = tpu.memref_slice %arg2[%add3A_17, %add3A_21] : memref<15360x768xf32, #tpu.memory_space<hbm>> -> memref<96x128xf32, #tpu.memory_space<hbm>>
      %dma_start3A_333 = tpu.memref_slice %arg2[%add3A_17, %add3A_21] : memref<15360x768xf32, #tpu.memory_space<hbm>> -> memref<96x128xf32, #tpu.memory_space<hbm>>
      tpu.enqueue_dma source(%dma_start3A_333 : memref<96x128xf32, #tpu.memory_space<hbm>>) target(%arg7 : memref<96x128xf32, #tpu.memory_space<vmem>>) target_semaphore(%run_scoped3A_332 : memref<!tpu.dma_semaphore, #tpu.memory_space<semaphore_mem>>)
      %dma_wait3A = tpu.memref_slice %arg2[%add3A_17, %add3A_21] : memref<15360x768xf32, #tpu.memory_space<hbm>> -> memref<96x128xf32, #tpu.memory_space<hbm>>
      %dma_wait3A_334 = tpu.memref_slice %arg2[%add3A_17, %add3A_21] : memref<15360x768xf32, #tpu.memory_space<hbm>> -> memref<96x128xf32, #tpu.memory_space<hbm>>
      tpu.wait_dma2 semaphore(%run_scoped3A_332 : memref<!tpu.dma_semaphore, #tpu.memory_space<semaphore_mem>>) src(%dma_wait3A_334 : memref<96x128xf32, #tpu.memory_space<hbm>>) dst(%arg7 : memref<96x128xf32, #tpu.memory_space<vmem>>)
      tpu.yield
    }) : () -> ()
    %run_scoped3A = arith.constant 0 : i32
    "tpu.region"() ({
      %run_scoped3A_332 = tpu.sem_alloc : memref<!tpu.dma_semaphore, #tpu.memory_space<semaphore_mem>>
      %dma_start3A = arith.constant 0 : i32
      %dma_start3A_333 = tpu.memref_slice %arg6[%run_scoped3A, %dma_start3A] : memref<10x96xi32, #tpu.memory_space<vmem>> -> memref<1x96xi32, #tpu.memory_space<vmem>>
      %dma_start3A_334 = tpu.memref_squeeze %dma_start3A_333 : memref<1x96xi32, #tpu.memory_space<vmem>> -> memref<96xi32, #tpu.memory_space<vmem>>
      %dma_start3A_335 = arith.constant 0 : i32
      %dma_start3A_336 = arith.constant 0 : i32
      %dma_start3A_337 = tpu.memref_slice %arg9[%dma_start3A_335, %dma_start3A_336] : memref<2048x128xf32, #tpu.memory_space<vmem_shared>> -> memref<2048x128xf32, #tpu.memory_space<vmem_shared>>
      tpu.enqueue_indirect_dma source(%arg7 : memref<96x128xf32, #tpu.memory_space<vmem>>) target(%dma_start3A_337 : memref<2048x128xf32, #tpu.memory_space<vmem_shared>>) offsets(%dma_start3A_334 : memref<96xi32, #tpu.memory_space<vmem>>) semaphore(%run_scoped3A_332 : memref<!tpu.dma_semaphore, #tpu.memory_space<semaphore_mem>>) {add = true}
      %dma_wait3A = arith.constant 0 : i32
      %dma_wait3A_338 = tpu.memref_slice %arg6[%run_scoped3A, %dma_wait3A] : memref<10x96xi32, #tpu.memory_space<vmem>> -> memref<1x96xi32, #tpu.memory_space<vmem>>
      %dma_wait3A_339 = tpu.memref_squeeze %dma_wait3A_338 : memref<1x96xi32, #tpu.memory_space<vmem>> -> memref<96xi32, #tpu.memory_space<vmem>>
      %dma_wait3A_340 = arith.constant 0 : i32
      %dma_wait3A_341 = arith.constant 0 : i32
      %dma_wait3A_342 = tpu.memref_slice %arg9[%dma_wait3A_340, %dma_wait3A_341] : memref<2048x128xf32, #tpu.memory_space<vmem_shared>> -> memref<2048x128xf32, #tpu.memory_space<vmem_shared>>
      tpu.wait_indirect_dma semaphore(%run_scoped3A_332 : memref<!tpu.dma_semaphore, #tpu.memory_space<semaphore_mem>>) src(%arg7 : memref<96x128xf32, #tpu.memory_space<vmem>>) dst(%dma_wait3A_342 : memref<2048x128xf32, #tpu.memory_space<vmem_shared>>)
      tpu.yield
    }) : () -> ()
    %mul3A_22 = arith.constant 960 : i32
    %mul3A_23 = arith.muli %arg1, %mul3A_22 : i32
    %add3A_24 = arith.constant 96 : i32
    %add3A_25 = arith.addi %mul3A_23, %add3A_24 : i32
    %mul3A_26 = arith.constant 384 : i32
    %mul3A_27 = arith.muli %arg0, %mul3A_26 : i32
    %add3A_28 = arith.constant 0 : i32
    %add3A_29 = arith.addi %mul3A_27, %add3A_28 : i32
    "tpu.region"() ({
      %run_scoped3A_332 = tpu.sem_alloc : memref<!tpu.dma_semaphore, #tpu.memory_space<semaphore_mem>>
      %dma_start3A = tpu.memref_slice %arg2[%add3A_25, %add3A_29] : memref<15360x768xf32, #tpu.memory_space<hbm>> -> memref<96x128xf32, #tpu.memory_space<hbm>>
      %dma_start3A_333 = tpu.memref_slice %arg2[%add3A_25, %add3A_29] : memref<15360x768xf32, #tpu.memory_space<hbm>> -> memref<96x128xf32, #tpu.memory_space<hbm>>
      tpu.enqueue_dma source(%dma_start3A_333 : memref<96x128xf32, #tpu.memory_space<hbm>>) target(%arg7 : memref<96x128xf32, #tpu.memory_space<vmem>>) target_semaphore(%run_scoped3A_332 : memref<!tpu.dma_semaphore, #tpu.memory_space<semaphore_mem>>)
      %dma_wait3A = tpu.memref_slice %arg2[%add3A_25, %add3A_29] : memref<15360x768xf32, #tpu.memory_space<hbm>> -> memref<96x128xf32, #tpu.memory_space<hbm>>
      %dma_wait3A_334 = tpu.memref_slice %arg2[%add3A_25, %add3A_29] : memref<15360x768xf32, #tpu.memory_space<hbm>> -> memref<96x128xf32, #tpu.memory_space<hbm>>
      tpu.wait_dma2 semaphore(%run_scoped3A_332 : memref<!tpu.dma_semaphore, #tpu.memory_space<semaphore_mem>>) src(%dma_wait3A_334 : memref<96x128xf32, #tpu.memory_space<hbm>>) dst(%arg7 : memref<96x128xf32, #tpu.memory_space<vmem>>)
      tpu.yield
    }) : () -> ()
    %run_scoped3A_30 = arith.constant 1 : i32
    "tpu.region"() ({
      %run_scoped3A_332 = tpu.sem_alloc : memref<!tpu.dma_semaphore, #tpu.memory_space<semaphore_mem>>
      %dma_start3A = arith.constant 0 : i32
      %dma_start3A_333 = tpu.memref_slice %arg6[%run_scoped3A_30, %dma_start3A] : memref<10x96xi32, #tpu.memory_space<vmem>> -> memref<1x96xi32, #tpu.memory_space<vmem>>
      %dma_start3A_334 = tpu.memref_squeeze %dma_start3A_333 : memref<1x96xi32, #tpu.memory_space<vmem>> -> memref<96xi32, #tpu.memory_space<vmem>>
      %dma_start3A_335 = arith.constant 0 : i32
      %dma_start3A_336 = arith.constant 0 : i32
      %dma_start3A_337 = tpu.memref_slice %arg9[%dma_start3A_335, %dma_start3A_336] : memref<2048x128xf32, #tpu.memory_space<vmem_shared>> -> memref<2048x128xf32, #tpu.memory_space<vmem_shared>>
      tpu.enqueue_indirect_dma source(%arg7 : memref<96x128xf32, #tpu.memory_space<vmem>>) target(%dma_start3A_337 : memref<2048x128xf32, #tpu.memory_space<vmem_shared>>) offsets(%dma_start3A_334 : memref<96xi32, #tpu.memory_space<vmem>>) semaphore(%run_scoped3A_332 : memref<!tpu.dma_semaphore, #tpu.memory_space<semaphore_mem>>) {add = true}
      %dma_wait3A = arith.constant 0 : i32
      %dma_wait3A_338 = tpu.memref_slice %arg6[%run_scoped3A_30, %dma_wait3A] : memref<10x96xi32, #tpu.memory_space<vmem>> -> memref<1x96xi32, #tpu.memory_space<vmem>>
      %dma_wait3A_339 = tpu.memref_squeeze %dma_wait3A_338 : memref<1x96xi32, #tpu.memory_space<vmem>> -> memref<96xi32, #tpu.memory_space<vmem>>
      %dma_wait3A_340 = arith.constant 0 : i32
      %dma_wait3A_341 = arith.constant 0 : i32
      %dma_wait3A_342 = tpu.memref_slice %arg9[%dma_wait3A_340, %dma_wait3A_341] : memref<2048x128xf32, #tpu.memory_space<vmem_shared>> -> memref<2048x128xf32, #tpu.memory_space<vmem_shared>>
      tpu.wait_indirect_dma semaphore(%run_scoped3A_332 : memref<!tpu.dma_semaphore, #tpu.memory_space<semaphore_mem>>) src(%arg7 : memref<96x128xf32, #tpu.memory_space<vmem>>) dst(%dma_wait3A_342 : memref<2048x128xf32, #tpu.memory_space<vmem_shared>>)
      tpu.yield
    }) : () -> ()
    %mul3A_31 = arith.constant 960 : i32
    %mul3A_32 = arith.muli %arg1, %mul3A_31 : i32
    %add3A_33 = arith.constant 192 : i32
    %add3A_34 = arith.addi %mul3A_32, %add3A_33 : i32
    %mul3A_35 = arith.constant 384 : i32
    %mul3A_36 = arith.muli %arg0, %mul3A_35 : i32
    %add3A_37 = arith.constant 0 : i32
    %add3A_38 = arith.addi %mul3A_36, %add3A_37 : i32
    "tpu.region"() ({
      %run_scoped3A_332 = tpu.sem_alloc : memref<!tpu.dma_semaphore, #tpu.memory_space<semaphore_mem>>
      %dma_start3A = tpu.memref_slice %arg2[%add3A_34, %add3A_38] : memref<15360x768xf32, #tpu.memory_space<hbm>> -> memref<96x128xf32, #tpu.memory_space<hbm>>
      %dma_start3A_333 = tpu.memref_slice %arg2[%add3A_34, %add3A_38] : memref<15360x768xf32, #tpu.memory_space<hbm>> -> memref<96x128xf32, #tpu.memory_space<hbm>>
      tpu.enqueue_dma source(%dma_start3A_333 : memref<96x128xf32, #tpu.memory_space<hbm>>) target(%arg7 : memref<96x128xf32, #tpu.memory_space<vmem>>) target_semaphore(%run_scoped3A_332 : memref<!tpu.dma_semaphore, #tpu.memory_space<semaphore_mem>>)
      %dma_wait3A = tpu.memref_slice %arg2[%add3A_34, %add3A_38] : memref<15360x768xf32, #tpu.memory_space<hbm>> -> memref<96x128xf32, #tpu.memory_space<hbm>>
      %dma_wait3A_334 = tpu.memref_slice %arg2[%add3A_34, %add3A_38] : memref<15360x768xf32, #tpu.memory_space<hbm>> -> memref<96x128xf32, #tpu.memory_space<hbm>>
      tpu.wait_dma2 semaphore(%run_scoped3A_332 : memref<!tpu.dma_semaphore, #tpu.memory_space<semaphore_mem>>) src(%dma_wait3A_334 : memref<96x128xf32, #tpu.memory_space<hbm>>) dst(%arg7 : memref<96x128xf32, #tpu.memory_space<vmem>>)
      tpu.yield
    }) : () -> ()
    %run_scoped3A_39 = arith.constant 2 : i32
    "tpu.region"() ({
      %run_scoped3A_332 = tpu.sem_alloc : memref<!tpu.dma_semaphore, #tpu.memory_space<semaphore_mem>>
      %dma_start3A = arith.constant 0 : i32
      %dma_start3A_333 = tpu.memref_slice %arg6[%run_scoped3A_39, %dma_start3A] : memref<10x96xi32, #tpu.memory_space<vmem>> -> memref<1x96xi32, #tpu.memory_space<vmem>>
      %dma_start3A_334 = tpu.memref_squeeze %dma_start3A_333 : memref<1x96xi32, #tpu.memory_space<vmem>> -> memref<96xi32, #tpu.memory_space<vmem>>
      %dma_start3A_335 = arith.constant 0 : i32
      %dma_start3A_336 = arith.constant 0 : i32
      %dma_start3A_337 = tpu.memref_slice %arg9[%dma_start3A_335, %dma_start3A_336] : memref<2048x128xf32, #tpu.memory_space<vmem_shared>> -> memref<2048x128xf32, #tpu.memory_space<vmem_shared>>
      tpu.enqueue_indirect_dma source(%arg7 : memref<96x128xf32, #tpu.memory_space<vmem>>) target(%dma_start3A_337 : memref<2048x128xf32, #tpu.memory_space<vmem_shared>>) offsets(%dma_start3A_334 : memref<96xi32, #tpu.memory_space<vmem>>) semaphore(%run_scoped3A_332 : memref<!tpu.dma_semaphore, #tpu.memory_space<semaphore_mem>>) {add = true}
      %dma_wait3A = arith.constant 0 : i32
      %dma_wait3A_338 = tpu.memref_slice %arg6[%run_scoped3A_39, %dma_wait3A] : memref<10x96xi32, #tpu.memory_space<vmem>> -> memref<1x96xi32, #tpu.memory_space<vmem>>
      %dma_wait3A_339 = tpu.memref_squeeze %dma_wait3A_338 : memref<1x96xi32, #tpu.memory_space<vmem>> -> memref<96xi32, #tpu.memory_space<vmem>>
      %dma_wait3A_340 = arith.constant 0 : i32
      %dma_wait3A_341 = arith.constant 0 : i32
      %dma_wait3A_342 = tpu.memref_slice %arg9[%dma_wait3A_340, %dma_wait3A_341] : memref<2048x128xf32, #tpu.memory_space<vmem_shared>> -> memref<2048x128xf32, #tpu.memory_space<vmem_shared>>
      tpu.wait_indirect_dma semaphore(%run_scoped3A_332 : memref<!tpu.dma_semaphore, #tpu.memory_space<semaphore_mem>>) src(%arg7 : memref<96x128xf32, #tpu.memory_space<vmem>>) dst(%dma_wait3A_342 : memref<2048x128xf32, #tpu.memory_space<vmem_shared>>)
      tpu.yield
    }) : () -> ()
    %mul3A_40 = arith.constant 960 : i32
    %mul3A_41 = arith.muli %arg1, %mul3A_40 : i32
    %add3A_42 = arith.constant 288 : i32
    %add3A_43 = arith.addi %mul3A_41, %add3A_42 : i32
    %mul3A_44 = arith.constant 384 : i32
    %mul3A_45 = arith.muli %arg0, %mul3A_44 : i32
    %add3A_46 = arith.constant 0 : i32
    %add3A_47 = arith.addi %mul3A_45, %add3A_46 : i32
    "tpu.region"() ({
      %run_scoped3A_332 = tpu.sem_alloc : memref<!tpu.dma_semaphore, #tpu.memory_space<semaphore_mem>>
      %dma_start3A = tpu.memref_slice %arg2[%add3A_43, %add3A_47] : memref<15360x768xf32, #tpu.memory_space<hbm>> -> memref<96x128xf32, #tpu.memory_space<hbm>>
      %dma_start3A_333 = tpu.memref_slice %arg2[%add3A_43, %add3A_47] : memref<15360x768xf32, #tpu.memory_space<hbm>> -> memref<96x128xf32, #tpu.memory_space<hbm>>
      tpu.enqueue_dma source(%dma_start3A_333 : memref<96x128xf32, #tpu.memory_space<hbm>>) target(%arg7 : memref<96x128xf32, #tpu.memory_space<vmem>>) target_semaphore(%run_scoped3A_332 : memref<!tpu.dma_semaphore, #tpu.memory_space<semaphore_mem>>)
      %dma_wait3A = tpu.memref_slice %arg2[%add3A_43, %add3A_47] : memref<15360x768xf32, #tpu.memory_space<hbm>> -> memref<96x128xf32, #tpu.memory_space<hbm>>
      %dma_wait3A_334 = tpu.memref_slice %arg2[%add3A_43, %add3A_47] : memref<15360x768xf32, #tpu.memory_space<hbm>> -> memref<96x128xf32, #tpu.memory_space<hbm>>
      tpu.wait_dma2 semaphore(%run_scoped3A_332 : memref<!tpu.dma_semaphore, #tpu.memory_space<semaphore_mem>>) src(%dma_wait3A_334 : memref<96x128xf32, #tpu.memory_space<hbm>>) dst(%arg7 : memref<96x128xf32, #tpu.memory_space<vmem>>)
      tpu.yield
    }) : () -> ()
    %run_scoped3A_48 = arith.constant 3 : i32
    "tpu.region"() ({
      %run_scoped3A_332 = tpu.sem_alloc : memref<!tpu.dma_semaphore, #tpu.memory_space<semaphore_mem>>
      %dma_start3A = arith.constant 0 : i32
      %dma_start3A_333 = tpu.memref_slice %arg6[%run_scoped3A_48, %dma_start3A] : memref<10x96xi32, #tpu.memory_space<vmem>> -> memref<1x96xi32, #tpu.memory_space<vmem>>
      %dma_start3A_334 = tpu.memref_squeeze %dma_start3A_333 : memref<1x96xi32, #tpu.memory_space<vmem>> -> memref<96xi32, #tpu.memory_space<vmem>>
      %dma_start3A_335 = arith.constant 0 : i32
      %dma_start3A_336 = arith.constant 0 : i32
      %dma_start3A_337 = tpu.memref_slice %arg9[%dma_start3A_335, %dma_start3A_336] : memref<2048x128xf32, #tpu.memory_space<vmem_shared>> -> memref<2048x128xf32, #tpu.memory_space<vmem_shared>>
      tpu.enqueue_indirect_dma source(%arg7 : memref<96x128xf32, #tpu.memory_space<vmem>>) target(%dma_start3A_337 : memref<2048x128xf32, #tpu.memory_space<vmem_shared>>) offsets(%dma_start3A_334 : memref<96xi32, #tpu.memory_space<vmem>>) semaphore(%run_scoped3A_332 : memref<!tpu.dma_semaphore, #tpu.memory_space<semaphore_mem>>) {add = true}
      %dma_wait3A = arith.constant 0 : i32
      %dma_wait3A_338 = tpu.memref_slice %arg6[%run_scoped3A_48, %dma_wait3A] : memref<10x96xi32, #tpu.memory_space<vmem>> -> memref<1x96xi32, #tpu.memory_space<vmem>>
      %dma_wait3A_339 = tpu.memref_squeeze %dma_wait3A_338 : memref<1x96xi32, #tpu.memory_space<vmem>> -> memref<96xi32, #tpu.memory_space<vmem>>
      %dma_wait3A_340 = arith.constant 0 : i32
      %dma_wait3A_341 = arith.constant 0 : i32
      %dma_wait3A_342 = tpu.memref_slice %arg9[%dma_wait3A_340, %dma_wait3A_341] : memref<2048x128xf32, #tpu.memory_space<vmem_shared>> -> memref<2048x128xf32, #tpu.memory_space<vmem_shared>>
      tpu.wait_indirect_dma semaphore(%run_scoped3A_332 : memref<!tpu.dma_semaphore, #tpu.memory_space<semaphore_mem>>) src(%arg7 : memref<96x128xf32, #tpu.memory_space<vmem>>) dst(%dma_wait3A_342 : memref<2048x128xf32, #tpu.memory_space<vmem_shared>>)
      tpu.yield
    }) : () -> ()
    %mul3A_49 = arith.constant 960 : i32
    %mul3A_50 = arith.muli %arg1, %mul3A_49 : i32
    %add3A_51 = arith.constant 384 : i32
    %add3A_52 = arith.addi %mul3A_50, %add3A_51 : i32
    %mul3A_53 = arith.constant 384 : i32
    %mul3A_54 = arith.muli %arg0, %mul3A_53 : i32
    %add3A_55 = arith.constant 0 : i32
    %add3A_56 = arith.addi %mul3A_54, %add3A_55 : i32
    "tpu.region"() ({
      %run_scoped3A_332 = tpu.sem_alloc : memref<!tpu.dma_semaphore, #tpu.memory_space<semaphore_mem>>
      %dma_start3A = tpu.memref_slice %arg2[%add3A_52, %add3A_56] : memref<15360x768xf32, #tpu.memory_space<hbm>> -> memref<96x128xf32, #tpu.memory_space<hbm>>
      %dma_start3A_333 = tpu.memref_slice %arg2[%add3A_52, %add3A_56] : memref<15360x768xf32, #tpu.memory_space<hbm>> -> memref<96x128xf32, #tpu.memory_space<hbm>>
      tpu.enqueue_dma source(%dma_start3A_333 : memref<96x128xf32, #tpu.memory_space<hbm>>) target(%arg7 : memref<96x128xf32, #tpu.memory_space<vmem>>) target_semaphore(%run_scoped3A_332 : memref<!tpu.dma_semaphore, #tpu.memory_space<semaphore_mem>>)
      %dma_wait3A = tpu.memref_slice %arg2[%add3A_52, %add3A_56] : memref<15360x768xf32, #tpu.memory_space<hbm>> -> memref<96x128xf32, #tpu.memory_space<hbm>>
      %dma_wait3A_334 = tpu.memref_slice %arg2[%add3A_52, %add3A_56] : memref<15360x768xf32, #tpu.memory_space<hbm>> -> memref<96x128xf32, #tpu.memory_space<hbm>>
      tpu.wait_dma2 semaphore(%run_scoped3A_332 : memref<!tpu.dma_semaphore, #tpu.memory_space<semaphore_mem>>) src(%dma_wait3A_334 : memref<96x128xf32, #tpu.memory_space<hbm>>) dst(%arg7 : memref<96x128xf32, #tpu.memory_space<vmem>>)
      tpu.yield
    }) : () -> ()
    %run_scoped3A_57 = arith.constant 4 : i32
    "tpu.region"() ({
      %run_scoped3A_332 = tpu.sem_alloc : memref<!tpu.dma_semaphore, #tpu.memory_space<semaphore_mem>>
      %dma_start3A = arith.constant 0 : i32
      %dma_start3A_333 = tpu.memref_slice %arg6[%run_scoped3A_57, %dma_start3A] : memref<10x96xi32, #tpu.memory_space<vmem>> -> memref<1x96xi32, #tpu.memory_space<vmem>>
      %dma_start3A_334 = tpu.memref_squeeze %dma_start3A_333 : memref<1x96xi32, #tpu.memory_space<vmem>> -> memref<96xi32, #tpu.memory_space<vmem>>
      %dma_start3A_335 = arith.constant 0 : i32
      %dma_start3A_336 = arith.constant 0 : i32
      %dma_start3A_337 = tpu.memref_slice %arg9[%dma_start3A_335, %dma_start3A_336] : memref<2048x128xf32, #tpu.memory_space<vmem_shared>> -> memref<2048x128xf32, #tpu.memory_space<vmem_shared>>
      tpu.enqueue_indirect_dma source(%arg7 : memref<96x128xf32, #tpu.memory_space<vmem>>) target(%dma_start3A_337 : memref<2048x128xf32, #tpu.memory_space<vmem_shared>>) offsets(%dma_start3A_334 : memref<96xi32, #tpu.memory_space<vmem>>) semaphore(%run_scoped3A_332 : memref<!tpu.dma_semaphore, #tpu.memory_space<semaphore_mem>>) {add = true}
      %dma_wait3A = arith.constant 0 : i32
      %dma_wait3A_338 = tpu.memref_slice %arg6[%run_scoped3A_57, %dma_wait3A] : memref<10x96xi32, #tpu.memory_space<vmem>> -> memref<1x96xi32, #tpu.memory_space<vmem>>
      %dma_wait3A_339 = tpu.memref_squeeze %dma_wait3A_338 : memref<1x96xi32, #tpu.memory_space<vmem>> -> memref<96xi32, #tpu.memory_space<vmem>>
      %dma_wait3A_340 = arith.constant 0 : i32
      %dma_wait3A_341 = arith.constant 0 : i32
      %dma_wait3A_342 = tpu.memref_slice %arg9[%dma_wait3A_340, %dma_wait3A_341] : memref<2048x128xf32, #tpu.memory_space<vmem_shared>> -> memref<2048x128xf32, #tpu.memory_space<vmem_shared>>
      tpu.wait_indirect_dma semaphore(%run_scoped3A_332 : memref<!tpu.dma_semaphore, #tpu.memory_space<semaphore_mem>>) src(%arg7 : memref<96x128xf32, #tpu.memory_space<vmem>>) dst(%dma_wait3A_342 : memref<2048x128xf32, #tpu.memory_space<vmem_shared>>)
      tpu.yield
    }) : () -> ()
    %mul3A_58 = arith.constant 960 : i32
    %mul3A_59 = arith.muli %arg1, %mul3A_58 : i32
    %add3A_60 = arith.constant 480 : i32
    %add3A_61 = arith.addi %mul3A_59, %add3A_60 : i32
    %mul3A_62 = arith.constant 384 : i32
    %mul3A_63 = arith.muli %arg0, %mul3A_62 : i32
    %add3A_64 = arith.constant 0 : i32
    %add3A_65 = arith.addi %mul3A_63, %add3A_64 : i32
    "tpu.region"() ({
      %run_scoped3A_332 = tpu.sem_alloc : memref<!tpu.dma_semaphore, #tpu.memory_space<semaphore_mem>>
      %dma_start3A = tpu.memref_slice %arg2[%add3A_61, %add3A_65] : memref<15360x768xf32, #tpu.memory_space<hbm>> -> memref<96x128xf32, #tpu.memory_space<hbm>>
      %dma_start3A_333 = tpu.memref_slice %arg2[%add3A_61, %add3A_65] : memref<15360x768xf32, #tpu.memory_space<hbm>> -> memref<96x128xf32, #tpu.memory_space<hbm>>
      tpu.enqueue_dma source(%dma_start3A_333 : memref<96x128xf32, #tpu.memory_space<hbm>>) target(%arg7 : memref<96x128xf32, #tpu.memory_space<vmem>>) target_semaphore(%run_scoped3A_332 : memref<!tpu.dma_semaphore, #tpu.memory_space<semaphore_mem>>)
      %dma_wait3A = tpu.memref_slice %arg2[%add3A_61, %add3A_65] : memref<15360x768xf32, #tpu.memory_space<hbm>> -> memref<96x128xf32, #tpu.memory_space<hbm>>
      %dma_wait3A_334 = tpu.memref_slice %arg2[%add3A_61, %add3A_65] : memref<15360x768xf32, #tpu.memory_space<hbm>> -> memref<96x128xf32, #tpu.memory_space<hbm>>
      tpu.wait_dma2 semaphore(%run_scoped3A_332 : memref<!tpu.dma_semaphore, #tpu.memory_space<semaphore_mem>>) src(%dma_wait3A_334 : memref<96x128xf32, #tpu.memory_space<hbm>>) dst(%arg7 : memref<96x128xf32, #tpu.memory_space<vmem>>)
      tpu.yield
    }) : () -> ()
    %run_scoped3A_66 = arith.constant 5 : i32
    "tpu.region"() ({
      %run_scoped3A_332 = tpu.sem_alloc : memref<!tpu.dma_semaphore, #tpu.memory_space<semaphore_mem>>
      %dma_start3A = arith.constant 0 : i32
      %dma_start3A_333 = tpu.memref_slice %arg6[%run_scoped3A_66, %dma_start3A] : memref<10x96xi32, #tpu.memory_space<vmem>> -> memref<1x96xi32, #tpu.memory_space<vmem>>
      %dma_start3A_334 = tpu.memref_squeeze %dma_start3A_333 : memref<1x96xi32, #tpu.memory_space<vmem>> -> memref<96xi32, #tpu.memory_space<vmem>>
      %dma_start3A_335 = arith.constant 0 : i32
      %dma_start3A_336 = arith.constant 0 : i32
      %dma_start3A_337 = tpu.memref_slice %arg9[%dma_start3A_335, %dma_start3A_336] : memref<2048x128xf32, #tpu.memory_space<vmem_shared>> -> memref<2048x128xf32, #tpu.memory_space<vmem_shared>>
      tpu.enqueue_indirect_dma source(%arg7 : memref<96x128xf32, #tpu.memory_space<vmem>>) target(%dma_start3A_337 : memref<2048x128xf32, #tpu.memory_space<vmem_shared>>) offsets(%dma_start3A_334 : memref<96xi32, #tpu.memory_space<vmem>>) semaphore(%run_scoped3A_332 : memref<!tpu.dma_semaphore, #tpu.memory_space<semaphore_mem>>) {add = true}
      %dma_wait3A = arith.constant 0 : i32
      %dma_wait3A_338 = tpu.memref_slice %arg6[%run_scoped3A_66, %dma_wait3A] : memref<10x96xi32, #tpu.memory_space<vmem>> -> memref<1x96xi32, #tpu.memory_space<vmem>>
      %dma_wait3A_339 = tpu.memref_squeeze %dma_wait3A_338 : memref<1x96xi32, #tpu.memory_space<vmem>> -> memref<96xi32, #tpu.memory_space<vmem>>
      %dma_wait3A_340 = arith.constant 0 : i32
      %dma_wait3A_341 = arith.constant 0 : i32
      %dma_wait3A_342 = tpu.memref_slice %arg9[%dma_wait3A_340, %dma_wait3A_341] : memref<2048x128xf32, #tpu.memory_space<vmem_shared>> -> memref<2048x128xf32, #tpu.memory_space<vmem_shared>>
      tpu.wait_indirect_dma semaphore(%run_scoped3A_332 : memref<!tpu.dma_semaphore, #tpu.memory_space<semaphore_mem>>) src(%arg7 : memref<96x128xf32, #tpu.memory_space<vmem>>) dst(%dma_wait3A_342 : memref<2048x128xf32, #tpu.memory_space<vmem_shared>>)
      tpu.yield
    }) : () -> ()
    %mul3A_67 = arith.constant 960 : i32
    %mul3A_68 = arith.muli %arg1, %mul3A_67 : i32
    %add3A_69 = arith.constant 576 : i32
    %add3A_70 = arith.addi %mul3A_68, %add3A_69 : i32
    %mul3A_71 = arith.constant 384 : i32
    %mul3A_72 = arith.muli %arg0, %mul3A_71 : i32
    %add3A_73 = arith.constant 0 : i32
    %add3A_74 = arith.addi %mul3A_72, %add3A_73 : i32
    "tpu.region"() ({
      %run_scoped3A_332 = tpu.sem_alloc : memref<!tpu.dma_semaphore, #tpu.memory_space<semaphore_mem>>
      %dma_start3A = tpu.memref_slice %arg2[%add3A_70, %add3A_74] : memref<15360x768xf32, #tpu.memory_space<hbm>> -> memref<96x128xf32, #tpu.memory_space<hbm>>
      %dma_start3A_333 = tpu.memref_slice %arg2[%add3A_70, %add3A_74] : memref<15360x768xf32, #tpu.memory_space<hbm>> -> memref<96x128xf32, #tpu.memory_space<hbm>>
      tpu.enqueue_dma source(%dma_start3A_333 : memref<96x128xf32, #tpu.memory_space<hbm>>) target(%arg7 : memref<96x128xf32, #tpu.memory_space<vmem>>) target_semaphore(%run_scoped3A_332 : memref<!tpu.dma_semaphore, #tpu.memory_space<semaphore_mem>>)
      %dma_wait3A = tpu.memref_slice %arg2[%add3A_70, %add3A_74] : memref<15360x768xf32, #tpu.memory_space<hbm>> -> memref<96x128xf32, #tpu.memory_space<hbm>>
      %dma_wait3A_334 = tpu.memref_slice %arg2[%add3A_70, %add3A_74] : memref<15360x768xf32, #tpu.memory_space<hbm>> -> memref<96x128xf32, #tpu.memory_space<hbm>>
      tpu.wait_dma2 semaphore(%run_scoped3A_332 : memref<!tpu.dma_semaphore, #tpu.memory_space<semaphore_mem>>) src(%dma_wait3A_334 : memref<96x128xf32, #tpu.memory_space<hbm>>) dst(%arg7 : memref<96x128xf32, #tpu.memory_space<vmem>>)
      tpu.yield
    }) : () -> ()
    %run_scoped3A_75 = arith.constant 6 : i32
    "tpu.region"() ({
      %run_scoped3A_332 = tpu.sem_alloc : memref<!tpu.dma_semaphore, #tpu.memory_space<semaphore_mem>>
      %dma_start3A = arith.constant 0 : i32
      %dma_start3A_333 = tpu.memref_slice %arg6[%run_scoped3A_75, %dma_start3A] : memref<10x96xi32, #tpu.memory_space<vmem>> -> memref<1x96xi32, #tpu.memory_space<vmem>>
      %dma_start3A_334 = tpu.memref_squeeze %dma_start3A_333 : memref<1x96xi32, #tpu.memory_space<vmem>> -> memref<96xi32, #tpu.memory_space<vmem>>
      %dma_start3A_335 = arith.constant 0 : i32
      %dma_start3A_336 = arith.constant 0 : i32
      %dma_start3A_337 = tpu.memref_slice %arg9[%dma_start3A_335, %dma_start3A_336] : memref<2048x128xf32, #tpu.memory_space<vmem_shared>> -> memref<2048x128xf32, #tpu.memory_space<vmem_shared>>
      tpu.enqueue_indirect_dma source(%arg7 : memref<96x128xf32, #tpu.memory_space<vmem>>) target(%dma_start3A_337 : memref<2048x128xf32, #tpu.memory_space<vmem_shared>>) offsets(%dma_start3A_334 : memref<96xi32, #tpu.memory_space<vmem>>) semaphore(%run_scoped3A_332 : memref<!tpu.dma_semaphore, #tpu.memory_space<semaphore_mem>>) {add = true}
      %dma_wait3A = arith.constant 0 : i32
      %dma_wait3A_338 = tpu.memref_slice %arg6[%run_scoped3A_75, %dma_wait3A] : memref<10x96xi32, #tpu.memory_space<vmem>> -> memref<1x96xi32, #tpu.memory_space<vmem>>
      %dma_wait3A_339 = tpu.memref_squeeze %dma_wait3A_338 : memref<1x96xi32, #tpu.memory_space<vmem>> -> memref<96xi32, #tpu.memory_space<vmem>>
      %dma_wait3A_340 = arith.constant 0 : i32
      %dma_wait3A_341 = arith.constant 0 : i32
      %dma_wait3A_342 = tpu.memref_slice %arg9[%dma_wait3A_340, %dma_wait3A_341] : memref<2048x128xf32, #tpu.memory_space<vmem_shared>> -> memref<2048x128xf32, #tpu.memory_space<vmem_shared>>
      tpu.wait_indirect_dma semaphore(%run_scoped3A_332 : memref<!tpu.dma_semaphore, #tpu.memory_space<semaphore_mem>>) src(%arg7 : memref<96x128xf32, #tpu.memory_space<vmem>>) dst(%dma_wait3A_342 : memref<2048x128xf32, #tpu.memory_space<vmem_shared>>)
      tpu.yield
    }) : () -> ()
    %mul3A_76 = arith.constant 960 : i32
    %mul3A_77 = arith.muli %arg1, %mul3A_76 : i32
    %add3A_78 = arith.constant 672 : i32
    %add3A_79 = arith.addi %mul3A_77, %add3A_78 : i32
    %mul3A_80 = arith.constant 384 : i32
    %mul3A_81 = arith.muli %arg0, %mul3A_80 : i32
    %add3A_82 = arith.constant 0 : i32
    %add3A_83 = arith.addi %mul3A_81, %add3A_82 : i32
    "tpu.region"() ({
      %run_scoped3A_332 = tpu.sem_alloc : memref<!tpu.dma_semaphore, #tpu.memory_space<semaphore_mem>>
      %dma_start3A = tpu.memref_slice %arg2[%add3A_79, %add3A_83] : memref<15360x768xf32, #tpu.memory_space<hbm>> -> memref<96x128xf32, #tpu.memory_space<hbm>>
      %dma_start3A_333 = tpu.memref_slice %arg2[%add3A_79, %add3A_83] : memref<15360x768xf32, #tpu.memory_space<hbm>> -> memref<96x128xf32, #tpu.memory_space<hbm>>
      tpu.enqueue_dma source(%dma_start3A_333 : memref<96x128xf32, #tpu.memory_space<hbm>>) target(%arg7 : memref<96x128xf32, #tpu.memory_space<vmem>>) target_semaphore(%run_scoped3A_332 : memref<!tpu.dma_semaphore, #tpu.memory_space<semaphore_mem>>)
      %dma_wait3A = tpu.memref_slice %arg2[%add3A_79, %add3A_83] : memref<15360x768xf32, #tpu.memory_space<hbm>> -> memref<96x128xf32, #tpu.memory_space<hbm>>
      %dma_wait3A_334 = tpu.memref_slice %arg2[%add3A_79, %add3A_83] : memref<15360x768xf32, #tpu.memory_space<hbm>> -> memref<96x128xf32, #tpu.memory_space<hbm>>
      tpu.wait_dma2 semaphore(%run_scoped3A_332 : memref<!tpu.dma_semaphore, #tpu.memory_space<semaphore_mem>>) src(%dma_wait3A_334 : memref<96x128xf32, #tpu.memory_space<hbm>>) dst(%arg7 : memref<96x128xf32, #tpu.memory_space<vmem>>)
      tpu.yield
    }) : () -> ()
    %run_scoped3A_84 = arith.constant 7 : i32
    "tpu.region"() ({
      %run_scoped3A_332 = tpu.sem_alloc : memref<!tpu.dma_semaphore, #tpu.memory_space<semaphore_mem>>
      %dma_start3A = arith.constant 0 : i32
      %dma_start3A_333 = tpu.memref_slice %arg6[%run_scoped3A_84, %dma_start3A] : memref<10x96xi32, #tpu.memory_space<vmem>> -> memref<1x96xi32, #tpu.memory_space<vmem>>
      %dma_start3A_334 = tpu.memref_squeeze %dma_start3A_333 : memref<1x96xi32, #tpu.memory_space<vmem>> -> memref<96xi32, #tpu.memory_space<vmem>>
      %dma_start3A_335 = arith.constant 0 : i32
      %dma_start3A_336 = arith.constant 0 : i32
      %dma_start3A_337 = tpu.memref_slice %arg9[%dma_start3A_335, %dma_start3A_336] : memref<2048x128xf32, #tpu.memory_space<vmem_shared>> -> memref<2048x128xf32, #tpu.memory_space<vmem_shared>>
      tpu.enqueue_indirect_dma source(%arg7 : memref<96x128xf32, #tpu.memory_space<vmem>>) target(%dma_start3A_337 : memref<2048x128xf32, #tpu.memory_space<vmem_shared>>) offsets(%dma_start3A_334 : memref<96xi32, #tpu.memory_space<vmem>>) semaphore(%run_scoped3A_332 : memref<!tpu.dma_semaphore, #tpu.memory_space<semaphore_mem>>) {add = true}
      %dma_wait3A = arith.constant 0 : i32
      %dma_wait3A_338 = tpu.memref_slice %arg6[%run_scoped3A_84, %dma_wait3A] : memref<10x96xi32, #tpu.memory_space<vmem>> -> memref<1x96xi32, #tpu.memory_space<vmem>>
      %dma_wait3A_339 = tpu.memref_squeeze %dma_wait3A_338 : memref<1x96xi32, #tpu.memory_space<vmem>> -> memref<96xi32, #tpu.memory_space<vmem>>
      %dma_wait3A_340 = arith.constant 0 : i32
      %dma_wait3A_341 = arith.constant 0 : i32
      %dma_wait3A_342 = tpu.memref_slice %arg9[%dma_wait3A_340, %dma_wait3A_341] : memref<2048x128xf32, #tpu.memory_space<vmem_shared>> -> memref<2048x128xf32, #tpu.memory_space<vmem_shared>>
      tpu.wait_indirect_dma semaphore(%run_scoped3A_332 : memref<!tpu.dma_semaphore, #tpu.memory_space<semaphore_mem>>) src(%arg7 : memref<96x128xf32, #tpu.memory_space<vmem>>) dst(%dma_wait3A_342 : memref<2048x128xf32, #tpu.memory_space<vmem_shared>>)
      tpu.yield
    }) : () -> ()
    %mul3A_85 = arith.constant 960 : i32
    %mul3A_86 = arith.muli %arg1, %mul3A_85 : i32
    %add3A_87 = arith.constant 768 : i32
    %add3A_88 = arith.addi %mul3A_86, %add3A_87 : i32
    %mul3A_89 = arith.constant 384 : i32
    %mul3A_90 = arith.muli %arg0, %mul3A_89 : i32
    %add3A_91 = arith.constant 0 : i32
    %add3A_92 = arith.addi %mul3A_90, %add3A_91 : i32
    "tpu.region"() ({
      %run_scoped3A_332 = tpu.sem_alloc : memref<!tpu.dma_semaphore, #tpu.memory_space<semaphore_mem>>
      %dma_start3A = tpu.memref_slice %arg2[%add3A_88, %add3A_92] : memref<15360x768xf32, #tpu.memory_space<hbm>> -> memref<96x128xf32, #tpu.memory_space<hbm>>
      %dma_start3A_333 = tpu.memref_slice %arg2[%add3A_88, %add3A_92] : memref<15360x768xf32, #tpu.memory_space<hbm>> -> memref<96x128xf32, #tpu.memory_space<hbm>>
      tpu.enqueue_dma source(%dma_start3A_333 : memref<96x128xf32, #tpu.memory_space<hbm>>) target(%arg7 : memref<96x128xf32, #tpu.memory_space<vmem>>) target_semaphore(%run_scoped3A_332 : memref<!tpu.dma_semaphore, #tpu.memory_space<semaphore_mem>>)
      %dma_wait3A = tpu.memref_slice %arg2[%add3A_88, %add3A_92] : memref<15360x768xf32, #tpu.memory_space<hbm>> -> memref<96x128xf32, #tpu.memory_space<hbm>>
      %dma_wait3A_334 = tpu.memref_slice %arg2[%add3A_88, %add3A_92] : memref<15360x768xf32, #tpu.memory_space<hbm>> -> memref<96x128xf32, #tpu.memory_space<hbm>>
      tpu.wait_dma2 semaphore(%run_scoped3A_332 : memref<!tpu.dma_semaphore, #tpu.memory_space<semaphore_mem>>) src(%dma_wait3A_334 : memref<96x128xf32, #tpu.memory_space<hbm>>) dst(%arg7 : memref<96x128xf32, #tpu.memory_space<vmem>>)
      tpu.yield
    }) : () -> ()
    %run_scoped3A_93 = arith.constant 8 : i32
    "tpu.region"() ({
      %run_scoped3A_332 = tpu.sem_alloc : memref<!tpu.dma_semaphore, #tpu.memory_space<semaphore_mem>>
      %dma_start3A = arith.constant 0 : i32
      %dma_start3A_333 = tpu.memref_slice %arg6[%run_scoped3A_93, %dma_start3A] : memref<10x96xi32, #tpu.memory_space<vmem>> -> memref<1x96xi32, #tpu.memory_space<vmem>>
      %dma_start3A_334 = tpu.memref_squeeze %dma_start3A_333 : memref<1x96xi32, #tpu.memory_space<vmem>> -> memref<96xi32, #tpu.memory_space<vmem>>
      %dma_start3A_335 = arith.constant 0 : i32
      %dma_start3A_336 = arith.constant 0 : i32
      %dma_start3A_337 = tpu.memref_slice %arg9[%dma_start3A_335, %dma_start3A_336] : memref<2048x128xf32, #tpu.memory_space<vmem_shared>> -> memref<2048x128xf32, #tpu.memory_space<vmem_shared>>
      tpu.enqueue_indirect_dma source(%arg7 : memref<96x128xf32, #tpu.memory_space<vmem>>) target(%dma_start3A_337 : memref<2048x128xf32, #tpu.memory_space<vmem_shared>>) offsets(%dma_start3A_334 : memref<96xi32, #tpu.memory_space<vmem>>) semaphore(%run_scoped3A_332 : memref<!tpu.dma_semaphore, #tpu.memory_space<semaphore_mem>>) {add = true}
      %dma_wait3A = arith.constant 0 : i32
      %dma_wait3A_338 = tpu.memref_slice %arg6[%run_scoped3A_93, %dma_wait3A] : memref<10x96xi32, #tpu.memory_space<vmem>> -> memref<1x96xi32, #tpu.memory_space<vmem>>
      %dma_wait3A_339 = tpu.memref_squeeze %dma_wait3A_338 : memref<1x96xi32, #tpu.memory_space<vmem>> -> memref<96xi32, #tpu.memory_space<vmem>>
      %dma_wait3A_340 = arith.constant 0 : i32
      %dma_wait3A_341 = arith.constant 0 : i32
      %dma_wait3A_342 = tpu.memref_slice %arg9[%dma_wait3A_340, %dma_wait3A_341] : memref<2048x128xf32, #tpu.memory_space<vmem_shared>> -> memref<2048x128xf32, #tpu.memory_space<vmem_shared>>
      tpu.wait_indirect_dma semaphore(%run_scoped3A_332 : memref<!tpu.dma_semaphore, #tpu.memory_space<semaphore_mem>>) src(%arg7 : memref<96x128xf32, #tpu.memory_space<vmem>>) dst(%dma_wait3A_342 : memref<2048x128xf32, #tpu.memory_space<vmem_shared>>)
      tpu.yield
    }) : () -> ()
    %mul3A_94 = arith.constant 960 : i32
    %mul3A_95 = arith.muli %arg1, %mul3A_94 : i32
    %add3A_96 = arith.constant 864 : i32
    %add3A_97 = arith.addi %mul3A_95, %add3A_96 : i32
    %mul3A_98 = arith.constant 384 : i32
    %mul3A_99 = arith.muli %arg0, %mul3A_98 : i32
    %add3A_100 = arith.constant 0 : i32
    %add3A_101 = arith.addi %mul3A_99, %add3A_100 : i32
    "tpu.region"() ({
      %run_scoped3A_332 = tpu.sem_alloc : memref<!tpu.dma_semaphore, #tpu.memory_space<semaphore_mem>>
      %dma_start3A = tpu.memref_slice %arg2[%add3A_97, %add3A_101] : memref<15360x768xf32, #tpu.memory_space<hbm>> -> memref<96x128xf32, #tpu.memory_space<hbm>>
      %dma_start3A_333 = tpu.memref_slice %arg2[%add3A_97, %add3A_101] : memref<15360x768xf32, #tpu.memory_space<hbm>> -> memref<96x128xf32, #tpu.memory_space<hbm>>
      tpu.enqueue_dma source(%dma_start3A_333 : memref<96x128xf32, #tpu.memory_space<hbm>>) target(%arg7 : memref<96x128xf32, #tpu.memory_space<vmem>>) target_semaphore(%run_scoped3A_332 : memref<!tpu.dma_semaphore, #tpu.memory_space<semaphore_mem>>)
      %dma_wait3A = tpu.memref_slice %arg2[%add3A_97, %add3A_101] : memref<15360x768xf32, #tpu.memory_space<hbm>> -> memref<96x128xf32, #tpu.memory_space<hbm>>
      %dma_wait3A_334 = tpu.memref_slice %arg2[%add3A_97, %add3A_101] : memref<15360x768xf32, #tpu.memory_space<hbm>> -> memref<96x128xf32, #tpu.memory_space<hbm>>
      tpu.wait_dma2 semaphore(%run_scoped3A_332 : memref<!tpu.dma_semaphore, #tpu.memory_space<semaphore_mem>>) src(%dma_wait3A_334 : memref<96x128xf32, #tpu.memory_space<hbm>>) dst(%arg7 : memref<96x128xf32, #tpu.memory_space<vmem>>)
      tpu.yield
    }) : () -> ()
    %run_scoped3A_102 = arith.constant 9 : i32
    "tpu.region"() ({
      %run_scoped3A_332 = tpu.sem_alloc : memref<!tpu.dma_semaphore, #tpu.memory_space<semaphore_mem>>
      %dma_start3A = arith.constant 0 : i32
      %dma_start3A_333 = tpu.memref_slice %arg6[%run_scoped3A_102, %dma_start3A] : memref<10x96xi32, #tpu.memory_space<vmem>> -> memref<1x96xi32, #tpu.memory_space<vmem>>
      %dma_start3A_334 = tpu.memref_squeeze %dma_start3A_333 : memref<1x96xi32, #tpu.memory_space<vmem>> -> memref<96xi32, #tpu.memory_space<vmem>>
      %dma_start3A_335 = arith.constant 0 : i32
      %dma_start3A_336 = arith.constant 0 : i32
      %dma_start3A_337 = tpu.memref_slice %arg9[%dma_start3A_335, %dma_start3A_336] : memref<2048x128xf32, #tpu.memory_space<vmem_shared>> -> memref<2048x128xf32, #tpu.memory_space<vmem_shared>>
      tpu.enqueue_indirect_dma source(%arg7 : memref<96x128xf32, #tpu.memory_space<vmem>>) target(%dma_start3A_337 : memref<2048x128xf32, #tpu.memory_space<vmem_shared>>) offsets(%dma_start3A_334 : memref<96xi32, #tpu.memory_space<vmem>>) semaphore(%run_scoped3A_332 : memref<!tpu.dma_semaphore, #tpu.memory_space<semaphore_mem>>) {add = true}
      %dma_wait3A = arith.constant 0 : i32
      %dma_wait3A_338 = tpu.memref_slice %arg6[%run_scoped3A_102, %dma_wait3A] : memref<10x96xi32, #tpu.memory_space<vmem>> -> memref<1x96xi32, #tpu.memory_space<vmem>>
      %dma_wait3A_339 = tpu.memref_squeeze %dma_wait3A_338 : memref<1x96xi32, #tpu.memory_space<vmem>> -> memref<96xi32, #tpu.memory_space<vmem>>
      %dma_wait3A_340 = arith.constant 0 : i32
      %dma_wait3A_341 = arith.constant 0 : i32
      %dma_wait3A_342 = tpu.memref_slice %arg9[%dma_wait3A_340, %dma_wait3A_341] : memref<2048x128xf32, #tpu.memory_space<vmem_shared>> -> memref<2048x128xf32, #tpu.memory_space<vmem_shared>>
      tpu.wait_indirect_dma semaphore(%run_scoped3A_332 : memref<!tpu.dma_semaphore, #tpu.memory_space<semaphore_mem>>) src(%arg7 : memref<96x128xf32, #tpu.memory_space<vmem>>) dst(%dma_wait3A_342 : memref<2048x128xf32, #tpu.memory_space<vmem_shared>>)
      tpu.yield
    }) : () -> ()
    %barrier3A_103 = arith.constant 0 : index
    tpu.barrier barrier_id(%barrier3A_103)
    %mul3A_104 = arith.constant 128 : i32
    %mul3A_105 = arith.muli %arg1, %mul3A_104 : i32
    "tpu.region"() ({
      %run_scoped3A_332 = tpu.sem_alloc : memref<!tpu.dma_semaphore, #tpu.memory_space<semaphore_mem>>
      %dma_start3A = arith.constant 0 : i32
      %dma_start3A_333 = tpu.memref_slice %arg9[%mul3A_105, %dma_start3A] : memref<2048x128xf32, #tpu.memory_space<vmem_shared>> -> memref<128x128xf32, #tpu.memory_space<vmem_shared>>
      %dma_start3A_334 = arith.constant 0 : i32
      %dma_start3A_335 = tpu.memref_slice %arg9[%mul3A_105, %dma_start3A_334] : memref<2048x128xf32, #tpu.memory_space<vmem_shared>> -> memref<128x128xf32, #tpu.memory_space<vmem_shared>>
      tpu.enqueue_dma source(%dma_start3A_335 : memref<128x128xf32, #tpu.memory_space<vmem_shared>>) target(%arg8 : memref<128x128xf32, #tpu.memory_space<vmem>>) target_semaphore(%run_scoped3A_332 : memref<!tpu.dma_semaphore, #tpu.memory_space<semaphore_mem>>)
      %dma_wait3A = arith.constant 0 : i32
      %dma_wait3A_336 = tpu.memref_slice %arg9[%mul3A_105, %dma_wait3A] : memref<2048x128xf32, #tpu.memory_space<vmem_shared>> -> memref<128x128xf32, #tpu.memory_space<vmem_shared>>
      %dma_wait3A_337 = arith.constant 0 : i32
      %dma_wait3A_338 = tpu.memref_slice %arg9[%mul3A_105, %dma_wait3A_337] : memref<2048x128xf32, #tpu.memory_space<vmem_shared>> -> memref<128x128xf32, #tpu.memory_space<vmem_shared>>
      tpu.wait_dma2 semaphore(%run_scoped3A_332 : memref<!tpu.dma_semaphore, #tpu.memory_space<semaphore_mem>>) src(%dma_wait3A_338 : memref<128x128xf32, #tpu.memory_space<vmem_shared>>) dst(%arg8 : memref<128x128xf32, #tpu.memory_space<vmem>>)
      tpu.yield
    }) : () -> ()
    %mul3A_106 = arith.constant 128 : i32
    %mul3A_107 = arith.muli %arg1, %mul3A_106 : i32
    "tpu.region"() ({
      %run_scoped3A_332 = tpu.sem_alloc : memref<!tpu.dma_semaphore, #tpu.memory_space<semaphore_mem>>
      %dma_start3A = arith.constant 0 : i32
      %dma_start3A_333 = tpu.memref_slice %arg5[%arg0, %mul3A_107, %dma_start3A] : memref<2x2048x384xf32, #tpu.memory_space<hbm>> -> memref<1x128x128xf32, #tpu.memory_space<hbm>>
      %dma_start3A_334 = tpu.memref_squeeze %dma_start3A_333 : memref<1x128x128xf32, #tpu.memory_space<hbm>> -> memref<128x128xf32, #tpu.memory_space<hbm>>
      %dma_start3A_335 = arith.constant 0 : i32
      %dma_start3A_336 = tpu.memref_slice %arg5[%arg0, %mul3A_107, %dma_start3A_335] : memref<2x2048x384xf32, #tpu.memory_space<hbm>> -> memref<1x128x128xf32, #tpu.memory_space<hbm>>
      %dma_start3A_337 = tpu.memref_squeeze %dma_start3A_336 : memref<1x128x128xf32, #tpu.memory_space<hbm>> -> memref<128x128xf32, #tpu.memory_space<hbm>>
      tpu.enqueue_dma source(%arg8 : memref<128x128xf32, #tpu.memory_space<vmem>>) target(%dma_start3A_337 : memref<128x128xf32, #tpu.memory_space<hbm>>) target_semaphore(%run_scoped3A_332 : memref<!tpu.dma_semaphore, #tpu.memory_space<semaphore_mem>>)
      %dma_wait3A = arith.constant 0 : i32
      %dma_wait3A_338 = tpu.memref_slice %arg5[%arg0, %mul3A_107, %dma_wait3A] : memref<2x2048x384xf32, #tpu.memory_space<hbm>> -> memref<1x128x128xf32, #tpu.memory_space<hbm>>
      %dma_wait3A_339 = tpu.memref_squeeze %dma_wait3A_338 : memref<1x128x128xf32, #tpu.memory_space<hbm>> -> memref<128x128xf32, #tpu.memory_space<hbm>>
      %dma_wait3A_340 = arith.constant 0 : i32
      %dma_wait3A_341 = tpu.memref_slice %arg5[%arg0, %mul3A_107, %dma_wait3A_340] : memref<2x2048x384xf32, #tpu.memory_space<hbm>> -> memref<1x128x128xf32, #tpu.memory_space<hbm>>
      %dma_wait3A_342 = tpu.memref_squeeze %dma_wait3A_341 : memref<1x128x128xf32, #tpu.memory_space<hbm>> -> memref<128x128xf32, #tpu.memory_space<hbm>>
      tpu.wait_dma2 semaphore(%run_scoped3A_332 : memref<!tpu.dma_semaphore, #tpu.memory_space<semaphore_mem>>) src(%arg8 : memref<128x128xf32, #tpu.memory_space<vmem>>) dst(%dma_wait3A_342 : memref<128x128xf32, #tpu.memory_space<hbm>>)
      tpu.yield
    }) : () -> ()
    "tpu.region"() ({
      %run_scoped3A_332 = tpu.sem_alloc : memref<!tpu.dma_semaphore, #tpu.memory_space<semaphore_mem>>
      %dma_start3A = arith.constant 0 : i32
      %dma_start3A_333 = arith.constant 0 : i32
      %dma_start3A_334 = tpu.memref_slice %arg7[%dma_start3A, %dma_start3A_333] : memref<96x128xf32, #tpu.memory_space<vmem>> -> memref<32x128xf32, #tpu.memory_space<vmem>>
      %dma_start3A_335 = arith.constant 0 : i32
      %dma_start3A_336 = arith.constant 0 : i32
      %dma_start3A_337 = tpu.memref_slice %arg7[%dma_start3A_335, %dma_start3A_336] : memref<96x128xf32, #tpu.memory_space<vmem>> -> memref<32x128xf32, #tpu.memory_space<vmem>>
      tpu.enqueue_dma source(%arg4 : memref<32x128xf32, #tpu.memory_space<hbm>>) target(%dma_start3A_337 : memref<32x128xf32, #tpu.memory_space<vmem>>) target_semaphore(%run_scoped3A_332 : memref<!tpu.dma_semaphore, #tpu.memory_space<semaphore_mem>>)
      %dma_wait3A = arith.constant 0 : i32
      %dma_wait3A_338 = arith.constant 0 : i32
      %dma_wait3A_339 = tpu.memref_slice %arg7[%dma_wait3A, %dma_wait3A_338] : memref<96x128xf32, #tpu.memory_space<vmem>> -> memref<32x128xf32, #tpu.memory_space<vmem>>
      %dma_wait3A_340 = arith.constant 0 : i32
      %dma_wait3A_341 = arith.constant 0 : i32
      %dma_wait3A_342 = tpu.memref_slice %arg7[%dma_wait3A_340, %dma_wait3A_341] : memref<96x128xf32, #tpu.memory_space<vmem>> -> memref<32x128xf32, #tpu.memory_space<vmem>>
      tpu.wait_dma2 semaphore(%run_scoped3A_332 : memref<!tpu.dma_semaphore, #tpu.memory_space<semaphore_mem>>) src(%arg4 : memref<32x128xf32, #tpu.memory_space<hbm>>) dst(%dma_wait3A_342 : memref<32x128xf32, #tpu.memory_space<vmem>>)
      tpu.yield
    }) : () -> ()
    %mul3A_108 = arith.constant 128 : i32
    %mul3A_109 = arith.muli %arg1, %mul3A_108 : i32
    %add3A_110 = arith.constant 0 : i32
    %add3A_111 = arith.addi %mul3A_109, %add3A_110 : i32
    "tpu.region"() ({
      %run_scoped3A_332 = tpu.sem_alloc : memref<!tpu.dma_semaphore, #tpu.memory_space<semaphore_mem>>
      %dma_start3A = arith.constant 0 : i32
      %dma_start3A_333 = arith.constant 0 : i32
      %dma_start3A_334 = tpu.memref_slice %arg7[%dma_start3A, %dma_start3A_333] : memref<96x128xf32, #tpu.memory_space<vmem>> -> memref<32x128xf32, #tpu.memory_space<vmem>>
      %dma_start3A_335 = arith.constant 0 : i32
      %dma_start3A_336 = tpu.memref_slice %arg9[%add3A_111, %dma_start3A_335] : memref<2048x128xf32, #tpu.memory_space<vmem_shared>> -> memref<32x128xf32, #tpu.memory_space<vmem_shared>>
      %dma_start3A_337 = arith.constant 0 : i32
      %dma_start3A_338 = tpu.memref_slice %arg9[%add3A_111, %dma_start3A_337] : memref<2048x128xf32, #tpu.memory_space<vmem_shared>> -> memref<32x128xf32, #tpu.memory_space<vmem_shared>>
      %dma_start3A_339 = arith.constant 0 : i32
      %dma_start3A_340 = arith.constant 0 : i32
      %dma_start3A_341 = tpu.memref_slice %arg7[%dma_start3A_339, %dma_start3A_340] : memref<96x128xf32, #tpu.memory_space<vmem>> -> memref<32x128xf32, #tpu.memory_space<vmem>>
      tpu.enqueue_dma source(%dma_start3A_341 : memref<32x128xf32, #tpu.memory_space<vmem>>) target(%dma_start3A_338 : memref<32x128xf32, #tpu.memory_space<vmem_shared>>) target_semaphore(%run_scoped3A_332 : memref<!tpu.dma_semaphore, #tpu.memory_space<semaphore_mem>>)
      %dma_wait3A = arith.constant 0 : i32
      %dma_wait3A_342 = arith.constant 0 : i32
      %dma_wait3A_343 = tpu.memref_slice %arg7[%dma_wait3A, %dma_wait3A_342] : memref<96x128xf32, #tpu.memory_space<vmem>> -> memref<32x128xf32, #tpu.memory_space<vmem>>
      %dma_wait3A_344 = arith.constant 0 : i32
      %dma_wait3A_345 = tpu.memref_slice %arg9[%add3A_111, %dma_wait3A_344] : memref<2048x128xf32, #tpu.memory_space<vmem_shared>> -> memref<32x128xf32, #tpu.memory_space<vmem_shared>>
      %dma_wait3A_346 = arith.constant 0 : i32
      %dma_wait3A_347 = tpu.memref_slice %arg9[%add3A_111, %dma_wait3A_346] : memref<2048x128xf32, #tpu.memory_space<vmem_shared>> -> memref<32x128xf32, #tpu.memory_space<vmem_shared>>
      %dma_wait3A_348 = arith.constant 0 : i32
      %dma_wait3A_349 = arith.constant 0 : i32
      %dma_wait3A_350 = tpu.memref_slice %arg7[%dma_wait3A_348, %dma_wait3A_349] : memref<96x128xf32, #tpu.memory_space<vmem>> -> memref<32x128xf32, #tpu.memory_space<vmem>>
      tpu.wait_dma2 semaphore(%run_scoped3A_332 : memref<!tpu.dma_semaphore, #tpu.memory_space<semaphore_mem>>) src(%dma_wait3A_350 : memref<32x128xf32, #tpu.memory_space<vmem>>) dst(%dma_wait3A_347 : memref<32x128xf32, #tpu.memory_space<vmem_shared>>)
      tpu.yield
    }) : () -> ()
    %mul3A_112 = arith.constant 128 : i32
    %mul3A_113 = arith.muli %arg1, %mul3A_112 : i32
    %add3A_114 = arith.constant 32 : i32
    %add3A_115 = arith.addi %mul3A_113, %add3A_114 : i32
    "tpu.region"() ({
      %run_scoped3A_332 = tpu.sem_alloc : memref<!tpu.dma_semaphore, #tpu.memory_space<semaphore_mem>>
      %dma_start3A = arith.constant 0 : i32
      %dma_start3A_333 = arith.constant 0 : i32
      %dma_start3A_334 = tpu.memref_slice %arg7[%dma_start3A, %dma_start3A_333] : memref<96x128xf32, #tpu.memory_space<vmem>> -> memref<32x128xf32, #tpu.memory_space<vmem>>
      %dma_start3A_335 = arith.constant 0 : i32
      %dma_start3A_336 = tpu.memref_slice %arg9[%add3A_115, %dma_start3A_335] : memref<2048x128xf32, #tpu.memory_space<vmem_shared>> -> memref<32x128xf32, #tpu.memory_space<vmem_shared>>
      %dma_start3A_337 = arith.constant 0 : i32
      %dma_start3A_338 = tpu.memref_slice %arg9[%add3A_115, %dma_start3A_337] : memref<2048x128xf32, #tpu.memory_space<vmem_shared>> -> memref<32x128xf32, #tpu.memory_space<vmem_shared>>
      %dma_start3A_339 = arith.constant 0 : i32
      %dma_start3A_340 = arith.constant 0 : i32
      %dma_start3A_341 = tpu.memref_slice %arg7[%dma_start3A_339, %dma_start3A_340] : memref<96x128xf32, #tpu.memory_space<vmem>> -> memref<32x128xf32, #tpu.memory_space<vmem>>
      tpu.enqueue_dma source(%dma_start3A_341 : memref<32x128xf32, #tpu.memory_space<vmem>>) target(%dma_start3A_338 : memref<32x128xf32, #tpu.memory_space<vmem_shared>>) target_semaphore(%run_scoped3A_332 : memref<!tpu.dma_semaphore, #tpu.memory_space<semaphore_mem>>)
      %dma_wait3A = arith.constant 0 : i32
      %dma_wait3A_342 = arith.constant 0 : i32
      %dma_wait3A_343 = tpu.memref_slice %arg7[%dma_wait3A, %dma_wait3A_342] : memref<96x128xf32, #tpu.memory_space<vmem>> -> memref<32x128xf32, #tpu.memory_space<vmem>>
      %dma_wait3A_344 = arith.constant 0 : i32
      %dma_wait3A_345 = tpu.memref_slice %arg9[%add3A_115, %dma_wait3A_344] : memref<2048x128xf32, #tpu.memory_space<vmem_shared>> -> memref<32x128xf32, #tpu.memory_space<vmem_shared>>
      %dma_wait3A_346 = arith.constant 0 : i32
      %dma_wait3A_347 = tpu.memref_slice %arg9[%add3A_115, %dma_wait3A_346] : memref<2048x128xf32, #tpu.memory_space<vmem_shared>> -> memref<32x128xf32, #tpu.memory_space<vmem_shared>>
      %dma_wait3A_348 = arith.constant 0 : i32
      %dma_wait3A_349 = arith.constant 0 : i32
      %dma_wait3A_350 = tpu.memref_slice %arg7[%dma_wait3A_348, %dma_wait3A_349] : memref<96x128xf32, #tpu.memory_space<vmem>> -> memref<32x128xf32, #tpu.memory_space<vmem>>
      tpu.wait_dma2 semaphore(%run_scoped3A_332 : memref<!tpu.dma_semaphore, #tpu.memory_space<semaphore_mem>>) src(%dma_wait3A_350 : memref<32x128xf32, #tpu.memory_space<vmem>>) dst(%dma_wait3A_347 : memref<32x128xf32, #tpu.memory_space<vmem_shared>>)
      tpu.yield
    }) : () -> ()
    %mul3A_116 = arith.constant 128 : i32
    %mul3A_117 = arith.muli %arg1, %mul3A_116 : i32
    %add3A_118 = arith.constant 64 : i32
    %add3A_119 = arith.addi %mul3A_117, %add3A_118 : i32
    "tpu.region"() ({
      %run_scoped3A_332 = tpu.sem_alloc : memref<!tpu.dma_semaphore, #tpu.memory_space<semaphore_mem>>
      %dma_start3A = arith.constant 0 : i32
      %dma_start3A_333 = arith.constant 0 : i32
      %dma_start3A_334 = tpu.memref_slice %arg7[%dma_start3A, %dma_start3A_333] : memref<96x128xf32, #tpu.memory_space<vmem>> -> memref<32x128xf32, #tpu.memory_space<vmem>>
      %dma_start3A_335 = arith.constant 0 : i32
      %dma_start3A_336 = tpu.memref_slice %arg9[%add3A_119, %dma_start3A_335] : memref<2048x128xf32, #tpu.memory_space<vmem_shared>> -> memref<32x128xf32, #tpu.memory_space<vmem_shared>>
      %dma_start3A_337 = arith.constant 0 : i32
      %dma_start3A_338 = tpu.memref_slice %arg9[%add3A_119, %dma_start3A_337] : memref<2048x128xf32, #tpu.memory_space<vmem_shared>> -> memref<32x128xf32, #tpu.memory_space<vmem_shared>>
      %dma_start3A_339 = arith.constant 0 : i32
      %dma_start3A_340 = arith.constant 0 : i32
      %dma_start3A_341 = tpu.memref_slice %arg7[%dma_start3A_339, %dma_start3A_340] : memref<96x128xf32, #tpu.memory_space<vmem>> -> memref<32x128xf32, #tpu.memory_space<vmem>>
      tpu.enqueue_dma source(%dma_start3A_341 : memref<32x128xf32, #tpu.memory_space<vmem>>) target(%dma_start3A_338 : memref<32x128xf32, #tpu.memory_space<vmem_shared>>) target_semaphore(%run_scoped3A_332 : memref<!tpu.dma_semaphore, #tpu.memory_space<semaphore_mem>>)
      %dma_wait3A = arith.constant 0 : i32
      %dma_wait3A_342 = arith.constant 0 : i32
      %dma_wait3A_343 = tpu.memref_slice %arg7[%dma_wait3A, %dma_wait3A_342] : memref<96x128xf32, #tpu.memory_space<vmem>> -> memref<32x128xf32, #tpu.memory_space<vmem>>
      %dma_wait3A_344 = arith.constant 0 : i32
      %dma_wait3A_345 = tpu.memref_slice %arg9[%add3A_119, %dma_wait3A_344] : memref<2048x128xf32, #tpu.memory_space<vmem_shared>> -> memref<32x128xf32, #tpu.memory_space<vmem_shared>>
      %dma_wait3A_346 = arith.constant 0 : i32
      %dma_wait3A_347 = tpu.memref_slice %arg9[%add3A_119, %dma_wait3A_346] : memref<2048x128xf32, #tpu.memory_space<vmem_shared>> -> memref<32x128xf32, #tpu.memory_space<vmem_shared>>
      %dma_wait3A_348 = arith.constant 0 : i32
      %dma_wait3A_349 = arith.constant 0 : i32
      %dma_wait3A_350 = tpu.memref_slice %arg7[%dma_wait3A_348, %dma_wait3A_349] : memref<96x128xf32, #tpu.memory_space<vmem>> -> memref<32x128xf32, #tpu.memory_space<vmem>>
      tpu.wait_dma2 semaphore(%run_scoped3A_332 : memref<!tpu.dma_semaphore, #tpu.memory_space<semaphore_mem>>) src(%dma_wait3A_350 : memref<32x128xf32, #tpu.memory_space<vmem>>) dst(%dma_wait3A_347 : memref<32x128xf32, #tpu.memory_space<vmem_shared>>)
      tpu.yield
    }) : () -> ()
    %mul3A_120 = arith.constant 128 : i32
    %mul3A_121 = arith.muli %arg1, %mul3A_120 : i32
    %add3A_122 = arith.constant 96 : i32
    %add3A_123 = arith.addi %mul3A_121, %add3A_122 : i32
    "tpu.region"() ({
      %run_scoped3A_332 = tpu.sem_alloc : memref<!tpu.dma_semaphore, #tpu.memory_space<semaphore_mem>>
      %dma_start3A = arith.constant 0 : i32
      %dma_start3A_333 = arith.constant 0 : i32
      %dma_start3A_334 = tpu.memref_slice %arg7[%dma_start3A, %dma_start3A_333] : memref<96x128xf32, #tpu.memory_space<vmem>> -> memref<32x128xf32, #tpu.memory_space<vmem>>
      %dma_start3A_335 = arith.constant 0 : i32
      %dma_start3A_336 = tpu.memref_slice %arg9[%add3A_123, %dma_start3A_335] : memref<2048x128xf32, #tpu.memory_space<vmem_shared>> -> memref<32x128xf32, #tpu.memory_space<vmem_shared>>
      %dma_start3A_337 = arith.constant 0 : i32
      %dma_start3A_338 = tpu.memref_slice %arg9[%add3A_123, %dma_start3A_337] : memref<2048x128xf32, #tpu.memory_space<vmem_shared>> -> memref<32x128xf32, #tpu.memory_space<vmem_shared>>
      %dma_start3A_339 = arith.constant 0 : i32
      %dma_start3A_340 = arith.constant 0 : i32
      %dma_start3A_341 = tpu.memref_slice %arg7[%dma_start3A_339, %dma_start3A_340] : memref<96x128xf32, #tpu.memory_space<vmem>> -> memref<32x128xf32, #tpu.memory_space<vmem>>
      tpu.enqueue_dma source(%dma_start3A_341 : memref<32x128xf32, #tpu.memory_space<vmem>>) target(%dma_start3A_338 : memref<32x128xf32, #tpu.memory_space<vmem_shared>>) target_semaphore(%run_scoped3A_332 : memref<!tpu.dma_semaphore, #tpu.memory_space<semaphore_mem>>)
      %dma_wait3A = arith.constant 0 : i32
      %dma_wait3A_342 = arith.constant 0 : i32
      %dma_wait3A_343 = tpu.memref_slice %arg7[%dma_wait3A, %dma_wait3A_342] : memref<96x128xf32, #tpu.memory_space<vmem>> -> memref<32x128xf32, #tpu.memory_space<vmem>>
      %dma_wait3A_344 = arith.constant 0 : i32
      %dma_wait3A_345 = tpu.memref_slice %arg9[%add3A_123, %dma_wait3A_344] : memref<2048x128xf32, #tpu.memory_space<vmem_shared>> -> memref<32x128xf32, #tpu.memory_space<vmem_shared>>
      %dma_wait3A_346 = arith.constant 0 : i32
      %dma_wait3A_347 = tpu.memref_slice %arg9[%add3A_123, %dma_wait3A_346] : memref<2048x128xf32, #tpu.memory_space<vmem_shared>> -> memref<32x128xf32, #tpu.memory_space<vmem_shared>>
      %dma_wait3A_348 = arith.constant 0 : i32
      %dma_wait3A_349 = arith.constant 0 : i32
      %dma_wait3A_350 = tpu.memref_slice %arg7[%dma_wait3A_348, %dma_wait3A_349] : memref<96x128xf32, #tpu.memory_space<vmem>> -> memref<32x128xf32, #tpu.memory_space<vmem>>
      tpu.wait_dma2 semaphore(%run_scoped3A_332 : memref<!tpu.dma_semaphore, #tpu.memory_space<semaphore_mem>>) src(%dma_wait3A_350 : memref<32x128xf32, #tpu.memory_space<vmem>>) dst(%dma_wait3A_347 : memref<32x128xf32, #tpu.memory_space<vmem_shared>>)
      tpu.yield
    }) : () -> ()
    %barrier3A_124 = arith.constant 0 : index
    tpu.barrier barrier_id(%barrier3A_124)
    %mul3A_125 = arith.constant 960 : i32
    %mul3A_126 = arith.muli %arg1, %mul3A_125 : i32
    %add3A_127 = arith.constant 0 : i32
    %add3A_128 = arith.addi %mul3A_126, %add3A_127 : i32
    %mul3A_129 = arith.constant 384 : i32
    %mul3A_130 = arith.muli %arg0, %mul3A_129 : i32
    %add3A_131 = arith.constant 128 : i32
    %add3A_132 = arith.addi %mul3A_130, %add3A_131 : i32
    "tpu.region"() ({
      %run_scoped3A_332 = tpu.sem_alloc : memref<!tpu.dma_semaphore, #tpu.memory_space<semaphore_mem>>
      %dma_start3A = tpu.memref_slice %arg2[%add3A_128, %add3A_132] : memref<15360x768xf32, #tpu.memory_space<hbm>> -> memref<96x128xf32, #tpu.memory_space<hbm>>
      %dma_start3A_333 = tpu.memref_slice %arg2[%add3A_128, %add3A_132] : memref<15360x768xf32, #tpu.memory_space<hbm>> -> memref<96x128xf32, #tpu.memory_space<hbm>>
      tpu.enqueue_dma source(%dma_start3A_333 : memref<96x128xf32, #tpu.memory_space<hbm>>) target(%arg7 : memref<96x128xf32, #tpu.memory_space<vmem>>) target_semaphore(%run_scoped3A_332 : memref<!tpu.dma_semaphore, #tpu.memory_space<semaphore_mem>>)
      %dma_wait3A = tpu.memref_slice %arg2[%add3A_128, %add3A_132] : memref<15360x768xf32, #tpu.memory_space<hbm>> -> memref<96x128xf32, #tpu.memory_space<hbm>>
      %dma_wait3A_334 = tpu.memref_slice %arg2[%add3A_128, %add3A_132] : memref<15360x768xf32, #tpu.memory_space<hbm>> -> memref<96x128xf32, #tpu.memory_space<hbm>>
      tpu.wait_dma2 semaphore(%run_scoped3A_332 : memref<!tpu.dma_semaphore, #tpu.memory_space<semaphore_mem>>) src(%dma_wait3A_334 : memref<96x128xf32, #tpu.memory_space<hbm>>) dst(%arg7 : memref<96x128xf32, #tpu.memory_space<vmem>>)
      tpu.yield
    }) : () -> ()
    %run_scoped3A_133 = arith.constant 0 : i32
    "tpu.region"() ({
      %run_scoped3A_332 = tpu.sem_alloc : memref<!tpu.dma_semaphore, #tpu.memory_space<semaphore_mem>>
      %dma_start3A = arith.constant 0 : i32
      %dma_start3A_333 = tpu.memref_slice %arg6[%run_scoped3A_133, %dma_start3A] : memref<10x96xi32, #tpu.memory_space<vmem>> -> memref<1x96xi32, #tpu.memory_space<vmem>>
      %dma_start3A_334 = tpu.memref_squeeze %dma_start3A_333 : memref<1x96xi32, #tpu.memory_space<vmem>> -> memref<96xi32, #tpu.memory_space<vmem>>
      %dma_start3A_335 = arith.constant 0 : i32
      %dma_start3A_336 = arith.constant 0 : i32
      %dma_start3A_337 = tpu.memref_slice %arg9[%dma_start3A_335, %dma_start3A_336] : memref<2048x128xf32, #tpu.memory_space<vmem_shared>> -> memref<2048x128xf32, #tpu.memory_space<vmem_shared>>
      tpu.enqueue_indirect_dma source(%arg7 : memref<96x128xf32, #tpu.memory_space<vmem>>) target(%dma_start3A_337 : memref<2048x128xf32, #tpu.memory_space<vmem_shared>>) offsets(%dma_start3A_334 : memref<96xi32, #tpu.memory_space<vmem>>) semaphore(%run_scoped3A_332 : memref<!tpu.dma_semaphore, #tpu.memory_space<semaphore_mem>>) {add = true}
      %dma_wait3A = arith.constant 0 : i32
      %dma_wait3A_338 = tpu.memref_slice %arg6[%run_scoped3A_133, %dma_wait3A] : memref<10x96xi32, #tpu.memory_space<vmem>> -> memref<1x96xi32, #tpu.memory_space<vmem>>
      %dma_wait3A_339 = tpu.memref_squeeze %dma_wait3A_338 : memref<1x96xi32, #tpu.memory_space<vmem>> -> memref<96xi32, #tpu.memory_space<vmem>>
      %dma_wait3A_340 = arith.constant 0 : i32
      %dma_wait3A_341 = arith.constant 0 : i32
      %dma_wait3A_342 = tpu.memref_slice %arg9[%dma_wait3A_340, %dma_wait3A_341] : memref<2048x128xf32, #tpu.memory_space<vmem_shared>> -> memref<2048x128xf32, #tpu.memory_space<vmem_shared>>
      tpu.wait_indirect_dma semaphore(%run_scoped3A_332 : memref<!tpu.dma_semaphore, #tpu.memory_space<semaphore_mem>>) src(%arg7 : memref<96x128xf32, #tpu.memory_space<vmem>>) dst(%dma_wait3A_342 : memref<2048x128xf32, #tpu.memory_space<vmem_shared>>)
      tpu.yield
    }) : () -> ()
    %mul3A_134 = arith.constant 960 : i32
    %mul3A_135 = arith.muli %arg1, %mul3A_134 : i32
    %add3A_136 = arith.constant 96 : i32
    %add3A_137 = arith.addi %mul3A_135, %add3A_136 : i32
    %mul3A_138 = arith.constant 384 : i32
    %mul3A_139 = arith.muli %arg0, %mul3A_138 : i32
    %add3A_140 = arith.constant 128 : i32
    %add3A_141 = arith.addi %mul3A_139, %add3A_140 : i32
    "tpu.region"() ({
      %run_scoped3A_332 = tpu.sem_alloc : memref<!tpu.dma_semaphore, #tpu.memory_space<semaphore_mem>>
      %dma_start3A = tpu.memref_slice %arg2[%add3A_137, %add3A_141] : memref<15360x768xf32, #tpu.memory_space<hbm>> -> memref<96x128xf32, #tpu.memory_space<hbm>>
      %dma_start3A_333 = tpu.memref_slice %arg2[%add3A_137, %add3A_141] : memref<15360x768xf32, #tpu.memory_space<hbm>> -> memref<96x128xf32, #tpu.memory_space<hbm>>
      tpu.enqueue_dma source(%dma_start3A_333 : memref<96x128xf32, #tpu.memory_space<hbm>>) target(%arg7 : memref<96x128xf32, #tpu.memory_space<vmem>>) target_semaphore(%run_scoped3A_332 : memref<!tpu.dma_semaphore, #tpu.memory_space<semaphore_mem>>)
      %dma_wait3A = tpu.memref_slice %arg2[%add3A_137, %add3A_141] : memref<15360x768xf32, #tpu.memory_space<hbm>> -> memref<96x128xf32, #tpu.memory_space<hbm>>
      %dma_wait3A_334 = tpu.memref_slice %arg2[%add3A_137, %add3A_141] : memref<15360x768xf32, #tpu.memory_space<hbm>> -> memref<96x128xf32, #tpu.memory_space<hbm>>
      tpu.wait_dma2 semaphore(%run_scoped3A_332 : memref<!tpu.dma_semaphore, #tpu.memory_space<semaphore_mem>>) src(%dma_wait3A_334 : memref<96x128xf32, #tpu.memory_space<hbm>>) dst(%arg7 : memref<96x128xf32, #tpu.memory_space<vmem>>)
      tpu.yield
    }) : () -> ()
    %run_scoped3A_142 = arith.constant 1 : i32
    "tpu.region"() ({
      %run_scoped3A_332 = tpu.sem_alloc : memref<!tpu.dma_semaphore, #tpu.memory_space<semaphore_mem>>
      %dma_start3A = arith.constant 0 : i32
      %dma_start3A_333 = tpu.memref_slice %arg6[%run_scoped3A_142, %dma_start3A] : memref<10x96xi32, #tpu.memory_space<vmem>> -> memref<1x96xi32, #tpu.memory_space<vmem>>
      %dma_start3A_334 = tpu.memref_squeeze %dma_start3A_333 : memref<1x96xi32, #tpu.memory_space<vmem>> -> memref<96xi32, #tpu.memory_space<vmem>>
      %dma_start3A_335 = arith.constant 0 : i32
      %dma_start3A_336 = arith.constant 0 : i32
      %dma_start3A_337 = tpu.memref_slice %arg9[%dma_start3A_335, %dma_start3A_336] : memref<2048x128xf32, #tpu.memory_space<vmem_shared>> -> memref<2048x128xf32, #tpu.memory_space<vmem_shared>>
      tpu.enqueue_indirect_dma source(%arg7 : memref<96x128xf32, #tpu.memory_space<vmem>>) target(%dma_start3A_337 : memref<2048x128xf32, #tpu.memory_space<vmem_shared>>) offsets(%dma_start3A_334 : memref<96xi32, #tpu.memory_space<vmem>>) semaphore(%run_scoped3A_332 : memref<!tpu.dma_semaphore, #tpu.memory_space<semaphore_mem>>) {add = true}
      %dma_wait3A = arith.constant 0 : i32
      %dma_wait3A_338 = tpu.memref_slice %arg6[%run_scoped3A_142, %dma_wait3A] : memref<10x96xi32, #tpu.memory_space<vmem>> -> memref<1x96xi32, #tpu.memory_space<vmem>>
      %dma_wait3A_339 = tpu.memref_squeeze %dma_wait3A_338 : memref<1x96xi32, #tpu.memory_space<vmem>> -> memref<96xi32, #tpu.memory_space<vmem>>
      %dma_wait3A_340 = arith.constant 0 : i32
      %dma_wait3A_341 = arith.constant 0 : i32
      %dma_wait3A_342 = tpu.memref_slice %arg9[%dma_wait3A_340, %dma_wait3A_341] : memref<2048x128xf32, #tpu.memory_space<vmem_shared>> -> memref<2048x128xf32, #tpu.memory_space<vmem_shared>>
      tpu.wait_indirect_dma semaphore(%run_scoped3A_332 : memref<!tpu.dma_semaphore, #tpu.memory_space<semaphore_mem>>) src(%arg7 : memref<96x128xf32, #tpu.memory_space<vmem>>) dst(%dma_wait3A_342 : memref<2048x128xf32, #tpu.memory_space<vmem_shared>>)
      tpu.yield
    }) : () -> ()
    %mul3A_143 = arith.constant 960 : i32
    %mul3A_144 = arith.muli %arg1, %mul3A_143 : i32
    %add3A_145 = arith.constant 192 : i32
    %add3A_146 = arith.addi %mul3A_144, %add3A_145 : i32
    %mul3A_147 = arith.constant 384 : i32
    %mul3A_148 = arith.muli %arg0, %mul3A_147 : i32
    %add3A_149 = arith.constant 128 : i32
    %add3A_150 = arith.addi %mul3A_148, %add3A_149 : i32
    "tpu.region"() ({
      %run_scoped3A_332 = tpu.sem_alloc : memref<!tpu.dma_semaphore, #tpu.memory_space<semaphore_mem>>
      %dma_start3A = tpu.memref_slice %arg2[%add3A_146, %add3A_150] : memref<15360x768xf32, #tpu.memory_space<hbm>> -> memref<96x128xf32, #tpu.memory_space<hbm>>
      %dma_start3A_333 = tpu.memref_slice %arg2[%add3A_146, %add3A_150] : memref<15360x768xf32, #tpu.memory_space<hbm>> -> memref<96x128xf32, #tpu.memory_space<hbm>>
      tpu.enqueue_dma source(%dma_start3A_333 : memref<96x128xf32, #tpu.memory_space<hbm>>) target(%arg7 : memref<96x128xf32, #tpu.memory_space<vmem>>) target_semaphore(%run_scoped3A_332 : memref<!tpu.dma_semaphore, #tpu.memory_space<semaphore_mem>>)
      %dma_wait3A = tpu.memref_slice %arg2[%add3A_146, %add3A_150] : memref<15360x768xf32, #tpu.memory_space<hbm>> -> memref<96x128xf32, #tpu.memory_space<hbm>>
      %dma_wait3A_334 = tpu.memref_slice %arg2[%add3A_146, %add3A_150] : memref<15360x768xf32, #tpu.memory_space<hbm>> -> memref<96x128xf32, #tpu.memory_space<hbm>>
      tpu.wait_dma2 semaphore(%run_scoped3A_332 : memref<!tpu.dma_semaphore, #tpu.memory_space<semaphore_mem>>) src(%dma_wait3A_334 : memref<96x128xf32, #tpu.memory_space<hbm>>) dst(%arg7 : memref<96x128xf32, #tpu.memory_space<vmem>>)
      tpu.yield
    }) : () -> ()
    %run_scoped3A_151 = arith.constant 2 : i32
    "tpu.region"() ({
      %run_scoped3A_332 = tpu.sem_alloc : memref<!tpu.dma_semaphore, #tpu.memory_space<semaphore_mem>>
      %dma_start3A = arith.constant 0 : i32
      %dma_start3A_333 = tpu.memref_slice %arg6[%run_scoped3A_151, %dma_start3A] : memref<10x96xi32, #tpu.memory_space<vmem>> -> memref<1x96xi32, #tpu.memory_space<vmem>>
      %dma_start3A_334 = tpu.memref_squeeze %dma_start3A_333 : memref<1x96xi32, #tpu.memory_space<vmem>> -> memref<96xi32, #tpu.memory_space<vmem>>
      %dma_start3A_335 = arith.constant 0 : i32
      %dma_start3A_336 = arith.constant 0 : i32
      %dma_start3A_337 = tpu.memref_slice %arg9[%dma_start3A_335, %dma_start3A_336] : memref<2048x128xf32, #tpu.memory_space<vmem_shared>> -> memref<2048x128xf32, #tpu.memory_space<vmem_shared>>
      tpu.enqueue_indirect_dma source(%arg7 : memref<96x128xf32, #tpu.memory_space<vmem>>) target(%dma_start3A_337 : memref<2048x128xf32, #tpu.memory_space<vmem_shared>>) offsets(%dma_start3A_334 : memref<96xi32, #tpu.memory_space<vmem>>) semaphore(%run_scoped3A_332 : memref<!tpu.dma_semaphore, #tpu.memory_space<semaphore_mem>>) {add = true}
      %dma_wait3A = arith.constant 0 : i32
      %dma_wait3A_338 = tpu.memref_slice %arg6[%run_scoped3A_151, %dma_wait3A] : memref<10x96xi32, #tpu.memory_space<vmem>> -> memref<1x96xi32, #tpu.memory_space<vmem>>
      %dma_wait3A_339 = tpu.memref_squeeze %dma_wait3A_338 : memref<1x96xi32, #tpu.memory_space<vmem>> -> memref<96xi32, #tpu.memory_space<vmem>>
      %dma_wait3A_340 = arith.constant 0 : i32
      %dma_wait3A_341 = arith.constant 0 : i32
      %dma_wait3A_342 = tpu.memref_slice %arg9[%dma_wait3A_340, %dma_wait3A_341] : memref<2048x128xf32, #tpu.memory_space<vmem_shared>> -> memref<2048x128xf32, #tpu.memory_space<vmem_shared>>
      tpu.wait_indirect_dma semaphore(%run_scoped3A_332 : memref<!tpu.dma_semaphore, #tpu.memory_space<semaphore_mem>>) src(%arg7 : memref<96x128xf32, #tpu.memory_space<vmem>>) dst(%dma_wait3A_342 : memref<2048x128xf32, #tpu.memory_space<vmem_shared>>)
      tpu.yield
    }) : () -> ()
    %mul3A_152 = arith.constant 960 : i32
    %mul3A_153 = arith.muli %arg1, %mul3A_152 : i32
    %add3A_154 = arith.constant 288 : i32
    %add3A_155 = arith.addi %mul3A_153, %add3A_154 : i32
    %mul3A_156 = arith.constant 384 : i32
    %mul3A_157 = arith.muli %arg0, %mul3A_156 : i32
    %add3A_158 = arith.constant 128 : i32
    %add3A_159 = arith.addi %mul3A_157, %add3A_158 : i32
    "tpu.region"() ({
      %run_scoped3A_332 = tpu.sem_alloc : memref<!tpu.dma_semaphore, #tpu.memory_space<semaphore_mem>>
      %dma_start3A = tpu.memref_slice %arg2[%add3A_155, %add3A_159] : memref<15360x768xf32, #tpu.memory_space<hbm>> -> memref<96x128xf32, #tpu.memory_space<hbm>>
      %dma_start3A_333 = tpu.memref_slice %arg2[%add3A_155, %add3A_159] : memref<15360x768xf32, #tpu.memory_space<hbm>> -> memref<96x128xf32, #tpu.memory_space<hbm>>
      tpu.enqueue_dma source(%dma_start3A_333 : memref<96x128xf32, #tpu.memory_space<hbm>>) target(%arg7 : memref<96x128xf32, #tpu.memory_space<vmem>>) target_semaphore(%run_scoped3A_332 : memref<!tpu.dma_semaphore, #tpu.memory_space<semaphore_mem>>)
      %dma_wait3A = tpu.memref_slice %arg2[%add3A_155, %add3A_159] : memref<15360x768xf32, #tpu.memory_space<hbm>> -> memref<96x128xf32, #tpu.memory_space<hbm>>
      %dma_wait3A_334 = tpu.memref_slice %arg2[%add3A_155, %add3A_159] : memref<15360x768xf32, #tpu.memory_space<hbm>> -> memref<96x128xf32, #tpu.memory_space<hbm>>
      tpu.wait_dma2 semaphore(%run_scoped3A_332 : memref<!tpu.dma_semaphore, #tpu.memory_space<semaphore_mem>>) src(%dma_wait3A_334 : memref<96x128xf32, #tpu.memory_space<hbm>>) dst(%arg7 : memref<96x128xf32, #tpu.memory_space<vmem>>)
      tpu.yield
    }) : () -> ()
    %run_scoped3A_160 = arith.constant 3 : i32
    "tpu.region"() ({
      %run_scoped3A_332 = tpu.sem_alloc : memref<!tpu.dma_semaphore, #tpu.memory_space<semaphore_mem>>
      %dma_start3A = arith.constant 0 : i32
      %dma_start3A_333 = tpu.memref_slice %arg6[%run_scoped3A_160, %dma_start3A] : memref<10x96xi32, #tpu.memory_space<vmem>> -> memref<1x96xi32, #tpu.memory_space<vmem>>
      %dma_start3A_334 = tpu.memref_squeeze %dma_start3A_333 : memref<1x96xi32, #tpu.memory_space<vmem>> -> memref<96xi32, #tpu.memory_space<vmem>>
      %dma_start3A_335 = arith.constant 0 : i32
      %dma_start3A_336 = arith.constant 0 : i32
      %dma_start3A_337 = tpu.memref_slice %arg9[%dma_start3A_335, %dma_start3A_336] : memref<2048x128xf32, #tpu.memory_space<vmem_shared>> -> memref<2048x128xf32, #tpu.memory_space<vmem_shared>>
      tpu.enqueue_indirect_dma source(%arg7 : memref<96x128xf32, #tpu.memory_space<vmem>>) target(%dma_start3A_337 : memref<2048x128xf32, #tpu.memory_space<vmem_shared>>) offsets(%dma_start3A_334 : memref<96xi32, #tpu.memory_space<vmem>>) semaphore(%run_scoped3A_332 : memref<!tpu.dma_semaphore, #tpu.memory_space<semaphore_mem>>) {add = true}
      %dma_wait3A = arith.constant 0 : i32
      %dma_wait3A_338 = tpu.memref_slice %arg6[%run_scoped3A_160, %dma_wait3A] : memref<10x96xi32, #tpu.memory_space<vmem>> -> memref<1x96xi32, #tpu.memory_space<vmem>>
      %dma_wait3A_339 = tpu.memref_squeeze %dma_wait3A_338 : memref<1x96xi32, #tpu.memory_space<vmem>> -> memref<96xi32, #tpu.memory_space<vmem>>
      %dma_wait3A_340 = arith.constant 0 : i32
      %dma_wait3A_341 = arith.constant 0 : i32
      %dma_wait3A_342 = tpu.memref_slice %arg9[%dma_wait3A_340, %dma_wait3A_341] : memref<2048x128xf32, #tpu.memory_space<vmem_shared>> -> memref<2048x128xf32, #tpu.memory_space<vmem_shared>>
      tpu.wait_indirect_dma semaphore(%run_scoped3A_332 : memref<!tpu.dma_semaphore, #tpu.memory_space<semaphore_mem>>) src(%arg7 : memref<96x128xf32, #tpu.memory_space<vmem>>) dst(%dma_wait3A_342 : memref<2048x128xf32, #tpu.memory_space<vmem_shared>>)
      tpu.yield
    }) : () -> ()
    %mul3A_161 = arith.constant 960 : i32
    %mul3A_162 = arith.muli %arg1, %mul3A_161 : i32
    %add3A_163 = arith.constant 384 : i32
    %add3A_164 = arith.addi %mul3A_162, %add3A_163 : i32
    %mul3A_165 = arith.constant 384 : i32
    %mul3A_166 = arith.muli %arg0, %mul3A_165 : i32
    %add3A_167 = arith.constant 128 : i32
    %add3A_168 = arith.addi %mul3A_166, %add3A_167 : i32
    "tpu.region"() ({
      %run_scoped3A_332 = tpu.sem_alloc : memref<!tpu.dma_semaphore, #tpu.memory_space<semaphore_mem>>
      %dma_start3A = tpu.memref_slice %arg2[%add3A_164, %add3A_168] : memref<15360x768xf32, #tpu.memory_space<hbm>> -> memref<96x128xf32, #tpu.memory_space<hbm>>
      %dma_start3A_333 = tpu.memref_slice %arg2[%add3A_164, %add3A_168] : memref<15360x768xf32, #tpu.memory_space<hbm>> -> memref<96x128xf32, #tpu.memory_space<hbm>>
      tpu.enqueue_dma source(%dma_start3A_333 : memref<96x128xf32, #tpu.memory_space<hbm>>) target(%arg7 : memref<96x128xf32, #tpu.memory_space<vmem>>) target_semaphore(%run_scoped3A_332 : memref<!tpu.dma_semaphore, #tpu.memory_space<semaphore_mem>>)
      %dma_wait3A = tpu.memref_slice %arg2[%add3A_164, %add3A_168] : memref<15360x768xf32, #tpu.memory_space<hbm>> -> memref<96x128xf32, #tpu.memory_space<hbm>>
      %dma_wait3A_334 = tpu.memref_slice %arg2[%add3A_164, %add3A_168] : memref<15360x768xf32, #tpu.memory_space<hbm>> -> memref<96x128xf32, #tpu.memory_space<hbm>>
      tpu.wait_dma2 semaphore(%run_scoped3A_332 : memref<!tpu.dma_semaphore, #tpu.memory_space<semaphore_mem>>) src(%dma_wait3A_334 : memref<96x128xf32, #tpu.memory_space<hbm>>) dst(%arg7 : memref<96x128xf32, #tpu.memory_space<vmem>>)
      tpu.yield
    }) : () -> ()
    %run_scoped3A_169 = arith.constant 4 : i32
    "tpu.region"() ({
      %run_scoped3A_332 = tpu.sem_alloc : memref<!tpu.dma_semaphore, #tpu.memory_space<semaphore_mem>>
      %dma_start3A = arith.constant 0 : i32
      %dma_start3A_333 = tpu.memref_slice %arg6[%run_scoped3A_169, %dma_start3A] : memref<10x96xi32, #tpu.memory_space<vmem>> -> memref<1x96xi32, #tpu.memory_space<vmem>>
      %dma_start3A_334 = tpu.memref_squeeze %dma_start3A_333 : memref<1x96xi32, #tpu.memory_space<vmem>> -> memref<96xi32, #tpu.memory_space<vmem>>
      %dma_start3A_335 = arith.constant 0 : i32
      %dma_start3A_336 = arith.constant 0 : i32
      %dma_start3A_337 = tpu.memref_slice %arg9[%dma_start3A_335, %dma_start3A_336] : memref<2048x128xf32, #tpu.memory_space<vmem_shared>> -> memref<2048x128xf32, #tpu.memory_space<vmem_shared>>
      tpu.enqueue_indirect_dma source(%arg7 : memref<96x128xf32, #tpu.memory_space<vmem>>) target(%dma_start3A_337 : memref<2048x128xf32, #tpu.memory_space<vmem_shared>>) offsets(%dma_start3A_334 : memref<96xi32, #tpu.memory_space<vmem>>) semaphore(%run_scoped3A_332 : memref<!tpu.dma_semaphore, #tpu.memory_space<semaphore_mem>>) {add = true}
      %dma_wait3A = arith.constant 0 : i32
      %dma_wait3A_338 = tpu.memref_slice %arg6[%run_scoped3A_169, %dma_wait3A] : memref<10x96xi32, #tpu.memory_space<vmem>> -> memref<1x96xi32, #tpu.memory_space<vmem>>
      %dma_wait3A_339 = tpu.memref_squeeze %dma_wait3A_338 : memref<1x96xi32, #tpu.memory_space<vmem>> -> memref<96xi32, #tpu.memory_space<vmem>>
      %dma_wait3A_340 = arith.constant 0 : i32
      %dma_wait3A_341 = arith.constant 0 : i32
      %dma_wait3A_342 = tpu.memref_slice %arg9[%dma_wait3A_340, %dma_wait3A_341] : memref<2048x128xf32, #tpu.memory_space<vmem_shared>> -> memref<2048x128xf32, #tpu.memory_space<vmem_shared>>
      tpu.wait_indirect_dma semaphore(%run_scoped3A_332 : memref<!tpu.dma_semaphore, #tpu.memory_space<semaphore_mem>>) src(%arg7 : memref<96x128xf32, #tpu.memory_space<vmem>>) dst(%dma_wait3A_342 : memref<2048x128xf32, #tpu.memory_space<vmem_shared>>)
      tpu.yield
    }) : () -> ()
    %mul3A_170 = arith.constant 960 : i32
    %mul3A_171 = arith.muli %arg1, %mul3A_170 : i32
    %add3A_172 = arith.constant 480 : i32
    %add3A_173 = arith.addi %mul3A_171, %add3A_172 : i32
    %mul3A_174 = arith.constant 384 : i32
    %mul3A_175 = arith.muli %arg0, %mul3A_174 : i32
    %add3A_176 = arith.constant 128 : i32
    %add3A_177 = arith.addi %mul3A_175, %add3A_176 : i32
    "tpu.region"() ({
      %run_scoped3A_332 = tpu.sem_alloc : memref<!tpu.dma_semaphore, #tpu.memory_space<semaphore_mem>>
      %dma_start3A = tpu.memref_slice %arg2[%add3A_173, %add3A_177] : memref<15360x768xf32, #tpu.memory_space<hbm>> -> memref<96x128xf32, #tpu.memory_space<hbm>>
      %dma_start3A_333 = tpu.memref_slice %arg2[%add3A_173, %add3A_177] : memref<15360x768xf32, #tpu.memory_space<hbm>> -> memref<96x128xf32, #tpu.memory_space<hbm>>
      tpu.enqueue_dma source(%dma_start3A_333 : memref<96x128xf32, #tpu.memory_space<hbm>>) target(%arg7 : memref<96x128xf32, #tpu.memory_space<vmem>>) target_semaphore(%run_scoped3A_332 : memref<!tpu.dma_semaphore, #tpu.memory_space<semaphore_mem>>)
      %dma_wait3A = tpu.memref_slice %arg2[%add3A_173, %add3A_177] : memref<15360x768xf32, #tpu.memory_space<hbm>> -> memref<96x128xf32, #tpu.memory_space<hbm>>
      %dma_wait3A_334 = tpu.memref_slice %arg2[%add3A_173, %add3A_177] : memref<15360x768xf32, #tpu.memory_space<hbm>> -> memref<96x128xf32, #tpu.memory_space<hbm>>
      tpu.wait_dma2 semaphore(%run_scoped3A_332 : memref<!tpu.dma_semaphore, #tpu.memory_space<semaphore_mem>>) src(%dma_wait3A_334 : memref<96x128xf32, #tpu.memory_space<hbm>>) dst(%arg7 : memref<96x128xf32, #tpu.memory_space<vmem>>)
      tpu.yield
    }) : () -> ()
    %run_scoped3A_178 = arith.constant 5 : i32
    "tpu.region"() ({
      %run_scoped3A_332 = tpu.sem_alloc : memref<!tpu.dma_semaphore, #tpu.memory_space<semaphore_mem>>
      %dma_start3A = arith.constant 0 : i32
      %dma_start3A_333 = tpu.memref_slice %arg6[%run_scoped3A_178, %dma_start3A] : memref<10x96xi32, #tpu.memory_space<vmem>> -> memref<1x96xi32, #tpu.memory_space<vmem>>
      %dma_start3A_334 = tpu.memref_squeeze %dma_start3A_333 : memref<1x96xi32, #tpu.memory_space<vmem>> -> memref<96xi32, #tpu.memory_space<vmem>>
      %dma_start3A_335 = arith.constant 0 : i32
      %dma_start3A_336 = arith.constant 0 : i32
      %dma_start3A_337 = tpu.memref_slice %arg9[%dma_start3A_335, %dma_start3A_336] : memref<2048x128xf32, #tpu.memory_space<vmem_shared>> -> memref<2048x128xf32, #tpu.memory_space<vmem_shared>>
      tpu.enqueue_indirect_dma source(%arg7 : memref<96x128xf32, #tpu.memory_space<vmem>>) target(%dma_start3A_337 : memref<2048x128xf32, #tpu.memory_space<vmem_shared>>) offsets(%dma_start3A_334 : memref<96xi32, #tpu.memory_space<vmem>>) semaphore(%run_scoped3A_332 : memref<!tpu.dma_semaphore, #tpu.memory_space<semaphore_mem>>) {add = true}
      %dma_wait3A = arith.constant 0 : i32
      %dma_wait3A_338 = tpu.memref_slice %arg6[%run_scoped3A_178, %dma_wait3A] : memref<10x96xi32, #tpu.memory_space<vmem>> -> memref<1x96xi32, #tpu.memory_space<vmem>>
      %dma_wait3A_339 = tpu.memref_squeeze %dma_wait3A_338 : memref<1x96xi32, #tpu.memory_space<vmem>> -> memref<96xi32, #tpu.memory_space<vmem>>
      %dma_wait3A_340 = arith.constant 0 : i32
      %dma_wait3A_341 = arith.constant 0 : i32
      %dma_wait3A_342 = tpu.memref_slice %arg9[%dma_wait3A_340, %dma_wait3A_341] : memref<2048x128xf32, #tpu.memory_space<vmem_shared>> -> memref<2048x128xf32, #tpu.memory_space<vmem_shared>>
      tpu.wait_indirect_dma semaphore(%run_scoped3A_332 : memref<!tpu.dma_semaphore, #tpu.memory_space<semaphore_mem>>) src(%arg7 : memref<96x128xf32, #tpu.memory_space<vmem>>) dst(%dma_wait3A_342 : memref<2048x128xf32, #tpu.memory_space<vmem_shared>>)
      tpu.yield
    }) : () -> ()
    %mul3A_179 = arith.constant 960 : i32
    %mul3A_180 = arith.muli %arg1, %mul3A_179 : i32
    %add3A_181 = arith.constant 576 : i32
    %add3A_182 = arith.addi %mul3A_180, %add3A_181 : i32
    %mul3A_183 = arith.constant 384 : i32
    %mul3A_184 = arith.muli %arg0, %mul3A_183 : i32
    %add3A_185 = arith.constant 128 : i32
    %add3A_186 = arith.addi %mul3A_184, %add3A_185 : i32
    "tpu.region"() ({
      %run_scoped3A_332 = tpu.sem_alloc : memref<!tpu.dma_semaphore, #tpu.memory_space<semaphore_mem>>
      %dma_start3A = tpu.memref_slice %arg2[%add3A_182, %add3A_186] : memref<15360x768xf32, #tpu.memory_space<hbm>> -> memref<96x128xf32, #tpu.memory_space<hbm>>
      %dma_start3A_333 = tpu.memref_slice %arg2[%add3A_182, %add3A_186] : memref<15360x768xf32, #tpu.memory_space<hbm>> -> memref<96x128xf32, #tpu.memory_space<hbm>>
      tpu.enqueue_dma source(%dma_start3A_333 : memref<96x128xf32, #tpu.memory_space<hbm>>) target(%arg7 : memref<96x128xf32, #tpu.memory_space<vmem>>) target_semaphore(%run_scoped3A_332 : memref<!tpu.dma_semaphore, #tpu.memory_space<semaphore_mem>>)
      %dma_wait3A = tpu.memref_slice %arg2[%add3A_182, %add3A_186] : memref<15360x768xf32, #tpu.memory_space<hbm>> -> memref<96x128xf32, #tpu.memory_space<hbm>>
      %dma_wait3A_334 = tpu.memref_slice %arg2[%add3A_182, %add3A_186] : memref<15360x768xf32, #tpu.memory_space<hbm>> -> memref<96x128xf32, #tpu.memory_space<hbm>>
      tpu.wait_dma2 semaphore(%run_scoped3A_332 : memref<!tpu.dma_semaphore, #tpu.memory_space<semaphore_mem>>) src(%dma_wait3A_334 : memref<96x128xf32, #tpu.memory_space<hbm>>) dst(%arg7 : memref<96x128xf32, #tpu.memory_space<vmem>>)
      tpu.yield
    }) : () -> ()
    %run_scoped3A_187 = arith.constant 6 : i32
    "tpu.region"() ({
      %run_scoped3A_332 = tpu.sem_alloc : memref<!tpu.dma_semaphore, #tpu.memory_space<semaphore_mem>>
      %dma_start3A = arith.constant 0 : i32
      %dma_start3A_333 = tpu.memref_slice %arg6[%run_scoped3A_187, %dma_start3A] : memref<10x96xi32, #tpu.memory_space<vmem>> -> memref<1x96xi32, #tpu.memory_space<vmem>>
      %dma_start3A_334 = tpu.memref_squeeze %dma_start3A_333 : memref<1x96xi32, #tpu.memory_space<vmem>> -> memref<96xi32, #tpu.memory_space<vmem>>
      %dma_start3A_335 = arith.constant 0 : i32
      %dma_start3A_336 = arith.constant 0 : i32
      %dma_start3A_337 = tpu.memref_slice %arg9[%dma_start3A_335, %dma_start3A_336] : memref<2048x128xf32, #tpu.memory_space<vmem_shared>> -> memref<2048x128xf32, #tpu.memory_space<vmem_shared>>
      tpu.enqueue_indirect_dma source(%arg7 : memref<96x128xf32, #tpu.memory_space<vmem>>) target(%dma_start3A_337 : memref<2048x128xf32, #tpu.memory_space<vmem_shared>>) offsets(%dma_start3A_334 : memref<96xi32, #tpu.memory_space<vmem>>) semaphore(%run_scoped3A_332 : memref<!tpu.dma_semaphore, #tpu.memory_space<semaphore_mem>>) {add = true}
      %dma_wait3A = arith.constant 0 : i32
      %dma_wait3A_338 = tpu.memref_slice %arg6[%run_scoped3A_187, %dma_wait3A] : memref<10x96xi32, #tpu.memory_space<vmem>> -> memref<1x96xi32, #tpu.memory_space<vmem>>
      %dma_wait3A_339 = tpu.memref_squeeze %dma_wait3A_338 : memref<1x96xi32, #tpu.memory_space<vmem>> -> memref<96xi32, #tpu.memory_space<vmem>>
      %dma_wait3A_340 = arith.constant 0 : i32
      %dma_wait3A_341 = arith.constant 0 : i32
      %dma_wait3A_342 = tpu.memref_slice %arg9[%dma_wait3A_340, %dma_wait3A_341] : memref<2048x128xf32, #tpu.memory_space<vmem_shared>> -> memref<2048x128xf32, #tpu.memory_space<vmem_shared>>
      tpu.wait_indirect_dma semaphore(%run_scoped3A_332 : memref<!tpu.dma_semaphore, #tpu.memory_space<semaphore_mem>>) src(%arg7 : memref<96x128xf32, #tpu.memory_space<vmem>>) dst(%dma_wait3A_342 : memref<2048x128xf32, #tpu.memory_space<vmem_shared>>)
      tpu.yield
    }) : () -> ()
    %mul3A_188 = arith.constant 960 : i32
    %mul3A_189 = arith.muli %arg1, %mul3A_188 : i32
    %add3A_190 = arith.constant 672 : i32
    %add3A_191 = arith.addi %mul3A_189, %add3A_190 : i32
    %mul3A_192 = arith.constant 384 : i32
    %mul3A_193 = arith.muli %arg0, %mul3A_192 : i32
    %add3A_194 = arith.constant 128 : i32
    %add3A_195 = arith.addi %mul3A_193, %add3A_194 : i32
    "tpu.region"() ({
      %run_scoped3A_332 = tpu.sem_alloc : memref<!tpu.dma_semaphore, #tpu.memory_space<semaphore_mem>>
      %dma_start3A = tpu.memref_slice %arg2[%add3A_191, %add3A_195] : memref<15360x768xf32, #tpu.memory_space<hbm>> -> memref<96x128xf32, #tpu.memory_space<hbm>>
      %dma_start3A_333 = tpu.memref_slice %arg2[%add3A_191, %add3A_195] : memref<15360x768xf32, #tpu.memory_space<hbm>> -> memref<96x128xf32, #tpu.memory_space<hbm>>
      tpu.enqueue_dma source(%dma_start3A_333 : memref<96x128xf32, #tpu.memory_space<hbm>>) target(%arg7 : memref<96x128xf32, #tpu.memory_space<vmem>>) target_semaphore(%run_scoped3A_332 : memref<!tpu.dma_semaphore, #tpu.memory_space<semaphore_mem>>)
      %dma_wait3A = tpu.memref_slice %arg2[%add3A_191, %add3A_195] : memref<15360x768xf32, #tpu.memory_space<hbm>> -> memref<96x128xf32, #tpu.memory_space<hbm>>
      %dma_wait3A_334 = tpu.memref_slice %arg2[%add3A_191, %add3A_195] : memref<15360x768xf32, #tpu.memory_space<hbm>> -> memref<96x128xf32, #tpu.memory_space<hbm>>
      tpu.wait_dma2 semaphore(%run_scoped3A_332 : memref<!tpu.dma_semaphore, #tpu.memory_space<semaphore_mem>>) src(%dma_wait3A_334 : memref<96x128xf32, #tpu.memory_space<hbm>>) dst(%arg7 : memref<96x128xf32, #tpu.memory_space<vmem>>)
      tpu.yield
    }) : () -> ()
    %run_scoped3A_196 = arith.constant 7 : i32
    "tpu.region"() ({
      %run_scoped3A_332 = tpu.sem_alloc : memref<!tpu.dma_semaphore, #tpu.memory_space<semaphore_mem>>
      %dma_start3A = arith.constant 0 : i32
      %dma_start3A_333 = tpu.memref_slice %arg6[%run_scoped3A_196, %dma_start3A] : memref<10x96xi32, #tpu.memory_space<vmem>> -> memref<1x96xi32, #tpu.memory_space<vmem>>
      %dma_start3A_334 = tpu.memref_squeeze %dma_start3A_333 : memref<1x96xi32, #tpu.memory_space<vmem>> -> memref<96xi32, #tpu.memory_space<vmem>>
      %dma_start3A_335 = arith.constant 0 : i32
      %dma_start3A_336 = arith.constant 0 : i32
      %dma_start3A_337 = tpu.memref_slice %arg9[%dma_start3A_335, %dma_start3A_336] : memref<2048x128xf32, #tpu.memory_space<vmem_shared>> -> memref<2048x128xf32, #tpu.memory_space<vmem_shared>>
      tpu.enqueue_indirect_dma source(%arg7 : memref<96x128xf32, #tpu.memory_space<vmem>>) target(%dma_start3A_337 : memref<2048x128xf32, #tpu.memory_space<vmem_shared>>) offsets(%dma_start3A_334 : memref<96xi32, #tpu.memory_space<vmem>>) semaphore(%run_scoped3A_332 : memref<!tpu.dma_semaphore, #tpu.memory_space<semaphore_mem>>) {add = true}
      %dma_wait3A = arith.constant 0 : i32
      %dma_wait3A_338 = tpu.memref_slice %arg6[%run_scoped3A_196, %dma_wait3A] : memref<10x96xi32, #tpu.memory_space<vmem>> -> memref<1x96xi32, #tpu.memory_space<vmem>>
      %dma_wait3A_339 = tpu.memref_squeeze %dma_wait3A_338 : memref<1x96xi32, #tpu.memory_space<vmem>> -> memref<96xi32, #tpu.memory_space<vmem>>
      %dma_wait3A_340 = arith.constant 0 : i32
      %dma_wait3A_341 = arith.constant 0 : i32
      %dma_wait3A_342 = tpu.memref_slice %arg9[%dma_wait3A_340, %dma_wait3A_341] : memref<2048x128xf32, #tpu.memory_space<vmem_shared>> -> memref<2048x128xf32, #tpu.memory_space<vmem_shared>>
      tpu.wait_indirect_dma semaphore(%run_scoped3A_332 : memref<!tpu.dma_semaphore, #tpu.memory_space<semaphore_mem>>) src(%arg7 : memref<96x128xf32, #tpu.memory_space<vmem>>) dst(%dma_wait3A_342 : memref<2048x128xf32, #tpu.memory_space<vmem_shared>>)
      tpu.yield
    }) : () -> ()
    %mul3A_197 = arith.constant 960 : i32
    %mul3A_198 = arith.muli %arg1, %mul3A_197 : i32
    %add3A_199 = arith.constant 768 : i32
    %add3A_200 = arith.addi %mul3A_198, %add3A_199 : i32
    %mul3A_201 = arith.constant 384 : i32
    %mul3A_202 = arith.muli %arg0, %mul3A_201 : i32
    %add3A_203 = arith.constant 128 : i32
    %add3A_204 = arith.addi %mul3A_202, %add3A_203 : i32
    "tpu.region"() ({
      %run_scoped3A_332 = tpu.sem_alloc : memref<!tpu.dma_semaphore, #tpu.memory_space<semaphore_mem>>
      %dma_start3A = tpu.memref_slice %arg2[%add3A_200, %add3A_204] : memref<15360x768xf32, #tpu.memory_space<hbm>> -> memref<96x128xf32, #tpu.memory_space<hbm>>
      %dma_start3A_333 = tpu.memref_slice %arg2[%add3A_200, %add3A_204] : memref<15360x768xf32, #tpu.memory_space<hbm>> -> memref<96x128xf32, #tpu.memory_space<hbm>>
      tpu.enqueue_dma source(%dma_start3A_333 : memref<96x128xf32, #tpu.memory_space<hbm>>) target(%arg7 : memref<96x128xf32, #tpu.memory_space<vmem>>) target_semaphore(%run_scoped3A_332 : memref<!tpu.dma_semaphore, #tpu.memory_space<semaphore_mem>>)
      %dma_wait3A = tpu.memref_slice %arg2[%add3A_200, %add3A_204] : memref<15360x768xf32, #tpu.memory_space<hbm>> -> memref<96x128xf32, #tpu.memory_space<hbm>>
      %dma_wait3A_334 = tpu.memref_slice %arg2[%add3A_200, %add3A_204] : memref<15360x768xf32, #tpu.memory_space<hbm>> -> memref<96x128xf32, #tpu.memory_space<hbm>>
      tpu.wait_dma2 semaphore(%run_scoped3A_332 : memref<!tpu.dma_semaphore, #tpu.memory_space<semaphore_mem>>) src(%dma_wait3A_334 : memref<96x128xf32, #tpu.memory_space<hbm>>) dst(%arg7 : memref<96x128xf32, #tpu.memory_space<vmem>>)
      tpu.yield
    }) : () -> ()
    %run_scoped3A_205 = arith.constant 8 : i32
    "tpu.region"() ({
      %run_scoped3A_332 = tpu.sem_alloc : memref<!tpu.dma_semaphore, #tpu.memory_space<semaphore_mem>>
      %dma_start3A = arith.constant 0 : i32
      %dma_start3A_333 = tpu.memref_slice %arg6[%run_scoped3A_205, %dma_start3A] : memref<10x96xi32, #tpu.memory_space<vmem>> -> memref<1x96xi32, #tpu.memory_space<vmem>>
      %dma_start3A_334 = tpu.memref_squeeze %dma_start3A_333 : memref<1x96xi32, #tpu.memory_space<vmem>> -> memref<96xi32, #tpu.memory_space<vmem>>
      %dma_start3A_335 = arith.constant 0 : i32
      %dma_start3A_336 = arith.constant 0 : i32
      %dma_start3A_337 = tpu.memref_slice %arg9[%dma_start3A_335, %dma_start3A_336] : memref<2048x128xf32, #tpu.memory_space<vmem_shared>> -> memref<2048x128xf32, #tpu.memory_space<vmem_shared>>
      tpu.enqueue_indirect_dma source(%arg7 : memref<96x128xf32, #tpu.memory_space<vmem>>) target(%dma_start3A_337 : memref<2048x128xf32, #tpu.memory_space<vmem_shared>>) offsets(%dma_start3A_334 : memref<96xi32, #tpu.memory_space<vmem>>) semaphore(%run_scoped3A_332 : memref<!tpu.dma_semaphore, #tpu.memory_space<semaphore_mem>>) {add = true}
      %dma_wait3A = arith.constant 0 : i32
      %dma_wait3A_338 = tpu.memref_slice %arg6[%run_scoped3A_205, %dma_wait3A] : memref<10x96xi32, #tpu.memory_space<vmem>> -> memref<1x96xi32, #tpu.memory_space<vmem>>
      %dma_wait3A_339 = tpu.memref_squeeze %dma_wait3A_338 : memref<1x96xi32, #tpu.memory_space<vmem>> -> memref<96xi32, #tpu.memory_space<vmem>>
      %dma_wait3A_340 = arith.constant 0 : i32
      %dma_wait3A_341 = arith.constant 0 : i32
      %dma_wait3A_342 = tpu.memref_slice %arg9[%dma_wait3A_340, %dma_wait3A_341] : memref<2048x128xf32, #tpu.memory_space<vmem_shared>> -> memref<2048x128xf32, #tpu.memory_space<vmem_shared>>
      tpu.wait_indirect_dma semaphore(%run_scoped3A_332 : memref<!tpu.dma_semaphore, #tpu.memory_space<semaphore_mem>>) src(%arg7 : memref<96x128xf32, #tpu.memory_space<vmem>>) dst(%dma_wait3A_342 : memref<2048x128xf32, #tpu.memory_space<vmem_shared>>)
      tpu.yield
    }) : () -> ()
    %mul3A_206 = arith.constant 960 : i32
    %mul3A_207 = arith.muli %arg1, %mul3A_206 : i32
    %add3A_208 = arith.constant 864 : i32
    %add3A_209 = arith.addi %mul3A_207, %add3A_208 : i32
    %mul3A_210 = arith.constant 384 : i32
    %mul3A_211 = arith.muli %arg0, %mul3A_210 : i32
    %add3A_212 = arith.constant 128 : i32
    %add3A_213 = arith.addi %mul3A_211, %add3A_212 : i32
    "tpu.region"() ({
      %run_scoped3A_332 = tpu.sem_alloc : memref<!tpu.dma_semaphore, #tpu.memory_space<semaphore_mem>>
      %dma_start3A = tpu.memref_slice %arg2[%add3A_209, %add3A_213] : memref<15360x768xf32, #tpu.memory_space<hbm>> -> memref<96x128xf32, #tpu.memory_space<hbm>>
      %dma_start3A_333 = tpu.memref_slice %arg2[%add3A_209, %add3A_213] : memref<15360x768xf32, #tpu.memory_space<hbm>> -> memref<96x128xf32, #tpu.memory_space<hbm>>
      tpu.enqueue_dma source(%dma_start3A_333 : memref<96x128xf32, #tpu.memory_space<hbm>>) target(%arg7 : memref<96x128xf32, #tpu.memory_space<vmem>>) target_semaphore(%run_scoped3A_332 : memref<!tpu.dma_semaphore, #tpu.memory_space<semaphore_mem>>)
      %dma_wait3A = tpu.memref_slice %arg2[%add3A_209, %add3A_213] : memref<15360x768xf32, #tpu.memory_space<hbm>> -> memref<96x128xf32, #tpu.memory_space<hbm>>
      %dma_wait3A_334 = tpu.memref_slice %arg2[%add3A_209, %add3A_213] : memref<15360x768xf32, #tpu.memory_space<hbm>> -> memref<96x128xf32, #tpu.memory_space<hbm>>
      tpu.wait_dma2 semaphore(%run_scoped3A_332 : memref<!tpu.dma_semaphore, #tpu.memory_space<semaphore_mem>>) src(%dma_wait3A_334 : memref<96x128xf32, #tpu.memory_space<hbm>>) dst(%arg7 : memref<96x128xf32, #tpu.memory_space<vmem>>)
      tpu.yield
    }) : () -> ()
    %run_scoped3A_214 = arith.constant 9 : i32
    "tpu.region"() ({
      %run_scoped3A_332 = tpu.sem_alloc : memref<!tpu.dma_semaphore, #tpu.memory_space<semaphore_mem>>
      %dma_start3A = arith.constant 0 : i32
      %dma_start3A_333 = tpu.memref_slice %arg6[%run_scoped3A_214, %dma_start3A] : memref<10x96xi32, #tpu.memory_space<vmem>> -> memref<1x96xi32, #tpu.memory_space<vmem>>
      %dma_start3A_334 = tpu.memref_squeeze %dma_start3A_333 : memref<1x96xi32, #tpu.memory_space<vmem>> -> memref<96xi32, #tpu.memory_space<vmem>>
      %dma_start3A_335 = arith.constant 0 : i32
      %dma_start3A_336 = arith.constant 0 : i32
      %dma_start3A_337 = tpu.memref_slice %arg9[%dma_start3A_335, %dma_start3A_336] : memref<2048x128xf32, #tpu.memory_space<vmem_shared>> -> memref<2048x128xf32, #tpu.memory_space<vmem_shared>>
      tpu.enqueue_indirect_dma source(%arg7 : memref<96x128xf32, #tpu.memory_space<vmem>>) target(%dma_start3A_337 : memref<2048x128xf32, #tpu.memory_space<vmem_shared>>) offsets(%dma_start3A_334 : memref<96xi32, #tpu.memory_space<vmem>>) semaphore(%run_scoped3A_332 : memref<!tpu.dma_semaphore, #tpu.memory_space<semaphore_mem>>) {add = true}
      %dma_wait3A = arith.constant 0 : i32
      %dma_wait3A_338 = tpu.memref_slice %arg6[%run_scoped3A_214, %dma_wait3A] : memref<10x96xi32, #tpu.memory_space<vmem>> -> memref<1x96xi32, #tpu.memory_space<vmem>>
      %dma_wait3A_339 = tpu.memref_squeeze %dma_wait3A_338 : memref<1x96xi32, #tpu.memory_space<vmem>> -> memref<96xi32, #tpu.memory_space<vmem>>
      %dma_wait3A_340 = arith.constant 0 : i32
      %dma_wait3A_341 = arith.constant 0 : i32
      %dma_wait3A_342 = tpu.memref_slice %arg9[%dma_wait3A_340, %dma_wait3A_341] : memref<2048x128xf32, #tpu.memory_space<vmem_shared>> -> memref<2048x128xf32, #tpu.memory_space<vmem_shared>>
      tpu.wait_indirect_dma semaphore(%run_scoped3A_332 : memref<!tpu.dma_semaphore, #tpu.memory_space<semaphore_mem>>) src(%arg7 : memref<96x128xf32, #tpu.memory_space<vmem>>) dst(%dma_wait3A_342 : memref<2048x128xf32, #tpu.memory_space<vmem_shared>>)
      tpu.yield
    }) : () -> ()
    %barrier3A_215 = arith.constant 0 : index
    tpu.barrier barrier_id(%barrier3A_215)
    %mul3A_216 = arith.constant 128 : i32
    %mul3A_217 = arith.muli %arg1, %mul3A_216 : i32
    "tpu.region"() ({
      %run_scoped3A_332 = tpu.sem_alloc : memref<!tpu.dma_semaphore, #tpu.memory_space<semaphore_mem>>
      %dma_start3A = arith.constant 0 : i32
      %dma_start3A_333 = tpu.memref_slice %arg9[%mul3A_217, %dma_start3A] : memref<2048x128xf32, #tpu.memory_space<vmem_shared>> -> memref<128x128xf32, #tpu.memory_space<vmem_shared>>
      %dma_start3A_334 = arith.constant 0 : i32
      %dma_start3A_335 = tpu.memref_slice %arg9[%mul3A_217, %dma_start3A_334] : memref<2048x128xf32, #tpu.memory_space<vmem_shared>> -> memref<128x128xf32, #tpu.memory_space<vmem_shared>>
      tpu.enqueue_dma source(%dma_start3A_335 : memref<128x128xf32, #tpu.memory_space<vmem_shared>>) target(%arg8 : memref<128x128xf32, #tpu.memory_space<vmem>>) target_semaphore(%run_scoped3A_332 : memref<!tpu.dma_semaphore, #tpu.memory_space<semaphore_mem>>)
      %dma_wait3A = arith.constant 0 : i32
      %dma_wait3A_336 = tpu.memref_slice %arg9[%mul3A_217, %dma_wait3A] : memref<2048x128xf32, #tpu.memory_space<vmem_shared>> -> memref<128x128xf32, #tpu.memory_space<vmem_shared>>
      %dma_wait3A_337 = arith.constant 0 : i32
      %dma_wait3A_338 = tpu.memref_slice %arg9[%mul3A_217, %dma_wait3A_337] : memref<2048x128xf32, #tpu.memory_space<vmem_shared>> -> memref<128x128xf32, #tpu.memory_space<vmem_shared>>
      tpu.wait_dma2 semaphore(%run_scoped3A_332 : memref<!tpu.dma_semaphore, #tpu.memory_space<semaphore_mem>>) src(%dma_wait3A_338 : memref<128x128xf32, #tpu.memory_space<vmem_shared>>) dst(%arg8 : memref<128x128xf32, #tpu.memory_space<vmem>>)
      tpu.yield
    }) : () -> ()
    %mul3A_218 = arith.constant 128 : i32
    %mul3A_219 = arith.muli %arg1, %mul3A_218 : i32
    "tpu.region"() ({
      %run_scoped3A_332 = tpu.sem_alloc : memref<!tpu.dma_semaphore, #tpu.memory_space<semaphore_mem>>
      %dma_start3A = arith.constant 128 : i32
      %dma_start3A_333 = tpu.memref_slice %arg5[%arg0, %mul3A_219, %dma_start3A] : memref<2x2048x384xf32, #tpu.memory_space<hbm>> -> memref<1x128x128xf32, #tpu.memory_space<hbm>>
      %dma_start3A_334 = tpu.memref_squeeze %dma_start3A_333 : memref<1x128x128xf32, #tpu.memory_space<hbm>> -> memref<128x128xf32, #tpu.memory_space<hbm>>
      %dma_start3A_335 = arith.constant 128 : i32
      %dma_start3A_336 = tpu.memref_slice %arg5[%arg0, %mul3A_219, %dma_start3A_335] : memref<2x2048x384xf32, #tpu.memory_space<hbm>> -> memref<1x128x128xf32, #tpu.memory_space<hbm>>
      %dma_start3A_337 = tpu.memref_squeeze %dma_start3A_336 : memref<1x128x128xf32, #tpu.memory_space<hbm>> -> memref<128x128xf32, #tpu.memory_space<hbm>>
      tpu.enqueue_dma source(%arg8 : memref<128x128xf32, #tpu.memory_space<vmem>>) target(%dma_start3A_337 : memref<128x128xf32, #tpu.memory_space<hbm>>) target_semaphore(%run_scoped3A_332 : memref<!tpu.dma_semaphore, #tpu.memory_space<semaphore_mem>>)
      %dma_wait3A = arith.constant 128 : i32
      %dma_wait3A_338 = tpu.memref_slice %arg5[%arg0, %mul3A_219, %dma_wait3A] : memref<2x2048x384xf32, #tpu.memory_space<hbm>> -> memref<1x128x128xf32, #tpu.memory_space<hbm>>
      %dma_wait3A_339 = tpu.memref_squeeze %dma_wait3A_338 : memref<1x128x128xf32, #tpu.memory_space<hbm>> -> memref<128x128xf32, #tpu.memory_space<hbm>>
      %dma_wait3A_340 = arith.constant 128 : i32
      %dma_wait3A_341 = tpu.memref_slice %arg5[%arg0, %mul3A_219, %dma_wait3A_340] : memref<2x2048x384xf32, #tpu.memory_space<hbm>> -> memref<1x128x128xf32, #tpu.memory_space<hbm>>
      %dma_wait3A_342 = tpu.memref_squeeze %dma_wait3A_341 : memref<1x128x128xf32, #tpu.memory_space<hbm>> -> memref<128x128xf32, #tpu.memory_space<hbm>>
      tpu.wait_dma2 semaphore(%run_scoped3A_332 : memref<!tpu.dma_semaphore, #tpu.memory_space<semaphore_mem>>) src(%arg8 : memref<128x128xf32, #tpu.memory_space<vmem>>) dst(%dma_wait3A_342 : memref<128x128xf32, #tpu.memory_space<hbm>>)
      tpu.yield
    }) : () -> ()
    "tpu.region"() ({
      %run_scoped3A_332 = tpu.sem_alloc : memref<!tpu.dma_semaphore, #tpu.memory_space<semaphore_mem>>
      %dma_start3A = arith.constant 0 : i32
      %dma_start3A_333 = arith.constant 0 : i32
      %dma_start3A_334 = tpu.memref_slice %arg7[%dma_start3A, %dma_start3A_333] : memref<96x128xf32, #tpu.memory_space<vmem>> -> memref<32x128xf32, #tpu.memory_space<vmem>>
      %dma_start3A_335 = arith.constant 0 : i32
      %dma_start3A_336 = arith.constant 0 : i32
      %dma_start3A_337 = tpu.memref_slice %arg7[%dma_start3A_335, %dma_start3A_336] : memref<96x128xf32, #tpu.memory_space<vmem>> -> memref<32x128xf32, #tpu.memory_space<vmem>>
      tpu.enqueue_dma source(%arg4 : memref<32x128xf32, #tpu.memory_space<hbm>>) target(%dma_start3A_337 : memref<32x128xf32, #tpu.memory_space<vmem>>) target_semaphore(%run_scoped3A_332 : memref<!tpu.dma_semaphore, #tpu.memory_space<semaphore_mem>>)
      %dma_wait3A = arith.constant 0 : i32
      %dma_wait3A_338 = arith.constant 0 : i32
      %dma_wait3A_339 = tpu.memref_slice %arg7[%dma_wait3A, %dma_wait3A_338] : memref<96x128xf32, #tpu.memory_space<vmem>> -> memref<32x128xf32, #tpu.memory_space<vmem>>
      %dma_wait3A_340 = arith.constant 0 : i32
      %dma_wait3A_341 = arith.constant 0 : i32
      %dma_wait3A_342 = tpu.memref_slice %arg7[%dma_wait3A_340, %dma_wait3A_341] : memref<96x128xf32, #tpu.memory_space<vmem>> -> memref<32x128xf32, #tpu.memory_space<vmem>>
      tpu.wait_dma2 semaphore(%run_scoped3A_332 : memref<!tpu.dma_semaphore, #tpu.memory_space<semaphore_mem>>) src(%arg4 : memref<32x128xf32, #tpu.memory_space<hbm>>) dst(%dma_wait3A_342 : memref<32x128xf32, #tpu.memory_space<vmem>>)
      tpu.yield
    }) : () -> ()
    %mul3A_220 = arith.constant 128 : i32
    %mul3A_221 = arith.muli %arg1, %mul3A_220 : i32
    %add3A_222 = arith.constant 0 : i32
    %add3A_223 = arith.addi %mul3A_221, %add3A_222 : i32
    "tpu.region"() ({
      %run_scoped3A_332 = tpu.sem_alloc : memref<!tpu.dma_semaphore, #tpu.memory_space<semaphore_mem>>
      %dma_start3A = arith.constant 0 : i32
      %dma_start3A_333 = arith.constant 0 : i32
      %dma_start3A_334 = tpu.memref_slice %arg7[%dma_start3A, %dma_start3A_333] : memref<96x128xf32, #tpu.memory_space<vmem>> -> memref<32x128xf32, #tpu.memory_space<vmem>>
      %dma_start3A_335 = arith.constant 0 : i32
      %dma_start3A_336 = tpu.memref_slice %arg9[%add3A_223, %dma_start3A_335] : memref<2048x128xf32, #tpu.memory_space<vmem_shared>> -> memref<32x128xf32, #tpu.memory_space<vmem_shared>>
      %dma_start3A_337 = arith.constant 0 : i32
      %dma_start3A_338 = tpu.memref_slice %arg9[%add3A_223, %dma_start3A_337] : memref<2048x128xf32, #tpu.memory_space<vmem_shared>> -> memref<32x128xf32, #tpu.memory_space<vmem_shared>>
      %dma_start3A_339 = arith.constant 0 : i32
      %dma_start3A_340 = arith.constant 0 : i32
      %dma_start3A_341 = tpu.memref_slice %arg7[%dma_start3A_339, %dma_start3A_340] : memref<96x128xf32, #tpu.memory_space<vmem>> -> memref<32x128xf32, #tpu.memory_space<vmem>>
      tpu.enqueue_dma source(%dma_start3A_341 : memref<32x128xf32, #tpu.memory_space<vmem>>) target(%dma_start3A_338 : memref<32x128xf32, #tpu.memory_space<vmem_shared>>) target_semaphore(%run_scoped3A_332 : memref<!tpu.dma_semaphore, #tpu.memory_space<semaphore_mem>>)
      %dma_wait3A = arith.constant 0 : i32
      %dma_wait3A_342 = arith.constant 0 : i32
      %dma_wait3A_343 = tpu.memref_slice %arg7[%dma_wait3A, %dma_wait3A_342] : memref<96x128xf32, #tpu.memory_space<vmem>> -> memref<32x128xf32, #tpu.memory_space<vmem>>
      %dma_wait3A_344 = arith.constant 0 : i32
      %dma_wait3A_345 = tpu.memref_slice %arg9[%add3A_223, %dma_wait3A_344] : memref<2048x128xf32, #tpu.memory_space<vmem_shared>> -> memref<32x128xf32, #tpu.memory_space<vmem_shared>>
      %dma_wait3A_346 = arith.constant 0 : i32
      %dma_wait3A_347 = tpu.memref_slice %arg9[%add3A_223, %dma_wait3A_346] : memref<2048x128xf32, #tpu.memory_space<vmem_shared>> -> memref<32x128xf32, #tpu.memory_space<vmem_shared>>
      %dma_wait3A_348 = arith.constant 0 : i32
      %dma_wait3A_349 = arith.constant 0 : i32
      %dma_wait3A_350 = tpu.memref_slice %arg7[%dma_wait3A_348, %dma_wait3A_349] : memref<96x128xf32, #tpu.memory_space<vmem>> -> memref<32x128xf32, #tpu.memory_space<vmem>>
      tpu.wait_dma2 semaphore(%run_scoped3A_332 : memref<!tpu.dma_semaphore, #tpu.memory_space<semaphore_mem>>) src(%dma_wait3A_350 : memref<32x128xf32, #tpu.memory_space<vmem>>) dst(%dma_wait3A_347 : memref<32x128xf32, #tpu.memory_space<vmem_shared>>)
      tpu.yield
    }) : () -> ()
    %mul3A_224 = arith.constant 128 : i32
    %mul3A_225 = arith.muli %arg1, %mul3A_224 : i32
    %add3A_226 = arith.constant 32 : i32
    %add3A_227 = arith.addi %mul3A_225, %add3A_226 : i32
    "tpu.region"() ({
      %run_scoped3A_332 = tpu.sem_alloc : memref<!tpu.dma_semaphore, #tpu.memory_space<semaphore_mem>>
      %dma_start3A = arith.constant 0 : i32
      %dma_start3A_333 = arith.constant 0 : i32
      %dma_start3A_334 = tpu.memref_slice %arg7[%dma_start3A, %dma_start3A_333] : memref<96x128xf32, #tpu.memory_space<vmem>> -> memref<32x128xf32, #tpu.memory_space<vmem>>
      %dma_start3A_335 = arith.constant 0 : i32
      %dma_start3A_336 = tpu.memref_slice %arg9[%add3A_227, %dma_start3A_335] : memref<2048x128xf32, #tpu.memory_space<vmem_shared>> -> memref<32x128xf32, #tpu.memory_space<vmem_shared>>
      %dma_start3A_337 = arith.constant 0 : i32
      %dma_start3A_338 = tpu.memref_slice %arg9[%add3A_227, %dma_start3A_337] : memref<2048x128xf32, #tpu.memory_space<vmem_shared>> -> memref<32x128xf32, #tpu.memory_space<vmem_shared>>
      %dma_start3A_339 = arith.constant 0 : i32
      %dma_start3A_340 = arith.constant 0 : i32
      %dma_start3A_341 = tpu.memref_slice %arg7[%dma_start3A_339, %dma_start3A_340] : memref<96x128xf32, #tpu.memory_space<vmem>> -> memref<32x128xf32, #tpu.memory_space<vmem>>
      tpu.enqueue_dma source(%dma_start3A_341 : memref<32x128xf32, #tpu.memory_space<vmem>>) target(%dma_start3A_338 : memref<32x128xf32, #tpu.memory_space<vmem_shared>>) target_semaphore(%run_scoped3A_332 : memref<!tpu.dma_semaphore, #tpu.memory_space<semaphore_mem>>)
      %dma_wait3A = arith.constant 0 : i32
      %dma_wait3A_342 = arith.constant 0 : i32
      %dma_wait3A_343 = tpu.memref_slice %arg7[%dma_wait3A, %dma_wait3A_342] : memref<96x128xf32, #tpu.memory_space<vmem>> -> memref<32x128xf32, #tpu.memory_space<vmem>>
      %dma_wait3A_344 = arith.constant 0 : i32
      %dma_wait3A_345 = tpu.memref_slice %arg9[%add3A_227, %dma_wait3A_344] : memref<2048x128xf32, #tpu.memory_space<vmem_shared>> -> memref<32x128xf32, #tpu.memory_space<vmem_shared>>
      %dma_wait3A_346 = arith.constant 0 : i32
      %dma_wait3A_347 = tpu.memref_slice %arg9[%add3A_227, %dma_wait3A_346] : memref<2048x128xf32, #tpu.memory_space<vmem_shared>> -> memref<32x128xf32, #tpu.memory_space<vmem_shared>>
      %dma_wait3A_348 = arith.constant 0 : i32
      %dma_wait3A_349 = arith.constant 0 : i32
      %dma_wait3A_350 = tpu.memref_slice %arg7[%dma_wait3A_348, %dma_wait3A_349] : memref<96x128xf32, #tpu.memory_space<vmem>> -> memref<32x128xf32, #tpu.memory_space<vmem>>
      tpu.wait_dma2 semaphore(%run_scoped3A_332 : memref<!tpu.dma_semaphore, #tpu.memory_space<semaphore_mem>>) src(%dma_wait3A_350 : memref<32x128xf32, #tpu.memory_space<vmem>>) dst(%dma_wait3A_347 : memref<32x128xf32, #tpu.memory_space<vmem_shared>>)
      tpu.yield
    }) : () -> ()
    %mul3A_228 = arith.constant 128 : i32
    %mul3A_229 = arith.muli %arg1, %mul3A_228 : i32
    %add3A_230 = arith.constant 64 : i32
    %add3A_231 = arith.addi %mul3A_229, %add3A_230 : i32
    "tpu.region"() ({
      %run_scoped3A_332 = tpu.sem_alloc : memref<!tpu.dma_semaphore, #tpu.memory_space<semaphore_mem>>
      %dma_start3A = arith.constant 0 : i32
      %dma_start3A_333 = arith.constant 0 : i32
      %dma_start3A_334 = tpu.memref_slice %arg7[%dma_start3A, %dma_start3A_333] : memref<96x128xf32, #tpu.memory_space<vmem>> -> memref<32x128xf32, #tpu.memory_space<vmem>>
      %dma_start3A_335 = arith.constant 0 : i32
      %dma_start3A_336 = tpu.memref_slice %arg9[%add3A_231, %dma_start3A_335] : memref<2048x128xf32, #tpu.memory_space<vmem_shared>> -> memref<32x128xf32, #tpu.memory_space<vmem_shared>>
      %dma_start3A_337 = arith.constant 0 : i32
      %dma_start3A_338 = tpu.memref_slice %arg9[%add3A_231, %dma_start3A_337] : memref<2048x128xf32, #tpu.memory_space<vmem_shared>> -> memref<32x128xf32, #tpu.memory_space<vmem_shared>>
      %dma_start3A_339 = arith.constant 0 : i32
      %dma_start3A_340 = arith.constant 0 : i32
      %dma_start3A_341 = tpu.memref_slice %arg7[%dma_start3A_339, %dma_start3A_340] : memref<96x128xf32, #tpu.memory_space<vmem>> -> memref<32x128xf32, #tpu.memory_space<vmem>>
      tpu.enqueue_dma source(%dma_start3A_341 : memref<32x128xf32, #tpu.memory_space<vmem>>) target(%dma_start3A_338 : memref<32x128xf32, #tpu.memory_space<vmem_shared>>) target_semaphore(%run_scoped3A_332 : memref<!tpu.dma_semaphore, #tpu.memory_space<semaphore_mem>>)
      %dma_wait3A = arith.constant 0 : i32
      %dma_wait3A_342 = arith.constant 0 : i32
      %dma_wait3A_343 = tpu.memref_slice %arg7[%dma_wait3A, %dma_wait3A_342] : memref<96x128xf32, #tpu.memory_space<vmem>> -> memref<32x128xf32, #tpu.memory_space<vmem>>
      %dma_wait3A_344 = arith.constant 0 : i32
      %dma_wait3A_345 = tpu.memref_slice %arg9[%add3A_231, %dma_wait3A_344] : memref<2048x128xf32, #tpu.memory_space<vmem_shared>> -> memref<32x128xf32, #tpu.memory_space<vmem_shared>>
      %dma_wait3A_346 = arith.constant 0 : i32
      %dma_wait3A_347 = tpu.memref_slice %arg9[%add3A_231, %dma_wait3A_346] : memref<2048x128xf32, #tpu.memory_space<vmem_shared>> -> memref<32x128xf32, #tpu.memory_space<vmem_shared>>
      %dma_wait3A_348 = arith.constant 0 : i32
      %dma_wait3A_349 = arith.constant 0 : i32
      %dma_wait3A_350 = tpu.memref_slice %arg7[%dma_wait3A_348, %dma_wait3A_349] : memref<96x128xf32, #tpu.memory_space<vmem>> -> memref<32x128xf32, #tpu.memory_space<vmem>>
      tpu.wait_dma2 semaphore(%run_scoped3A_332 : memref<!tpu.dma_semaphore, #tpu.memory_space<semaphore_mem>>) src(%dma_wait3A_350 : memref<32x128xf32, #tpu.memory_space<vmem>>) dst(%dma_wait3A_347 : memref<32x128xf32, #tpu.memory_space<vmem_shared>>)
      tpu.yield
    }) : () -> ()
    %mul3A_232 = arith.constant 128 : i32
    %mul3A_233 = arith.muli %arg1, %mul3A_232 : i32
    %add3A_234 = arith.constant 96 : i32
    %add3A_235 = arith.addi %mul3A_233, %add3A_234 : i32
    "tpu.region"() ({
      %run_scoped3A_332 = tpu.sem_alloc : memref<!tpu.dma_semaphore, #tpu.memory_space<semaphore_mem>>
      %dma_start3A = arith.constant 0 : i32
      %dma_start3A_333 = arith.constant 0 : i32
      %dma_start3A_334 = tpu.memref_slice %arg7[%dma_start3A, %dma_start3A_333] : memref<96x128xf32, #tpu.memory_space<vmem>> -> memref<32x128xf32, #tpu.memory_space<vmem>>
      %dma_start3A_335 = arith.constant 0 : i32
      %dma_start3A_336 = tpu.memref_slice %arg9[%add3A_235, %dma_start3A_335] : memref<2048x128xf32, #tpu.memory_space<vmem_shared>> -> memref<32x128xf32, #tpu.memory_space<vmem_shared>>
      %dma_start3A_337 = arith.constant 0 : i32
      %dma_start3A_338 = tpu.memref_slice %arg9[%add3A_235, %dma_start3A_337] : memref<2048x128xf32, #tpu.memory_space<vmem_shared>> -> memref<32x128xf32, #tpu.memory_space<vmem_shared>>
      %dma_start3A_339 = arith.constant 0 : i32
      %dma_start3A_340 = arith.constant 0 : i32
      %dma_start3A_341 = tpu.memref_slice %arg7[%dma_start3A_339, %dma_start3A_340] : memref<96x128xf32, #tpu.memory_space<vmem>> -> memref<32x128xf32, #tpu.memory_space<vmem>>
      tpu.enqueue_dma source(%dma_start3A_341 : memref<32x128xf32, #tpu.memory_space<vmem>>) target(%dma_start3A_338 : memref<32x128xf32, #tpu.memory_space<vmem_shared>>) target_semaphore(%run_scoped3A_332 : memref<!tpu.dma_semaphore, #tpu.memory_space<semaphore_mem>>)
      %dma_wait3A = arith.constant 0 : i32
      %dma_wait3A_342 = arith.constant 0 : i32
      %dma_wait3A_343 = tpu.memref_slice %arg7[%dma_wait3A, %dma_wait3A_342] : memref<96x128xf32, #tpu.memory_space<vmem>> -> memref<32x128xf32, #tpu.memory_space<vmem>>
      %dma_wait3A_344 = arith.constant 0 : i32
      %dma_wait3A_345 = tpu.memref_slice %arg9[%add3A_235, %dma_wait3A_344] : memref<2048x128xf32, #tpu.memory_space<vmem_shared>> -> memref<32x128xf32, #tpu.memory_space<vmem_shared>>
      %dma_wait3A_346 = arith.constant 0 : i32
      %dma_wait3A_347 = tpu.memref_slice %arg9[%add3A_235, %dma_wait3A_346] : memref<2048x128xf32, #tpu.memory_space<vmem_shared>> -> memref<32x128xf32, #tpu.memory_space<vmem_shared>>
      %dma_wait3A_348 = arith.constant 0 : i32
      %dma_wait3A_349 = arith.constant 0 : i32
      %dma_wait3A_350 = tpu.memref_slice %arg7[%dma_wait3A_348, %dma_wait3A_349] : memref<96x128xf32, #tpu.memory_space<vmem>> -> memref<32x128xf32, #tpu.memory_space<vmem>>
      tpu.wait_dma2 semaphore(%run_scoped3A_332 : memref<!tpu.dma_semaphore, #tpu.memory_space<semaphore_mem>>) src(%dma_wait3A_350 : memref<32x128xf32, #tpu.memory_space<vmem>>) dst(%dma_wait3A_347 : memref<32x128xf32, #tpu.memory_space<vmem_shared>>)
      tpu.yield
    }) : () -> ()
    %barrier3A_236 = arith.constant 0 : index
    tpu.barrier barrier_id(%barrier3A_236)
    %mul3A_237 = arith.constant 960 : i32
    %mul3A_238 = arith.muli %arg1, %mul3A_237 : i32
    %add3A_239 = arith.constant 0 : i32
    %add3A_240 = arith.addi %mul3A_238, %add3A_239 : i32
    %mul3A_241 = arith.constant 384 : i32
    %mul3A_242 = arith.muli %arg0, %mul3A_241 : i32
    %add3A_243 = arith.constant 256 : i32
    %add3A_244 = arith.addi %mul3A_242, %add3A_243 : i32
    "tpu.region"() ({
      %run_scoped3A_332 = tpu.sem_alloc : memref<!tpu.dma_semaphore, #tpu.memory_space<semaphore_mem>>
      %dma_start3A = tpu.memref_slice %arg2[%add3A_240, %add3A_244] : memref<15360x768xf32, #tpu.memory_space<hbm>> -> memref<96x128xf32, #tpu.memory_space<hbm>>
      %dma_start3A_333 = tpu.memref_slice %arg2[%add3A_240, %add3A_244] : memref<15360x768xf32, #tpu.memory_space<hbm>> -> memref<96x128xf32, #tpu.memory_space<hbm>>
      tpu.enqueue_dma source(%dma_start3A_333 : memref<96x128xf32, #tpu.memory_space<hbm>>) target(%arg7 : memref<96x128xf32, #tpu.memory_space<vmem>>) target_semaphore(%run_scoped3A_332 : memref<!tpu.dma_semaphore, #tpu.memory_space<semaphore_mem>>)
      %dma_wait3A = tpu.memref_slice %arg2[%add3A_240, %add3A_244] : memref<15360x768xf32, #tpu.memory_space<hbm>> -> memref<96x128xf32, #tpu.memory_space<hbm>>
      %dma_wait3A_334 = tpu.memref_slice %arg2[%add3A_240, %add3A_244] : memref<15360x768xf32, #tpu.memory_space<hbm>> -> memref<96x128xf32, #tpu.memory_space<hbm>>
      tpu.wait_dma2 semaphore(%run_scoped3A_332 : memref<!tpu.dma_semaphore, #tpu.memory_space<semaphore_mem>>) src(%dma_wait3A_334 : memref<96x128xf32, #tpu.memory_space<hbm>>) dst(%arg7 : memref<96x128xf32, #tpu.memory_space<vmem>>)
      tpu.yield
    }) : () -> ()
    %run_scoped3A_245 = arith.constant 0 : i32
    "tpu.region"() ({
      %run_scoped3A_332 = tpu.sem_alloc : memref<!tpu.dma_semaphore, #tpu.memory_space<semaphore_mem>>
      %dma_start3A = arith.constant 0 : i32
      %dma_start3A_333 = tpu.memref_slice %arg6[%run_scoped3A_245, %dma_start3A] : memref<10x96xi32, #tpu.memory_space<vmem>> -> memref<1x96xi32, #tpu.memory_space<vmem>>
      %dma_start3A_334 = tpu.memref_squeeze %dma_start3A_333 : memref<1x96xi32, #tpu.memory_space<vmem>> -> memref<96xi32, #tpu.memory_space<vmem>>
      %dma_start3A_335 = arith.constant 0 : i32
      %dma_start3A_336 = arith.constant 0 : i32
      %dma_start3A_337 = tpu.memref_slice %arg9[%dma_start3A_335, %dma_start3A_336] : memref<2048x128xf32, #tpu.memory_space<vmem_shared>> -> memref<2048x128xf32, #tpu.memory_space<vmem_shared>>
      tpu.enqueue_indirect_dma source(%arg7 : memref<96x128xf32, #tpu.memory_space<vmem>>) target(%dma_start3A_337 : memref<2048x128xf32, #tpu.memory_space<vmem_shared>>) offsets(%dma_start3A_334 : memref<96xi32, #tpu.memory_space<vmem>>) semaphore(%run_scoped3A_332 : memref<!tpu.dma_semaphore, #tpu.memory_space<semaphore_mem>>) {add = true}
      %dma_wait3A = arith.constant 0 : i32
      %dma_wait3A_338 = tpu.memref_slice %arg6[%run_scoped3A_245, %dma_wait3A] : memref<10x96xi32, #tpu.memory_space<vmem>> -> memref<1x96xi32, #tpu.memory_space<vmem>>
      %dma_wait3A_339 = tpu.memref_squeeze %dma_wait3A_338 : memref<1x96xi32, #tpu.memory_space<vmem>> -> memref<96xi32, #tpu.memory_space<vmem>>
      %dma_wait3A_340 = arith.constant 0 : i32
      %dma_wait3A_341 = arith.constant 0 : i32
      %dma_wait3A_342 = tpu.memref_slice %arg9[%dma_wait3A_340, %dma_wait3A_341] : memref<2048x128xf32, #tpu.memory_space<vmem_shared>> -> memref<2048x128xf32, #tpu.memory_space<vmem_shared>>
      tpu.wait_indirect_dma semaphore(%run_scoped3A_332 : memref<!tpu.dma_semaphore, #tpu.memory_space<semaphore_mem>>) src(%arg7 : memref<96x128xf32, #tpu.memory_space<vmem>>) dst(%dma_wait3A_342 : memref<2048x128xf32, #tpu.memory_space<vmem_shared>>)
      tpu.yield
    }) : () -> ()
    %mul3A_246 = arith.constant 960 : i32
    %mul3A_247 = arith.muli %arg1, %mul3A_246 : i32
    %add3A_248 = arith.constant 96 : i32
    %add3A_249 = arith.addi %mul3A_247, %add3A_248 : i32
    %mul3A_250 = arith.constant 384 : i32
    %mul3A_251 = arith.muli %arg0, %mul3A_250 : i32
    %add3A_252 = arith.constant 256 : i32
    %add3A_253 = arith.addi %mul3A_251, %add3A_252 : i32
    "tpu.region"() ({
      %run_scoped3A_332 = tpu.sem_alloc : memref<!tpu.dma_semaphore, #tpu.memory_space<semaphore_mem>>
      %dma_start3A = tpu.memref_slice %arg2[%add3A_249, %add3A_253] : memref<15360x768xf32, #tpu.memory_space<hbm>> -> memref<96x128xf32, #tpu.memory_space<hbm>>
      %dma_start3A_333 = tpu.memref_slice %arg2[%add3A_249, %add3A_253] : memref<15360x768xf32, #tpu.memory_space<hbm>> -> memref<96x128xf32, #tpu.memory_space<hbm>>
      tpu.enqueue_dma source(%dma_start3A_333 : memref<96x128xf32, #tpu.memory_space<hbm>>) target(%arg7 : memref<96x128xf32, #tpu.memory_space<vmem>>) target_semaphore(%run_scoped3A_332 : memref<!tpu.dma_semaphore, #tpu.memory_space<semaphore_mem>>)
      %dma_wait3A = tpu.memref_slice %arg2[%add3A_249, %add3A_253] : memref<15360x768xf32, #tpu.memory_space<hbm>> -> memref<96x128xf32, #tpu.memory_space<hbm>>
      %dma_wait3A_334 = tpu.memref_slice %arg2[%add3A_249, %add3A_253] : memref<15360x768xf32, #tpu.memory_space<hbm>> -> memref<96x128xf32, #tpu.memory_space<hbm>>
      tpu.wait_dma2 semaphore(%run_scoped3A_332 : memref<!tpu.dma_semaphore, #tpu.memory_space<semaphore_mem>>) src(%dma_wait3A_334 : memref<96x128xf32, #tpu.memory_space<hbm>>) dst(%arg7 : memref<96x128xf32, #tpu.memory_space<vmem>>)
      tpu.yield
    }) : () -> ()
    %run_scoped3A_254 = arith.constant 1 : i32
    "tpu.region"() ({
      %run_scoped3A_332 = tpu.sem_alloc : memref<!tpu.dma_semaphore, #tpu.memory_space<semaphore_mem>>
      %dma_start3A = arith.constant 0 : i32
      %dma_start3A_333 = tpu.memref_slice %arg6[%run_scoped3A_254, %dma_start3A] : memref<10x96xi32, #tpu.memory_space<vmem>> -> memref<1x96xi32, #tpu.memory_space<vmem>>
      %dma_start3A_334 = tpu.memref_squeeze %dma_start3A_333 : memref<1x96xi32, #tpu.memory_space<vmem>> -> memref<96xi32, #tpu.memory_space<vmem>>
      %dma_start3A_335 = arith.constant 0 : i32
      %dma_start3A_336 = arith.constant 0 : i32
      %dma_start3A_337 = tpu.memref_slice %arg9[%dma_start3A_335, %dma_start3A_336] : memref<2048x128xf32, #tpu.memory_space<vmem_shared>> -> memref<2048x128xf32, #tpu.memory_space<vmem_shared>>
      tpu.enqueue_indirect_dma source(%arg7 : memref<96x128xf32, #tpu.memory_space<vmem>>) target(%dma_start3A_337 : memref<2048x128xf32, #tpu.memory_space<vmem_shared>>) offsets(%dma_start3A_334 : memref<96xi32, #tpu.memory_space<vmem>>) semaphore(%run_scoped3A_332 : memref<!tpu.dma_semaphore, #tpu.memory_space<semaphore_mem>>) {add = true}
      %dma_wait3A = arith.constant 0 : i32
      %dma_wait3A_338 = tpu.memref_slice %arg6[%run_scoped3A_254, %dma_wait3A] : memref<10x96xi32, #tpu.memory_space<vmem>> -> memref<1x96xi32, #tpu.memory_space<vmem>>
      %dma_wait3A_339 = tpu.memref_squeeze %dma_wait3A_338 : memref<1x96xi32, #tpu.memory_space<vmem>> -> memref<96xi32, #tpu.memory_space<vmem>>
      %dma_wait3A_340 = arith.constant 0 : i32
      %dma_wait3A_341 = arith.constant 0 : i32
      %dma_wait3A_342 = tpu.memref_slice %arg9[%dma_wait3A_340, %dma_wait3A_341] : memref<2048x128xf32, #tpu.memory_space<vmem_shared>> -> memref<2048x128xf32, #tpu.memory_space<vmem_shared>>
      tpu.wait_indirect_dma semaphore(%run_scoped3A_332 : memref<!tpu.dma_semaphore, #tpu.memory_space<semaphore_mem>>) src(%arg7 : memref<96x128xf32, #tpu.memory_space<vmem>>) dst(%dma_wait3A_342 : memref<2048x128xf32, #tpu.memory_space<vmem_shared>>)
      tpu.yield
    }) : () -> ()
    %mul3A_255 = arith.constant 960 : i32
    %mul3A_256 = arith.muli %arg1, %mul3A_255 : i32
    %add3A_257 = arith.constant 192 : i32
    %add3A_258 = arith.addi %mul3A_256, %add3A_257 : i32
    %mul3A_259 = arith.constant 384 : i32
    %mul3A_260 = arith.muli %arg0, %mul3A_259 : i32
    %add3A_261 = arith.constant 256 : i32
    %add3A_262 = arith.addi %mul3A_260, %add3A_261 : i32
    "tpu.region"() ({
      %run_scoped3A_332 = tpu.sem_alloc : memref<!tpu.dma_semaphore, #tpu.memory_space<semaphore_mem>>
      %dma_start3A = tpu.memref_slice %arg2[%add3A_258, %add3A_262] : memref<15360x768xf32, #tpu.memory_space<hbm>> -> memref<96x128xf32, #tpu.memory_space<hbm>>
      %dma_start3A_333 = tpu.memref_slice %arg2[%add3A_258, %add3A_262] : memref<15360x768xf32, #tpu.memory_space<hbm>> -> memref<96x128xf32, #tpu.memory_space<hbm>>
      tpu.enqueue_dma source(%dma_start3A_333 : memref<96x128xf32, #tpu.memory_space<hbm>>) target(%arg7 : memref<96x128xf32, #tpu.memory_space<vmem>>) target_semaphore(%run_scoped3A_332 : memref<!tpu.dma_semaphore, #tpu.memory_space<semaphore_mem>>)
      %dma_wait3A = tpu.memref_slice %arg2[%add3A_258, %add3A_262] : memref<15360x768xf32, #tpu.memory_space<hbm>> -> memref<96x128xf32, #tpu.memory_space<hbm>>
      %dma_wait3A_334 = tpu.memref_slice %arg2[%add3A_258, %add3A_262] : memref<15360x768xf32, #tpu.memory_space<hbm>> -> memref<96x128xf32, #tpu.memory_space<hbm>>
      tpu.wait_dma2 semaphore(%run_scoped3A_332 : memref<!tpu.dma_semaphore, #tpu.memory_space<semaphore_mem>>) src(%dma_wait3A_334 : memref<96x128xf32, #tpu.memory_space<hbm>>) dst(%arg7 : memref<96x128xf32, #tpu.memory_space<vmem>>)
      tpu.yield
    }) : () -> ()
    %run_scoped3A_263 = arith.constant 2 : i32
    "tpu.region"() ({
      %run_scoped3A_332 = tpu.sem_alloc : memref<!tpu.dma_semaphore, #tpu.memory_space<semaphore_mem>>
      %dma_start3A = arith.constant 0 : i32
      %dma_start3A_333 = tpu.memref_slice %arg6[%run_scoped3A_263, %dma_start3A] : memref<10x96xi32, #tpu.memory_space<vmem>> -> memref<1x96xi32, #tpu.memory_space<vmem>>
      %dma_start3A_334 = tpu.memref_squeeze %dma_start3A_333 : memref<1x96xi32, #tpu.memory_space<vmem>> -> memref<96xi32, #tpu.memory_space<vmem>>
      %dma_start3A_335 = arith.constant 0 : i32
      %dma_start3A_336 = arith.constant 0 : i32
      %dma_start3A_337 = tpu.memref_slice %arg9[%dma_start3A_335, %dma_start3A_336] : memref<2048x128xf32, #tpu.memory_space<vmem_shared>> -> memref<2048x128xf32, #tpu.memory_space<vmem_shared>>
      tpu.enqueue_indirect_dma source(%arg7 : memref<96x128xf32, #tpu.memory_space<vmem>>) target(%dma_start3A_337 : memref<2048x128xf32, #tpu.memory_space<vmem_shared>>) offsets(%dma_start3A_334 : memref<96xi32, #tpu.memory_space<vmem>>) semaphore(%run_scoped3A_332 : memref<!tpu.dma_semaphore, #tpu.memory_space<semaphore_mem>>) {add = true}
      %dma_wait3A = arith.constant 0 : i32
      %dma_wait3A_338 = tpu.memref_slice %arg6[%run_scoped3A_263, %dma_wait3A] : memref<10x96xi32, #tpu.memory_space<vmem>> -> memref<1x96xi32, #tpu.memory_space<vmem>>
      %dma_wait3A_339 = tpu.memref_squeeze %dma_wait3A_338 : memref<1x96xi32, #tpu.memory_space<vmem>> -> memref<96xi32, #tpu.memory_space<vmem>>
      %dma_wait3A_340 = arith.constant 0 : i32
      %dma_wait3A_341 = arith.constant 0 : i32
      %dma_wait3A_342 = tpu.memref_slice %arg9[%dma_wait3A_340, %dma_wait3A_341] : memref<2048x128xf32, #tpu.memory_space<vmem_shared>> -> memref<2048x128xf32, #tpu.memory_space<vmem_shared>>
      tpu.wait_indirect_dma semaphore(%run_scoped3A_332 : memref<!tpu.dma_semaphore, #tpu.memory_space<semaphore_mem>>) src(%arg7 : memref<96x128xf32, #tpu.memory_space<vmem>>) dst(%dma_wait3A_342 : memref<2048x128xf32, #tpu.memory_space<vmem_shared>>)
      tpu.yield
    }) : () -> ()
    %mul3A_264 = arith.constant 960 : i32
    %mul3A_265 = arith.muli %arg1, %mul3A_264 : i32
    %add3A_266 = arith.constant 288 : i32
    %add3A_267 = arith.addi %mul3A_265, %add3A_266 : i32
    %mul3A_268 = arith.constant 384 : i32
    %mul3A_269 = arith.muli %arg0, %mul3A_268 : i32
    %add3A_270 = arith.constant 256 : i32
    %add3A_271 = arith.addi %mul3A_269, %add3A_270 : i32
    "tpu.region"() ({
      %run_scoped3A_332 = tpu.sem_alloc : memref<!tpu.dma_semaphore, #tpu.memory_space<semaphore_mem>>
      %dma_start3A = tpu.memref_slice %arg2[%add3A_267, %add3A_271] : memref<15360x768xf32, #tpu.memory_space<hbm>> -> memref<96x128xf32, #tpu.memory_space<hbm>>
      %dma_start3A_333 = tpu.memref_slice %arg2[%add3A_267, %add3A_271] : memref<15360x768xf32, #tpu.memory_space<hbm>> -> memref<96x128xf32, #tpu.memory_space<hbm>>
      tpu.enqueue_dma source(%dma_start3A_333 : memref<96x128xf32, #tpu.memory_space<hbm>>) target(%arg7 : memref<96x128xf32, #tpu.memory_space<vmem>>) target_semaphore(%run_scoped3A_332 : memref<!tpu.dma_semaphore, #tpu.memory_space<semaphore_mem>>)
      %dma_wait3A = tpu.memref_slice %arg2[%add3A_267, %add3A_271] : memref<15360x768xf32, #tpu.memory_space<hbm>> -> memref<96x128xf32, #tpu.memory_space<hbm>>
      %dma_wait3A_334 = tpu.memref_slice %arg2[%add3A_267, %add3A_271] : memref<15360x768xf32, #tpu.memory_space<hbm>> -> memref<96x128xf32, #tpu.memory_space<hbm>>
      tpu.wait_dma2 semaphore(%run_scoped3A_332 : memref<!tpu.dma_semaphore, #tpu.memory_space<semaphore_mem>>) src(%dma_wait3A_334 : memref<96x128xf32, #tpu.memory_space<hbm>>) dst(%arg7 : memref<96x128xf32, #tpu.memory_space<vmem>>)
      tpu.yield
    }) : () -> ()
    %run_scoped3A_272 = arith.constant 3 : i32
    "tpu.region"() ({
      %run_scoped3A_332 = tpu.sem_alloc : memref<!tpu.dma_semaphore, #tpu.memory_space<semaphore_mem>>
      %dma_start3A = arith.constant 0 : i32
      %dma_start3A_333 = tpu.memref_slice %arg6[%run_scoped3A_272, %dma_start3A] : memref<10x96xi32, #tpu.memory_space<vmem>> -> memref<1x96xi32, #tpu.memory_space<vmem>>
      %dma_start3A_334 = tpu.memref_squeeze %dma_start3A_333 : memref<1x96xi32, #tpu.memory_space<vmem>> -> memref<96xi32, #tpu.memory_space<vmem>>
      %dma_start3A_335 = arith.constant 0 : i32
      %dma_start3A_336 = arith.constant 0 : i32
      %dma_start3A_337 = tpu.memref_slice %arg9[%dma_start3A_335, %dma_start3A_336] : memref<2048x128xf32, #tpu.memory_space<vmem_shared>> -> memref<2048x128xf32, #tpu.memory_space<vmem_shared>>
      tpu.enqueue_indirect_dma source(%arg7 : memref<96x128xf32, #tpu.memory_space<vmem>>) target(%dma_start3A_337 : memref<2048x128xf32, #tpu.memory_space<vmem_shared>>) offsets(%dma_start3A_334 : memref<96xi32, #tpu.memory_space<vmem>>) semaphore(%run_scoped3A_332 : memref<!tpu.dma_semaphore, #tpu.memory_space<semaphore_mem>>) {add = true}
      %dma_wait3A = arith.constant 0 : i32
      %dma_wait3A_338 = tpu.memref_slice %arg6[%run_scoped3A_272, %dma_wait3A] : memref<10x96xi32, #tpu.memory_space<vmem>> -> memref<1x96xi32, #tpu.memory_space<vmem>>
      %dma_wait3A_339 = tpu.memref_squeeze %dma_wait3A_338 : memref<1x96xi32, #tpu.memory_space<vmem>> -> memref<96xi32, #tpu.memory_space<vmem>>
      %dma_wait3A_340 = arith.constant 0 : i32
      %dma_wait3A_341 = arith.constant 0 : i32
      %dma_wait3A_342 = tpu.memref_slice %arg9[%dma_wait3A_340, %dma_wait3A_341] : memref<2048x128xf32, #tpu.memory_space<vmem_shared>> -> memref<2048x128xf32, #tpu.memory_space<vmem_shared>>
      tpu.wait_indirect_dma semaphore(%run_scoped3A_332 : memref<!tpu.dma_semaphore, #tpu.memory_space<semaphore_mem>>) src(%arg7 : memref<96x128xf32, #tpu.memory_space<vmem>>) dst(%dma_wait3A_342 : memref<2048x128xf32, #tpu.memory_space<vmem_shared>>)
      tpu.yield
    }) : () -> ()
    %mul3A_273 = arith.constant 960 : i32
    %mul3A_274 = arith.muli %arg1, %mul3A_273 : i32
    %add3A_275 = arith.constant 384 : i32
    %add3A_276 = arith.addi %mul3A_274, %add3A_275 : i32
    %mul3A_277 = arith.constant 384 : i32
    %mul3A_278 = arith.muli %arg0, %mul3A_277 : i32
    %add3A_279 = arith.constant 256 : i32
    %add3A_280 = arith.addi %mul3A_278, %add3A_279 : i32
    "tpu.region"() ({
      %run_scoped3A_332 = tpu.sem_alloc : memref<!tpu.dma_semaphore, #tpu.memory_space<semaphore_mem>>
      %dma_start3A = tpu.memref_slice %arg2[%add3A_276, %add3A_280] : memref<15360x768xf32, #tpu.memory_space<hbm>> -> memref<96x128xf32, #tpu.memory_space<hbm>>
      %dma_start3A_333 = tpu.memref_slice %arg2[%add3A_276, %add3A_280] : memref<15360x768xf32, #tpu.memory_space<hbm>> -> memref<96x128xf32, #tpu.memory_space<hbm>>
      tpu.enqueue_dma source(%dma_start3A_333 : memref<96x128xf32, #tpu.memory_space<hbm>>) target(%arg7 : memref<96x128xf32, #tpu.memory_space<vmem>>) target_semaphore(%run_scoped3A_332 : memref<!tpu.dma_semaphore, #tpu.memory_space<semaphore_mem>>)
      %dma_wait3A = tpu.memref_slice %arg2[%add3A_276, %add3A_280] : memref<15360x768xf32, #tpu.memory_space<hbm>> -> memref<96x128xf32, #tpu.memory_space<hbm>>
      %dma_wait3A_334 = tpu.memref_slice %arg2[%add3A_276, %add3A_280] : memref<15360x768xf32, #tpu.memory_space<hbm>> -> memref<96x128xf32, #tpu.memory_space<hbm>>
      tpu.wait_dma2 semaphore(%run_scoped3A_332 : memref<!tpu.dma_semaphore, #tpu.memory_space<semaphore_mem>>) src(%dma_wait3A_334 : memref<96x128xf32, #tpu.memory_space<hbm>>) dst(%arg7 : memref<96x128xf32, #tpu.memory_space<vmem>>)
      tpu.yield
    }) : () -> ()
    %run_scoped3A_281 = arith.constant 4 : i32
    "tpu.region"() ({
      %run_scoped3A_332 = tpu.sem_alloc : memref<!tpu.dma_semaphore, #tpu.memory_space<semaphore_mem>>
      %dma_start3A = arith.constant 0 : i32
      %dma_start3A_333 = tpu.memref_slice %arg6[%run_scoped3A_281, %dma_start3A] : memref<10x96xi32, #tpu.memory_space<vmem>> -> memref<1x96xi32, #tpu.memory_space<vmem>>
      %dma_start3A_334 = tpu.memref_squeeze %dma_start3A_333 : memref<1x96xi32, #tpu.memory_space<vmem>> -> memref<96xi32, #tpu.memory_space<vmem>>
      %dma_start3A_335 = arith.constant 0 : i32
      %dma_start3A_336 = arith.constant 0 : i32
      %dma_start3A_337 = tpu.memref_slice %arg9[%dma_start3A_335, %dma_start3A_336] : memref<2048x128xf32, #tpu.memory_space<vmem_shared>> -> memref<2048x128xf32, #tpu.memory_space<vmem_shared>>
      tpu.enqueue_indirect_dma source(%arg7 : memref<96x128xf32, #tpu.memory_space<vmem>>) target(%dma_start3A_337 : memref<2048x128xf32, #tpu.memory_space<vmem_shared>>) offsets(%dma_start3A_334 : memref<96xi32, #tpu.memory_space<vmem>>) semaphore(%run_scoped3A_332 : memref<!tpu.dma_semaphore, #tpu.memory_space<semaphore_mem>>) {add = true}
      %dma_wait3A = arith.constant 0 : i32
      %dma_wait3A_338 = tpu.memref_slice %arg6[%run_scoped3A_281, %dma_wait3A] : memref<10x96xi32, #tpu.memory_space<vmem>> -> memref<1x96xi32, #tpu.memory_space<vmem>>
      %dma_wait3A_339 = tpu.memref_squeeze %dma_wait3A_338 : memref<1x96xi32, #tpu.memory_space<vmem>> -> memref<96xi32, #tpu.memory_space<vmem>>
      %dma_wait3A_340 = arith.constant 0 : i32
      %dma_wait3A_341 = arith.constant 0 : i32
      %dma_wait3A_342 = tpu.memref_slice %arg9[%dma_wait3A_340, %dma_wait3A_341] : memref<2048x128xf32, #tpu.memory_space<vmem_shared>> -> memref<2048x128xf32, #tpu.memory_space<vmem_shared>>
      tpu.wait_indirect_dma semaphore(%run_scoped3A_332 : memref<!tpu.dma_semaphore, #tpu.memory_space<semaphore_mem>>) src(%arg7 : memref<96x128xf32, #tpu.memory_space<vmem>>) dst(%dma_wait3A_342 : memref<2048x128xf32, #tpu.memory_space<vmem_shared>>)
      tpu.yield
    }) : () -> ()
    %mul3A_282 = arith.constant 960 : i32
    %mul3A_283 = arith.muli %arg1, %mul3A_282 : i32
    %add3A_284 = arith.constant 480 : i32
    %add3A_285 = arith.addi %mul3A_283, %add3A_284 : i32
    %mul3A_286 = arith.constant 384 : i32
    %mul3A_287 = arith.muli %arg0, %mul3A_286 : i32
    %add3A_288 = arith.constant 256 : i32
    %add3A_289 = arith.addi %mul3A_287, %add3A_288 : i32
    "tpu.region"() ({
      %run_scoped3A_332 = tpu.sem_alloc : memref<!tpu.dma_semaphore, #tpu.memory_space<semaphore_mem>>
      %dma_start3A = tpu.memref_slice %arg2[%add3A_285, %add3A_289] : memref<15360x768xf32, #tpu.memory_space<hbm>> -> memref<96x128xf32, #tpu.memory_space<hbm>>
      %dma_start3A_333 = tpu.memref_slice %arg2[%add3A_285, %add3A_289] : memref<15360x768xf32, #tpu.memory_space<hbm>> -> memref<96x128xf32, #tpu.memory_space<hbm>>
      tpu.enqueue_dma source(%dma_start3A_333 : memref<96x128xf32, #tpu.memory_space<hbm>>) target(%arg7 : memref<96x128xf32, #tpu.memory_space<vmem>>) target_semaphore(%run_scoped3A_332 : memref<!tpu.dma_semaphore, #tpu.memory_space<semaphore_mem>>)
      %dma_wait3A = tpu.memref_slice %arg2[%add3A_285, %add3A_289] : memref<15360x768xf32, #tpu.memory_space<hbm>> -> memref<96x128xf32, #tpu.memory_space<hbm>>
      %dma_wait3A_334 = tpu.memref_slice %arg2[%add3A_285, %add3A_289] : memref<15360x768xf32, #tpu.memory_space<hbm>> -> memref<96x128xf32, #tpu.memory_space<hbm>>
      tpu.wait_dma2 semaphore(%run_scoped3A_332 : memref<!tpu.dma_semaphore, #tpu.memory_space<semaphore_mem>>) src(%dma_wait3A_334 : memref<96x128xf32, #tpu.memory_space<hbm>>) dst(%arg7 : memref<96x128xf32, #tpu.memory_space<vmem>>)
      tpu.yield
    }) : () -> ()
    %run_scoped3A_290 = arith.constant 5 : i32
    "tpu.region"() ({
      %run_scoped3A_332 = tpu.sem_alloc : memref<!tpu.dma_semaphore, #tpu.memory_space<semaphore_mem>>
      %dma_start3A = arith.constant 0 : i32
      %dma_start3A_333 = tpu.memref_slice %arg6[%run_scoped3A_290, %dma_start3A] : memref<10x96xi32, #tpu.memory_space<vmem>> -> memref<1x96xi32, #tpu.memory_space<vmem>>
      %dma_start3A_334 = tpu.memref_squeeze %dma_start3A_333 : memref<1x96xi32, #tpu.memory_space<vmem>> -> memref<96xi32, #tpu.memory_space<vmem>>
      %dma_start3A_335 = arith.constant 0 : i32
      %dma_start3A_336 = arith.constant 0 : i32
      %dma_start3A_337 = tpu.memref_slice %arg9[%dma_start3A_335, %dma_start3A_336] : memref<2048x128xf32, #tpu.memory_space<vmem_shared>> -> memref<2048x128xf32, #tpu.memory_space<vmem_shared>>
      tpu.enqueue_indirect_dma source(%arg7 : memref<96x128xf32, #tpu.memory_space<vmem>>) target(%dma_start3A_337 : memref<2048x128xf32, #tpu.memory_space<vmem_shared>>) offsets(%dma_start3A_334 : memref<96xi32, #tpu.memory_space<vmem>>) semaphore(%run_scoped3A_332 : memref<!tpu.dma_semaphore, #tpu.memory_space<semaphore_mem>>) {add = true}
      %dma_wait3A = arith.constant 0 : i32
      %dma_wait3A_338 = tpu.memref_slice %arg6[%run_scoped3A_290, %dma_wait3A] : memref<10x96xi32, #tpu.memory_space<vmem>> -> memref<1x96xi32, #tpu.memory_space<vmem>>
      %dma_wait3A_339 = tpu.memref_squeeze %dma_wait3A_338 : memref<1x96xi32, #tpu.memory_space<vmem>> -> memref<96xi32, #tpu.memory_space<vmem>>
      %dma_wait3A_340 = arith.constant 0 : i32
      %dma_wait3A_341 = arith.constant 0 : i32
      %dma_wait3A_342 = tpu.memref_slice %arg9[%dma_wait3A_340, %dma_wait3A_341] : memref<2048x128xf32, #tpu.memory_space<vmem_shared>> -> memref<2048x128xf32, #tpu.memory_space<vmem_shared>>
      tpu.wait_indirect_dma semaphore(%run_scoped3A_332 : memref<!tpu.dma_semaphore, #tpu.memory_space<semaphore_mem>>) src(%arg7 : memref<96x128xf32, #tpu.memory_space<vmem>>) dst(%dma_wait3A_342 : memref<2048x128xf32, #tpu.memory_space<vmem_shared>>)
      tpu.yield
    }) : () -> ()
    %mul3A_291 = arith.constant 960 : i32
    %mul3A_292 = arith.muli %arg1, %mul3A_291 : i32
    %add3A_293 = arith.constant 576 : i32
    %add3A_294 = arith.addi %mul3A_292, %add3A_293 : i32
    %mul3A_295 = arith.constant 384 : i32
    %mul3A_296 = arith.muli %arg0, %mul3A_295 : i32
    %add3A_297 = arith.constant 256 : i32
    %add3A_298 = arith.addi %mul3A_296, %add3A_297 : i32
    "tpu.region"() ({
      %run_scoped3A_332 = tpu.sem_alloc : memref<!tpu.dma_semaphore, #tpu.memory_space<semaphore_mem>>
      %dma_start3A = tpu.memref_slice %arg2[%add3A_294, %add3A_298] : memref<15360x768xf32, #tpu.memory_space<hbm>> -> memref<96x128xf32, #tpu.memory_space<hbm>>
      %dma_start3A_333 = tpu.memref_slice %arg2[%add3A_294, %add3A_298] : memref<15360x768xf32, #tpu.memory_space<hbm>> -> memref<96x128xf32, #tpu.memory_space<hbm>>
      tpu.enqueue_dma source(%dma_start3A_333 : memref<96x128xf32, #tpu.memory_space<hbm>>) target(%arg7 : memref<96x128xf32, #tpu.memory_space<vmem>>) target_semaphore(%run_scoped3A_332 : memref<!tpu.dma_semaphore, #tpu.memory_space<semaphore_mem>>)
      %dma_wait3A = tpu.memref_slice %arg2[%add3A_294, %add3A_298] : memref<15360x768xf32, #tpu.memory_space<hbm>> -> memref<96x128xf32, #tpu.memory_space<hbm>>
      %dma_wait3A_334 = tpu.memref_slice %arg2[%add3A_294, %add3A_298] : memref<15360x768xf32, #tpu.memory_space<hbm>> -> memref<96x128xf32, #tpu.memory_space<hbm>>
      tpu.wait_dma2 semaphore(%run_scoped3A_332 : memref<!tpu.dma_semaphore, #tpu.memory_space<semaphore_mem>>) src(%dma_wait3A_334 : memref<96x128xf32, #tpu.memory_space<hbm>>) dst(%arg7 : memref<96x128xf32, #tpu.memory_space<vmem>>)
      tpu.yield
    }) : () -> ()
    %run_scoped3A_299 = arith.constant 6 : i32
    "tpu.region"() ({
      %run_scoped3A_332 = tpu.sem_alloc : memref<!tpu.dma_semaphore, #tpu.memory_space<semaphore_mem>>
      %dma_start3A = arith.constant 0 : i32
      %dma_start3A_333 = tpu.memref_slice %arg6[%run_scoped3A_299, %dma_start3A] : memref<10x96xi32, #tpu.memory_space<vmem>> -> memref<1x96xi32, #tpu.memory_space<vmem>>
      %dma_start3A_334 = tpu.memref_squeeze %dma_start3A_333 : memref<1x96xi32, #tpu.memory_space<vmem>> -> memref<96xi32, #tpu.memory_space<vmem>>
      %dma_start3A_335 = arith.constant 0 : i32
      %dma_start3A_336 = arith.constant 0 : i32
      %dma_start3A_337 = tpu.memref_slice %arg9[%dma_start3A_335, %dma_start3A_336] : memref<2048x128xf32, #tpu.memory_space<vmem_shared>> -> memref<2048x128xf32, #tpu.memory_space<vmem_shared>>
      tpu.enqueue_indirect_dma source(%arg7 : memref<96x128xf32, #tpu.memory_space<vmem>>) target(%dma_start3A_337 : memref<2048x128xf32, #tpu.memory_space<vmem_shared>>) offsets(%dma_start3A_334 : memref<96xi32, #tpu.memory_space<vmem>>) semaphore(%run_scoped3A_332 : memref<!tpu.dma_semaphore, #tpu.memory_space<semaphore_mem>>) {add = true}
      %dma_wait3A = arith.constant 0 : i32
      %dma_wait3A_338 = tpu.memref_slice %arg6[%run_scoped3A_299, %dma_wait3A] : memref<10x96xi32, #tpu.memory_space<vmem>> -> memref<1x96xi32, #tpu.memory_space<vmem>>
      %dma_wait3A_339 = tpu.memref_squeeze %dma_wait3A_338 : memref<1x96xi32, #tpu.memory_space<vmem>> -> memref<96xi32, #tpu.memory_space<vmem>>
      %dma_wait3A_340 = arith.constant 0 : i32
      %dma_wait3A_341 = arith.constant 0 : i32
      %dma_wait3A_342 = tpu.memref_slice %arg9[%dma_wait3A_340, %dma_wait3A_341] : memref<2048x128xf32, #tpu.memory_space<vmem_shared>> -> memref<2048x128xf32, #tpu.memory_space<vmem_shared>>
      tpu.wait_indirect_dma semaphore(%run_scoped3A_332 : memref<!tpu.dma_semaphore, #tpu.memory_space<semaphore_mem>>) src(%arg7 : memref<96x128xf32, #tpu.memory_space<vmem>>) dst(%dma_wait3A_342 : memref<2048x128xf32, #tpu.memory_space<vmem_shared>>)
      tpu.yield
    }) : () -> ()
    %mul3A_300 = arith.constant 960 : i32
    %mul3A_301 = arith.muli %arg1, %mul3A_300 : i32
    %add3A_302 = arith.constant 672 : i32
    %add3A_303 = arith.addi %mul3A_301, %add3A_302 : i32
    %mul3A_304 = arith.constant 384 : i32
    %mul3A_305 = arith.muli %arg0, %mul3A_304 : i32
    %add3A_306 = arith.constant 256 : i32
    %add3A_307 = arith.addi %mul3A_305, %add3A_306 : i32
    "tpu.region"() ({
      %run_scoped3A_332 = tpu.sem_alloc : memref<!tpu.dma_semaphore, #tpu.memory_space<semaphore_mem>>
      %dma_start3A = tpu.memref_slice %arg2[%add3A_303, %add3A_307] : memref<15360x768xf32, #tpu.memory_space<hbm>> -> memref<96x128xf32, #tpu.memory_space<hbm>>
      %dma_start3A_333 = tpu.memref_slice %arg2[%add3A_303, %add3A_307] : memref<15360x768xf32, #tpu.memory_space<hbm>> -> memref<96x128xf32, #tpu.memory_space<hbm>>
      tpu.enqueue_dma source(%dma_start3A_333 : memref<96x128xf32, #tpu.memory_space<hbm>>) target(%arg7 : memref<96x128xf32, #tpu.memory_space<vmem>>) target_semaphore(%run_scoped3A_332 : memref<!tpu.dma_semaphore, #tpu.memory_space<semaphore_mem>>)
      %dma_wait3A = tpu.memref_slice %arg2[%add3A_303, %add3A_307] : memref<15360x768xf32, #tpu.memory_space<hbm>> -> memref<96x128xf32, #tpu.memory_space<hbm>>
      %dma_wait3A_334 = tpu.memref_slice %arg2[%add3A_303, %add3A_307] : memref<15360x768xf32, #tpu.memory_space<hbm>> -> memref<96x128xf32, #tpu.memory_space<hbm>>
      tpu.wait_dma2 semaphore(%run_scoped3A_332 : memref<!tpu.dma_semaphore, #tpu.memory_space<semaphore_mem>>) src(%dma_wait3A_334 : memref<96x128xf32, #tpu.memory_space<hbm>>) dst(%arg7 : memref<96x128xf32, #tpu.memory_space<vmem>>)
      tpu.yield
    }) : () -> ()
    %run_scoped3A_308 = arith.constant 7 : i32
    "tpu.region"() ({
      %run_scoped3A_332 = tpu.sem_alloc : memref<!tpu.dma_semaphore, #tpu.memory_space<semaphore_mem>>
      %dma_start3A = arith.constant 0 : i32
      %dma_start3A_333 = tpu.memref_slice %arg6[%run_scoped3A_308, %dma_start3A] : memref<10x96xi32, #tpu.memory_space<vmem>> -> memref<1x96xi32, #tpu.memory_space<vmem>>
      %dma_start3A_334 = tpu.memref_squeeze %dma_start3A_333 : memref<1x96xi32, #tpu.memory_space<vmem>> -> memref<96xi32, #tpu.memory_space<vmem>>
      %dma_start3A_335 = arith.constant 0 : i32
      %dma_start3A_336 = arith.constant 0 : i32
      %dma_start3A_337 = tpu.memref_slice %arg9[%dma_start3A_335, %dma_start3A_336] : memref<2048x128xf32, #tpu.memory_space<vmem_shared>> -> memref<2048x128xf32, #tpu.memory_space<vmem_shared>>
      tpu.enqueue_indirect_dma source(%arg7 : memref<96x128xf32, #tpu.memory_space<vmem>>) target(%dma_start3A_337 : memref<2048x128xf32, #tpu.memory_space<vmem_shared>>) offsets(%dma_start3A_334 : memref<96xi32, #tpu.memory_space<vmem>>) semaphore(%run_scoped3A_332 : memref<!tpu.dma_semaphore, #tpu.memory_space<semaphore_mem>>) {add = true}
      %dma_wait3A = arith.constant 0 : i32
      %dma_wait3A_338 = tpu.memref_slice %arg6[%run_scoped3A_308, %dma_wait3A] : memref<10x96xi32, #tpu.memory_space<vmem>> -> memref<1x96xi32, #tpu.memory_space<vmem>>
      %dma_wait3A_339 = tpu.memref_squeeze %dma_wait3A_338 : memref<1x96xi32, #tpu.memory_space<vmem>> -> memref<96xi32, #tpu.memory_space<vmem>>
      %dma_wait3A_340 = arith.constant 0 : i32
      %dma_wait3A_341 = arith.constant 0 : i32
      %dma_wait3A_342 = tpu.memref_slice %arg9[%dma_wait3A_340, %dma_wait3A_341] : memref<2048x128xf32, #tpu.memory_space<vmem_shared>> -> memref<2048x128xf32, #tpu.memory_space<vmem_shared>>
      tpu.wait_indirect_dma semaphore(%run_scoped3A_332 : memref<!tpu.dma_semaphore, #tpu.memory_space<semaphore_mem>>) src(%arg7 : memref<96x128xf32, #tpu.memory_space<vmem>>) dst(%dma_wait3A_342 : memref<2048x128xf32, #tpu.memory_space<vmem_shared>>)
      tpu.yield
    }) : () -> ()
    %mul3A_309 = arith.constant 960 : i32
    %mul3A_310 = arith.muli %arg1, %mul3A_309 : i32
    %add3A_311 = arith.constant 768 : i32
    %add3A_312 = arith.addi %mul3A_310, %add3A_311 : i32
    %mul3A_313 = arith.constant 384 : i32
    %mul3A_314 = arith.muli %arg0, %mul3A_313 : i32
    %add3A_315 = arith.constant 256 : i32
    %add3A_316 = arith.addi %mul3A_314, %add3A_315 : i32
    "tpu.region"() ({
      %run_scoped3A_332 = tpu.sem_alloc : memref<!tpu.dma_semaphore, #tpu.memory_space<semaphore_mem>>
      %dma_start3A = tpu.memref_slice %arg2[%add3A_312, %add3A_316] : memref<15360x768xf32, #tpu.memory_space<hbm>> -> memref<96x128xf32, #tpu.memory_space<hbm>>
      %dma_start3A_333 = tpu.memref_slice %arg2[%add3A_312, %add3A_316] : memref<15360x768xf32, #tpu.memory_space<hbm>> -> memref<96x128xf32, #tpu.memory_space<hbm>>
      tpu.enqueue_dma source(%dma_start3A_333 : memref<96x128xf32, #tpu.memory_space<hbm>>) target(%arg7 : memref<96x128xf32, #tpu.memory_space<vmem>>) target_semaphore(%run_scoped3A_332 : memref<!tpu.dma_semaphore, #tpu.memory_space<semaphore_mem>>)
      %dma_wait3A = tpu.memref_slice %arg2[%add3A_312, %add3A_316] : memref<15360x768xf32, #tpu.memory_space<hbm>> -> memref<96x128xf32, #tpu.memory_space<hbm>>
      %dma_wait3A_334 = tpu.memref_slice %arg2[%add3A_312, %add3A_316] : memref<15360x768xf32, #tpu.memory_space<hbm>> -> memref<96x128xf32, #tpu.memory_space<hbm>>
      tpu.wait_dma2 semaphore(%run_scoped3A_332 : memref<!tpu.dma_semaphore, #tpu.memory_space<semaphore_mem>>) src(%dma_wait3A_334 : memref<96x128xf32, #tpu.memory_space<hbm>>) dst(%arg7 : memref<96x128xf32, #tpu.memory_space<vmem>>)
      tpu.yield
    }) : () -> ()
    %run_scoped3A_317 = arith.constant 8 : i32
    "tpu.region"() ({
      %run_scoped3A_332 = tpu.sem_alloc : memref<!tpu.dma_semaphore, #tpu.memory_space<semaphore_mem>>
      %dma_start3A = arith.constant 0 : i32
      %dma_start3A_333 = tpu.memref_slice %arg6[%run_scoped3A_317, %dma_start3A] : memref<10x96xi32, #tpu.memory_space<vmem>> -> memref<1x96xi32, #tpu.memory_space<vmem>>
      %dma_start3A_334 = tpu.memref_squeeze %dma_start3A_333 : memref<1x96xi32, #tpu.memory_space<vmem>> -> memref<96xi32, #tpu.memory_space<vmem>>
      %dma_start3A_335 = arith.constant 0 : i32
      %dma_start3A_336 = arith.constant 0 : i32
      %dma_start3A_337 = tpu.memref_slice %arg9[%dma_start3A_335, %dma_start3A_336] : memref<2048x128xf32, #tpu.memory_space<vmem_shared>> -> memref<2048x128xf32, #tpu.memory_space<vmem_shared>>
      tpu.enqueue_indirect_dma source(%arg7 : memref<96x128xf32, #tpu.memory_space<vmem>>) target(%dma_start3A_337 : memref<2048x128xf32, #tpu.memory_space<vmem_shared>>) offsets(%dma_start3A_334 : memref<96xi32, #tpu.memory_space<vmem>>) semaphore(%run_scoped3A_332 : memref<!tpu.dma_semaphore, #tpu.memory_space<semaphore_mem>>) {add = true}
      %dma_wait3A = arith.constant 0 : i32
      %dma_wait3A_338 = tpu.memref_slice %arg6[%run_scoped3A_317, %dma_wait3A] : memref<10x96xi32, #tpu.memory_space<vmem>> -> memref<1x96xi32, #tpu.memory_space<vmem>>
      %dma_wait3A_339 = tpu.memref_squeeze %dma_wait3A_338 : memref<1x96xi32, #tpu.memory_space<vmem>> -> memref<96xi32, #tpu.memory_space<vmem>>
      %dma_wait3A_340 = arith.constant 0 : i32
      %dma_wait3A_341 = arith.constant 0 : i32
      %dma_wait3A_342 = tpu.memref_slice %arg9[%dma_wait3A_340, %dma_wait3A_341] : memref<2048x128xf32, #tpu.memory_space<vmem_shared>> -> memref<2048x128xf32, #tpu.memory_space<vmem_shared>>
      tpu.wait_indirect_dma semaphore(%run_scoped3A_332 : memref<!tpu.dma_semaphore, #tpu.memory_space<semaphore_mem>>) src(%arg7 : memref<96x128xf32, #tpu.memory_space<vmem>>) dst(%dma_wait3A_342 : memref<2048x128xf32, #tpu.memory_space<vmem_shared>>)
      tpu.yield
    }) : () -> ()
    %mul3A_318 = arith.constant 960 : i32
    %mul3A_319 = arith.muli %arg1, %mul3A_318 : i32
    %add3A_320 = arith.constant 864 : i32
    %add3A_321 = arith.addi %mul3A_319, %add3A_320 : i32
    %mul3A_322 = arith.constant 384 : i32
    %mul3A_323 = arith.muli %arg0, %mul3A_322 : i32
    %add3A_324 = arith.constant 256 : i32
    %add3A_325 = arith.addi %mul3A_323, %add3A_324 : i32
    "tpu.region"() ({
      %run_scoped3A_332 = tpu.sem_alloc : memref<!tpu.dma_semaphore, #tpu.memory_space<semaphore_mem>>
      %dma_start3A = tpu.memref_slice %arg2[%add3A_321, %add3A_325] : memref<15360x768xf32, #tpu.memory_space<hbm>> -> memref<96x128xf32, #tpu.memory_space<hbm>>
      %dma_start3A_333 = tpu.memref_slice %arg2[%add3A_321, %add3A_325] : memref<15360x768xf32, #tpu.memory_space<hbm>> -> memref<96x128xf32, #tpu.memory_space<hbm>>
      tpu.enqueue_dma source(%dma_start3A_333 : memref<96x128xf32, #tpu.memory_space<hbm>>) target(%arg7 : memref<96x128xf32, #tpu.memory_space<vmem>>) target_semaphore(%run_scoped3A_332 : memref<!tpu.dma_semaphore, #tpu.memory_space<semaphore_mem>>)
      %dma_wait3A = tpu.memref_slice %arg2[%add3A_321, %add3A_325] : memref<15360x768xf32, #tpu.memory_space<hbm>> -> memref<96x128xf32, #tpu.memory_space<hbm>>
      %dma_wait3A_334 = tpu.memref_slice %arg2[%add3A_321, %add3A_325] : memref<15360x768xf32, #tpu.memory_space<hbm>> -> memref<96x128xf32, #tpu.memory_space<hbm>>
      tpu.wait_dma2 semaphore(%run_scoped3A_332 : memref<!tpu.dma_semaphore, #tpu.memory_space<semaphore_mem>>) src(%dma_wait3A_334 : memref<96x128xf32, #tpu.memory_space<hbm>>) dst(%arg7 : memref<96x128xf32, #tpu.memory_space<vmem>>)
      tpu.yield
    }) : () -> ()
    %run_scoped3A_326 = arith.constant 9 : i32
    "tpu.region"() ({
      %run_scoped3A_332 = tpu.sem_alloc : memref<!tpu.dma_semaphore, #tpu.memory_space<semaphore_mem>>
      %dma_start3A = arith.constant 0 : i32
      %dma_start3A_333 = tpu.memref_slice %arg6[%run_scoped3A_326, %dma_start3A] : memref<10x96xi32, #tpu.memory_space<vmem>> -> memref<1x96xi32, #tpu.memory_space<vmem>>
      %dma_start3A_334 = tpu.memref_squeeze %dma_start3A_333 : memref<1x96xi32, #tpu.memory_space<vmem>> -> memref<96xi32, #tpu.memory_space<vmem>>
      %dma_start3A_335 = arith.constant 0 : i32
      %dma_start3A_336 = arith.constant 0 : i32
      %dma_start3A_337 = tpu.memref_slice %arg9[%dma_start3A_335, %dma_start3A_336] : memref<2048x128xf32, #tpu.memory_space<vmem_shared>> -> memref<2048x128xf32, #tpu.memory_space<vmem_shared>>
      tpu.enqueue_indirect_dma source(%arg7 : memref<96x128xf32, #tpu.memory_space<vmem>>) target(%dma_start3A_337 : memref<2048x128xf32, #tpu.memory_space<vmem_shared>>) offsets(%dma_start3A_334 : memref<96xi32, #tpu.memory_space<vmem>>) semaphore(%run_scoped3A_332 : memref<!tpu.dma_semaphore, #tpu.memory_space<semaphore_mem>>) {add = true}
      %dma_wait3A = arith.constant 0 : i32
      %dma_wait3A_338 = tpu.memref_slice %arg6[%run_scoped3A_326, %dma_wait3A] : memref<10x96xi32, #tpu.memory_space<vmem>> -> memref<1x96xi32, #tpu.memory_space<vmem>>
      %dma_wait3A_339 = tpu.memref_squeeze %dma_wait3A_338 : memref<1x96xi32, #tpu.memory_space<vmem>> -> memref<96xi32, #tpu.memory_space<vmem>>
      %dma_wait3A_340 = arith.constant 0 : i32
      %dma_wait3A_341 = arith.constant 0 : i32
      %dma_wait3A_342 = tpu.memref_slice %arg9[%dma_wait3A_340, %dma_wait3A_341] : memref<2048x128xf32, #tpu.memory_space<vmem_shared>> -> memref<2048x128xf32, #tpu.memory_space<vmem_shared>>
      tpu.wait_indirect_dma semaphore(%run_scoped3A_332 : memref<!tpu.dma_semaphore, #tpu.memory_space<semaphore_mem>>) src(%arg7 : memref<96x128xf32, #tpu.memory_space<vmem>>) dst(%dma_wait3A_342 : memref<2048x128xf32, #tpu.memory_space<vmem_shared>>)
      tpu.yield
    }) : () -> ()
    %barrier3A_327 = arith.constant 0 : index
    tpu.barrier barrier_id(%barrier3A_327)
    %mul3A_328 = arith.constant 128 : i32
    %mul3A_329 = arith.muli %arg1, %mul3A_328 : i32
    "tpu.region"() ({
      %run_scoped3A_332 = tpu.sem_alloc : memref<!tpu.dma_semaphore, #tpu.memory_space<semaphore_mem>>
      %dma_start3A = arith.constant 0 : i32
      %dma_start3A_333 = tpu.memref_slice %arg9[%mul3A_329, %dma_start3A] : memref<2048x128xf32, #tpu.memory_space<vmem_shared>> -> memref<128x128xf32, #tpu.memory_space<vmem_shared>>
      %dma_start3A_334 = arith.constant 0 : i32
      %dma_start3A_335 = tpu.memref_slice %arg9[%mul3A_329, %dma_start3A_334] : memref<2048x128xf32, #tpu.memory_space<vmem_shared>> -> memref<128x128xf32, #tpu.memory_space<vmem_shared>>
      tpu.enqueue_dma source(%dma_start3A_335 : memref<128x128xf32, #tpu.memory_space<vmem_shared>>) target(%arg8 : memref<128x128xf32, #tpu.memory_space<vmem>>) target_semaphore(%run_scoped3A_332 : memref<!tpu.dma_semaphore, #tpu.memory_space<semaphore_mem>>)
      %dma_wait3A = arith.constant 0 : i32
      %dma_wait3A_336 = tpu.memref_slice %arg9[%mul3A_329, %dma_wait3A] : memref<2048x128xf32, #tpu.memory_space<vmem_shared>> -> memref<128x128xf32, #tpu.memory_space<vmem_shared>>
      %dma_wait3A_337 = arith.constant 0 : i32
      %dma_wait3A_338 = tpu.memref_slice %arg9[%mul3A_329, %dma_wait3A_337] : memref<2048x128xf32, #tpu.memory_space<vmem_shared>> -> memref<128x128xf32, #tpu.memory_space<vmem_shared>>
      tpu.wait_dma2 semaphore(%run_scoped3A_332 : memref<!tpu.dma_semaphore, #tpu.memory_space<semaphore_mem>>) src(%dma_wait3A_338 : memref<128x128xf32, #tpu.memory_space<vmem_shared>>) dst(%arg8 : memref<128x128xf32, #tpu.memory_space<vmem>>)
      tpu.yield
    }) : () -> ()
    %mul3A_330 = arith.constant 128 : i32
    %mul3A_331 = arith.muli %arg1, %mul3A_330 : i32
    "tpu.region"() ({
      %run_scoped3A_332 = tpu.sem_alloc : memref<!tpu.dma_semaphore, #tpu.memory_space<semaphore_mem>>
      %dma_start3A = arith.constant 256 : i32
      %dma_start3A_333 = tpu.memref_slice %arg5[%arg0, %mul3A_331, %dma_start3A] : memref<2x2048x384xf32, #tpu.memory_space<hbm>> -> memref<1x128x128xf32, #tpu.memory_space<hbm>>
      %dma_start3A_334 = tpu.memref_squeeze %dma_start3A_333 : memref<1x128x128xf32, #tpu.memory_space<hbm>> -> memref<128x128xf32, #tpu.memory_space<hbm>>
      %dma_start3A_335 = arith.constant 256 : i32
      %dma_start3A_336 = tpu.memref_slice %arg5[%arg0, %mul3A_331, %dma_start3A_335] : memref<2x2048x384xf32, #tpu.memory_space<hbm>> -> memref<1x128x128xf32, #tpu.memory_space<hbm>>
      %dma_start3A_337 = tpu.memref_squeeze %dma_start3A_336 : memref<1x128x128xf32, #tpu.memory_space<hbm>> -> memref<128x128xf32, #tpu.memory_space<hbm>>
      tpu.enqueue_dma source(%arg8 : memref<128x128xf32, #tpu.memory_space<vmem>>) target(%dma_start3A_337 : memref<128x128xf32, #tpu.memory_space<hbm>>) target_semaphore(%run_scoped3A_332 : memref<!tpu.dma_semaphore, #tpu.memory_space<semaphore_mem>>)
      %dma_wait3A = arith.constant 256 : i32
      %dma_wait3A_338 = tpu.memref_slice %arg5[%arg0, %mul3A_331, %dma_wait3A] : memref<2x2048x384xf32, #tpu.memory_space<hbm>> -> memref<1x128x128xf32, #tpu.memory_space<hbm>>
      %dma_wait3A_339 = tpu.memref_squeeze %dma_wait3A_338 : memref<1x128x128xf32, #tpu.memory_space<hbm>> -> memref<128x128xf32, #tpu.memory_space<hbm>>
      %dma_wait3A_340 = arith.constant 256 : i32
      %dma_wait3A_341 = tpu.memref_slice %arg5[%arg0, %mul3A_331, %dma_wait3A_340] : memref<2x2048x384xf32, #tpu.memory_space<hbm>> -> memref<1x128x128xf32, #tpu.memory_space<hbm>>
      %dma_wait3A_342 = tpu.memref_squeeze %dma_wait3A_341 : memref<1x128x128xf32, #tpu.memory_space<hbm>> -> memref<128x128xf32, #tpu.memory_space<hbm>>
      tpu.wait_dma2 semaphore(%run_scoped3A_332 : memref<!tpu.dma_semaphore, #tpu.memory_space<semaphore_mem>>) src(%arg8 : memref<128x128xf32, #tpu.memory_space<vmem>>) dst(%dma_wait3A_342 : memref<128x128xf32, #tpu.memory_space<hbm>>)
      tpu.yield
    }) : () -> ()
    return
  }
}

module attributes {stable_mosaic.version = 14 : i64} {
  func.func @_dispatch_kernel(%arg0: memref<2048x768xf32, #tpu.memory_space<vmem>>, %arg1: memref<768x24xf32, #tpu.memory_space<vmem>>, %arg2: memref<24x768xf32, #tpu.memory_space<vmem>>, %arg3: memref<2x768xf32, #tpu.memory_space<vmem>>, %arg4: memref<2048x6xi32, #tpu.memory_space<vmem>>, %arg5: memref<2048x6xf32, #tpu.memory_space<vmem>>, %arg6: memref<128x1xi32, #tpu.memory_space<vmem>>, %arg7: memref<2048x768xf32, #tpu.memory_space<vmem>>) attributes {dimension_semantics = [], scalar_prefetch = 0 : i64, scratch_operands = 0 : i64, tpu.core_type = #tpu.core_type<tc>} {
    %get3A = arith.constant 0 : index
    %get3A_0 = arith.constant 0 : index
    %get3A_1 = vector.load %arg0[%get3A, %get3A_0] : memref<2048x768xf32, #tpu.memory_space<vmem>>, vector<2048x768xf32>
    %get3A_2 = arith.constant 0 : index
    %get3A_3 = arith.constant 0 : index
    %get3A_4 = vector.load %arg1[%get3A_2, %get3A_3] : memref<768x24xf32, #tpu.memory_space<vmem>>, vector<768x24xf32>
    %dot_general3A = arith.constant dense<0.000000e+00> : vector<2048x24xf32>
    %dot_general3A_5 = tpu.matmul %get3A_1, %get3A_4, %dot_general3A {dimension_numbers = #tpu.dot_dimension_numbers<[1], [0], [0], [1], [0, 0, 1, 1], [], []>, transpose_lhs_hint = false} : vector<2048x768xf32>, vector<768x24xf32>, vector<2048x24xf32> -> vector<2048x24xf32>
    %logistic3A = arith.negf %dot_general3A_5 : vector<2048x24xf32>
    %logistic3A_6 = math.exp %logistic3A : vector<2048x24xf32>
    %logistic3A_7 = arith.constant 1.000000e+00 : f32
    %logistic3A_8 = vector.broadcast %logistic3A_7 : f32 to vector<2048x24xf32>
    %logistic3A_9 = arith.addf %logistic3A_8, %logistic3A_6 : vector<2048x24xf32>
    %logistic3A_10 = arith.divf %logistic3A_8, %logistic3A_9 : vector<2048x24xf32>
    %iota3A = tpu.iota {dimensions = array<i32: 1>} : vector<2048x24xi32>
    %broadcast_in_dim3A = arith.constant false
    %broadcast_in_dim3A_11 = vector.broadcast %broadcast_in_dim3A : i1 to vector<2048x24xi1>
    %reduce_max3A = arith.constant dense<0xFF800000> : vector<2048xf32>
    %reduce_max3A_12 = vector.multi_reduction <maximumf>, %logistic3A_10, %reduce_max3A [1] : vector<2048x24xf32> to vector<2048xf32>
    %broadcast_in_dim3A_13 = vector.shape_cast %reduce_max3A_12 : vector<2048xf32> to vector<2048x1xf32>
    %eq3A = vector.broadcast %broadcast_in_dim3A_13 : vector<2048x1xf32> to vector<2048x24xf32>
    %eq3A_14 = arith.cmpf oeq, %logistic3A_10, %eq3A : vector<2048x24xf32>
    %jit3A = arith.constant 24 : i32
    %broadcast_in_dim3A_15 = vector.broadcast %jit3A : i32 to vector<2048x24xi32>
    %select_n3A = arith.select %eq3A_14, %iota3A, %broadcast_in_dim3A_15 : vector<2048x24xi1>, vector<2048x24xi32>
    %reduce_min3A = arith.constant dense<2147483647> : vector<2048xi32>
    %reduce_min3A_16 = vector.multi_reduction <minsi>, %select_n3A, %reduce_min3A [1] : vector<2048x24xi32> to vector<2048xi32>
    %broadcast_in_dim3A_17 = vector.shape_cast %reduce_min3A_16 : vector<2048xi32> to vector<2048x1xi32>
    %eq3A_18 = vector.broadcast %broadcast_in_dim3A_17 : vector<2048x1xi32> to vector<2048x24xi32>
    %eq3A_19 = arith.cmpi eq, %iota3A, %eq3A_18 : vector<2048x24xi32>
    %or3A = arith.ori %broadcast_in_dim3A_11, %eq3A_19 : vector<2048x24xi1>
    %jit3A_20 = arith.constant -1.000000e+30 : f32
    %broadcast_in_dim3A_21 = vector.broadcast %jit3A_20 : f32 to vector<2048x24xf32>
    %select_n3A_22 = arith.select %eq3A_19, %broadcast_in_dim3A_21, %logistic3A_10 : vector<2048x24xi1>, vector<2048x24xf32>
    %reduce_max3A_23 = arith.constant dense<0xFF800000> : vector<2048xf32>
    %reduce_max3A_24 = vector.multi_reduction <maximumf>, %select_n3A_22, %reduce_max3A_23 [1] : vector<2048x24xf32> to vector<2048xf32>
    %broadcast_in_dim3A_25 = vector.shape_cast %reduce_max3A_24 : vector<2048xf32> to vector<2048x1xf32>
    %eq3A_26 = vector.broadcast %broadcast_in_dim3A_25 : vector<2048x1xf32> to vector<2048x24xf32>
    %eq3A_27 = arith.cmpf oeq, %select_n3A_22, %eq3A_26 : vector<2048x24xf32>
    %jit3A_28 = arith.constant 24 : i32
    %broadcast_in_dim3A_29 = vector.broadcast %jit3A_28 : i32 to vector<2048x24xi32>
    %select_n3A_30 = arith.select %eq3A_27, %iota3A, %broadcast_in_dim3A_29 : vector<2048x24xi1>, vector<2048x24xi32>
    %reduce_min3A_31 = arith.constant dense<2147483647> : vector<2048xi32>
    %reduce_min3A_32 = vector.multi_reduction <minsi>, %select_n3A_30, %reduce_min3A_31 [1] : vector<2048x24xi32> to vector<2048xi32>
    %broadcast_in_dim3A_33 = vector.shape_cast %reduce_min3A_32 : vector<2048xi32> to vector<2048x1xi32>
    %eq3A_34 = vector.broadcast %broadcast_in_dim3A_33 : vector<2048x1xi32> to vector<2048x24xi32>
    %eq3A_35 = arith.cmpi eq, %iota3A, %eq3A_34 : vector<2048x24xi32>
    %or3A_36 = arith.ori %or3A, %eq3A_35 : vector<2048x24xi1>
    %jit3A_37 = arith.constant -1.000000e+30 : f32
    %broadcast_in_dim3A_38 = vector.broadcast %jit3A_37 : f32 to vector<2048x24xf32>
    %select_n3A_39 = arith.select %eq3A_35, %broadcast_in_dim3A_38, %select_n3A_22 : vector<2048x24xi1>, vector<2048x24xf32>
    %reduce_max3A_40 = arith.constant dense<0xFF800000> : vector<2048xf32>
    %reduce_max3A_41 = vector.multi_reduction <maximumf>, %select_n3A_39, %reduce_max3A_40 [1] : vector<2048x24xf32> to vector<2048xf32>
    %broadcast_in_dim3A_42 = vector.shape_cast %reduce_max3A_41 : vector<2048xf32> to vector<2048x1xf32>
    %eq3A_43 = vector.broadcast %broadcast_in_dim3A_42 : vector<2048x1xf32> to vector<2048x24xf32>
    %eq3A_44 = arith.cmpf oeq, %select_n3A_39, %eq3A_43 : vector<2048x24xf32>
    %jit3A_45 = arith.constant 24 : i32
    %broadcast_in_dim3A_46 = vector.broadcast %jit3A_45 : i32 to vector<2048x24xi32>
    %select_n3A_47 = arith.select %eq3A_44, %iota3A, %broadcast_in_dim3A_46 : vector<2048x24xi1>, vector<2048x24xi32>
    %reduce_min3A_48 = arith.constant dense<2147483647> : vector<2048xi32>
    %reduce_min3A_49 = vector.multi_reduction <minsi>, %select_n3A_47, %reduce_min3A_48 [1] : vector<2048x24xi32> to vector<2048xi32>
    %broadcast_in_dim3A_50 = vector.shape_cast %reduce_min3A_49 : vector<2048xi32> to vector<2048x1xi32>
    %eq3A_51 = vector.broadcast %broadcast_in_dim3A_50 : vector<2048x1xi32> to vector<2048x24xi32>
    %eq3A_52 = arith.cmpi eq, %iota3A, %eq3A_51 : vector<2048x24xi32>
    %or3A_53 = arith.ori %or3A_36, %eq3A_52 : vector<2048x24xi1>
    %jit3A_54 = arith.constant -1.000000e+30 : f32
    %broadcast_in_dim3A_55 = vector.broadcast %jit3A_54 : f32 to vector<2048x24xf32>
    %select_n3A_56 = arith.select %eq3A_52, %broadcast_in_dim3A_55, %select_n3A_39 : vector<2048x24xi1>, vector<2048x24xf32>
    %reduce_max3A_57 = arith.constant dense<0xFF800000> : vector<2048xf32>
    %reduce_max3A_58 = vector.multi_reduction <maximumf>, %select_n3A_56, %reduce_max3A_57 [1] : vector<2048x24xf32> to vector<2048xf32>
    %broadcast_in_dim3A_59 = vector.shape_cast %reduce_max3A_58 : vector<2048xf32> to vector<2048x1xf32>
    %eq3A_60 = vector.broadcast %broadcast_in_dim3A_59 : vector<2048x1xf32> to vector<2048x24xf32>
    %eq3A_61 = arith.cmpf oeq, %select_n3A_56, %eq3A_60 : vector<2048x24xf32>
    %jit3A_62 = arith.constant 24 : i32
    %broadcast_in_dim3A_63 = vector.broadcast %jit3A_62 : i32 to vector<2048x24xi32>
    %select_n3A_64 = arith.select %eq3A_61, %iota3A, %broadcast_in_dim3A_63 : vector<2048x24xi1>, vector<2048x24xi32>
    %reduce_min3A_65 = arith.constant dense<2147483647> : vector<2048xi32>
    %reduce_min3A_66 = vector.multi_reduction <minsi>, %select_n3A_64, %reduce_min3A_65 [1] : vector<2048x24xi32> to vector<2048xi32>
    %broadcast_in_dim3A_67 = vector.shape_cast %reduce_min3A_66 : vector<2048xi32> to vector<2048x1xi32>
    %eq3A_68 = vector.broadcast %broadcast_in_dim3A_67 : vector<2048x1xi32> to vector<2048x24xi32>
    %eq3A_69 = arith.cmpi eq, %iota3A, %eq3A_68 : vector<2048x24xi32>
    %or3A_70 = arith.ori %or3A_53, %eq3A_69 : vector<2048x24xi1>
    %jit3A_71 = arith.constant -1.000000e+30 : f32
    %broadcast_in_dim3A_72 = vector.broadcast %jit3A_71 : f32 to vector<2048x24xf32>
    %select_n3A_73 = arith.select %eq3A_69, %broadcast_in_dim3A_72, %select_n3A_56 : vector<2048x24xi1>, vector<2048x24xf32>
    %reduce_max3A_74 = arith.constant dense<0xFF800000> : vector<2048xf32>
    %reduce_max3A_75 = vector.multi_reduction <maximumf>, %select_n3A_73, %reduce_max3A_74 [1] : vector<2048x24xf32> to vector<2048xf32>
    %broadcast_in_dim3A_76 = vector.shape_cast %reduce_max3A_75 : vector<2048xf32> to vector<2048x1xf32>
    %eq3A_77 = vector.broadcast %broadcast_in_dim3A_76 : vector<2048x1xf32> to vector<2048x24xf32>
    %eq3A_78 = arith.cmpf oeq, %select_n3A_73, %eq3A_77 : vector<2048x24xf32>
    %jit3A_79 = arith.constant 24 : i32
    %broadcast_in_dim3A_80 = vector.broadcast %jit3A_79 : i32 to vector<2048x24xi32>
    %select_n3A_81 = arith.select %eq3A_78, %iota3A, %broadcast_in_dim3A_80 : vector<2048x24xi1>, vector<2048x24xi32>
    %reduce_min3A_82 = arith.constant dense<2147483647> : vector<2048xi32>
    %reduce_min3A_83 = vector.multi_reduction <minsi>, %select_n3A_81, %reduce_min3A_82 [1] : vector<2048x24xi32> to vector<2048xi32>
    %broadcast_in_dim3A_84 = vector.shape_cast %reduce_min3A_83 : vector<2048xi32> to vector<2048x1xi32>
    %eq3A_85 = vector.broadcast %broadcast_in_dim3A_84 : vector<2048x1xi32> to vector<2048x24xi32>
    %eq3A_86 = arith.cmpi eq, %iota3A, %eq3A_85 : vector<2048x24xi32>
    %or3A_87 = arith.ori %or3A_70, %eq3A_86 : vector<2048x24xi1>
    %jit3A_88 = arith.constant -1.000000e+30 : f32
    %broadcast_in_dim3A_89 = vector.broadcast %jit3A_88 : f32 to vector<2048x24xf32>
    %select_n3A_90 = arith.select %eq3A_86, %broadcast_in_dim3A_89, %select_n3A_73 : vector<2048x24xi1>, vector<2048x24xf32>
    %reduce_max3A_91 = arith.constant dense<0xFF800000> : vector<2048xf32>
    %reduce_max3A_92 = vector.multi_reduction <maximumf>, %select_n3A_90, %reduce_max3A_91 [1] : vector<2048x24xf32> to vector<2048xf32>
    %broadcast_in_dim3A_93 = vector.shape_cast %reduce_max3A_92 : vector<2048xf32> to vector<2048x1xf32>
    %eq3A_94 = vector.broadcast %broadcast_in_dim3A_93 : vector<2048x1xf32> to vector<2048x24xf32>
    %eq3A_95 = arith.cmpf oeq, %select_n3A_90, %eq3A_94 : vector<2048x24xf32>
    %jit3A_96 = arith.constant 24 : i32
    %broadcast_in_dim3A_97 = vector.broadcast %jit3A_96 : i32 to vector<2048x24xi32>
    %select_n3A_98 = arith.select %eq3A_95, %iota3A, %broadcast_in_dim3A_97 : vector<2048x24xi1>, vector<2048x24xi32>
    %reduce_min3A_99 = arith.constant dense<2147483647> : vector<2048xi32>
    %reduce_min3A_100 = vector.multi_reduction <minsi>, %select_n3A_98, %reduce_min3A_99 [1] : vector<2048x24xi32> to vector<2048xi32>
    %broadcast_in_dim3A_101 = vector.shape_cast %reduce_min3A_100 : vector<2048xi32> to vector<2048x1xi32>
    %eq3A_102 = vector.broadcast %broadcast_in_dim3A_101 : vector<2048x1xi32> to vector<2048x24xi32>
    %eq3A_103 = arith.cmpi eq, %iota3A, %eq3A_102 : vector<2048x24xi32>
    %or3A_104 = arith.ori %or3A_87, %eq3A_103 : vector<2048x24xi1>
    %jit3A_105 = arith.constant 0.000000e+00 : f32
    %broadcast_in_dim3A_106 = vector.broadcast %jit3A_105 : f32 to vector<2048x24xf32>
    %select_n3A_107 = arith.select %or3A_104, %logistic3A_10, %broadcast_in_dim3A_106 : vector<2048x24xi1>, vector<2048x24xf32>
    %reduce_sum3A = arith.constant dense<0.000000e+00> : vector<2048xf32>
    %reduce_sum3A_108 = vector.multi_reduction <add>, %select_n3A_107, %reduce_sum3A [1] : vector<2048x24xf32> to vector<2048xf32>
    %broadcast_in_dim3A_109 = vector.shape_cast %reduce_sum3A_108 : vector<2048xf32> to vector<2048x1xf32>
    %add3A = arith.constant 9.99999971E-10 : f32
    %add3A_110 = vector.broadcast %add3A : f32 to vector<2048x1xf32>
    %add3A_111 = arith.addf %broadcast_in_dim3A_109, %add3A_110 : vector<2048x1xf32>
    %div3A = vector.broadcast %add3A_111 : vector<2048x1xf32> to vector<2048x24xf32>
    %div3A_112 = arith.divf %select_n3A_107, %div3A : vector<2048x24xf32>
    %get3A_113 = arith.constant 0 : index
    %get3A_114 = arith.constant 0 : index
    %get3A_115 = vector.load %arg3[%get3A_113, %get3A_114] : memref<2x768xf32, #tpu.memory_space<vmem>>, vector<2x768xf32>
    %reduce_sum3A_116 = arith.constant dense<0.000000e+00> : vector<768xf32>
    %reduce_sum3A_117 = vector.multi_reduction <add>, %get3A_115, %reduce_sum3A_116 [0] : vector<2x768xf32> to vector<768xf32>
    %broadcast_in_dim3A_118 = vector.shape_cast %reduce_sum3A_117 : vector<768xf32> to vector<1x768xf32>
    %get3A_119 = arith.constant 0 : index
    %get3A_120 = arith.constant 0 : index
    %get3A_121 = vector.load %arg2[%get3A_119, %get3A_120] : memref<24x768xf32, #tpu.memory_space<vmem>>, vector<24x768xf32>
    %dot_general3A_122 = arith.constant dense<0.000000e+00> : vector<2048x768xf32>
    %dot_general3A_123 = tpu.matmul %div3A_112, %get3A_121, %dot_general3A_122 {dimension_numbers = #tpu.dot_dimension_numbers<[1], [0], [0], [1], [0, 0, 1, 1], [], []>, transpose_lhs_hint = false} : vector<2048x24xf32>, vector<24x768xf32>, vector<2048x768xf32> -> vector<2048x768xf32>
    %add3A_124 = vector.broadcast %broadcast_in_dim3A_118 : vector<1x768xf32> to vector<2048x768xf32>
    %add3A_125 = arith.addf %dot_general3A_123, %add3A_124 : vector<2048x768xf32>
    %swap3A = arith.constant 0 : index
    %swap3A_126 = arith.constant 0 : index
    %swap3A_127 = vector.load %arg7[%swap3A, %swap3A_126] : memref<2048x768xf32, #tpu.memory_space<vmem>>, vector<2048x768xf32>
    tpu.vector_store %arg7[%swap3A, %swap3A_126], %add3A_125 {strides = array<i32>} : memref<2048x768xf32, #tpu.memory_space<vmem>>, vector<2048x768xf32>,
    %convert_element_type3A = arith.extui %or3A_104 : vector<2048x24xi1> to vector<2048x24xi32>
    %convert_element_type3A_128 = arith.sitofp %convert_element_type3A : vector<2048x24xi32> to vector<2048x24xf32>
    %iota3A_129 = tpu.iota {dimensions = array<i32: 0>} : vector<2048x2048xi32>
    %iota3A_130 = tpu.iota {dimensions = array<i32: 1>} : vector<2048x2048xi32>
    %lt3A = arith.cmpi slt, %iota3A_130, %iota3A_129 : vector<2048x2048xi32>
    %jit3A_131 = arith.constant 1.000000e+00 : f32
    %jit3A_132 = arith.constant 0.000000e+00 : f32
    %broadcast_in_dim3A_133 = vector.broadcast %jit3A_131 : f32 to vector<2048x2048xf32>
    %broadcast_in_dim3A_134 = vector.broadcast %jit3A_132 : f32 to vector<2048x2048xf32>
    %select_n3A_135 = arith.select %lt3A, %broadcast_in_dim3A_133, %broadcast_in_dim3A_134 : vector<2048x2048xi1>, vector<2048x2048xf32>
    %dot_general3A_136 = arith.constant dense<0.000000e+00> : vector<2048x24xf32>
    %dot_general3A_137 = tpu.matmul %select_n3A_135, %convert_element_type3A_128, %dot_general3A_136 {dimension_numbers = #tpu.dot_dimension_numbers<[1], [0], [0], [1], [0, 0, 1, 1], [], []>, transpose_lhs_hint = false} : vector<2048x2048xf32>, vector<2048x24xf32>, vector<2048x24xf32> -> vector<2048x24xf32>
    %reduce_sum3A_138 = arith.constant dense<0.000000e+00> : vector<24xf32>
    %reduce_sum3A_139 = vector.multi_reduction <add>, %convert_element_type3A_128, %reduce_sum3A_138 [0] : vector<2048x24xf32> to vector<24xf32>
    %broadcast_in_dim3A_140 = vector.shape_cast %reduce_sum3A_139 : vector<24xf32> to vector<1x24xf32>
    %add3A_141 = arith.constant 1.270000e+02 : f32
    %add3A_142 = vector.broadcast %add3A_141 : f32 to vector<1x24xf32>
    %add3A_143 = arith.addf %broadcast_in_dim3A_140, %add3A_142 : vector<1x24xf32>
    %mul3A = arith.constant 7.812500e-03 : f32
    %mul3A_144 = vector.broadcast %mul3A : f32 to vector<1x24xf32>
    %mul3A_145 = arith.mulf %add3A_143, %mul3A_144 : vector<1x24xf32>
    %floor3A = math.floor %mul3A_145 : vector<1x24xf32>
    %iota3A_146 = tpu.iota {dimensions = array<i32: 0>} : vector<24x24xi32>
    %iota3A_147 = tpu.iota {dimensions = array<i32: 1>} : vector<24x24xi32>
    %lt3A_148 = arith.cmpi slt, %iota3A_146, %iota3A_147 : vector<24x24xi32>
    %jit3A_149 = arith.constant 1.000000e+00 : f32
    %jit3A_150 = arith.constant 0.000000e+00 : f32
    %broadcast_in_dim3A_151 = vector.broadcast %jit3A_149 : f32 to vector<24x24xf32>
    %broadcast_in_dim3A_152 = vector.broadcast %jit3A_150 : f32 to vector<24x24xf32>
    %select_n3A_153 = arith.select %lt3A_148, %broadcast_in_dim3A_151, %broadcast_in_dim3A_152 : vector<24x24xi1>, vector<24x24xf32>
    %dot_general3A_154 = arith.constant dense<0.000000e+00> : vector<1x24xf32>
    %dot_general3A_155 = tpu.matmul %floor3A, %select_n3A_153, %dot_general3A_154 {dimension_numbers = #tpu.dot_dimension_numbers<[1], [0], [0], [1], [0, 0, 1, 1], [], []>, transpose_lhs_hint = false} : vector<1x24xf32>, vector<24x24xf32>, vector<1x24xf32> -> vector<1x24xf32>
    %mul3A_156 = arith.constant 1.280000e+02 : f32
    %mul3A_157 = vector.broadcast %mul3A_156 : f32 to vector<1x24xf32>
    %mul3A_158 = arith.mulf %dot_general3A_155, %mul3A_157 : vector<1x24xf32>
    %add3A_159 = vector.broadcast %mul3A_158 : vector<1x24xf32> to vector<2048x24xf32>
    %add3A_160 = arith.addf %add3A_159, %dot_general3A_137 : vector<2048x24xf32>
    %jit3A_161 = arith.constant 0.000000e+00 : f32
    %broadcast_in_dim3A_162 = vector.broadcast %jit3A_161 : f32 to vector<2048x24xf32>
    %select_n3A_163 = arith.select %eq3A_19, %add3A_160, %broadcast_in_dim3A_162 : vector<2048x24xi1>, vector<2048x24xf32>
    %reduce_sum3A_164 = arith.constant dense<0.000000e+00> : vector<2048xf32>
    %reduce_sum3A_165 = vector.multi_reduction <add>, %select_n3A_163, %reduce_sum3A_164 [1] : vector<2048x24xf32> to vector<2048xf32>
    %broadcast_in_dim3A_166 = vector.shape_cast %reduce_sum3A_165 : vector<2048xf32> to vector<2048x1xf32>
    %jit3A_167 = arith.constant 0.000000e+00 : f32
    %broadcast_in_dim3A_168 = vector.broadcast %jit3A_167 : f32 to vector<2048x24xf32>
    %select_n3A_169 = arith.select %eq3A_19, %div3A_112, %broadcast_in_dim3A_168 : vector<2048x24xi1>, vector<2048x24xf32>
    %reduce_sum3A_170 = arith.constant dense<0.000000e+00> : vector<2048xf32>
    %reduce_sum3A_171 = vector.multi_reduction <add>, %select_n3A_169, %reduce_sum3A_170 [1] : vector<2048x24xf32> to vector<2048xf32>
    %broadcast_in_dim3A_172 = vector.shape_cast %reduce_sum3A_171 : vector<2048xf32> to vector<2048x1xf32>
    %jit3A_173 = arith.constant 0.000000e+00 : f32
    %broadcast_in_dim3A_174 = vector.broadcast %jit3A_173 : f32 to vector<2048x24xf32>
    %select_n3A_175 = arith.select %eq3A_35, %add3A_160, %broadcast_in_dim3A_174 : vector<2048x24xi1>, vector<2048x24xf32>
    %reduce_sum3A_176 = arith.constant dense<0.000000e+00> : vector<2048xf32>
    %reduce_sum3A_177 = vector.multi_reduction <add>, %select_n3A_175, %reduce_sum3A_176 [1] : vector<2048x24xf32> to vector<2048xf32>
    %broadcast_in_dim3A_178 = vector.shape_cast %reduce_sum3A_177 : vector<2048xf32> to vector<2048x1xf32>
    %jit3A_179 = arith.constant 0.000000e+00 : f32
    %broadcast_in_dim3A_180 = vector.broadcast %jit3A_179 : f32 to vector<2048x24xf32>
    %select_n3A_181 = arith.select %eq3A_35, %div3A_112, %broadcast_in_dim3A_180 : vector<2048x24xi1>, vector<2048x24xf32>
    %reduce_sum3A_182 = arith.constant dense<0.000000e+00> : vector<2048xf32>
    %reduce_sum3A_183 = vector.multi_reduction <add>, %select_n3A_181, %reduce_sum3A_182 [1] : vector<2048x24xf32> to vector<2048xf32>
    %broadcast_in_dim3A_184 = vector.shape_cast %reduce_sum3A_183 : vector<2048xf32> to vector<2048x1xf32>
    %jit3A_185 = arith.constant 0.000000e+00 : f32
    %broadcast_in_dim3A_186 = vector.broadcast %jit3A_185 : f32 to vector<2048x24xf32>
    %select_n3A_187 = arith.select %eq3A_52, %add3A_160, %broadcast_in_dim3A_186 : vector<2048x24xi1>, vector<2048x24xf32>
    %reduce_sum3A_188 = arith.constant dense<0.000000e+00> : vector<2048xf32>
    %reduce_sum3A_189 = vector.multi_reduction <add>, %select_n3A_187, %reduce_sum3A_188 [1] : vector<2048x24xf32> to vector<2048xf32>
    %broadcast_in_dim3A_190 = vector.shape_cast %reduce_sum3A_189 : vector<2048xf32> to vector<2048x1xf32>
    %jit3A_191 = arith.constant 0.000000e+00 : f32
    %broadcast_in_dim3A_192 = vector.broadcast %jit3A_191 : f32 to vector<2048x24xf32>
    %select_n3A_193 = arith.select %eq3A_52, %div3A_112, %broadcast_in_dim3A_192 : vector<2048x24xi1>, vector<2048x24xf32>
    %reduce_sum3A_194 = arith.constant dense<0.000000e+00> : vector<2048xf32>
    %reduce_sum3A_195 = vector.multi_reduction <add>, %select_n3A_193, %reduce_sum3A_194 [1] : vector<2048x24xf32> to vector<2048xf32>
    %broadcast_in_dim3A_196 = vector.shape_cast %reduce_sum3A_195 : vector<2048xf32> to vector<2048x1xf32>
    %jit3A_197 = arith.constant 0.000000e+00 : f32
    %broadcast_in_dim3A_198 = vector.broadcast %jit3A_197 : f32 to vector<2048x24xf32>
    %select_n3A_199 = arith.select %eq3A_69, %add3A_160, %broadcast_in_dim3A_198 : vector<2048x24xi1>, vector<2048x24xf32>
    %reduce_sum3A_200 = arith.constant dense<0.000000e+00> : vector<2048xf32>
    %reduce_sum3A_201 = vector.multi_reduction <add>, %select_n3A_199, %reduce_sum3A_200 [1] : vector<2048x24xf32> to vector<2048xf32>
    %broadcast_in_dim3A_202 = vector.shape_cast %reduce_sum3A_201 : vector<2048xf32> to vector<2048x1xf32>
    %jit3A_203 = arith.constant 0.000000e+00 : f32
    %broadcast_in_dim3A_204 = vector.broadcast %jit3A_203 : f32 to vector<2048x24xf32>
    %select_n3A_205 = arith.select %eq3A_69, %div3A_112, %broadcast_in_dim3A_204 : vector<2048x24xi1>, vector<2048x24xf32>
    %reduce_sum3A_206 = arith.constant dense<0.000000e+00> : vector<2048xf32>
    %reduce_sum3A_207 = vector.multi_reduction <add>, %select_n3A_205, %reduce_sum3A_206 [1] : vector<2048x24xf32> to vector<2048xf32>
    %broadcast_in_dim3A_208 = vector.shape_cast %reduce_sum3A_207 : vector<2048xf32> to vector<2048x1xf32>
    %jit3A_209 = arith.constant 0.000000e+00 : f32
    %broadcast_in_dim3A_210 = vector.broadcast %jit3A_209 : f32 to vector<2048x24xf32>
    %select_n3A_211 = arith.select %eq3A_86, %add3A_160, %broadcast_in_dim3A_210 : vector<2048x24xi1>, vector<2048x24xf32>
    %reduce_sum3A_212 = arith.constant dense<0.000000e+00> : vector<2048xf32>
    %reduce_sum3A_213 = vector.multi_reduction <add>, %select_n3A_211, %reduce_sum3A_212 [1] : vector<2048x24xf32> to vector<2048xf32>
    %broadcast_in_dim3A_214 = vector.shape_cast %reduce_sum3A_213 : vector<2048xf32> to vector<2048x1xf32>
    %jit3A_215 = arith.constant 0.000000e+00 : f32
    %broadcast_in_dim3A_216 = vector.broadcast %jit3A_215 : f32 to vector<2048x24xf32>
    %select_n3A_217 = arith.select %eq3A_86, %div3A_112, %broadcast_in_dim3A_216 : vector<2048x24xi1>, vector<2048x24xf32>
    %reduce_sum3A_218 = arith.constant dense<0.000000e+00> : vector<2048xf32>
    %reduce_sum3A_219 = vector.multi_reduction <add>, %select_n3A_217, %reduce_sum3A_218 [1] : vector<2048x24xf32> to vector<2048xf32>
    %broadcast_in_dim3A_220 = vector.shape_cast %reduce_sum3A_219 : vector<2048xf32> to vector<2048x1xf32>
    %jit3A_221 = arith.constant 0.000000e+00 : f32
    %broadcast_in_dim3A_222 = vector.broadcast %jit3A_221 : f32 to vector<2048x24xf32>
    %select_n3A_223 = arith.select %eq3A_103, %add3A_160, %broadcast_in_dim3A_222 : vector<2048x24xi1>, vector<2048x24xf32>
    %reduce_sum3A_224 = arith.constant dense<0.000000e+00> : vector<2048xf32>
    %reduce_sum3A_225 = vector.multi_reduction <add>, %select_n3A_223, %reduce_sum3A_224 [1] : vector<2048x24xf32> to vector<2048xf32>
    %broadcast_in_dim3A_226 = vector.shape_cast %reduce_sum3A_225 : vector<2048xf32> to vector<2048x1xf32>
    %jit3A_227 = arith.constant 0.000000e+00 : f32
    %broadcast_in_dim3A_228 = vector.broadcast %jit3A_227 : f32 to vector<2048x24xf32>
    %select_n3A_229 = arith.select %eq3A_103, %div3A_112, %broadcast_in_dim3A_228 : vector<2048x24xi1>, vector<2048x24xf32>
    %reduce_sum3A_230 = arith.constant dense<0.000000e+00> : vector<2048xf32>
    %reduce_sum3A_231 = vector.multi_reduction <add>, %select_n3A_229, %reduce_sum3A_230 [1] : vector<2048x24xf32> to vector<2048xf32>
    %broadcast_in_dim3A_232 = vector.shape_cast %reduce_sum3A_231 : vector<2048xf32> to vector<2048x1xf32>
    %concatenate3A = tpu.concatenate %broadcast_in_dim3A_166, %broadcast_in_dim3A_178, %broadcast_in_dim3A_190, %broadcast_in_dim3A_202, %broadcast_in_dim3A_214, %broadcast_in_dim3A_226 in 1 : vector<2048x1xf32>, vector<2048x1xf32>, vector<2048x1xf32>, vector<2048x1xf32>, vector<2048x1xf32>, vector<2048x1xf32> -> vector<2048x6xf32>
    %convert_element_type3A_233 = arith.fptosi %concatenate3A : vector<2048x6xf32> to vector<2048x6xi32>
    %swap3A_234 = arith.constant 0 : index
    %swap3A_235 = arith.constant 0 : index
    %swap3A_236 = vector.load %arg4[%swap3A_234, %swap3A_235] : memref<2048x6xi32, #tpu.memory_space<vmem>>, vector<2048x6xi32>
    tpu.vector_store %arg4[%swap3A_234, %swap3A_235], %convert_element_type3A_233 {strides = array<i32>} : memref<2048x6xi32, #tpu.memory_space<vmem>>, vector<2048x6xi32>,
    %concatenate3A_237 = tpu.concatenate %broadcast_in_dim3A_172, %broadcast_in_dim3A_184, %broadcast_in_dim3A_196, %broadcast_in_dim3A_208, %broadcast_in_dim3A_220, %broadcast_in_dim3A_232 in 1 : vector<2048x1xf32>, vector<2048x1xf32>, vector<2048x1xf32>, vector<2048x1xf32>, vector<2048x1xf32>, vector<2048x1xf32> -> vector<2048x6xf32>
    %swap3A_238 = arith.constant 0 : index
    %swap3A_239 = arith.constant 0 : index
    %swap3A_240 = vector.load %arg5[%swap3A_238, %swap3A_239] : memref<2048x6xf32, #tpu.memory_space<vmem>>, vector<2048x6xf32>
    tpu.vector_store %arg5[%swap3A_238, %swap3A_239], %concatenate3A_237 {strides = array<i32>} : memref<2048x6xf32, #tpu.memory_space<vmem>>, vector<2048x6xf32>,
    %iota3A_241 = tpu.iota {dimensions = array<i32: 0>} : vector<128x24xi32>
    %convert_element_type3A_242 = arith.sitofp %iota3A_241 : vector<128x24xi32> to vector<128x24xf32>
    %ge3A = vector.broadcast %dot_general3A_155 : vector<1x24xf32> to vector<128x24xf32>
    %ge3A_243 = arith.cmpf oge, %convert_element_type3A_242, %ge3A : vector<128x24xf32>
    %jit3A_244 = arith.constant 1.000000e+00 : f32
    %jit3A_245 = arith.constant 0.000000e+00 : f32
    %broadcast_in_dim3A_246 = vector.broadcast %jit3A_244 : f32 to vector<128x24xf32>
    %broadcast_in_dim3A_247 = vector.broadcast %jit3A_245 : f32 to vector<128x24xf32>
    %select_n3A_248 = arith.select %ge3A_243, %broadcast_in_dim3A_246, %broadcast_in_dim3A_247 : vector<128x24xi1>, vector<128x24xf32>
    %reduce_sum3A_249 = arith.constant dense<0.000000e+00> : vector<128xf32>
    %reduce_sum3A_250 = vector.multi_reduction <add>, %select_n3A_248, %reduce_sum3A_249 [1] : vector<128x24xf32> to vector<128xf32>
    %broadcast_in_dim3A_251 = vector.shape_cast %reduce_sum3A_250 : vector<128xf32> to vector<128x1xf32>
    %sub3A = arith.constant 1.000000e+00 : f32
    %sub3A_252 = vector.broadcast %sub3A : f32 to vector<128x1xf32>
    %sub3A_253 = arith.subf %broadcast_in_dim3A_251, %sub3A_252 : vector<128x1xf32>
    %convert_element_type3A_254 = arith.fptosi %sub3A_253 : vector<128x1xf32> to vector<128x1xi32>
    %swap3A_255 = arith.constant 0 : index
    %swap3A_256 = arith.constant 0 : index
    %swap3A_257 = vector.load %arg6[%swap3A_255, %swap3A_256] : memref<128x1xi32, #tpu.memory_space<vmem>>, vector<128x1xi32>
    tpu.vector_store %arg6[%swap3A_255, %swap3A_256], %convert_element_type3A_254 {strides = array<i32>} : memref<128x1xi32, #tpu.memory_space<vmem>>, vector<128x1xi32>,
    return
  }
}

module attributes {stable_mosaic.version = 14 : i64} {
  func.func @_ffn_kernel(%arg0: i32, %arg1: memref<120xi32, #tpu.memory_space<smem>>, %arg2: memref<128x768xf32, #tpu.memory_space<vmem>>, %arg3: memref<1x768x256xf32, #tpu.memory_space<vmem>>, %arg4: memref<1x1x256xf32, #tpu.memory_space<vmem>>, %arg5: memref<1x256x768xf32, #tpu.memory_space<vmem>>, %arg6: memref<128x1xf32, #tpu.memory_space<vmem>>, %arg7: memref<128x768xf32, #tpu.memory_space<vmem>>) attributes {dimension_semantics = [#tpu.dimension_semantics<arbitrary>], iteration_bounds = array<i64: 120>, scalar_prefetch = 1 : i64, scratch_operands = 0 : i64, tpu.core_type = #tpu.core_type<tc>, window_params = [{transform_indices = @transform_0, window_bounds = array<i64: 128, 768>}, {transform_indices = @transform_1, window_bounds = array<i64: 1, 768, 256>}, {transform_indices = @transform_2, window_bounds = array<i64: 1, 1, 256>}, {transform_indices = @transform_3, window_bounds = array<i64: 1, 256, 768>}, {transform_indices = @transform_4, window_bounds = array<i64: 128, 1>}, {transform_indices = @transform_5, window_bounds = array<i64: 128, 768>}]} {
    %get3A = arith.constant 0 : index
    %get3A_0 = arith.constant 0 : index
    %get3A_1 = vector.load %arg2[%get3A, %get3A_0] : memref<128x768xf32, #tpu.memory_space<vmem>>, vector<128x768xf32>
    %get3A_2 = arith.constant 0 : index
    %get3A_3 = arith.constant 0 : index
    %get3A_4 = arith.constant 0 : index
    %get3A_5 = vector.load %arg3[%get3A_2, %get3A_3, %get3A_4] : memref<1x768x256xf32, #tpu.memory_space<vmem>>, vector<1x768x256xf32>
    %get3A_6 = vector.shape_cast %get3A_5 : vector<1x768x256xf32> to vector<768x256xf32>
    %dot_general3A = arith.constant dense<0.000000e+00> : vector<128x256xf32>
    %dot_general3A_7 = tpu.matmul %get3A_1, %get3A_6, %dot_general3A {dimension_numbers = #tpu.dot_dimension_numbers<[1], [0], [0], [1], [0, 0, 1, 1], [], []>, transpose_lhs_hint = false} : vector<128x768xf32>, vector<768x256xf32>, vector<128x256xf32> -> vector<128x256xf32>
    %get3A_8 = arith.constant 0 : index
    %get3A_9 = arith.constant 0 : index
    %get3A_10 = arith.constant 0 : index
    %get3A_11 = vector.load %arg4[%get3A_8, %get3A_9, %get3A_10] : memref<1x1x256xf32, #tpu.memory_space<vmem>>, vector<1x1x256xf32>
    %get3A_12 = vector.shape_cast %get3A_11 : vector<1x1x256xf32> to vector<1x256xf32>
    %add3A = vector.broadcast %get3A_12 : vector<1x256xf32> to vector<128x256xf32>
    %add3A_13 = arith.addf %dot_general3A_7, %add3A : vector<128x256xf32>
    %integer_pow3A = arith.mulf %add3A_13, %add3A_13 : vector<128x256xf32>
    %integer_pow3A_14 = arith.mulf %add3A_13, %integer_pow3A : vector<128x256xf32>
    %mul3A = arith.constant 4.471500e-02 : f32
    %mul3A_15 = vector.broadcast %mul3A : f32 to vector<128x256xf32>
    %mul3A_16 = arith.mulf %mul3A_15, %integer_pow3A_14 : vector<128x256xf32>
    %add3A_17 = arith.addf %add3A_13, %mul3A_16 : vector<128x256xf32>
    %mul3A_18 = arith.constant 0.797884583 : f32
    %mul3A_19 = vector.broadcast %mul3A_18 : f32 to vector<128x256xf32>
    %mul3A_20 = arith.mulf %mul3A_19, %add3A_17 : vector<128x256xf32>
    %tanh3A = math.tanh %mul3A_20 : vector<128x256xf32>
    %add3A_21 = arith.constant 1.000000e+00 : f32
    %add3A_22 = vector.broadcast %add3A_21 : f32 to vector<128x256xf32>
    %add3A_23 = arith.addf %add3A_22, %tanh3A : vector<128x256xf32>
    %mul3A_24 = arith.constant 5.000000e-01 : f32
    %mul3A_25 = vector.broadcast %mul3A_24 : f32 to vector<128x256xf32>
    %mul3A_26 = arith.mulf %mul3A_25, %add3A_23 : vector<128x256xf32>
    %mul3A_27 = arith.mulf %add3A_13, %mul3A_26 : vector<128x256xf32>
    %get3A_28 = arith.constant 0 : index
    %get3A_29 = arith.constant 0 : index
    %get3A_30 = arith.constant 0 : index
    %get3A_31 = vector.load %arg5[%get3A_28, %get3A_29, %get3A_30] : memref<1x256x768xf32, #tpu.memory_space<vmem>>, vector<1x256x768xf32>
    %get3A_32 = vector.shape_cast %get3A_31 : vector<1x256x768xf32> to vector<256x768xf32>
    %dot_general3A_33 = arith.constant dense<0.000000e+00> : vector<128x768xf32>
    %dot_general3A_34 = tpu.matmul %mul3A_27, %get3A_32, %dot_general3A_33 {dimension_numbers = #tpu.dot_dimension_numbers<[1], [0], [0], [1], [0, 0, 1, 1], [], []>, transpose_lhs_hint = false} : vector<128x256xf32>, vector<256x768xf32>, vector<128x768xf32> -> vector<128x768xf32>
    %get3A_35 = arith.constant 0 : index
    %get3A_36 = arith.constant 0 : index
    %get3A_37 = vector.load %arg6[%get3A_35, %get3A_36] : memref<128x1xf32, #tpu.memory_space<vmem>>, vector<128x1xf32>
    %mul3A_38 = vector.broadcast %get3A_37 : vector<128x1xf32> to vector<128x768xf32>
    %mul3A_39 = arith.mulf %dot_general3A_34, %mul3A_38 : vector<128x768xf32>
    %swap3A = arith.constant 0 : index
    %swap3A_40 = arith.constant 0 : index
    %swap3A_41 = vector.load %arg7[%swap3A, %swap3A_40] : memref<128x768xf32, #tpu.memory_space<vmem>>, vector<128x768xf32>
    tpu.vector_store %arg7[%swap3A, %swap3A_40], %mul3A_39 {strides = array<i32>} : memref<128x768xf32, #tpu.memory_space<vmem>>, vector<128x768xf32>,
    return
  }
  func.func @transform_0(%arg0: i32, %arg1: memref<120xi32, #tpu.memory_space<smem>>) -> (i32, i32) {
    %c0_i32 = arith.constant 0 : i32
    %c0_i32_0 = arith.constant 0 : i32
    return %arg0, %c0_i32 : i32, i32
  }
  func.func @transform_1(%arg0: i32, %arg1: memref<120xi32, #tpu.memory_space<smem>>) -> (i32, i32, i32) {
    %get3A = arith.index_cast %arg0 : i32 to index
    %get3A_0 = memref.load %arg1[%get3A] : memref<120xi32, #tpu.memory_space<smem>>
    %c0_i32 = arith.constant 0 : i32
    %c0_i32_1 = arith.constant 0 : i32
    %c0_i32_2 = arith.constant 0 : i32
    return %get3A_0, %c0_i32, %c0_i32_1 : i32, i32, i32
  }
  func.func @transform_2(%arg0: i32, %arg1: memref<120xi32, #tpu.memory_space<smem>>) -> (i32, i32, i32) {
    %get3A = arith.index_cast %arg0 : i32 to index
    %get3A_0 = memref.load %arg1[%get3A] : memref<120xi32, #tpu.memory_space<smem>>
    %c0_i32 = arith.constant 0 : i32
    %c0_i32_1 = arith.constant 0 : i32
    %c0_i32_2 = arith.constant 0 : i32
    return %get3A_0, %c0_i32, %c0_i32_1 : i32, i32, i32
  }
  func.func @transform_3(%arg0: i32, %arg1: memref<120xi32, #tpu.memory_space<smem>>) -> (i32, i32, i32) {
    %get3A = arith.index_cast %arg0 : i32 to index
    %get3A_0 = memref.load %arg1[%get3A] : memref<120xi32, #tpu.memory_space<smem>>
    %c0_i32 = arith.constant 0 : i32
    %c0_i32_1 = arith.constant 0 : i32
    %c0_i32_2 = arith.constant 0 : i32
    return %get3A_0, %c0_i32, %c0_i32_1 : i32, i32, i32
  }
  func.func @transform_4(%arg0: i32, %arg1: memref<120xi32, #tpu.memory_space<smem>>) -> (i32, i32) {
    %c0_i32 = arith.constant 0 : i32
    %c0_i32_0 = arith.constant 0 : i32
    return %arg0, %c0_i32 : i32, i32
  }
  func.func @transform_5(%arg0: i32, %arg1: memref<120xi32, #tpu.memory_space<smem>>) -> (i32, i32) {
    %c0_i32 = arith.constant 0 : i32
    %c0_i32_0 = arith.constant 0 : i32
    return %arg0, %c0_i32 : i32, i32
  }
}

module attributes {stable_mosaic.version = 14 : i64} {
  func.func @_shared_kernel(%arg0: i32, %arg1: memref<2048x768xf32, #tpu.memory_space<vmem>>, %arg2: memref<1x768x1024xf32, #tpu.memory_space<vmem>>, %arg3: memref<1x1x1024xf32, #tpu.memory_space<vmem>>, %arg4: memref<1x1024x768xf32, #tpu.memory_space<vmem>>, %arg5: memref<1x2048x384xf32, #tpu.memory_space<vmem>>, %arg6: memref<2048x768xf32, #tpu.memory_space<any>>, %arg7: memref<2048x768xf32, #tpu.memory_space<vmem>>, %arg8: memref<!tpu.dma_semaphore, #tpu.memory_space<semaphore_mem>>) attributes {dimension_semantics = [#tpu.dimension_semantics<arbitrary>], iteration_bounds = array<i64: 2>, scalar_prefetch = 0 : i64, scratch_operands = 1 : i64, tpu.core_type = #tpu.core_type<tc>, window_params = [{pipeline_mode = #tpu.pipeline_mode<synchronous>, transform_indices = @transform_0, window_bounds = array<i64: 2048, 768>}, {transform_indices = @transform_1, window_bounds = array<i64: 1, 768, 1024>}, {transform_indices = @transform_2, window_bounds = array<i64: 1, 1, 1024>}, {transform_indices = @transform_3, window_bounds = array<i64: 1, 1024, 768>}, {transform_indices = @transform_4, window_bounds = array<i64: 1, 2048, 384>}, {}, {pipeline_mode = #tpu.pipeline_mode<synchronous>, transform_indices = @transform_6, window_bounds = array<i64: 2048, 768>}]} {
    %eq3A = arith.constant 0 : i32
    %eq3A_0 = arith.cmpi eq, %arg0, %eq3A : i32
    %convert_element_type3A = arith.extui %eq3A_0 : i1 to i32
    %cond3A = arith.constant 0 : i32
    %cond3A_1 = arith.cmpi ne, %convert_element_type3A, %cond3A : i32
    scf.if %cond3A_1 {
      tpu.enqueue_dma source(%arg6 : memref<2048x768xf32, #tpu.memory_space<any>>) target(%arg7 : memref<2048x768xf32, #tpu.memory_space<vmem>>) target_semaphore(%arg8 : memref<!tpu.dma_semaphore, #tpu.memory_space<semaphore_mem>>)
      tpu.wait_dma2 semaphore(%arg8 : memref<!tpu.dma_semaphore, #tpu.memory_space<semaphore_mem>>) src(%arg6 : memref<2048x768xf32, #tpu.memory_space<any>>) dst(%arg7 : memref<2048x768xf32, #tpu.memory_space<vmem>>)
    } else {
    }
    %get3A = arith.constant 0 : index
    %get3A_2 = arith.constant 0 : index
    %get3A_3 = vector.load %arg1[%get3A, %get3A_2] : memref<2048x768xf32, #tpu.memory_space<vmem>>, vector<2048x768xf32>
    %get3A_4 = arith.constant 0 : index
    %get3A_5 = arith.constant 0 : index
    %get3A_6 = arith.constant 0 : index
    %get3A_7 = vector.load %arg2[%get3A_4, %get3A_5, %get3A_6] : memref<1x768x1024xf32, #tpu.memory_space<vmem>>, vector<1x768x1024xf32>
    %get3A_8 = vector.shape_cast %get3A_7 : vector<1x768x1024xf32> to vector<768x1024xf32>
    %dot_general3A = arith.constant dense<0.000000e+00> : vector<2048x1024xf32>
    %dot_general3A_9 = tpu.matmul %get3A_3, %get3A_8, %dot_general3A {dimension_numbers = #tpu.dot_dimension_numbers<[1], [0], [0], [1], [0, 0, 1, 1], [], []>, transpose_lhs_hint = false} : vector<2048x768xf32>, vector<768x1024xf32>, vector<2048x1024xf32> -> vector<2048x1024xf32>
    %get3A_10 = arith.constant 0 : index
    %get3A_11 = arith.constant 0 : index
    %get3A_12 = arith.constant 0 : index
    %get3A_13 = vector.load %arg3[%get3A_10, %get3A_11, %get3A_12] : memref<1x1x1024xf32, #tpu.memory_space<vmem>>, vector<1x1x1024xf32>
    %get3A_14 = vector.shape_cast %get3A_13 : vector<1x1x1024xf32> to vector<1x1024xf32>
    %add3A = vector.broadcast %get3A_14 : vector<1x1024xf32> to vector<2048x1024xf32>
    %add3A_15 = arith.addf %dot_general3A_9, %add3A : vector<2048x1024xf32>
    %integer_pow3A = arith.mulf %add3A_15, %add3A_15 : vector<2048x1024xf32>
    %integer_pow3A_16 = arith.mulf %add3A_15, %integer_pow3A : vector<2048x1024xf32>
    %mul3A = arith.constant 4.471500e-02 : f32
    %mul3A_17 = vector.broadcast %mul3A : f32 to vector<2048x1024xf32>
    %mul3A_18 = arith.mulf %mul3A_17, %integer_pow3A_16 : vector<2048x1024xf32>
    %add3A_19 = arith.addf %add3A_15, %mul3A_18 : vector<2048x1024xf32>
    %mul3A_20 = arith.constant 0.797884583 : f32
    %mul3A_21 = vector.broadcast %mul3A_20 : f32 to vector<2048x1024xf32>
    %mul3A_22 = arith.mulf %mul3A_21, %add3A_19 : vector<2048x1024xf32>
    %tanh3A = math.tanh %mul3A_22 : vector<2048x1024xf32>
    %add3A_23 = arith.constant 1.000000e+00 : f32
    %add3A_24 = vector.broadcast %add3A_23 : f32 to vector<2048x1024xf32>
    %add3A_25 = arith.addf %add3A_24, %tanh3A : vector<2048x1024xf32>
    %mul3A_26 = arith.constant 5.000000e-01 : f32
    %mul3A_27 = vector.broadcast %mul3A_26 : f32 to vector<2048x1024xf32>
    %mul3A_28 = arith.mulf %mul3A_27, %add3A_25 : vector<2048x1024xf32>
    %mul3A_29 = arith.mulf %add3A_15, %mul3A_28 : vector<2048x1024xf32>
    %get3A_30 = arith.constant 0 : index
    %get3A_31 = arith.constant 0 : index
    %get3A_32 = vector.load %arg7[%get3A_30, %get3A_31] : memref<2048x768xf32, #tpu.memory_space<vmem>>, vector<2048x768xf32>
    %get3A_33 = arith.constant 0 : index
    %get3A_34 = arith.constant 0 : index
    %get3A_35 = arith.constant 0 : index
    %get3A_36 = vector.load %arg4[%get3A_33, %get3A_34, %get3A_35] : memref<1x1024x768xf32, #tpu.memory_space<vmem>>, vector<1x1024x768xf32>
    %get3A_37 = vector.shape_cast %get3A_36 : vector<1x1024x768xf32> to vector<1024x768xf32>
    %dot_general3A_38 = arith.constant dense<0.000000e+00> : vector<2048x768xf32>
    %dot_general3A_39 = tpu.matmul %mul3A_29, %get3A_37, %dot_general3A_38 {dimension_numbers = #tpu.dot_dimension_numbers<[1], [0], [0], [1], [0, 0, 1, 1], [], []>, transpose_lhs_hint = false} : vector<2048x1024xf32>, vector<1024x768xf32>, vector<2048x768xf32> -> vector<2048x768xf32>
    %add3A_40 = arith.addf %get3A_32, %dot_general3A_39 : vector<2048x768xf32>
    %swap3A = arith.constant 0 : index
    %swap3A_41 = arith.constant 0 : index
    %swap3A_42 = vector.load %arg7[%swap3A, %swap3A_41] : memref<2048x768xf32, #tpu.memory_space<vmem>>, vector<2048x768xf32>
    tpu.vector_store %arg7[%swap3A, %swap3A_41], %add3A_40 {strides = array<i32>} : memref<2048x768xf32, #tpu.memory_space<vmem>>, vector<2048x768xf32>,
    %mul3A_43 = arith.constant 384 : i32
    %mul3A_44 = arith.muli %arg0, %mul3A_43 : i32
    %get3A_45 = arith.constant 0 : index
    %get3A_46 = arith.index_cast %mul3A_44 : i32 to index
    %get3A_47 = vector.load %arg7[%get3A_45, %get3A_46] : memref<2048x768xf32, #tpu.memory_space<vmem>>, vector<2048x384xf32>
    %get3A_48 = arith.constant 0 : index
    %get3A_49 = arith.constant 0 : index
    %get3A_50 = arith.constant 0 : index
    %get3A_51 = vector.load %arg5[%get3A_48, %get3A_49, %get3A_50] : memref<1x2048x384xf32, #tpu.memory_space<vmem>>, vector<1x2048x384xf32>
    %get3A_52 = vector.shape_cast %get3A_51 : vector<1x2048x384xf32> to vector<2048x384xf32>
    %add3A_53 = arith.addf %get3A_47, %get3A_52 : vector<2048x384xf32>
    %swap3A_54 = arith.constant 0 : index
    %swap3A_55 = arith.index_cast %mul3A_44 : i32 to index
    %swap3A_56 = vector.load %arg7[%swap3A_54, %swap3A_55] : memref<2048x768xf32, #tpu.memory_space<vmem>>, vector<2048x384xf32>
    tpu.vector_store %arg7[%swap3A_54, %swap3A_55], %add3A_53 {strides = array<i32>} : memref<2048x768xf32, #tpu.memory_space<vmem>>, vector<2048x384xf32>,
    return
  }
  func.func @transform_0(%arg0: i32) -> (i32, i32) {
    %c0_i32 = arith.constant 0 : i32
    %c0_i32_0 = arith.constant 0 : i32
    %c0_i32_1 = arith.constant 0 : i32
    return %c0_i32, %c0_i32_0 : i32, i32
  }
  func.func @transform_1(%arg0: i32) -> (i32, i32, i32) {
    %c0_i32 = arith.constant 0 : i32
    %c0_i32_0 = arith.constant 0 : i32
    %c0_i32_1 = arith.constant 0 : i32
    return %arg0, %c0_i32, %c0_i32_0 : i32, i32, i32
  }
  func.func @transform_2(%arg0: i32) -> (i32, i32, i32) {
    %c0_i32 = arith.constant 0 : i32
    %c0_i32_0 = arith.constant 0 : i32
    %c0_i32_1 = arith.constant 0 : i32
    return %arg0, %c0_i32, %c0_i32_0 : i32, i32, i32
  }
  func.func @transform_3(%arg0: i32) -> (i32, i32, i32) {
    %c0_i32 = arith.constant 0 : i32
    %c0_i32_0 = arith.constant 0 : i32
    %c0_i32_1 = arith.constant 0 : i32
    return %arg0, %c0_i32, %c0_i32_0 : i32, i32, i32
  }
  func.func @transform_4(%arg0: i32) -> (i32, i32, i32) {
    %c0_i32 = arith.constant 0 : i32
    %c0_i32_0 = arith.constant 0 : i32
    %c0_i32_1 = arith.constant 0 : i32
    return %arg0, %c0_i32, %c0_i32_0 : i32, i32, i32
  }
  func.func @transform_6(%arg0: i32) -> (i32, i32) {
    %c0_i32 = arith.constant 0 : i32
    %c0_i32_0 = arith.constant 0 : i32
    %c0_i32_1 = arith.constant 0 : i32
    return %c0_i32, %c0_i32_0 : i32, i32
  }
}

</mosaic_0001>

<sc_bundles>
// kernel: kernel.11.cloned.1.call-start
scs
__scs_entry_jumppad:
0x0: {  	(pc) =	sbr.rel $0x88, $3  }
0x1: {  	(tag) =	ssettag $0x0;
	lr =	simm.s32 $0x1  }
0x2: {  	[smem:$0x3F97] =	sst lr;
	_ =	strace $0xD0000000  }
0x3: {  	_ = 	snop  }
0x4: {  	_ = 	snop  }
0x5: {  	_ = 	snop  }
0x6: {  	_ = 	snop  }
0x7: {  	_ = 	snop  }
__scs_overlays_trampoline_lowered:
0x8: {  	[smem:$0x3FA6] =	sst s0  }
0x9: {  	[smem:$0x3FA7] =	sst s1  }
0xa: {  	[smem:$0x3FA8] =	sst s2  }
0xb: {  	[smem:$0x3FA9] =	sst s3  }
0xc: {  	[smem:$0x3FAA] =	sst s4  }
0xd: {  	[smem:$0x3FAB] =	sst s5  }
0xe: {  	[smem:$0x3FAC] =	sst s6  }
0xf: {  	[smem:$0x3FAD] =	sst s7  }
0x10: {  	[smem:$0x3FAE] =	sst s8  }
0x11: {  	[smem:$0x3FAF] =	sst s9;
	s0 =	simm.s32 @!p0 $0x0  }
0x12: {  	s1 =	sld [smem:$0x3F95];
	s0 =	simm.s32 @p0 $0x1  }
0x13: {  	[smem:$0x3FB0] =	sst s0;
	s0 =	simm.s32 @!p1 $0x0  }
0x14: {  	s2 =	sld [smem:$0x3F94];
	s0 =	simm.s32 @p1 $0x1  }
0x15: {  	[smem:$0x3FB1] =	sst s0;
	s0 =	simm.s32 @!p2 $0x0  }
0x16: {  	s3 =	sld [smem:$0x3FDB];
	s0 =	simm.s32 @p2 $0x1  }
0x17: {  	s4 =	simm.s32 $0x1BF5;
	[smem:$0x3FB3] =	sst s0  }
0x18: {  	s0 =	sld [smem:$0x3F96];
	_ =	swait.ge [sflag:s4], $0x0  }
0x19: {  	s7 =	sld [smem:$0x3F97]  }
0x1a: {  	s8 =	sadd.s32 $0xFFFFE003, lr  }
0x1b: {  	s9 =	sadd.s32 $0xFFFFFEF7, lr;
	s5 =	simm.s32 $0xFFFFFFFF;
	p2 =	slt.u32 s8, $0xFFFFF086  }
0x1c: {  	p1 =	slt.u32 s9, $0xF7A;
	s5 =	simm.s32 @!p2 $0x0  }
0x1d: {  	s5 =	simm.s32 @p1 $0x1;
	p0 =	seq.s32 s7, s2  }
0x1e: {  	s7 =	smul.u32 @!p0 $0xF7A, s2;
	p2 =	seq.s32 @!p0 s5, $0x0  }
0x1f: {  	s9 =	smul.u32 $0xF7A, s1;
	s8 =	simm.s32 @!p0 $0x1BF5;
	p2 =	por !p2, p0  }
0x20: {  	[sflag:s8] =	ssyncset.s32 @!p0 $0xFFFFF086;
	s6 =	sadd.s32 @!p0 s3, s7;
	s7 =	simm.s32 @!p0 $0x108  }
0x21: {  	s3 =	sadd.s32 s3, s9;
	s6 =	sadd.s32 @!p0 $0x88, s6;
	s7 =	simm.s32 @p2 $0x1082  }
0x22: {  	[simem:s7], [sflag:s8] =	dma.local @!p0 [hbm:s6], $0xF7A  }
0x23: {  	s9 =	sor.u32 $0xD0000000, s2;
	s6 =	simm.s32 $0x108;
	_ =	swait.ge @!p0 [sflag:s8], $0x0  }
0x24: {  	s3 =	sadd.s32 $0x88, s3;
	s6 =	simm.s32 @!p1 $0x1082;
	[sflag:s4] =	ssyncset.s32 $0xFFFFF086  }
0x25: {  	[simem:s6], [sflag:s4] =	dma.local [hbm:s3], $0xF7A  }
0x26: {  	[smem:$0x3F97] =	sst s1;
	(tag) =	ssettag s2;
	_ =	strace s9  }
0x27: {  	s1 =	sld [smem:$0x3FA7]  }
0x28: {  	s2 =	sld [smem:$0x3FA8]  }
0x29: {  	s4 =	sld [smem:$0x3FAA]  }
0x2a: {  	p0 =	seq.s32 s5, $0x0;
	s5 =	sld [smem:$0x3FAB]  }
0x2b: {  	s6 =	sld [smem:$0x3FAC]  }
0x2c: {  	s7 =	sld [smem:$0x3FAD]  }
0x2d: {  	s3 =	simm.s32 $0x108;
	s8 =	sld [smem:$0x3FAE]  }
0x2e: {  	s3 =	simm.s32 @!p0 $0x1082;
	s9 =	sld [smem:$0x3FAF]  }
0x2f: {  	lr =	sadd.s32 s0, s3;
	s0 =	sld [smem:$0x3FA6]  }
0x30: {  	s3 =	sld [smem:$0x3FA9]  }
0x31: {  	[smem:$0x3FB2] =	sst s10  }
0x32: {  	s10 =	sld [smem:$0x3FB0];
	_ =	sdelay $0x3  }
0x33: {  	p0 =	seq.s32 s10, $0x1;
	s10 =	sld [smem:$0x3FB2];
	_ =	sdelay $0x3  }
0x34: {  	[smem:$0x3FB2] =	sst s10  }
0x35: {  	s10 =	sld [smem:$0x3FB1];
	_ =	sdelay $0x3  }
0x36: {  	p1 =	seq.s32 s10, $0x1;
	s10 =	sld [smem:$0x3FB2];
	_ =	sdelay $0x3  }
0x37: {  	[smem:$0x3FB2] =	sst s10  }
0x38: {  	s10 =	sld [smem:$0x3FB3]  }
0x39: {  	_ = 	snop;
	(pc) =	sbr.ind lr, $3  }
0x3a: {  	_ = 	snop  }
0x3b: {  	_ = 	snop  }
0x3c: {  	p2 =	seq.s32 s10, $0x1;
	s10 =	sld [smem:$0x3FB2]  }
0x3d: {  	_ =	shalt  }
0x3e: {  	_ =	shalt  }
0x3f: {  	_ =	shalt  }
0x40: {  	_ =	shalt  }
0x41: {  	_ =	shalt  }
0x42: {  	_ =	shalt  }
0x43: {  	_ =	shalt  }
0x44: {  	_ =	shalt  }
0x45: {  	_ =	shalt  }
0x46: {  	_ =	shalt  }
0x47: {  	_ =	shalt  }
0x48: {  	_ =	shalt  }
0x49: {  	_ =	shalt  }
0x4a: {  	_ =	shalt  }
0x4b: {  	_ =	shalt  }
0x4c: {  	_ =	shalt  }
0x4d: {  	_ =	shalt  }
0x4e: {  	_ =	shalt  }
0x4f: {  	_ =	shalt  }
0x50: {  	_ =	shalt  }
0x51: {  	_ =	shalt  }
0x52: {  	_ =	shalt  }
0x53: {  	_ =	shalt  }
0x54: {  	_ =	shalt  }
0x55: {  	_ =	shalt  }
0x56: {  	_ =	shalt  }
0x57: {  	_ =	shalt  }
0x58: {  	_ =	shalt  }
0x59: {  	_ =	shalt  }
0x5a: {  	_ =	shalt  }
0x5b: {  	_ =	shalt  }
0x5c: {  	_ =	shalt  }
0x5d: {  	_ =	shalt  }
0x5e: {  	_ =	shalt  }
0x5f: {  	_ =	shalt  }
0x60: {  	_ =	shalt  }
0x61: {  	_ =	shalt  }
0x62: {  	_ =	shalt  }
0x63: {  	_ =	shalt  }
0x64: {  	_ =	shalt  }
0x65: {  	_ =	shalt  }
0x66: {  	_ =	shalt  }
0x67: {  	_ =	shalt  }
0x68: {  	_ =	shalt  }
0x69: {  	_ =	shalt  }
0x6a: {  	_ =	shalt  }
0x6b: {  	_ =	shalt  }
0x6c: {  	_ =	shalt  }
0x6d: {  	_ =	shalt  }
0x6e: {  	_ =	shalt  }
0x6f: {  	_ =	shalt  }
0x70: {  	_ =	shalt  }
0x71: {  	_ =	shalt  }
0x72: {  	_ =	shalt  }
0x73: {  	_ =	shalt  }
0x74: {  	_ =	shalt  }
0x75: {  	_ =	shalt  }
0x76: {  	_ =	shalt  }
0x77: {  	_ =	shalt  }
0x78: {  	_ =	shalt  }
0x79: {  	_ =	shalt  }
0x7a: {  	_ =	shalt  }
0x7b: {  	_ =	shalt  }
0x7c: {  	_ =	shalt  }
0x7d: {  	_ =	shalt  }
0x7e: {  	_ =	shalt  }
0x7f: {  	_ =	shalt  }
0x80: {  	_ =	shalt  }
0x81: {  	_ =	shalt  }
0x82: {  	_ =	shalt  }
0x83: {  	_ =	shalt  }
0x84: {  	_ =	shalt  }
0x85: {  	_ =	shalt  }
0x86: {  	_ =	shalt  }
0x87: {  	_ =	shalt  }
.Lfunc_end0:
.L_simem_size_0:
called_computation.1_lowered:
.L_overlay_start_0:
0x88: {  	s2 =	sld [smem:$0x3FD9]  }
0x89: {  	s3 =	sld [smem:$0x3FFE];
	_ =	sdelay $0x1  }
0x8a: {  	s1 =	srdreg.scid  }
0x8b: {  	s0 =	sand.u32 $0x1, s1  }
0x8c: {  	s14 =	sshll.u32 s0, $0xA;
	s2 =	sadd.s32 s3, s2  }
0x8d: {  	s2 =	sadd.s32 s2, s14  }
0x8e: {  	[smem:$0x3FBE] =	sst s2  }
0x8f: {  	_ = 	snop  }
0x90: {  	s2 =	sld [smem:$0x3FD0];
	_ =	sdelay $0x2  }
0x91: {  	s4 =	simm.s32 $0xA;
	s5 =	simm.s32 $0x10;
	s15 =	sld [smem:$0x3FC9]  }
0x92: {  	[smem:s5], [sflag:s4] =	dma.local [hbm:s2], $0x1  }
0x93: {  	_ =	swait.eq [sflag:s4], $0x1  }
0x94: {  	[sflag:s4] =	ssyncset.done $0x0  }
0x95: {  	[sflag:s4] =	ssyncadd.s32 $0xFFFFFFFF  }
0x96: {  	s16 =	sld [smem:$0x10];
	(tm) =	ssettm $0x1  }
0x97: {  	s17 =	sld [smem:$0x3FFB];
	_ =	sdelay $0x3  }
0x98: {  	_ =	strace s17  }
0x99: {  	s4 =	sld [smem:$0x3FFC];
	_ =	sdelay $0x3  }
0x9a: {  	_ =	strace s4  }
0x9b: {  	s4 =	sld [smem:$0x3FFD];
	_ =	sdelay $0x3  }
0x9c: {  	_ =	strace s4  }
0x9d: {  	_ =	strace $0x8FFFFFFF  }
0x9e: {  	s18 =	sld [smem:$0x3FDB];
	_ =	sdelay $0x1  }
0x9f: {  	s19 =	simm.s32 $_scs_section_size  }
0xa0: {  	s6 =	simm.s32 $_size__tile_overlayer_lowered;
	s7 =	simm.s32 $_tile_overlayer_lowered  }
0xa1: {  	s22 =	simm.s32 $0x1BFF;
	s21 =	sshll.u32 s7, $0x1;
	s4 =	sadd.s32 s19, s18  }
0xa2: {  	s8 =	simm.s32 $0x0;
	s20 =	sshll.u32 s6, $0x1;
	s6 =	sadd.s32 s21, s4  }
0xa3: {  	[timem:s8], [sflag:s22] =	dma.local [hbm:s6], s20  }
0xa4: {  	_ =	swait.ge [sflag:s22], s20  }
0xa5: {  	s5 =	ssub.s32 $0x0, s20;
	[sflag:s22] =	ssyncset.done $0x0  }
0xa6: {  	[sflag:s22] =	ssyncadd.s32 s5;
	_ =	sdelay $0x1  }
0xa7: {  	s23 =	simm.s32 $0x1B8B  }
0xa8: {  	_ =	swait.ge [sflag:s23], $0x1  }
0xa9: {  	[sflag:s23] =	ssyncset.done $0x0  }
0xaa: {  	s25 =	simm.s32 $0x1B8E;
	s24 =	sld [smem:$0x3FFE];
	[sflag:s23] =	ssyncadd.s32 $0xFFFFFFFF  }
0xab: {  	s26 =	simm.s32 $execute0_lowered;
	[smem:$0x3FD2] =	sst s25  }
0xac: {  	s6 =	sshll.u32 s26, $0x1;
	_ =	strace $0x80000049;
	[dreg:$0x1] =	wrdreg $0xFFFFFFFF  }
0xad: {  	s28 =	simm.s32 $_size_execute0_lowered;
	s4 =	sadd.s32 s4, s6;
	[dreg:$0x0] =	wrdreg $0x0  }
0xae: {  	s6 =	sshll.u32 s28, $0x1;
	[dreg:$0x2] =	wrdreg s4  }
0xaf: {  	[dreg:$0x3] =	wrdreg s6  }
0xb0: {  	[dreg:$0x4] =	wrdreg $0xC0  }
0xb1: {  	_ =	task [dreg:s8], $0x5FFFF  }
0xb2: {  	[dreg:$0x1] =	wrdreg $0xFFFFFFFF  }
0xb3: {  	[dreg:$0x0] =	wrdreg $0x60  }
0xb4: {  	[dreg:$0x2] =	wrdreg s15  }
0xb5: {  	[dreg:$0x3] =	wrdreg s16  }
0xb6: {  	[dreg:$0x4] =	wrdreg s24  }
0xb7: {  	[dreg:$0x5] =	wrdreg $0x9  }
0xb8: {  	_ =	task.clear_ibuf [dreg:s8], $0x6FFFF;
	_ =	strace $0x90000049  }
0xb9: {  	s29 =	simm.s32 $0x9;
	_ =	strace $0x8000004B  }
0xba: {  	_ =	swait.ge [sflag:s29], $0x1  }
0xbb: {  	[sflag:s29] =	ssyncadd.s32 $0xFFFFFFFF  }
0xbc: {  	_ =	strace $0x9000004B  }
0xbd: {  	_ =	sfence  }
0xbe: {  	s30 =	sld [smem:$0x0];
	_ =	sdelay $0x2  }
0xbf: {  	s31 =	sshll.u32 s1, $0xD;
	s1 =	sshrl.u32 s1, $0x2  }
0xc0: {  	s3 =	sand.u32 $0x4000, s31;
	s1 =	sadd.s32 s1, s30  }
0xc1: {  	s0 =	sor.u32 s3, s0;
	s1 =	sshll.u32 s1, $0x11  }
0xc2: {  	s0 =	sor.u32 s1, s0  }
0xc3: {  	s0 =	sadd.s32 $0x8F2B, s0  }
0xc4: {  	[sflag:s0] =	ssyncadd.remote.s32 $0x1  }
0xc5: {  	_ =	sfence.sel $0xFFFF  }
0xc6: {  	[dreg:$0x0] =	wrdreg $0xFFFFFFFF;
	(pc) =	sbr.abs _section_cstart, $3  }
0xc7: {  	[dreg:$0x1] =	wrdreg $0xFFFFFFFF  }
0xc8: {  	_ =	task.clear_ibuf [dreg:s8], $0x2FFFF;
	_ =	strace $0x9FFFFFFF  }
0xc9: {  	(tm) =	ssettm $0x7FFFFFFF  }
tec
execute0_lowered:
.L_overlay_start_1:
0x0: {  	(tag) =	ssettag $0x1  }
0x1: {  	s0 =	srdreg.scid;
	s1 =	stileid.u32  }
0x2: {  	s0 =	sand.u32 $0x1, s0;
	s1 =	sshll.u32 s1, $0x1  }
0x3: {  	s1 =	sor.u32 s0, s1  }
0x4: {  	s3 =	smul.u32 $0x1E0, s1  }
0x5: {  	s2 =	rddreg [dreg:$0x0]  }
0x6: {  	s4 =	rddreg [dreg:$0x1];
	s6 =	sshrl.u32 s3, $0x3  }
0x7: {  	s5 =	rddreg [dreg:$0x2];
	s7 =	simm.s32 $0x1;
	s6 =	smul.u32 $0x300, s6  }
0x8: {  	s23 =	simm.s32 $0x400;
	s1 =	sshll.u32 s1, $0x7;
	s3 =	simm.s32 $0x0  }
0x9: {  	s1 =	sadd.s32 s4, s1;
	[smem:$0x7FF] =	sst s3;
	s6 =	sadd.s32 s6, s5  }
0xa: {  	_ =	strace $0x8000004A;
	[dreg:$0x4] =	wrdreg s1;
	s25 =	sadd.s32 $0x36600, s6  }
0xb: {  	s0 =	ssub.s32 $0x2, s0;
	s28 =	sadd.s32 $0x38A00, s6;
	[dreg:$0x5] =	wrdreg s25  }
0xc: {  	s26 =	sshrl.u32 s0, $0x1;
	s29 =	sadd.s32 $0x3AE00, s6;
	[dreg:$0x6] =	wrdreg s28  }
0xd: {  	v2 =	vlaneseq.u32;
	s0 =	ssub.s32 s0, s26;
	s30 =	sadd.s32 $0x3D200, s6;
	[dreg:$0x7] =	wrdreg s29  }
0xe: {  	vm0 =	vmmov $0xffff;
	v1 =	vshrl.u32 v2, $0x3;
	s4 =	sadd.s32 $0x100, s2;
	s31 =	sadd.s32 $0x3F600, s6;
	[dreg:$0x8] =	wrdreg s30  }
0xf: {  	v0 =	vand.u32 $0x7, v2;
	v2 =	vor.u32 $0x8, v2;
	v1 =	vmul.u32 $0x8, v1;
	s5 =	sadd.s32 $0x200, s2;
	s6 =	smax.u32 s0, $0x1;
	[dreg:$0x9] =	wrdreg s31  }
.LBB2_1:
0x10: {  	s20 =	rddreg [dreg:$0x4]  }
0x11: {  	[tilespmem:s3], [sflag:$0x1] =	stream.linear.gather [hbm4b:s20+s3], $0x280, $0x38;
	[tilespmem:$0x12400] =	vst v63  }
0x12: {  	_ =	swait.ge [sflag:s7], $0x280  }
0x13: {  	[sflag:s7] =	ssyncset.done $0x0  }
0x14: {  	[sflag:s7] =	ssyncadd.s32 $0xFFFFFD80  }
0x15: {  	v3 =	vld [tilespmem:$0x0];
	_ =	sdelay $0x4  }
0x16: {  	v4 =	vshrl.u32 v3, $0x3  }
0x17: {  	v4 =	vmul.u32 $0x30, v4  }
0x18: {  	v3 =	vand.u32 $0x7, v3  }
0x19: {  	v3 =	vor.u32 v3, v4  }
0x1a: {  	v4 =	vperm.xlane v3, v0;
	_ =	sdelay $0x1  }
0x1b: {  	v4 =	vadd.s32 v1, v4;
	_ =	sdelay $0x3  }
0x1c: {  	v3 =	vperm.xlane v3, v2  }
0x1d: {  	[tilespmem:s23], [sflag:$0x1] =	stream.indirect_vreg.gather [hbm4b:s2+s3], $0x80, v4, vm0, $0xb8;
	[tilespmem:$0x12400] =	vst v63  }
0x1e: {  	s0 =	simm.s32 $0xC00;
	v3 =	vadd.s32 v1, v3  }
0x1f: {  	[tilespmem:s0], [sflag:$0x1] =	stream.indirect_vreg.gather [hbm4b:s4+s3], $0x80, v4, vm0, $0xb8;
	[tilespmem:$0x12400] =	vst v63  }
0x20: {  	s15 =	simm.s32 $0x1400  }
0x21: {  	[tilespmem:s15], [sflag:$0x1] =	stream.indirect_vreg.gather [hbm4b:s5+s3], $0x80, v4, vm0, $0xb8;
	[tilespmem:$0x12400] =	vst v63  }
0x22: {  	s16 =	simm.s32 $0x1C00  }
0x23: {  	[tilespmem:s16], [sflag:$0x1] =	stream.indirect_vreg.gather [hbm4b:s2+s3], $0x80, v3, vm0, $0xb8;
	[tilespmem:$0x12400] =	vst v63  }
0x24: {  	s17 =	simm.s32 $0x2400  }
0x25: {  	[tilespmem:s17], [sflag:$0x1] =	stream.indirect_vreg.gather [hbm4b:s4+s3], $0x80, v3, vm0, $0xb8;
	[tilespmem:$0x12400] =	vst v63  }
0x26: {  	s18 =	simm.s32 $0x2C00  }
0x27: {  	[tilespmem:s18], [sflag:$0x1] =	stream.indirect_vreg.gather [hbm4b:s5+s3], $0x80, v3, vm0, $0xb8;
	[tilespmem:$0x12400] =	vst v63  }
0x28: {  	v3 =	vld [tilespmem:$0x10];
	_ =	sdelay $0x4  }
0x29: {  	v35 =	vshrl.u32 v3, $0x3  }
0x2a: {  	v4 =	vmul.u32 $0x30, v35  }
0x2b: {  	v3 =	vand.u32 $0x7, v3  }
0x2c: {  	v3 =	vor.u32 v3, v4  }
0x2d: {  	v4 =	vperm.xlane v3, v0;
	_ =	sdelay $0x1  }
0x2e: {  	v4 =	vadd.s32 v1, v4;
	_ =	sdelay $0x3  }
0x2f: {  	s19 =	simm.s32 $0x3400;
	v3 =	vperm.xlane v3, v2  }
0x30: {  	[tilespmem:s19], [sflag:$0x1] =	stream.indirect_vreg.gather [hbm4b:s2+s3], $0x80, v4, vm0, $0xb8;
	[tilespmem:$0x12400] =	vst v63  }
0x31: {  	s20 =	simm.s32 $0x3C00;
	v3 =	vadd.s32 v1, v3  }
0x32: {  	[tilespmem:s20], [sflag:$0x1] =	stream.indirect_vreg.gather [hbm4b:s4+s3], $0x80, v4, vm0, $0xb8;
	[tilespmem:$0x12400] =	vst v63  }
0x33: {  	s21 =	simm.s32 $0x4400  }
0x34: {  	[tilespmem:s21], [sflag:$0x1] =	stream.indirect_vreg.gather [hbm4b:s5+s3], $0x80, v4, vm0, $0xb8;
	[tilespmem:$0x12400] =	vst v63  }
0x35: {  	s22 =	simm.s32 $0x4C00  }
0x36: {  	[tilespmem:s22], [sflag:$0x1] =	stream.indirect_vreg.gather [hbm4b:s2+s3], $0x80, v3, vm0, $0xb8;
	[tilespmem:$0x12400] =	vst v63  }
0x37: {  	s24 =	simm.s32 $0x5400  }
0x38: {  	[tilespmem:s24], [sflag:$0x1] =	stream.indirect_vreg.gather [hbm4b:s4+s3], $0x80, v3, vm0, $0xb8;
	[tilespmem:$0x12400] =	vst v63  }
0x39: {  	s25 =	simm.s32 $0x5C00  }
0x3a: {  	[tilespmem:s25], [sflag:$0x1] =	stream.indirect_vreg.gather [hbm4b:s5+s3], $0x80, v3, vm0, $0xb8;
	[tilespmem:$0x12400] =	vst v63  }
0x3b: {  	v3 =	vld [tilespmem:$0x20];
	_ =	sdelay $0x4  }
0x3c: {  	v36 =	vshrl.u32 v3, $0x3  }
0x3d: {  	v4 =	vmul.u32 $0x30, v36  }
0x3e: {  	v3 =	vand.u32 $0x7, v3  }
0x3f: {  	v3 =	vor.u32 v3, v4  }
0x40: {  	v4 =	vperm.xlane v3, v0;
	_ =	sdelay $0x1  }
0x41: {  	v4 =	vadd.s32 v1, v4;
	_ =	sdelay $0x3  }
0x42: {  	s26 =	simm.s32 $0x6400;
	v3 =	vperm.xlane v3, v2  }
0x43: {  	[tilespmem:s26], [sflag:$0x1] =	stream.indirect_vreg.gather [hbm4b:s2+s3], $0x80, v4, vm0, $0xb8;
	[tilespmem:$0x12400] =	vst v63  }
0x44: {  	s28 =	simm.s32 $0x6C00;
	v3 =	vadd.s32 v1, v3  }
0x45: {  	[tilespmem:s28], [sflag:$0x1] =	stream.indirect_vreg.gather [hbm4b:s4+s3], $0x80, v4, vm0, $0xb8;
	[tilespmem:$0x12400] =	vst v63  }
0x46: {  	s29 =	simm.s32 $0x7400  }
0x47: {  	[tilespmem:s29], [sflag:$0x1] =	stream.indirect_vreg.gather [hbm4b:s5+s3], $0x80, v4, vm0, $0xb8;
	[tilespmem:$0x12400] =	vst v63  }
0x48: {  	s30 =	simm.s32 $0x7C00  }
0x49: {  	[tilespmem:s30], [sflag:$0x1] =	stream.indirect_vreg.gather [hbm4b:s2+s3], $0x80, v3, vm0, $0xb8;
	[tilespmem:$0x12400] =	vst v63  }
0x4a: {  	s31 =	simm.s32 $0x8400  }
0x4b: {  	[tilespmem:s31], [sflag:$0x1] =	stream.indirect_vreg.gather [hbm4b:s4+s3], $0x80, v3, vm0, $0xb8;
	[tilespmem:$0x12400] =	vst v63  }
0x4c: {  	s16 =	simm.s32 $0x8C00  }
0x4d: {  	[tilespmem:s16], [sflag:$0x1] =	stream.indirect_vreg.gather [hbm4b:s5+s3], $0x80, v3, vm0, $0xb8;
	[tilespmem:$0x12400] =	vst v63  }
0x4e: {  	v3 =	vld [tilespmem:$0x30];
	_ =	sdelay $0x4  }
0x4f: {  	v37 =	vshrl.u32 v3, $0x3  }
0x50: {  	v4 =	vmul.u32 $0x30, v37  }
0x51: {  	v3 =	vand.u32 $0x7, v3  }
0x52: {  	v3 =	vor.u32 v3, v4  }
0x53: {  	v4 =	vperm.xlane v3, v0;
	_ =	sdelay $0x1  }
0x54: {  	v4 =	vadd.s32 v1, v4;
	_ =	sdelay $0x3  }
0x55: {  	s18 =	simm.s32 $0x9400;
	v3 =	vperm.xlane v3, v2  }
0x56: {  	[tilespmem:s18], [sflag:$0x1] =	stream.indirect_vreg.gather [hbm4b:s2+s3], $0x80, v4, vm0, $0xb8;
	[tilespmem:$0x12400] =	vst v63  }
0x57: {  	s19 =	simm.s32 $0x9C00;
	v3 =	vadd.s32 v1, v3  }
0x58: {  	[tilespmem:s19], [sflag:$0x1] =	stream.indirect_vreg.gather [hbm4b:s4+s3], $0x80, v4, vm0, $0xb8;
	[tilespmem:$0x12400] =	vst v63  }
0x59: {  	s20 =	simm.s32 $0xA400  }
0x5a: {  	[tilespmem:s20], [sflag:$0x1] =	stream.indirect_vreg.gather [hbm4b:s5+s3], $0x80, v4, vm0, $0xb8;
	[tilespmem:$0x12400] =	vst v63  }
0x5b: {  	s21 =	simm.s32 $0xAC00  }
0x5c: {  	[tilespmem:s21], [sflag:$0x1] =	stream.indirect_vreg.gather [hbm4b:s2+s3], $0x80, v3, vm0, $0xb8;
	[tilespmem:$0x12400] =	vst v63  }
0x5d: {  	s22 =	simm.s32 $0xB400  }
0x5e: {  	[tilespmem:s22], [sflag:$0x1] =	stream.indirect_vreg.gather [hbm4b:s4+s3], $0x80, v3, vm0, $0xb8;
	[tilespmem:$0x12400] =	vst v63  }
0x5f: {  	s24 =	simm.s32 $0xBC00  }
0x60: {  	[tilespmem:s24], [sflag:$0x1] =	stream.indirect_vreg.gather [hbm4b:s5+s3], $0x80, v3, vm0, $0xb8;
	[tilespmem:$0x12400] =	vst v63  }
0x61: {  	v3 =	vld [tilespmem:$0x40];
	_ =	sdelay $0x4  }
0x62: {  	v38 =	vshrl.u32 v3, $0x3  }
0x63: {  	v4 =	vmul.u32 $0x30, v38  }
0x64: {  	v3 =	vand.u32 $0x7, v3  }
0x65: {  	v3 =	vor.u32 v3, v4  }
0x66: {  	v4 =	vperm.xlane v3, v0;
	_ =	sdelay $0x1  }
0x67: {  	v4 =	vadd.s32 v1, v4;
	_ =	sdelay $0x3  }
0x68: {  	s25 =	simm.s32 $0xC400;
	v3 =	vperm.xlane v3, v2  }
0x69: {  	[tilespmem:s25], [sflag:$0x1] =	stream.indirect_vreg.gather [hbm4b:s2+s3], $0x80, v4, vm0, $0xb8;
	[tilespmem:$0x12400] =	vst v63  }
0x6a: {  	s26 =	simm.s32 $0xCC00;
	v3 =	vadd.s32 v1, v3  }
0x6b: {  	[tilespmem:s26], [sflag:$0x1] =	stream.indirect_vreg.gather [hbm4b:s4+s3], $0x80, v4, vm0, $0xb8;
	[tilespmem:$0x12400] =	vst v63  }
0x6c: {  	s28 =	simm.s32 $0xD400  }
0x6d: {  	[tilespmem:s28], [sflag:$0x1] =	stream.indirect_vreg.gather [hbm4b:s5+s3], $0x80, v4, vm0, $0xb8;
	[tilespmem:$0x12400] =	vst v63  }
0x6e: {  	s29 =	simm.s32 $0xDC00  }
0x6f: {  	[tilespmem:s29], [sflag:$0x1] =	stream.indirect_vreg.gather [hbm4b:s2+s3], $0x80, v3, vm0, $0xb8;
	[tilespmem:$0x12400] =	vst v63  }
0x70: {  	s30 =	simm.s32 $0xE400  }
0x71: {  	[tilespmem:s30], [sflag:$0x1] =	stream.indirect_vreg.gather [hbm4b:s4+s3], $0x80, v3, vm0, $0xb8;
	[tilespmem:$0x12400] =	vst v63  }
0x72: {  	s31 =	simm.s32 $0xEC00  }
0x73: {  	[tilespmem:s31], [sflag:$0x1] =	stream.indirect_vreg.gather [hbm4b:s5+s3], $0x80, v3, vm0, $0xb8;
	[tilespmem:$0x12400] =	vst v63  }
0x74: {  	v3 =	vld [tilespmem:$0x50];
	_ =	sdelay $0x4  }
0x75: {  	v39 =	vshrl.u32 v3, $0x3  }
0x76: {  	v4 =	vmul.u32 $0x30, v39  }
0x77: {  	v3 =	vand.u32 $0x7, v3  }
0x78: {  	v3 =	vor.u32 v3, v4  }
0x79: {  	v4 =	vperm.xlane v3, v0;
	_ =	sdelay $0x1  }
0x7a: {  	v4 =	vadd.s32 v1, v4;
	_ =	sdelay $0x3  }
0x7b: {  	s0 =	simm.s32 $0xF400;
	v3 =	vperm.xlane v3, v2  }
0x7c: {  	[tilespmem:s0], [sflag:$0x1] =	stream.indirect_vreg.gather [hbm4b:s2+s3], $0x80, v4, vm0, $0xb8;
	[tilespmem:$0x12400] =	vst v63  }
0x7d: {  	s16 =	simm.s32 $0xFC00;
	v3 =	vadd.s32 v1, v3  }
0x7e: {  	[tilespmem:s16], [sflag:$0x1] =	stream.indirect_vreg.gather [hbm4b:s4+s3], $0x80, v4, vm0, $0xb8;
	[tilespmem:$0x12400] =	vst v63  }
0x7f: {  	s18 =	simm.s32 $0x10400  }
0x80: {  	[tilespmem:s18], [sflag:$0x1] =	stream.indirect_vreg.gather [hbm4b:s5+s3], $0x80, v4, vm0, $0xb8;
	[tilespmem:$0x12400] =	vst v63  }
0x81: {  	s29 =	simm.s32 $0x10C00  }
0x82: {  	[tilespmem:s29], [sflag:$0x1] =	stream.indirect_vreg.gather [hbm4b:s2+s3], $0x80, v3, vm0, $0xb8;
	[tilespmem:$0x12400] =	vst v63  }
0x83: {  	s31 =	simm.s32 $0x11400  }
0x84: {  	[tilespmem:s31], [sflag:$0x1] =	stream.indirect_vreg.gather [hbm4b:s4+s3], $0x80, v3, vm0, $0xb8;
	[tilespmem:$0x12400] =	vst v63  }
0x85: {  	s0 =	simm.s32 $0x11C00  }
0x86: {  	[tilespmem:s0], [sflag:$0x1] =	stream.indirect_vreg.gather [hbm4b:s5+s3], $0x80, v3, vm0, $0xb8;
	[tilespmem:$0x12400] =	vst v63  }
0x87: {  	_ =	swait.ge [sflag:s7], $0x12000  }
0x88: {  	[sflag:s7] =	ssyncset.done $0x0  }
0x89: {  	s16 =	rddreg [dreg:$0x5];
	[sflag:s7] =	ssyncadd.s32 $0xFFFEE000  }
0x8a: {  	[hbm4b:s16+s3] =	stream.linear.scatter [tilespmem:s23], [sflag:$0x1], $0x12000, $0x38;
	[tilespmem:$0x12400] =	vst v63  }
0x8b: {  	_ =	swait.ge [sflag:s7], $0x12000  }
0x8c: {  	[sflag:s7] =	ssyncset.done $0x0  }
0x8d: {  	[sflag:s7] =	ssyncadd.s32 $0xFFFEE000  }
0x8e: {  	v3 =	vld [tilespmem:$0x80];
	_ =	sdelay $0x4  }
0x8f: {  	v40 =	vshrl.u32 v3, $0x3  }
0x90: {  	v4 =	vmul.u32 $0x30, v40  }
0x91: {  	v3 =	vand.u32 $0x7, v3  }
0x92: {  	v3 =	vor.u32 v3, v4  }
0x93: {  	v4 =	vperm.xlane v3, v0;
	_ =	sdelay $0x1  }
0x94: {  	v4 =	vadd.s32 v1, v4;
	_ =	sdelay $0x3  }
0x95: {  	v3 =	vperm.xlane v3, v2  }
0x96: {  	[tilespmem:s23], [sflag:$0x1] =	stream.indirect_vreg.gather [hbm4b:s2+s3], $0x80, v4, vm0, $0xb8;
	[tilespmem:$0x12400] =	vst v63  }
0x97: {  	s1 =	simm.s32 $0xC00;
	v3 =	vadd.s32 v1, v3  }
0x98: {  	[tilespmem:s1], [sflag:$0x1] =	stream.indirect_vreg.gather [hbm4b:s4+s3], $0x80, v4, vm0, $0xb8;
	[tilespmem:$0x12400] =	vst v63  }
0x99: {  	s8 =	simm.s32 $0x1400  }
0x9a: {  	[tilespmem:s8], [sflag:$0x1] =	stream.indirect_vreg.gather [hbm4b:s5+s3], $0x80, v4, vm0, $0xb8;
	[tilespmem:$0x12400] =	vst v63  }
0x9b: {  	s9 =	simm.s32 $0x1C00  }
0x9c: {  	[tilespmem:s9], [sflag:$0x1] =	stream.indirect_vreg.gather [hbm4b:s2+s3], $0x80, v3, vm0, $0xb8;
	[tilespmem:$0x12400] =	vst v63  }
0x9d: {  	s10 =	simm.s32 $0x2400  }
0x9e: {  	[tilespmem:s10], [sflag:$0x1] =	stream.indirect_vreg.gather [hbm4b:s4+s3], $0x80, v3, vm0, $0xb8;
	[tilespmem:$0x12400] =	vst v63  }
0x9f: {  	s17 =	simm.s32 $0x2C00  }
0xa0: {  	[tilespmem:s17], [sflag:$0x1] =	stream.indirect_vreg.gather [hbm4b:s5+s3], $0x80, v3, vm0, $0xb8;
	[tilespmem:$0x12400] =	vst v63  }
0xa1: {  	v3 =	vld [tilespmem:$0x90];
	_ =	sdelay $0x4  }
0xa2: {  	v41 =	vshrl.u32 v3, $0x3  }
0xa3: {  	v4 =	vmul.u32 $0x30, v41  }
0xa4: {  	v3 =	vand.u32 $0x7, v3  }
0xa5: {  	v3 =	vor.u32 v3, v4  }
0xa6: {  	v4 =	vperm.xlane v3, v0;
	_ =	sdelay $0x1  }
0xa7: {  	v4 =	vadd.s32 v1, v4;
	_ =	sdelay $0x3  }
0xa8: {  	s16 =	simm.s32 $0x3400;
	v3 =	vperm.xlane v3, v2  }
0xa9: {  	[tilespmem:s16], [sflag:$0x1] =	stream.indirect_vreg.gather [hbm4b:s2+s3], $0x80, v4, vm0, $0xb8;
	[tilespmem:$0x12400] =	vst v63  }
0xaa: {  	s11 =	simm.s32 $0x3C00;
	v3 =	vadd.s32 v1, v3  }
0xab: {  	[tilespmem:s11], [sflag:$0x1] =	stream.indirect_vreg.gather [hbm4b:s4+s3], $0x80, v4, vm0, $0xb8;
	[tilespmem:$0x12400] =	vst v63  }
0xac: {  	s14 =	simm.s32 $0x4400  }
0xad: {  	[tilespmem:s14], [sflag:$0x1] =	stream.indirect_vreg.gather [hbm4b:s5+s3], $0x80, v4, vm0, $0xb8;
	[tilespmem:$0x12400] =	vst v63  }
0xae: {  	s15 =	simm.s32 $0x4C00  }
0xaf: {  	[tilespmem:s15], [sflag:$0x1] =	stream.indirect_vreg.gather [hbm4b:s2+s3], $0x80, v3, vm0, $0xb8;
	[tilespmem:$0x12400] =	vst v63  }
0xb0: {  	s17 =	simm.s32 $0x5400  }
0xb1: {  	[tilespmem:s17], [sflag:$0x1] =	stream.indirect_vreg.gather [hbm4b:s4+s3], $0x80, v3, vm0, $0xb8;
	[tilespmem:$0x12400] =	vst v63  }
0xb2: {  	s13 =	simm.s32 $0x5C00  }
0xb3: {  	[tilespmem:s13], [sflag:$0x1] =	stream.indirect_vreg.gather [hbm4b:s5+s3], $0x80, v3, vm0, $0xb8;
	[tilespmem:$0x12400] =	vst v63  }
0xb4: {  	v3 =	vld [tilespmem:$0xA0];
	_ =	sdelay $0x4  }
0xb5: {  	v42 =	vshrl.u32 v3, $0x3  }
0xb6: {  	v4 =	vmul.u32 $0x30, v42  }
0xb7: {  	v3 =	vand.u32 $0x7, v3  }
0xb8: {  	v3 =	vor.u32 v3, v4  }
0xb9: {  	v4 =	vperm.xlane v3, v0;
	_ =	sdelay $0x1  }
0xba: {  	v4 =	vadd.s32 v1, v4;
	_ =	sdelay $0x3  }
0xbb: {  	s12 =	simm.s32 $0x6400;
	v3 =	vperm.xlane v3, v2  }
0xbc: {  	[tilespmem:s12], [sflag:$0x1] =	stream.indirect_vreg.gather [hbm4b:s2+s3], $0x80, v4, vm0, $0xb8;
	[tilespmem:$0x12400] =	vst v63  }
0xbd: {  	s0 =	simm.s32 $0x6C00;
	v3 =	vadd.s32 v1, v3  }
0xbe: {  	[tilespmem:s0], [sflag:$0x1] =	stream.indirect_vreg.gather [hbm4b:s4+s3], $0x80, v4, vm0, $0xb8;
	[tilespmem:$0x12400] =	vst v63  }
0xbf: {  	s1 =	simm.s32 $0x7400  }
0xc0: {  	[tilespmem:s1], [sflag:$0x1] =	stream.indirect_vreg.gather [hbm4b:s5+s3], $0x80, v4, vm0, $0xb8;
	[tilespmem:$0x12400] =	vst v63  }
0xc1: {  	s8 =	simm.s32 $0x7C00  }
0xc2: {  	[tilespmem:s8], [sflag:$0x1] =	stream.indirect_vreg.gather [hbm4b:s2+s3], $0x80, v3, vm0, $0xb8;
	[tilespmem:$0x12400] =	vst v63  }
0xc3: {  	s9 =	simm.s32 $0x8400  }
0xc4: {  	[tilespmem:s9], [sflag:$0x1] =	stream.indirect_vreg.gather [hbm4b:s4+s3], $0x80, v3, vm0, $0xb8;
	[tilespmem:$0x12400] =	vst v63  }
0xc5: {  	s14 =	simm.s32 $0x8C00  }
0xc6: {  	[tilespmem:s14], [sflag:$0x1] =	stream.indirect_vreg.gather [hbm4b:s5+s3], $0x80, v3, vm0, $0xb8;
	[tilespmem:$0x12400] =	vst v63  }
0xc7: {  	v3 =	vld [tilespmem:$0xB0];
	_ =	sdelay $0x4  }
0xc8: {  	v43 =	vshrl.u32 v3, $0x3  }
0xc9: {  	v4 =	vmul.u32 $0x30, v43  }
0xca: {  	v3 =	vand.u32 $0x7, v3  }
0xcb: {  	v3 =	vor.u32 v3, v4  }
0xcc: {  	v4 =	vperm.xlane v3, v0;
	_ =	sdelay $0x1  }
0xcd: {  	v4 =	vadd.s32 v1, v4;
	_ =	sdelay $0x3  }
0xce: {  	s15 =	simm.s32 $0x9400;
	v3 =	vperm.xlane v3, v2  }
0xcf: {  	[tilespmem:s15], [sflag:$0x1] =	stream.indirect_vreg.gather [hbm4b:s2+s3], $0x80, v4, vm0, $0xb8;
	[tilespmem:$0x12400] =	vst v63  }
0xd0: {  	s10 =	simm.s32 $0x9C00;
	v3 =	vadd.s32 v1, v3  }
0xd1: {  	[tilespmem:s10], [sflag:$0x1] =	stream.indirect_vreg.gather [hbm4b:s4+s3], $0x80, v4, vm0, $0xb8;
	[tilespmem:$0x12400] =	vst v63  }
0xd2: {  	s11 =	simm.s32 $0xA400  }
0xd3: {  	[tilespmem:s11], [sflag:$0x1] =	stream.indirect_vreg.gather [hbm4b:s5+s3], $0x80, v4, vm0, $0xb8;
	[tilespmem:$0x12400] =	vst v63  }
0xd4: {  	s12 =	simm.s32 $0xAC00  }
0xd5: {  	[tilespmem:s12], [sflag:$0x1] =	stream.indirect_vreg.gather [hbm4b:s2+s3], $0x80, v3, vm0, $0xb8;
	[tilespmem:$0x12400] =	vst v63  }
0xd6: {  	s13 =	simm.s32 $0xB400  }
0xd7: {  	[tilespmem:s13], [sflag:$0x1] =	stream.indirect_vreg.gather [hbm4b:s4+s3], $0x80, v3, vm0, $0xb8;
	[tilespmem:$0x12400] =	vst v63  }
0xd8: {  	s22 =	simm.s32 $0xBC00  }
0xd9: {  	[tilespmem:s22], [sflag:$0x1] =	stream.indirect_vreg.gather [hbm4b:s5+s3], $0x80, v3, vm0, $0xb8;
	[tilespmem:$0x12400] =	vst v63  }
0xda: {  	v3 =	vld [tilespmem:$0xC0];
	_ =	sdelay $0x4  }
0xdb: {  	v44 =	vshrl.u32 v3, $0x3  }
0xdc: {  	v4 =	vmul.u32 $0x30, v44  }
0xdd: {  	v3 =	vand.u32 $0x7, v3  }
0xde: {  	v3 =	vor.u32 v3, v4  }
0xdf: {  	v4 =	vperm.xlane v3, v0;
	_ =	sdelay $0x1  }
0xe0: {  	v4 =	vadd.s32 v1, v4;
	_ =	sdelay $0x3  }
0xe1: {  	s19 =	simm.s32 $0xC400;
	v3 =	vperm.xlane v3, v2  }
0xe2: {  	[tilespmem:s19], [sflag:$0x1] =	stream.indirect_vreg.gather [hbm4b:s2+s3], $0x80, v4, vm0, $0xb8;
	[tilespmem:$0x12400] =	vst v63  }
0xe3: {  	s25 =	simm.s32 $0xCC00;
	v3 =	vadd.s32 v1, v3  }
0xe4: {  	[tilespmem:s25], [sflag:$0x1] =	stream.indirect_vreg.gather [hbm4b:s4+s3], $0x80, v4, vm0, $0xb8;
	[tilespmem:$0x12400] =	vst v63  }
0xe5: {  	s26 =	simm.s32 $0xD400  }
0xe6: {  	[tilespmem:s26], [sflag:$0x1] =	stream.indirect_vreg.gather [hbm4b:s5+s3], $0x80, v4, vm0, $0xb8;
	[tilespmem:$0x12400] =	vst v63  }
0xe7: {  	s28 =	simm.s32 $0xDC00  }
0xe8: {  	[tilespmem:s28], [sflag:$0x1] =	stream.indirect_vreg.gather [hbm4b:s2+s3], $0x80, v3, vm0, $0xb8;
	[tilespmem:$0x12400] =	vst v63  }
0xe9: {  	s28 =	simm.s32 $0xE400  }
0xea: {  	[tilespmem:s28], [sflag:$0x1] =	stream.indirect_vreg.gather [hbm4b:s4+s3], $0x80, v3, vm0, $0xb8;
	[tilespmem:$0x12400] =	vst v63  }
0xeb: {  	s21 =	simm.s32 $0xEC00  }
0xec: {  	[tilespmem:s21], [sflag:$0x1] =	stream.indirect_vreg.gather [hbm4b:s5+s3], $0x80, v3, vm0, $0xb8;
	[tilespmem:$0x12400] =	vst v63  }
0xed: {  	v3 =	vld [tilespmem:$0xD0];
	_ =	sdelay $0x4  }
0xee: {  	v45 =	vshrl.u32 v3, $0x3  }
0xef: {  	v4 =	vmul.u32 $0x30, v45  }
0xf0: {  	v3 =	vand.u32 $0x7, v3  }
0xf1: {  	v3 =	vor.u32 v3, v4  }
0xf2: {  	v4 =	vperm.xlane v3, v0;
	_ =	sdelay $0x1  }
0xf3: {  	v4 =	vadd.s32 v1, v4;
	_ =	sdelay $0x3  }
0xf4: {  	s24 =	simm.s32 $0xF400;
	v3 =	vperm.xlane v3, v2  }
0xf5: {  	[tilespmem:s24], [sflag:$0x1] =	stream.indirect_vreg.gather [hbm4b:s2+s3], $0x80, v4, vm0, $0xb8;
	[tilespmem:$0x12400] =	vst v63  }
0xf6: {  	s30 =	simm.s32 $0xFC00;
	v3 =	vadd.s32 v1, v3  }
0xf7: {  	[tilespmem:s30], [sflag:$0x1] =	stream.indirect_vreg.gather [hbm4b:s4+s3], $0x80, v4, vm0, $0xb8;
	[tilespmem:$0x12400] =	vst v63  }
0xf8: {  	s30 =	simm.s32 $0x10400  }
0xf9: {  	[tilespmem:s30], [sflag:$0x1] =	stream.indirect_vreg.gather [hbm4b:s5+s3], $0x80, v4, vm0, $0xb8;
	[tilespmem:$0x12400] =	vst v63  }
0xfa: {  	s24 =	simm.s32 $0x10C00  }
0xfb: {  	[tilespmem:s24], [sflag:$0x1] =	stream.indirect_vreg.gather [hbm4b:s2+s3], $0x80, v3, vm0, $0xb8;
	[tilespmem:$0x12400] =	vst v63  }
0xfc: {  	s28 =	simm.s32 $0x11400  }
0xfd: {  	[tilespmem:s28], [sflag:$0x1] =	stream.indirect_vreg.gather [hbm4b:s4+s3], $0x80, v3, vm0, $0xb8;
	[tilespmem:$0x12400] =	vst v63  }
0xfe: {  	s18 =	simm.s32 $0x11C00  }
0xff: {  	[tilespmem:s18], [sflag:$0x1] =	stream.indirect_vreg.gather [hbm4b:s5+s3], $0x80, v3, vm0, $0xb8;
	[tilespmem:$0x12400] =	vst v63  }
0x100: {  	_ =	swait.ge [sflag:s7], $0x12000  }
0x101: {  	[sflag:s7] =	ssyncset.done $0x0  }
0x102: {  	s20 =	rddreg [dreg:$0x6];
	[sflag:s7] =	ssyncadd.s32 $0xFFFEE000  }
0x103: {  	[hbm4b:s20+s3] =	stream.linear.scatter [tilespmem:s23], [sflag:$0x1], $0x12000, $0x38;
	[tilespmem:$0x12400] =	vst v63  }
0x104: {  	_ =	swait.ge [sflag:s7], $0x12000  }
0x105: {  	[sflag:s7] =	ssyncset.done $0x0  }
0x106: {  	[sflag:s7] =	ssyncadd.s32 $0xFFFEE000  }
0x107: {  	v3 =	vld [tilespmem:$0x100];
	_ =	sdelay $0x4  }
0x108: {  	v46 =	vshrl.u32 v3, $0x3  }
0x109: {  	v4 =	vmul.u32 $0x30, v46  }
0x10a: {  	v3 =	vand.u32 $0x7, v3  }
0x10b: {  	v3 =	vor.u32 v3, v4  }
0x10c: {  	v4 =	vperm.xlane v3, v0;
	_ =	sdelay $0x1  }
0x10d: {  	v4 =	vadd.s32 v1, v4;
	_ =	sdelay $0x3  }
0x10e: {  	v3 =	vperm.xlane v3, v2  }
0x10f: {  	[tilespmem:s23], [sflag:$0x1] =	stream.indirect_vreg.gather [hbm4b:s2+s3], $0x80, v4, vm0, $0xb8;
	[tilespmem:$0x12400] =	vst v63  }
0x110: {  	s29 =	simm.s32 $0xC00;
	v3 =	vadd.s32 v1, v3  }
0x111: {  	[tilespmem:s29], [sflag:$0x1] =	stream.indirect_vreg.gather [hbm4b:s4+s3], $0x80, v4, vm0, $0xb8;
	[tilespmem:$0x12400] =	vst v63  }
0x112: {  	s31 =	simm.s32 $0x1400  }
0x113: {  	[tilespmem:s31], [sflag:$0x1] =	stream.indirect_vreg.gather [hbm4b:s5+s3], $0x80, v4, vm0, $0xb8;
	[tilespmem:$0x12400] =	vst v63  }
0x114: {  	s31 =	simm.s32 $0x1C00  }
0x115: {  	[tilespmem:s31], [sflag:$0x1] =	stream.indirect_vreg.gather [hbm4b:s2+s3], $0x80, v3, vm0, $0xb8;
	[tilespmem:$0x12400] =	vst v63  }
0x116: {  	s29 =	simm.s32 $0x2400  }
0x117: {  	[tilespmem:s29], [sflag:$0x1] =	stream.indirect_vreg.gather [hbm4b:s4+s3], $0x80, v3, vm0, $0xb8;
	[tilespmem:$0x12400] =	vst v63  }
0x118: {  	s31 =	simm.s32 $0x2C00  }
0x119: {  	[tilespmem:s31], [sflag:$0x1] =	stream.indirect_vreg.gather [hbm4b:s5+s3], $0x80, v3, vm0, $0xb8;
	[tilespmem:$0x12400] =	vst v63  }
0x11a: {  	v3 =	vld [tilespmem:$0x110];
	_ =	sdelay $0x4  }
0x11b: {  	v47 =	vshrl.u32 v3, $0x3  }
0x11c: {  	v4 =	vmul.u32 $0x30, v47  }
0x11d: {  	v3 =	vand.u32 $0x7, v3  }
0x11e: {  	v3 =	vor.u32 v3, v4  }
0x11f: {  	v4 =	vperm.xlane v3, v0;
	_ =	sdelay $0x1  }
0x120: {  	v4 =	vadd.s32 v1, v4;
	_ =	sdelay $0x3  }
0x121: {  	v3 =	vperm.xlane v3, v2  }
0x122: {  	[tilespmem:s16], [sflag:$0x1] =	stream.indirect_vreg.gather [hbm4b:s2+s3], $0x80, v4, vm0, $0xb8;
	[tilespmem:$0x12400] =	vst v63  }
0x123: {  	s29 =	simm.s32 $0x3C00;
	v3 =	vadd.s32 v1, v3  }
0x124: {  	[tilespmem:s29], [sflag:$0x1] =	stream.indirect_vreg.gather [hbm4b:s4+s3], $0x80, v4, vm0, $0xb8;
	[tilespmem:$0x12400] =	vst v63  }
0x125: {  	s20 =	simm.s32 $0x4400  }
0x126: {  	[tilespmem:s20], [sflag:$0x1] =	stream.indirect_vreg.gather [hbm4b:s5+s3], $0x80, v4, vm0, $0xb8;
	[tilespmem:$0x12400] =	vst v63  }
0x127: {  	s29 =	simm.s32 $0x4C00  }
0x128: {  	[tilespmem:s29], [sflag:$0x1] =	stream.indirect_vreg.gather [hbm4b:s2+s3], $0x80, v3, vm0, $0xb8;
	[tilespmem:$0x12400] =	vst v63  }
0x129: {  	_ = 	snop  }
0x12a: {  	[tilespmem:s17], [sflag:$0x1] =	stream.indirect_vreg.gather [hbm4b:s4+s3], $0x80, v3, vm0, $0xb8;
	[tilespmem:$0x12400] =	vst v63  }
0x12b: {  	s20 =	simm.s32 $0x5C00  }
0x12c: {  	[tilespmem:s20], [sflag:$0x1] =	stream.indirect_vreg.gather [hbm4b:s5+s3], $0x80, v3, vm0, $0xb8;
	[tilespmem:$0x12400] =	vst v63  }
0x12d: {  	v3 =	vld [tilespmem:$0x120];
	_ =	sdelay $0x4  }
0x12e: {  	v48 =	vshrl.u32 v3, $0x3  }
0x12f: {  	v4 =	vmul.u32 $0x30, v48  }
0x130: {  	v3 =	vand.u32 $0x7, v3  }
0x131: {  	v3 =	vor.u32 v3, v4  }
0x132: {  	v4 =	vperm.xlane v3, v0;
	_ =	sdelay $0x1  }
0x133: {  	v4 =	vadd.s32 v1, v4;
	_ =	sdelay $0x3  }
0x134: {  	s29 =	simm.s32 $0x6400;
	v3 =	vperm.xlane v3, v2  }
0x135: {  	[tilespmem:s29], [sflag:$0x1] =	stream.indirect_vreg.gather [hbm4b:s2+s3], $0x80, v4, vm0, $0xb8;
	[tilespmem:$0x12400] =	vst v63  }
0x136: {  	v3 =	vadd.s32 v1, v3  }
0x137: {  	[tilespmem:s0], [sflag:$0x1] =	stream.indirect_vreg.gather [hbm4b:s4+s3], $0x80, v4, vm0, $0xb8;
	[tilespmem:$0x12400] =	vst v63  }
0x138: {  	_ = 	snop  }
0x139: {  	[tilespmem:s1], [sflag:$0x1] =	stream.indirect_vreg.gather [hbm4b:s5+s3], $0x80, v4, vm0, $0xb8;
	[tilespmem:$0x12400] =	vst v63  }
0x13a: {  	_ = 	snop  }
0x13b: {  	[tilespmem:s8], [sflag:$0x1] =	stream.indirect_vreg.gather [hbm4b:s2+s3], $0x80, v3, vm0, $0xb8;
	[tilespmem:$0x12400] =	vst v63  }
0x13c: {  	_ = 	snop  }
0x13d: {  	[tilespmem:s9], [sflag:$0x1] =	stream.indirect_vreg.gather [hbm4b:s4+s3], $0x80, v3, vm0, $0xb8;
	[tilespmem:$0x12400] =	vst v63  }
0x13e: {  	_ = 	snop  }
0x13f: {  	[tilespmem:s14], [sflag:$0x1] =	stream.indirect_vreg.gather [hbm4b:s5+s3], $0x80, v3, vm0, $0xb8;
	[tilespmem:$0x12400] =	vst v63  }
0x140: {  	v3 =	vld [tilespmem:$0x130];
	_ =	sdelay $0x4  }
0x141: {  	v49 =	vshrl.u32 v3, $0x3  }
0x142: {  	v4 =	vmul.u32 $0x30, v49  }
0x143: {  	v3 =	vand.u32 $0x7, v3  }
0x144: {  	v3 =	vor.u32 v3, v4  }
0x145: {  	v4 =	vperm.xlane v3, v0;
	_ =	sdelay $0x1  }
0x146: {  	v4 =	vadd.s32 v1, v4;
	_ =	sdelay $0x3  }
0x147: {  	v3 =	vperm.xlane v3, v2  }
0x148: {  	[tilespmem:s15], [sflag:$0x1] =	stream.indirect_vreg.gather [hbm4b:s2+s3], $0x80, v4, vm0, $0xb8;
	[tilespmem:$0x12400] =	vst v63  }
0x149: {  	v3 =	vadd.s32 v1, v3  }
0x14a: {  	[tilespmem:s10], [sflag:$0x1] =	stream.indirect_vreg.gather [hbm4b:s4+s3], $0x80, v4, vm0, $0xb8;
	[tilespmem:$0x12400] =	vst v63  }
0x14b: {  	_ = 	snop  }
0x14c: {  	[tilespmem:s11], [sflag:$0x1] =	stream.indirect_vreg.gather [hbm4b:s5+s3], $0x80, v4, vm0, $0xb8;
	[tilespmem:$0x12400] =	vst v63  }
0x14d: {  	_ = 	snop  }
0x14e: {  	[tilespmem:s12], [sflag:$0x1] =	stream.indirect_vreg.gather [hbm4b:s2+s3], $0x80, v3, vm0, $0xb8;
	[tilespmem:$0x12400] =	vst v63  }
0x14f: {  	_ = 	snop  }
0x150: {  	[tilespmem:s13], [sflag:$0x1] =	stream.indirect_vreg.gather [hbm4b:s4+s3], $0x80, v3, vm0, $0xb8;
	[tilespmem:$0x12400] =	vst v63  }
0x151: {  	s20 =	simm.s32 $0xBC00  }
0x152: {  	[tilespmem:s20], [sflag:$0x1] =	stream.indirect_vreg.gather [hbm4b:s5+s3], $0x80, v3, vm0, $0xb8;
	[tilespmem:$0x12400] =	vst v63  }
0x153: {  	v3 =	vld [tilespmem:$0x140];
	_ =	sdelay $0x4  }
0x154: {  	v50 =	vshrl.u32 v3, $0x3  }
0x155: {  	v4 =	vmul.u32 $0x30, v50  }
0x156: {  	v3 =	vand.u32 $0x7, v3  }
0x157: {  	v3 =	vor.u32 v3, v4  }
0x158: {  	v4 =	vperm.xlane v3, v0;
	_ =	sdelay $0x1  }
0x159: {  	v4 =	vadd.s32 v1, v4;
	_ =	sdelay $0x3  }
0x15a: {  	s17 =	simm.s32 $0xC400;
	v3 =	vperm.xlane v3, v2  }
0x15b: {  	[tilespmem:s17], [sflag:$0x1] =	stream.indirect_vreg.gather [hbm4b:s2+s3], $0x80, v4, vm0, $0xb8;
	[tilespmem:$0x12400] =	vst v63  }
0x15c: {  	s19 =	simm.s32 $0xCC00;
	v3 =	vadd.s32 v1, v3  }
0x15d: {  	[tilespmem:s19], [sflag:$0x1] =	stream.indirect_vreg.gather [hbm4b:s4+s3], $0x80, v4, vm0, $0xb8;
	[tilespmem:$0x12400] =	vst v63  }
0x15e: {  	s22 =	simm.s32 $0xD400  }
0x15f: {  	[tilespmem:s22], [sflag:$0x1] =	stream.indirect_vreg.gather [hbm4b:s5+s3], $0x80, v4, vm0, $0xb8;
	[tilespmem:$0x12400] =	vst v63  }
0x160: {  	s25 =	simm.s32 $0xDC00  }
0x161: {  	[tilespmem:s25], [sflag:$0x1] =	stream.indirect_vreg.gather [hbm4b:s2+s3], $0x80, v3, vm0, $0xb8;
	[tilespmem:$0x12400] =	vst v63  }
0x162: {  	s26 =	simm.s32 $0xE400  }
0x163: {  	[tilespmem:s26], [sflag:$0x1] =	stream.indirect_vreg.gather [hbm4b:s4+s3], $0x80, v3, vm0, $0xb8;
	[tilespmem:$0x12400] =	vst v63  }
0x164: {  	s19 =	simm.s32 $0xEC00  }
0x165: {  	[tilespmem:s19], [sflag:$0x1] =	stream.indirect_vreg.gather [hbm4b:s5+s3], $0x80, v3, vm0, $0xb8;
	[tilespmem:$0x12400] =	vst v63  }
0x166: {  	v3 =	vld [tilespmem:$0x150];
	_ =	sdelay $0x4  }
0x167: {  	v51 =	vshrl.u32 v3, $0x3  }
0x168: {  	v4 =	vmul.u32 $0x30, v51  }
0x169: {  	v3 =	vand.u32 $0x7, v3  }
0x16a: {  	v3 =	vor.u32 v3, v4  }
0x16b: {  	v4 =	vperm.xlane v3, v0;
	_ =	sdelay $0x1  }
0x16c: {  	v4 =	vadd.s32 v1, v4;
	_ =	sdelay $0x3  }
0x16d: {  	s20 =	simm.s32 $0xF400;
	v3 =	vperm.xlane v3, v2  }
0x16e: {  	[tilespmem:s20], [sflag:$0x1] =	stream.indirect_vreg.gather [hbm4b:s2+s3], $0x80, v4, vm0, $0xb8;
	[tilespmem:$0x12400] =	vst v63  }
0x16f: {  	s21 =	simm.s32 $0xFC00;
	v3 =	vadd.s32 v1, v3  }
0x170: {  	[tilespmem:s21], [sflag:$0x1] =	stream.indirect_vreg.gather [hbm4b:s4+s3], $0x80, v4, vm0, $0xb8;
	[tilespmem:$0x12400] =	vst v63  }
0x171: {  	s30 =	simm.s32 $0x10400  }
0x172: {  	[tilespmem:s30], [sflag:$0x1] =	stream.indirect_vreg.gather [hbm4b:s5+s3], $0x80, v4, vm0, $0xb8;
	[tilespmem:$0x12400] =	vst v63  }
0x173: {  	s24 =	simm.s32 $0x10C00  }
0x174: {  	[tilespmem:s24], [sflag:$0x1] =	stream.indirect_vreg.gather [hbm4b:s2+s3], $0x80, v3, vm0, $0xb8;
	[tilespmem:$0x12400] =	vst v63  }
0x175: {  	s28 =	simm.s32 $0x11400  }
0x176: {  	[tilespmem:s28], [sflag:$0x1] =	stream.indirect_vreg.gather [hbm4b:s4+s3], $0x80, v3, vm0, $0xb8;
	[tilespmem:$0x12400] =	vst v63  }
0x177: {  	s18 =	simm.s32 $0x11C00  }
0x178: {  	[tilespmem:s18], [sflag:$0x1] =	stream.indirect_vreg.gather [hbm4b:s5+s3], $0x80, v3, vm0, $0xb8;
	[tilespmem:$0x12400] =	vst v63  }
0x179: {  	_ =	swait.ge [sflag:s7], $0x12000  }
0x17a: {  	[sflag:s7] =	ssyncset.done $0x0  }
0x17b: {  	s19 =	rddreg [dreg:$0x7];
	[sflag:s7] =	ssyncadd.s32 $0xFFFEE000  }
0x17c: {  	[hbm4b:s19+s3] =	stream.linear.scatter [tilespmem:s23], [sflag:$0x1], $0x12000, $0x38;
	[tilespmem:$0x12400] =	vst v63  }
0x17d: {  	_ =	swait.ge [sflag:s7], $0x12000  }
0x17e: {  	[sflag:s7] =	ssyncset.done $0x0  }
0x17f: {  	[sflag:s7] =	ssyncadd.s32 $0xFFFEE000  }
0x180: {  	v3 =	vld [tilespmem:$0x180];
	_ =	sdelay $0x4  }
0x181: {  	v52 =	vshrl.u32 v3, $0x3  }
0x182: {  	v4 =	vmul.u32 $0x30, v52  }
0x183: {  	v3 =	vand.u32 $0x7, v3  }
0x184: {  	v3 =	vor.u32 v3, v4  }
0x185: {  	v4 =	vperm.xlane v3, v0;
	_ =	sdelay $0x1  }
0x186: {  	v4 =	vadd.s32 v1, v4;
	_ =	sdelay $0x3  }
0x187: {  	v3 =	vperm.xlane v3, v2  }
0x188: {  	[tilespmem:s23], [sflag:$0x1] =	stream.indirect_vreg.gather [hbm4b:s2+s3], $0x80, v4, vm0, $0xb8;
	[tilespmem:$0x12400] =	vst v63  }
0x189: {  	s20 =	simm.s32 $0xC00;
	v3 =	vadd.s32 v1, v3  }
0x18a: {  	[tilespmem:s20], [sflag:$0x1] =	stream.indirect_vreg.gather [hbm4b:s4+s3], $0x80, v4, vm0, $0xb8;
	[tilespmem:$0x12400] =	vst v63  }
0x18b: {  	s21 =	simm.s32 $0x1400  }
0x18c: {  	[tilespmem:s21], [sflag:$0x1] =	stream.indirect_vreg.gather [hbm4b:s5+s3], $0x80, v4, vm0, $0xb8;
	[tilespmem:$0x12400] =	vst v63  }
0x18d: {  	s30 =	simm.s32 $0x1C00  }
0x18e: {  	[tilespmem:s30], [sflag:$0x1] =	stream.indirect_vreg.gather [hbm4b:s2+s3], $0x80, v3, vm0, $0xb8;
	[tilespmem:$0x12400] =	vst v63  }
0x18f: {  	s18 =	simm.s32 $0x2400  }
0x190: {  	[tilespmem:s18], [sflag:$0x1] =	stream.indirect_vreg.gather [hbm4b:s4+s3], $0x80, v3, vm0, $0xb8;
	[tilespmem:$0x12400] =	vst v63  }
0x191: {  	s19 =	simm.s32 $0x2C00  }
0x192: {  	[tilespmem:s19], [sflag:$0x1] =	stream.indirect_vreg.gather [hbm4b:s5+s3], $0x80, v3, vm0, $0xb8;
	[tilespmem:$0x12400] =	vst v63  }
0x193: {  	v3 =	vld [tilespmem:$0x190];
	_ =	sdelay $0x4  }
0x194: {  	v53 =	vshrl.u32 v3, $0x3  }
0x195: {  	v4 =	vmul.u32 $0x30, v53  }
0x196: {  	v3 =	vand.u32 $0x7, v3  }
0x197: {  	v3 =	vor.u32 v3, v4  }
0x198: {  	v4 =	vperm.xlane v3, v0;
	_ =	sdelay $0x1  }
0x199: {  	v4 =	vadd.s32 v1, v4;
	_ =	sdelay $0x3  }
0x19a: {  	s31 =	simm.s32 $0x3400;
	v3 =	vperm.xlane v3, v2  }
0x19b: {  	[tilespmem:s31], [sflag:$0x1] =	stream.indirect_vreg.gather [hbm4b:s2+s3], $0x80, v4, vm0, $0xb8;
	[tilespmem:$0x12400] =	vst v63  }
0x19c: {  	s20 =	simm.s32 $0x3C00;
	v3 =	vadd.s32 v1, v3  }
0x19d: {  	[tilespmem:s20], [sflag:$0x1] =	stream.indirect_vreg.gather [hbm4b:s4+s3], $0x80, v4, vm0, $0xb8;
	[tilespmem:$0x12400] =	vst v63  }
0x19e: {  	s30 =	simm.s32 $0x4400  }
0x19f: {  	[tilespmem:s30], [sflag:$0x1] =	stream.indirect_vreg.gather [hbm4b:s5+s3], $0x80, v4, vm0, $0xb8;
	[tilespmem:$0x12400] =	vst v63  }
0x1a0: {  	s31 =	simm.s32 $0x4C00  }
0x1a1: {  	[tilespmem:s31], [sflag:$0x1] =	stream.indirect_vreg.gather [hbm4b:s2+s3], $0x80, v3, vm0, $0xb8;
	[tilespmem:$0x12400] =	vst v63  }
0x1a2: {  	s16 =	simm.s32 $0x5400  }
0x1a3: {  	[tilespmem:s16], [sflag:$0x1] =	stream.indirect_vreg.gather [hbm4b:s4+s3], $0x80, v3, vm0, $0xb8;
	[tilespmem:$0x12400] =	vst v63  }
0x1a4: {  	s18 =	simm.s32 $0x5C00  }
0x1a5: {  	[tilespmem:s18], [sflag:$0x1] =	stream.indirect_vreg.gather [hbm4b:s5+s3], $0x80, v3, vm0, $0xb8;
	[tilespmem:$0x12400] =	vst v63  }
0x1a6: {  	v3 =	vld [tilespmem:$0x1A0];
	_ =	sdelay $0x4  }
0x1a7: {  	v54 =	vshrl.u32 v3, $0x3  }
0x1a8: {  	v4 =	vmul.u32 $0x30, v54  }
0x1a9: {  	v3 =	vand.u32 $0x7, v3  }
0x1aa: {  	v3 =	vor.u32 v3, v4  }
0x1ab: {  	v4 =	vperm.xlane v3, v0;
	_ =	sdelay $0x1  }
0x1ac: {  	v4 =	vadd.s32 v1, v4;
	_ =	sdelay $0x3  }
0x1ad: {  	s19 =	simm.s32 $0x6400;
	v3 =	vperm.xlane v3, v2  }
0x1ae: {  	[tilespmem:s19], [sflag:$0x1] =	stream.indirect_vreg.gather [hbm4b:s2+s3], $0x80, v4, vm0, $0xb8;
	[tilespmem:$0x12400] =	vst v63  }
0x1af: {  	s29 =	simm.s32 $0x6C00;
	v3 =	vadd.s32 v1, v3  }
0x1b0: {  	[tilespmem:s29], [sflag:$0x1] =	stream.indirect_vreg.gather [hbm4b:s4+s3], $0x80, v4, vm0, $0xb8;
	[tilespmem:$0x12400] =	vst v63  }
0x1b1: {  	s1 =	simm.s32 $0x7400  }
0x1b2: {  	[tilespmem:s1], [sflag:$0x1] =	stream.indirect_vreg.gather [hbm4b:s5+s3], $0x80, v4, vm0, $0xb8;
	[tilespmem:$0x12400] =	vst v63  }
0x1b3: {  	s8 =	simm.s32 $0x7C00  }
0x1b4: {  	[tilespmem:s8], [sflag:$0x1] =	stream.indirect_vreg.gather [hbm4b:s2+s3], $0x80, v3, vm0, $0xb8;
	[tilespmem:$0x12400] =	vst v63  }
0x1b5: {  	s9 =	simm.s32 $0x8400  }
0x1b6: {  	[tilespmem:s9], [sflag:$0x1] =	stream.indirect_vreg.gather [hbm4b:s4+s3], $0x80, v3, vm0, $0xb8;
	[tilespmem:$0x12400] =	vst v63  }
0x1b7: {  	s0 =	simm.s32 $0x8C00  }
0x1b8: {  	[tilespmem:s0], [sflag:$0x1] =	stream.indirect_vreg.gather [hbm4b:s5+s3], $0x80, v3, vm0, $0xb8;
	[tilespmem:$0x12400] =	vst v63  }
0x1b9: {  	v3 =	vld [tilespmem:$0x1B0];
	_ =	sdelay $0x4  }
0x1ba: {  	v55 =	vshrl.u32 v3, $0x3  }
0x1bb: {  	v4 =	vmul.u32 $0x30, v55  }
0x1bc: {  	v3 =	vand.u32 $0x7, v3  }
0x1bd: {  	v3 =	vor.u32 v3, v4  }
0x1be: {  	v4 =	vperm.xlane v3, v0;
	_ =	sdelay $0x1  }
0x1bf: {  	v4 =	vadd.s32 v1, v4;
	_ =	sdelay $0x3  }
0x1c0: {  	s15 =	simm.s32 $0x9400;
	v3 =	vperm.xlane v3, v2  }
0x1c1: {  	[tilespmem:s15], [sflag:$0x1] =	stream.indirect_vreg.gather [hbm4b:s2+s3], $0x80, v4, vm0, $0xb8;
	[tilespmem:$0x12400] =	vst v63  }
0x1c2: {  	s10 =	simm.s32 $0x9C00;
	v3 =	vadd.s32 v1, v3  }
0x1c3: {  	[tilespmem:s10], [sflag:$0x1] =	stream.indirect_vreg.gather [hbm4b:s4+s3], $0x80, v4, vm0, $0xb8;
	[tilespmem:$0x12400] =	vst v63  }
0x1c4: {  	s11 =	simm.s32 $0xA400  }
0x1c5: {  	[tilespmem:s11], [sflag:$0x1] =	stream.indirect_vreg.gather [hbm4b:s5+s3], $0x80, v4, vm0, $0xb8;
	[tilespmem:$0x12400] =	vst v63  }
0x1c6: {  	s12 =	simm.s32 $0xAC00  }
0x1c7: {  	[tilespmem:s12], [sflag:$0x1] =	stream.indirect_vreg.gather [hbm4b:s2+s3], $0x80, v3, vm0, $0xb8;
	[tilespmem:$0x12400] =	vst v63  }
0x1c8: {  	s13 =	simm.s32 $0xB400  }
0x1c9: {  	[tilespmem:s13], [sflag:$0x1] =	stream.indirect_vreg.gather [hbm4b:s4+s3], $0x80, v3, vm0, $0xb8;
	[tilespmem:$0x12400] =	vst v63  }
0x1ca: {  	s20 =	simm.s32 $0xBC00  }
0x1cb: {  	[tilespmem:s20], [sflag:$0x1] =	stream.indirect_vreg.gather [hbm4b:s5+s3], $0x80, v3, vm0, $0xb8;
	[tilespmem:$0x12400] =	vst v63  }
0x1cc: {  	v3 =	vld [tilespmem:$0x1C0];
	_ =	sdelay $0x4  }
0x1cd: {  	v56 =	vshrl.u32 v3, $0x3  }
0x1ce: {  	v4 =	vmul.u32 $0x30, v56  }
0x1cf: {  	v3 =	vand.u32 $0x7, v3  }
0x1d0: {  	v3 =	vor.u32 v3, v4  }
0x1d1: {  	v4 =	vperm.xlane v3, v0;
	_ =	sdelay $0x1  }
0x1d2: {  	v4 =	vadd.s32 v1, v4;
	_ =	sdelay $0x3  }
0x1d3: {  	s29 =	simm.s32 $0xC400;
	v3 =	vperm.xlane v3, v2  }
0x1d4: {  	[tilespmem:s29], [sflag:$0x1] =	stream.indirect_vreg.gather [hbm4b:s2+s3], $0x80, v4, vm0, $0xb8;
	[tilespmem:$0x12400] =	vst v63  }
0x1d5: {  	s17 =	simm.s32 $0xCC00;
	v3 =	vadd.s32 v1, v3  }
0x1d6: {  	[tilespmem:s17], [sflag:$0x1] =	stream.indirect_vreg.gather [hbm4b:s4+s3], $0x80, v4, vm0, $0xb8;
	[tilespmem:$0x12400] =	vst v63  }
0x1d7: {  	s22 =	simm.s32 $0xD400  }
0x1d8: {  	[tilespmem:s22], [sflag:$0x1] =	stream.indirect_vreg.gather [hbm4b:s5+s3], $0x80, v4, vm0, $0xb8;
	[tilespmem:$0x12400] =	vst v63  }
0x1d9: {  	s25 =	simm.s32 $0xDC00  }
0x1da: {  	[tilespmem:s25], [sflag:$0x1] =	stream.indirect_vreg.gather [hbm4b:s2+s3], $0x80, v3, vm0, $0xb8;
	[tilespmem:$0x12400] =	vst v63  }
0x1db: {  	s26 =	simm.s32 $0xE400  }
0x1dc: {  	[tilespmem:s26], [sflag:$0x1] =	stream.indirect_vreg.gather [hbm4b:s4+s3], $0x80, v3, vm0, $0xb8;
	[tilespmem:$0x12400] =	vst v63  }
0x1dd: {  	s31 =	simm.s32 $0xEC00  }
0x1de: {  	[tilespmem:s31], [sflag:$0x1] =	stream.indirect_vreg.gather [hbm4b:s5+s3], $0x80, v3, vm0, $0xb8;
	[tilespmem:$0x12400] =	vst v63  }
0x1df: {  	v3 =	vld [tilespmem:$0x1D0];
	_ =	sdelay $0x4  }
0x1e0: {  	v57 =	vshrl.u32 v3, $0x3  }
0x1e1: {  	v4 =	vmul.u32 $0x30, v57  }
0x1e2: {  	v3 =	vand.u32 $0x7, v3  }
0x1e3: {  	v3 =	vor.u32 v3, v4  }
0x1e4: {  	v4 =	vperm.xlane v3, v0;
	_ =	sdelay $0x1  }
0x1e5: {  	v4 =	vadd.s32 v1, v4;
	_ =	sdelay $0x3  }
0x1e6: {  	s22 =	simm.s32 $0xF400;
	v3 =	vperm.xlane v3, v2  }
0x1e7: {  	[tilespmem:s22], [sflag:$0x1] =	stream.indirect_vreg.gather [hbm4b:s2+s3], $0x80, v4, vm0, $0xb8;
	[tilespmem:$0x12400] =	vst v63  }
0x1e8: {  	s25 =	simm.s32 $0xFC00;
	v3 =	vadd.s32 v1, v3  }
0x1e9: {  	[tilespmem:s25], [sflag:$0x1] =	stream.indirect_vreg.gather [hbm4b:s4+s3], $0x80, v4, vm0, $0xb8;
	[tilespmem:$0x12400] =	vst v63  }
0x1ea: {  	s26 =	simm.s32 $0x10400  }
0x1eb: {  	[tilespmem:s26], [sflag:$0x1] =	stream.indirect_vreg.gather [hbm4b:s5+s3], $0x80, v4, vm0, $0xb8;
	[tilespmem:$0x12400] =	vst v63  }
0x1ec: {  	s24 =	simm.s32 $0x10C00  }
0x1ed: {  	[tilespmem:s24], [sflag:$0x1] =	stream.indirect_vreg.gather [hbm4b:s2+s3], $0x80, v3, vm0, $0xb8;
	[tilespmem:$0x12400] =	vst v63  }
0x1ee: {  	s28 =	simm.s32 $0x11400  }
0x1ef: {  	[tilespmem:s28], [sflag:$0x1] =	stream.indirect_vreg.gather [hbm4b:s4+s3], $0x80, v3, vm0, $0xb8;
	[tilespmem:$0x12400] =	vst v63  }
0x1f0: {  	s28 =	simm.s32 $0x11C00  }
0x1f1: {  	[tilespmem:s28], [sflag:$0x1] =	stream.indirect_vreg.gather [hbm4b:s5+s3], $0x80, v3, vm0, $0xb8;
	[tilespmem:$0x12400] =	vst v63  }
0x1f2: {  	_ =	swait.ge [sflag:s7], $0x12000  }
0x1f3: {  	[sflag:s7] =	ssyncset.done $0x0  }
0x1f4: {  	s20 =	rddreg [dreg:$0x8];
	[sflag:s7] =	ssyncadd.s32 $0xFFFEE000  }
0x1f5: {  	[hbm4b:s20+s3] =	stream.linear.scatter [tilespmem:s23], [sflag:$0x1], $0x12000, $0x38;
	[tilespmem:$0x12400] =	vst v63  }
0x1f6: {  	_ =	swait.ge [sflag:s7], $0x12000  }
0x1f7: {  	[sflag:s7] =	ssyncset.done $0x0  }
0x1f8: {  	[sflag:s7] =	ssyncadd.s32 $0xFFFEE000  }
0x1f9: {  	v3 =	vld [tilespmem:$0x200];
	_ =	sdelay $0x4  }
0x1fa: {  	v58 =	vshrl.u32 v3, $0x3  }
0x1fb: {  	v4 =	vmul.u32 $0x30, v58  }
0x1fc: {  	v3 =	vand.u32 $0x7, v3  }
0x1fd: {  	v3 =	vor.u32 v3, v4  }
0x1fe: {  	v4 =	vperm.xlane v3, v0;
	_ =	sdelay $0x1  }
0x1ff: {  	v4 =	vadd.s32 v1, v4;
	_ =	sdelay $0x3  }
0x200: {  	v3 =	vperm.xlane v3, v2  }
0x201: {  	[tilespmem:s23], [sflag:$0x1] =	stream.indirect_vreg.gather [hbm4b:s2+s3], $0x80, v4, vm0, $0xb8;
	[tilespmem:$0x12400] =	vst v63  }
0x202: {  	s20 =	simm.s32 $0xC00;
	v3 =	vadd.s32 v1, v3  }
0x203: {  	[tilespmem:s20], [sflag:$0x1] =	stream.indirect_vreg.gather [hbm4b:s4+s3], $0x80, v4, vm0, $0xb8;
	[tilespmem:$0x12400] =	vst v63  }
0x204: {  	s20 =	simm.s32 $0x1400  }
0x205: {  	[tilespmem:s20], [sflag:$0x1] =	stream.indirect_vreg.gather [hbm4b:s5+s3], $0x80, v4, vm0, $0xb8;
	[tilespmem:$0x12400] =	vst v63  }
0x206: {  	s20 =	simm.s32 $0x1C00  }
0x207: {  	[tilespmem:s20], [sflag:$0x1] =	stream.indirect_vreg.gather [hbm4b:s2+s3], $0x80, v3, vm0, $0xb8;
	[tilespmem:$0x12400] =	vst v63  }
0x208: {  	s20 =	simm.s32 $0x2400  }
0x209: {  	[tilespmem:s20], [sflag:$0x1] =	stream.indirect_vreg.gather [hbm4b:s4+s3], $0x80, v3, vm0, $0xb8;
	[tilespmem:$0x12400] =	vst v63  }
0x20a: {  	s20 =	simm.s32 $0x2C00  }
0x20b: {  	[tilespmem:s20], [sflag:$0x1] =	stream.indirect_vreg.gather [hbm4b:s5+s3], $0x80, v3, vm0, $0xb8;
	[tilespmem:$0x12400] =	vst v63  }
0x20c: {  	v3 =	vld [tilespmem:$0x210];
	_ =	sdelay $0x4  }
0x20d: {  	v59 =	vshrl.u32 v3, $0x3  }
0x20e: {  	v4 =	vmul.u32 $0x30, v59  }
0x20f: {  	v3 =	vand.u32 $0x7, v3  }
0x210: {  	v3 =	vor.u32 v3, v4  }
0x211: {  	v4 =	vperm.xlane v3, v0;
	_ =	sdelay $0x1  }
0x212: {  	v4 =	vadd.s32 v1, v4;
	_ =	sdelay $0x3  }
0x213: {  	s21 =	simm.s32 $0x3400;
	v3 =	vperm.xlane v3, v2  }
0x214: {  	[tilespmem:s21], [sflag:$0x1] =	stream.indirect_vreg.gather [hbm4b:s2+s3], $0x80, v4, vm0, $0xb8;
	[tilespmem:$0x12400] =	vst v63  }
0x215: {  	v3 =	vadd.s32 v1, v3;
	s21 =	simm.s32 $0x3C00  }
0x216: {  	[tilespmem:s21], [sflag:$0x1] =	stream.indirect_vreg.gather [hbm4b:s4+s3], $0x80, v4, vm0, $0xb8;
	[tilespmem:$0x12400] =	vst v63  }
0x217: {  	s21 =	simm.s32 $0x4400  }
0x218: {  	[tilespmem:s21], [sflag:$0x1] =	stream.indirect_vreg.gather [hbm4b:s5+s3], $0x80, v4, vm0, $0xb8;
	[tilespmem:$0x12400] =	vst v63  }
0x219: {  	s21 =	simm.s32 $0x4C00  }
0x21a: {  	[tilespmem:s21], [sflag:$0x1] =	stream.indirect_vreg.gather [hbm4b:s2+s3], $0x80, v3, vm0, $0xb8;
	[tilespmem:$0x12400] =	vst v63  }
0x21b: {  	s14 =	simm.s32 $0x5400  }
0x21c: {  	[tilespmem:s14], [sflag:$0x1] =	stream.indirect_vreg.gather [hbm4b:s4+s3], $0x80, v3, vm0, $0xb8;
	[tilespmem:$0x12400] =	vst v63  }
0x21d: {  	s21 =	simm.s32 $0x5C00  }
0x21e: {  	[tilespmem:s21], [sflag:$0x1] =	stream.indirect_vreg.gather [hbm4b:s5+s3], $0x80, v3, vm0, $0xb8;
	[tilespmem:$0x12400] =	vst v63  }
0x21f: {  	v3 =	vld [tilespmem:$0x220];
	_ =	sdelay $0x4  }
0x220: {  	v60 =	vshrl.u32 v3, $0x3  }
0x221: {  	v4 =	vmul.u32 $0x30, v60  }
0x222: {  	v3 =	vand.u32 $0x7, v3  }
0x223: {  	v3 =	vor.u32 v3, v4  }
0x224: {  	v4 =	vperm.xlane v3, v0;
	_ =	sdelay $0x1  }
0x225: {  	v4 =	vadd.s32 v1, v4;
	_ =	sdelay $0x3  }
0x226: {  	s20 =	simm.s32 $0x6400;
	v3 =	vperm.xlane v3, v2  }
0x227: {  	[tilespmem:s20], [sflag:$0x1] =	stream.indirect_vreg.gather [hbm4b:s2+s3], $0x80, v4, vm0, $0xb8;
	[tilespmem:$0x12400] =	vst v63  }
0x228: {  	s19 =	simm.s32 $0x6C00;
	v3 =	vadd.s32 v1, v3  }
0x229: {  	[tilespmem:s19], [sflag:$0x1] =	stream.indirect_vreg.gather [hbm4b:s4+s3], $0x80, v4, vm0, $0xb8;
	[tilespmem:$0x12400] =	vst v63  }
0x22a: {  	s30 =	simm.s32 $0x7400  }
0x22b: {  	[tilespmem:s30], [sflag:$0x1] =	stream.indirect_vreg.gather [hbm4b:s5+s3], $0x80, v4, vm0, $0xb8;
	[tilespmem:$0x12400] =	vst v63  }
0x22c: {  	s1 =	simm.s32 $0x7C00  }
0x22d: {  	[tilespmem:s1], [sflag:$0x1] =	stream.indirect_vreg.gather [hbm4b:s2+s3], $0x80, v3, vm0, $0xb8;
	[tilespmem:$0x12400] =	vst v63  }
0x22e: {  	s8 =	simm.s32 $0x8400  }
0x22f: {  	[tilespmem:s8], [sflag:$0x1] =	stream.indirect_vreg.gather [hbm4b:s4+s3], $0x80, v3, vm0, $0xb8;
	[tilespmem:$0x12400] =	vst v63  }
0x230: {  	s18 =	simm.s32 $0x8C00  }
0x231: {  	[tilespmem:s18], [sflag:$0x1] =	stream.indirect_vreg.gather [hbm4b:s5+s3], $0x80, v3, vm0, $0xb8;
	[tilespmem:$0x12400] =	vst v63  }
0x232: {  	v3 =	vld [tilespmem:$0x230];
	_ =	sdelay $0x4  }
0x233: {  	v61 =	vshrl.u32 v3, $0x3  }
0x234: {  	v4 =	vmul.u32 $0x30, v61  }
0x235: {  	v3 =	vand.u32 $0x7, v3  }
0x236: {  	v3 =	vor.u32 v3, v4  }
0x237: {  	v4 =	vperm.xlane v3, v0;
	_ =	sdelay $0x1  }
0x238: {  	v4 =	vadd.s32 v1, v4;
	_ =	sdelay $0x3  }
0x239: {  	s16 =	simm.s32 $0x9400;
	v3 =	vperm.xlane v3, v2  }
0x23a: {  	[tilespmem:s16], [sflag:$0x1] =	stream.indirect_vreg.gather [hbm4b:s2+s3], $0x80, v4, vm0, $0xb8;
	[tilespmem:$0x12400] =	vst v63  }
0x23b: {  	s0 =	simm.s32 $0x9C00;
	v3 =	vadd.s32 v1, v3  }
0x23c: {  	[tilespmem:s0], [sflag:$0x1] =	stream.indirect_vreg.gather [hbm4b:s4+s3], $0x80, v4, vm0, $0xb8;
	[tilespmem:$0x12400] =	vst v63  }
0x23d: {  	s9 =	simm.s32 $0xA400  }
0x23e: {  	[tilespmem:s9], [sflag:$0x1] =	stream.indirect_vreg.gather [hbm4b:s5+s3], $0x80, v4, vm0, $0xb8;
	[tilespmem:$0x12400] =	vst v63  }
0x23f: {  	s10 =	simm.s32 $0xAC00  }
0x240: {  	[tilespmem:s10], [sflag:$0x1] =	stream.indirect_vreg.gather [hbm4b:s2+s3], $0x80, v3, vm0, $0xb8;
	[tilespmem:$0x12400] =	vst v63  }
0x241: {  	s11 =	simm.s32 $0xB400  }
0x242: {  	[tilespmem:s11], [sflag:$0x1] =	stream.indirect_vreg.gather [hbm4b:s4+s3], $0x80, v3, vm0, $0xb8;
	[tilespmem:$0x12400] =	vst v63  }
0x243: {  	s21 =	simm.s32 $0xBC00  }
0x244: {  	[tilespmem:s21], [sflag:$0x1] =	stream.indirect_vreg.gather [hbm4b:s5+s3], $0x80, v3, vm0, $0xb8;
	[tilespmem:$0x12400] =	vst v63  }
0x245: {  	v3 =	vld [tilespmem:$0x240];
	_ =	sdelay $0x4  }
0x246: {  	v62 =	vshrl.u32 v3, $0x3  }
0x247: {  	v4 =	vmul.u32 $0x30, v62  }
0x248: {  	v3 =	vand.u32 $0x7, v3  }
0x249: {  	v3 =	vor.u32 v3, v4  }
0x24a: {  	v4 =	vperm.xlane v3, v0;
	_ =	sdelay $0x1  }
0x24b: {  	v4 =	vadd.s32 v1, v4;
	_ =	sdelay $0x3  }
0x24c: {  	s29 =	simm.s32 $0xC400;
	v3 =	vperm.xlane v3, v2  }
0x24d: {  	[tilespmem:s29], [sflag:$0x1] =	stream.indirect_vreg.gather [hbm4b:s2+s3], $0x80, v4, vm0, $0xb8;
	[tilespmem:$0x12400] =	vst v63  }
0x24e: {  	s12 =	simm.s32 $0xCC00;
	v3 =	vadd.s32 v1, v3  }
0x24f: {  	[tilespmem:s12], [sflag:$0x1] =	stream.indirect_vreg.gather [hbm4b:s4+s3], $0x80, v4, vm0, $0xb8;
	[tilespmem:$0x12400] =	vst v63  }
0x250: {  	s13 =	simm.s32 $0xD400  }
0x251: {  	[tilespmem:s13], [sflag:$0x1] =	stream.indirect_vreg.gather [hbm4b:s5+s3], $0x80, v4, vm0, $0xb8;
	[tilespmem:$0x12400] =	vst v63  }
0x252: {  	s15 =	simm.s32 $0xDC00  }
0x253: {  	[tilespmem:s15], [sflag:$0x1] =	stream.indirect_vreg.gather [hbm4b:s2+s3], $0x80, v3, vm0, $0xb8;
	[tilespmem:$0x12400] =	vst v63  }
0x254: {  	s17 =	simm.s32 $0xE400  }
0x255: {  	[tilespmem:s17], [sflag:$0x1] =	stream.indirect_vreg.gather [hbm4b:s4+s3], $0x80, v3, vm0, $0xb8;
	[tilespmem:$0x12400] =	vst v63  }
0x256: {  	s31 =	simm.s32 $0xEC00  }
0x257: {  	[tilespmem:s31], [sflag:$0x1] =	stream.indirect_vreg.gather [hbm4b:s5+s3], $0x80, v3, vm0, $0xb8;
	[tilespmem:$0x12400] =	vst v63  }
0x258: {  	v3 =	vld [tilespmem:$0x250];
	_ =	sdelay $0x4  }
0x259: {  	v63 =	vshrl.u32 v3, $0x3  }
0x25a: {  	v4 =	vmul.u32 $0x30, v63  }
0x25b: {  	v3 =	vand.u32 $0x7, v3  }
0x25c: {  	v3 =	vor.u32 v3, v4  }
0x25d: {  	v4 =	vperm.xlane v3, v0;
	_ =	sdelay $0x1  }
0x25e: {  	v4 =	vadd.s32 v1, v4;
	_ =	sdelay $0x3  }
0x25f: {  	s30 =	simm.s32 $0xF400;
	v3 =	vperm.xlane v3, v2  }
0x260: {  	[tilespmem:s30], [sflag:$0x1] =	stream.indirect_vreg.gather [hbm4b:s2+s3], $0x80, v4, vm0, $0xb8;
	[tilespmem:$0x12400] =	vst v63  }
0x261: {  	s22 =	simm.s32 $0xFC00;
	v3 =	vadd.s32 v1, v3  }
0x262: {  	[tilespmem:s22], [sflag:$0x1] =	stream.indirect_vreg.gather [hbm4b:s4+s3], $0x80, v4, vm0, $0xb8;
	[tilespmem:$0x12400] =	vst v63  }
0x263: {  	s26 =	simm.s32 $0x10400  }
0x264: {  	[tilespmem:s26], [sflag:$0x1] =	stream.indirect_vreg.gather [hbm4b:s5+s3], $0x80, v4, vm0, $0xb8;
	[tilespmem:$0x12400] =	vst v63  }
0x265: {  	s25 =	simm.s32 $0x10C00  }
0x266: {  	[tilespmem:s25], [sflag:$0x1] =	stream.indirect_vreg.gather [hbm4b:s2+s3], $0x80, v3, vm0, $0xb8;
	[tilespmem:$0x12400] =	vst v63  }
0x267: {  	s24 =	simm.s32 $0x11400  }
0x268: {  	[tilespmem:s24], [sflag:$0x1] =	stream.indirect_vreg.gather [hbm4b:s4+s3], $0x80, v3, vm0, $0xb8;
	[tilespmem:$0x12400] =	vst v63  }
0x269: {  	s28 =	simm.s32 $0x11C00  }
0x26a: {  	[tilespmem:s28], [sflag:$0x1] =	stream.indirect_vreg.gather [hbm4b:s5+s3], $0x80, v3, vm0, $0xb8;
	[tilespmem:$0x12400] =	vst v63  }
0x26b: {  	_ =	swait.ge [sflag:s7], $0x12000  }
0x26c: {  	p0 =	sne.s32 s6, $0x1;
	[sflag:s7] =	ssyncset.done $0x0  }
.Ltmp0:
0x26d: {  	s31 =	rddreg [dreg:$0x9];
	[sflag:s7] =	ssyncadd.s32 $0xFFFEE000;
	(pc) =	sbr.rel @p0 .LBB2_1-.Ltmp0, $4  }
0x26e: {  	[hbm4b:s31+s3] =	stream.linear.scatter [tilespmem:s23], [sflag:$0x1], $0x12000, $0x38;
	[tilespmem:$0x12400] =	vst v63  }
0x26f: {  	_ =	swait.ge [sflag:s7], $0x12000  }
0x270: {  	[sflag:s7] =	ssyncset.done $0x0  }
0x271: {  	s6 =	sadd.s32 $0xFFFFFFFF, s6;
	[sflag:s7] =	ssyncadd.s32 $0xFFFEE000  }
0x272: {  	_ =	sfence.sel $0x180000  }
0x273: {  	[bflag:$0x0] =	sbarrier.arrive $0xFFFF  }
0x274: {  	_ =	strace $0x9000004A  }
0x275: {  	s0 =	stileid.u32;
	[bflag:$0x2] =	sbarrier.arrive $0xFFFF  }
0x276: {  	p0 =	sne.s32 s0, $0x0;
	s0 =	rddreg [dreg:$0x3]  }
0x277: {  	s0 =	sadd.s32 @!p0 $0x100000, s0  }
0x278: {  	[sflag:s0] =	ssyncadd.tile.s32 @!p0 $0x1;
	_ =	shalt  }
.Lfunc_end2:
_tile_overlayer_lowered:
.L_overlay_start_2:
0x279: {  	(tag) =	ssettag $0x2  }
0x27a: {  	s0 =	rddreg [dreg:$0x0];
	s2 =	stileid.u32  }
0x27b: {  	s1 =	rddreg [dreg:$0x1];
	p0 =	sne.s32 s2, $0x0  }
0x27c: {  	s3 =	rddreg [dreg:$0x2];
	[bflag:$0x3] =	sbarrier.arrive $0xFFFF;
	s2 =	simm.s32 @!p0 $0x1C01  }
0x27d: {  	[timem:s3], [sflag:s2] =	dma.local @!p0 [hbm:s0], s1  }
0x27e: {  	s0 =	simm.s32 @!p0 $0x1  }
0x27f: {  	_ =	swait.ge @!p0 [sflag:s0], s1  }
0x280: {  	s1 =	ssub.s32 @!p0 $0x0, s1;
	[sflag:s0] =	ssyncset.done @!p0 $0x0  }
0x281: {  	[sflag:s0] =	ssyncadd.s32 @!p0 s1  }
0x282: {  	[bflag:$0x3] =	sbarrier.arrive $0xFFFF  }
0x283: {  	_ =	shalt  }

// kernel: kernel.14.cloned.1.call-start
scs
__scs_entry_jumppad:
0x0: {  	(pc) =	sbr.rel $0x88, $3  }
0x1: {  	(tag) =	ssettag $0x0;
	lr =	simm.s32 $0x1  }
0x2: {  	[smem:$0x3F97] =	sst lr;
	_ =	strace $0xD0000000  }
0x3: {  	_ = 	snop  }
0x4: {  	_ = 	snop  }
0x5: {  	_ = 	snop  }
0x6: {  	_ = 	snop  }
0x7: {  	_ = 	snop  }
__scs_overlays_trampoline_lowered:
0x8: {  	[smem:$0x3FA6] =	sst s0  }
0x9: {  	[smem:$0x3FA7] =	sst s1  }
0xa: {  	[smem:$0x3FA8] =	sst s2  }
0xb: {  	[smem:$0x3FA9] =	sst s3  }
0xc: {  	[smem:$0x3FAA] =	sst s4  }
0xd: {  	[smem:$0x3FAB] =	sst s5  }
0xe: {  	[smem:$0x3FAC] =	sst s6  }
0xf: {  	[smem:$0x3FAD] =	sst s7  }
0x10: {  	[smem:$0x3FAE] =	sst s8  }
0x11: {  	[smem:$0x3FAF] =	sst s9;
	s0 =	simm.s32 @!p0 $0x0  }
0x12: {  	s1 =	sld [smem:$0x3F95];
	s0 =	simm.s32 @p0 $0x1  }
0x13: {  	[smem:$0x3FB0] =	sst s0;
	s0 =	simm.s32 @!p1 $0x0  }
0x14: {  	s2 =	sld [smem:$0x3F94];
	s0 =	simm.s32 @p1 $0x1  }
0x15: {  	[smem:$0x3FB1] =	sst s0;
	s0 =	simm.s32 @!p2 $0x0  }
0x16: {  	s3 =	sld [smem:$0x3FDB];
	s0 =	simm.s32 @p2 $0x1  }
0x17: {  	s4 =	simm.s32 $0x1BF5;
	[smem:$0x3FB3] =	sst s0  }
0x18: {  	s0 =	sld [smem:$0x3F96];
	_ =	swait.ge [sflag:s4], $0x0  }
0x19: {  	s7 =	sld [smem:$0x3F97]  }
0x1a: {  	s8 =	sadd.s32 $0xFFFFE003, lr  }
0x1b: {  	s9 =	sadd.s32 $0xFFFFFEF7, lr;
	s5 =	simm.s32 $0xFFFFFFFF;
	p2 =	slt.u32 s8, $0xFFFFF086  }
0x1c: {  	p1 =	slt.u32 s9, $0xF7A;
	s5 =	simm.s32 @!p2 $0x0  }
0x1d: {  	s5 =	simm.s32 @p1 $0x1;
	p0 =	seq.s32 s7, s2  }
0x1e: {  	s7 =	smul.u32 @!p0 $0xF7A, s2;
	p2 =	seq.s32 @!p0 s5, $0x0  }
0x1f: {  	s9 =	smul.u32 $0xF7A, s1;
	s8 =	simm.s32 @!p0 $0x1BF5;
	p2 =	por !p2, p0  }
0x20: {  	[sflag:s8] =	ssyncset.s32 @!p0 $0xFFFFF086;
	s6 =	sadd.s32 @!p0 s3, s7;
	s7 =	simm.s32 @!p0 $0x108  }
0x21: {  	s3 =	sadd.s32 s3, s9;
	s6 =	sadd.s32 @!p0 $0x88, s6;
	s7 =	simm.s32 @p2 $0x1082  }
0x22: {  	[simem:s7], [sflag:s8] =	dma.local @!p0 [hbm:s6], $0xF7A  }
0x23: {  	s9 =	sor.u32 $0xD0000000, s2;
	s6 =	simm.s32 $0x108;
	_ =	swait.ge @!p0 [sflag:s8], $0x0  }
0x24: {  	s3 =	sadd.s32 $0x88, s3;
	s6 =	simm.s32 @!p1 $0x1082;
	[sflag:s4] =	ssyncset.s32 $0xFFFFF086  }
0x25: {  	[simem:s6], [sflag:s4] =	dma.local [hbm:s3], $0xF7A  }
0x26: {  	[smem:$0x3F97] =	sst s1;
	(tag) =	ssettag s2;
	_ =	strace s9  }
0x27: {  	s1 =	sld [smem:$0x3FA7]  }
0x28: {  	s2 =	sld [smem:$0x3FA8]  }
0x29: {  	s4 =	sld [smem:$0x3FAA]  }
0x2a: {  	p0 =	seq.s32 s5, $0x0;
	s5 =	sld [smem:$0x3FAB]  }
0x2b: {  	s6 =	sld [smem:$0x3FAC]  }
0x2c: {  	s7 =	sld [smem:$0x3FAD]  }
0x2d: {  	s3 =	simm.s32 $0x108;
	s8 =	sld [smem:$0x3FAE]  }
0x2e: {  	s3 =	simm.s32 @!p0 $0x1082;
	s9 =	sld [smem:$0x3FAF]  }
0x2f: {  	lr =	sadd.s32 s0, s3;
	s0 =	sld [smem:$0x3FA6]  }
0x30: {  	s3 =	sld [smem:$0x3FA9]  }
0x31: {  	[smem:$0x3FB2] =	sst s10  }
0x32: {  	s10 =	sld [smem:$0x3FB0];
	_ =	sdelay $0x3  }
0x33: {  	p0 =	seq.s32 s10, $0x1;
	s10 =	sld [smem:$0x3FB2];
	_ =	sdelay $0x3  }
0x34: {  	[smem:$0x3FB2] =	sst s10  }
0x35: {  	s10 =	sld [smem:$0x3FB1];
	_ =	sdelay $0x3  }
0x36: {  	p1 =	seq.s32 s10, $0x1;
	s10 =	sld [smem:$0x3FB2];
	_ =	sdelay $0x3  }
0x37: {  	[smem:$0x3FB2] =	sst s10  }
0x38: {  	s10 =	sld [smem:$0x3FB3]  }
0x39: {  	_ = 	snop;
	(pc) =	sbr.ind lr, $3  }
0x3a: {  	_ = 	snop  }
0x3b: {  	_ = 	snop  }
0x3c: {  	p2 =	seq.s32 s10, $0x1;
	s10 =	sld [smem:$0x3FB2]  }
0x3d: {  	_ =	shalt  }
0x3e: {  	_ =	shalt  }
0x3f: {  	_ =	shalt  }
0x40: {  	_ =	shalt  }
0x41: {  	_ =	shalt  }
0x42: {  	_ =	shalt  }
0x43: {  	_ =	shalt  }
0x44: {  	_ =	shalt  }
0x45: {  	_ =	shalt  }
0x46: {  	_ =	shalt  }
0x47: {  	_ =	shalt  }
0x48: {  	_ =	shalt  }
0x49: {  	_ =	shalt  }
0x4a: {  	_ =	shalt  }
0x4b: {  	_ =	shalt  }
0x4c: {  	_ =	shalt  }
0x4d: {  	_ =	shalt  }
0x4e: {  	_ =	shalt  }
0x4f: {  	_ =	shalt  }
0x50: {  	_ =	shalt  }
0x51: {  	_ =	shalt  }
0x52: {  	_ =	shalt  }
0x53: {  	_ =	shalt  }
0x54: {  	_ =	shalt  }
0x55: {  	_ =	shalt  }
0x56: {  	_ =	shalt  }
0x57: {  	_ =	shalt  }
0x58: {  	_ =	shalt  }
0x59: {  	_ =	shalt  }
0x5a: {  	_ =	shalt  }
0x5b: {  	_ =	shalt  }
0x5c: {  	_ =	shalt  }
0x5d: {  	_ =	shalt  }
0x5e: {  	_ =	shalt  }
0x5f: {  	_ =	shalt  }
0x60: {  	_ =	shalt  }
0x61: {  	_ =	shalt  }
0x62: {  	_ =	shalt  }
0x63: {  	_ =	shalt  }
0x64: {  	_ =	shalt  }
0x65: {  	_ =	shalt  }
0x66: {  	_ =	shalt  }
0x67: {  	_ =	shalt  }
0x68: {  	_ =	shalt  }
0x69: {  	_ =	shalt  }
0x6a: {  	_ =	shalt  }
0x6b: {  	_ =	shalt  }
0x6c: {  	_ =	shalt  }
0x6d: {  	_ =	shalt  }
0x6e: {  	_ =	shalt  }
0x6f: {  	_ =	shalt  }
0x70: {  	_ =	shalt  }
0x71: {  	_ =	shalt  }
0x72: {  	_ =	shalt  }
0x73: {  	_ =	shalt  }
0x74: {  	_ =	shalt  }
0x75: {  	_ =	shalt  }
0x76: {  	_ =	shalt  }
0x77: {  	_ =	shalt  }
0x78: {  	_ =	shalt  }
0x79: {  	_ =	shalt  }
0x7a: {  	_ =	shalt  }
0x7b: {  	_ =	shalt  }
0x7c: {  	_ =	shalt  }
0x7d: {  	_ =	shalt  }
0x7e: {  	_ =	shalt  }
0x7f: {  	_ =	shalt  }
0x80: {  	_ =	shalt  }
0x81: {  	_ =	shalt  }
0x82: {  	_ =	shalt  }
0x83: {  	_ =	shalt  }
0x84: {  	_ =	shalt  }
0x85: {  	_ =	shalt  }
0x86: {  	_ =	shalt  }
0x87: {  	_ =	shalt  }
.Lfunc_end0:
.L_simem_size_0:
called_computation.2_lowered:
.L_overlay_start_0:
0x88: {  	s2 =	sld [smem:$0x3FD9]  }
0x89: {  	s3 =	sld [smem:$0x3FFE];
	_ =	sdelay $0x1  }
0x8a: {  	s1 =	srdreg.scid  }
0x8b: {  	s0 =	sand.u32 $0x1, s1  }
0x8c: {  	s14 =	sshll.u32 s0, $0xA;
	s2 =	sadd.s32 s3, s2  }
0x8d: {  	s2 =	sadd.s32 s2, s14  }
0x8e: {  	[smem:$0x3FBE] =	sst s2  }
0x8f: {  	_ = 	snop  }
0x90: {  	s2 =	sld [smem:$0x3FD0];
	_ =	sdelay $0x2  }
0x91: {  	s15 =	simm.s32 $0xA;
	s4 =	simm.s32 $0x10  }
0x92: {  	[smem:s4], [sflag:s15] =	dma.local [hbm:s2], $0x1  }
0x93: {  	_ =	swait.eq [sflag:s15], $0x1  }
0x94: {  	[sflag:s15] =	ssyncset.done $0x0  }
0x95: {  	[sflag:s15] =	ssyncadd.s32 $0xFFFFFFFF  }
0x96: {  	s16 =	sld [smem:$0x10];
	(tm) =	ssettm $0x1  }
0x97: {  	s17 =	sld [smem:$0x3FFB];
	_ =	sdelay $0x3  }
0x98: {  	_ =	strace s17  }
0x99: {  	s3 =	sld [smem:$0x3FFC];
	_ =	sdelay $0x3  }
0x9a: {  	_ =	strace s3  }
0x9b: {  	s3 =	sld [smem:$0x3FFD];
	_ =	sdelay $0x3  }
0x9c: {  	_ =	strace s3  }
0x9d: {  	_ =	strace $0x8FFFFFFF  }
0x9e: {  	s18 =	sld [smem:$0x3FDB];
	_ =	sdelay $0x1  }
0x9f: {  	s19 =	simm.s32 $_scs_section_size  }
0xa0: {  	s5 =	simm.s32 $_size__tile_overlayer_lowered;
	s6 =	simm.s32 $_tile_overlayer_lowered  }
0xa1: {  	s22 =	simm.s32 $0x1BFF;
	s21 =	sshll.u32 s6, $0x1;
	s3 =	sadd.s32 s19, s18  }
0xa2: {  	s7 =	simm.s32 $0x0;
	s20 =	sshll.u32 s5, $0x1;
	s5 =	sadd.s32 s21, s3  }
0xa3: {  	[timem:s7], [sflag:s22] =	dma.local [hbm:s5], s20  }
0xa4: {  	_ =	swait.ge [sflag:s22], s20  }
0xa5: {  	s4 =	ssub.s32 $0x0, s20;
	[sflag:s22] =	ssyncset.done $0x0  }
0xa6: {  	[sflag:s22] =	ssyncadd.s32 s4;
	_ =	sdelay $0x1  }
0xa7: {  	s23 =	simm.s32 $0x1B8B  }
0xa8: {  	_ =	swait.ge [sflag:s23], $0x1  }
0xa9: {  	[sflag:s23] =	ssyncset.done $0x0  }
0xaa: {  	s25 =	simm.s32 $0x1B8E;
	s24 =	sld [smem:$0x3FFE];
	[sflag:s23] =	ssyncadd.s32 $0xFFFFFFFF  }
0xab: {  	s26 =	simm.s32 $execute0_lowered;
	[smem:$0x3FD2] =	sst s25  }
0xac: {  	s5 =	sshll.u32 s26, $0x1;
	_ =	strace $0x8000004C;
	[dreg:$0x1] =	wrdreg $0xFFFFFFFF  }
0xad: {  	s28 =	simm.s32 $_size_execute0_lowered;
	s3 =	sadd.s32 s3, s5;
	[dreg:$0x0] =	wrdreg $0x0  }
0xae: {  	s5 =	sshll.u32 s28, $0x1;
	[dreg:$0x2] =	wrdreg s3  }
0xaf: {  	[dreg:$0x3] =	wrdreg s5  }
0xb0: {  	[dreg:$0x4] =	wrdreg $0xC0  }
0xb1: {  	_ =	task [dreg:s7], $0x5FFFF  }
0xb2: {  	[dreg:$0x1] =	wrdreg $0xFFFFFFFF  }
0xb3: {  	[dreg:$0x0] =	wrdreg $0x60  }
0xb4: {  	[dreg:$0x2] =	wrdreg s24  }
0xb5: {  	[dreg:$0x3] =	wrdreg s16  }
0xb6: {  	[dreg:$0x4] =	wrdreg $0x78000  }
0xb7: {  	[dreg:$0x5] =	wrdreg $0x9  }
0xb8: {  	_ =	task.clear_ibuf [dreg:s7], $0x6FFFF;
	_ =	strace $0x9000004C  }
0xb9: {  	s29 =	simm.s32 $0x9;
	_ =	strace $0x8000004E  }
0xba: {  	_ =	swait.ge [sflag:s29], $0x1  }
0xbb: {  	[sflag:s29] =	ssyncadd.s32 $0xFFFFFFFF  }
0xbc: {  	_ =	strace $0x9000004E  }
0xbd: {  	_ =	sfence  }
0xbe: {  	s30 =	sld [smem:$0x0];
	_ =	sdelay $0x2  }
0xbf: {  	s31 =	sshll.u32 s1, $0xD;
	s1 =	sshrl.u32 s1, $0x2  }
0xc0: {  	s3 =	sand.u32 $0x4000, s31;
	s1 =	sadd.s32 s1, s30  }
0xc1: {  	s0 =	sor.u32 s3, s0;
	s1 =	sshll.u32 s1, $0x11  }
0xc2: {  	s0 =	sor.u32 s1, s0  }
0xc3: {  	s0 =	sadd.s32 $0x8F2B, s0  }
0xc4: {  	[sflag:s0] =	ssyncadd.remote.s32 $0x1  }
0xc5: {  	_ =	sfence.sel $0xFFFF  }
0xc6: {  	[dreg:$0x0] =	wrdreg $0xFFFFFFFF;
	(pc) =	sbr.abs _section_cstart, $3  }
0xc7: {  	[dreg:$0x1] =	wrdreg $0xFFFFFFFF  }
0xc8: {  	_ =	task.clear_ibuf [dreg:s7], $0x2FFFF;
	_ =	strace $0x9FFFFFFF  }
0xc9: {  	(tm) =	ssettm $0x7FFFFFFF  }
tec
execute0_lowered:
.L_overlay_start_1:
0x0: {  	(tag) =	ssettag $0x1  }
0x1: {  	s1 =	rddreg [dreg:$0x0]  }
0x2: {  	s2 =	rddreg [dreg:$0x1]  }
0x3: {  	s13 =	stileid.u32;
	s0 =	srdreg.scid  }
0x4: {  	s3 =	rddreg [dreg:$0x2];
	s5 =	smul.u32 $0x3C0, s13  }
0x5: {  	s4 =	simm.s32 $0x0;
	s8 =	sand.u32 $0x1, s0;
	s7 =	smul.u32 $0xC000, s13  }
0x6: {  	[smem:$0x7FF] =	sst s4;
	s6 =	smul.u32 $0xC0000, s8;
	s0 =	sshrl.u32 s5, $0x3  }
0x7: {  	s30 =	sadd.s32 $0x19E600, s1;
	[dreg:$0x1f] =	wrdreg s8;
	s5 =	smul.u32 $0x1800, s0  }
0x8: {  	s6 =	sadd.s32 s7, s6;
	s0 =	smul.u32 $0xC00, s8;
	s8 =	sshll.u32 s13, $0x8  }
0x9: {  	_ =	strace $0x8000004D;
	s6 =	sshrl.u32 s6, $0x3;
	s7 =	sadd.s32 s8, s1  }
0xa: {  	s14 =	sadd.s32 s6, s1;
	s9 =	sor.u32 s0, s5;
	s7 =	sadd.s32 $0x33600, s7  }
0xb: {  	s6 =	sadd.s32 $0x12000, s5;
	s8 =	sadd.s32 $0x36000, s5;
	s24 =	sadd.s32 $0x48000, s5  }
0xc: {  	s25 =	sadd.s32 $0x5A000, s5;
	s26 =	sadd.s32 $0x6C000, s5;
	s28 =	sadd.s32 $0x7E000, s5  }
0xd: {  	s29 =	sadd.s32 $0x90000, s5;
	s31 =	sadd.s32 $0xA2000, s5;
	s1 =	sshrl.u32 s9, $0x3  }
0xe: {  	[dreg:$0x4] =	wrdreg s7;
	s10 =	sor.u32 s0, s6;
	s7 =	sadd.s32 $0x24000, s5  }
0xf: {  	s15 =	sor.u32 s0, s8;
	s17 =	sor.u32 s0, s24;
	s19 =	sor.u32 s0, s25  }
0x10: {  	s21 =	sor.u32 s0, s26;
	s23 =	sor.u32 s0, s28;
	[smem:$0x7FD] =	sst s14  }
0x11: {  	s1 =	sadd.s32 s30, s1;
	s11 =	sshrl.u32 s10, $0x3;
	s9 =	sor.u32 s0, s7  }
0x12: {  	[dreg:$0x5] =	wrdreg s1;
	s1 =	sadd.s32 s30, s11;
	s12 =	sshrl.u32 s9, $0x3  }
0x13: {  	s9 =	sshrl.u32 s15, $0x3;
	[dreg:$0x6] =	wrdreg s1;
	s1 =	sadd.s32 s30, s12  }
0x14: {  	s18 =	sshrl.u32 s17, $0x3;
	s16 =	sadd.s32 s30, s9;
	[dreg:$0x7] =	wrdreg s1  }
0x15: {  	s9 =	sshrl.u32 s21, $0x3;
	[dreg:$0x8] =	wrdreg s16;
	s1 =	sadd.s32 s30, s18  }
0x16: {  	s20 =	sshrl.u32 s19, $0x3;
	s22 =	sadd.s32 s30, s9;
	[dreg:$0x9] =	wrdreg s1  }
0x17: {  	s10 =	sor.u32 s0, s29;
	s16 =	sadd.s32 $0x34600, s14;
	[dreg:$0xb] =	wrdreg s22  }
0x18: {  	s9 =	sshrl.u32 s23, $0x3;
	s1 =	sadd.s32 s30, s20;
	[dreg:$0xf] =	wrdreg s16  }
0x19: {  	s10 =	sshrl.u32 s10, $0x3;
	s9 =	sadd.s32 s30, s9;
	[dreg:$0xa] =	wrdreg s1  }
0x1a: {  	s11 =	sor.u32 s0, s31;
	[dreg:$0xc] =	wrdreg s9;
	s9 =	sadd.s32 s30, s10  }
0x1b: {  	s10 =	sshrl.u32 s11, $0x3;
	s11 =	sadd.s32 $0x400, s0;
	[dreg:$0xd] =	wrdreg s9  }
0x1c: {  	s12 =	sadd.s32 s30, s10;
	s15 =	sor.u32 s11, s5;
	s18 =	sor.u32 s11, s6  }
0x1d: {  	s20 =	sor.u32 s11, s7;
	s1 =	sor.u32 s11, s24;
	s16 =	sor.u32 s11, s26  }
0x1e: {  	[dreg:$0xe] =	wrdreg s12;
	s10 =	sshrl.u32 s15, $0x3;
	s19 =	sshrl.u32 s18, $0x3  }
0x1f: {  	s12 =	sor.u32 s11, s8;
	s18 =	sshrl.u32 s16, $0x3;
	s17 =	sadd.s32 s30, s10  }
0x20: {  	s9 =	sadd.s32 s30, s19;
	s19 =	sadd.s32 s30, s18;
	s18 =	rddreg [dreg:$0x4]  }
0x21: {  	s15 =	sor.u32 s11, s25;
	s10 =	sshrl.u32 s20, $0x3;
	[dreg:$0x10] =	wrdreg s17  }
0x22: {  	s22 =	sshrl.u32 s12, $0x3;
	s12 =	sshrl.u32 s1, $0x3;
	[dreg:$0x11] =	wrdreg s9  }
0x23: {  	s20 =	sor.u32 s11, s28;
	s21 =	sadd.s32 s30, s10;
	[dreg:$0x16] =	wrdreg s19  }
0x24: {  	[tilespmem:s4], [sflag:$0x1] =	stream.linear.gather [hbm4b:s18+s4], $0x500, $0x38;
	[tilespmem:$0xB800] =	vst v63  }
0x25: {  	s23 =	sadd.s32 s30, s22;
	s9 =	sadd.s32 s30, s12;
	[dreg:$0x12] =	wrdreg s21  }
0x26: {  	s10 =	sshrl.u32 s15, $0x3;
	s22 =	sor.u32 s11, s29;
	[dreg:$0x13] =	wrdreg s23  }
0x27: {  	s11 =	sor.u32 s11, s31;
	s12 =	sadd.s32 $0x34680, s14;
	[dreg:$0x14] =	wrdreg s9  }
0x28: {  	s17 =	sadd.s32 s30, s10;
	s21 =	sshrl.u32 s20, $0x3;
	[dreg:$0x1a] =	wrdreg s12  }
0x29: {  	s10 =	sshrl.u32 s22, $0x3;
	[dreg:$0x15] =	wrdreg s17;
	s9 =	sadd.s32 s30, s21  }
0x2a: {  	s1 =	sshrl.u32 s11, $0x3;
	s23 =	sadd.s32 s30, s10;
	[dreg:$0x17] =	wrdreg s9  }
0x2b: {  	s11 =	sadd.s32 s30, s1;
	s1 =	sadd.s32 $0x800, s0;
	[dreg:$0x18] =	wrdreg s23  }
0x2c: {  	[dreg:$0x19] =	wrdreg s11;
	s5 =	sor.u32 s1, s5  }
0x2d: {  	s6 =	sor.u32 s1, s6;
	s15 =	sor.u32 s1, s7;
	s5 =	sshrl.u32 s5, $0x3  }
0x2e: {  	s17 =	sor.u32 s1, s8;
	s6 =	sshrl.u32 s6, $0x3;
	s5 =	sadd.s32 s30, s5  }
0x2f: {  	s16 =	sshrl.u32 s15, $0x3;
	s14 =	sadd.s32 s30, s6;
	[dreg:$0x1b] =	wrdreg s5  }
0x30: {  	s6 =	sshrl.u32 s17, $0x3;
	[dreg:$0x1c] =	wrdreg s14;
	s5 =	sadd.s32 s30, s16  }
0x31: {  	s19 =	sadd.s32 s30, s6;
	[dreg:$0x1d] =	wrdreg s5  }
0x32: {  	[dreg:$0x1e] =	wrdreg s19;
	s5 =	simm.s32 $0x1  }
0x33: {  	_ =	swait.ge [sflag:s5], $0x500  }
0x34: {  	[sflag:s5] =	ssyncset.done $0x0  }
0x35: {  	s6 =	simm.s32 $0x800;
	[sflag:s5] =	ssyncadd.s32 $0xFFFFFB00  }
0x36: {  	[tilespmem:s6], [sflag:$0x1] =	stream.linear.gather [hbm4b:s2+s4], $0x1000, $0x38;
	[tilespmem:$0xB800] =	vst v63  }
0x37: {  	_ =	swait.ge [sflag:s5], $0x1000  }
0x38: {  	s20 =	sshll.u32 s13, $0xE;
	[sflag:s5] =	ssyncset.done $0x0  }
0x39: {  	s7 =	sadd.s32 s20, s3;
	[sflag:s5] =	ssyncadd.s32 $0xFFFFF000  }
0x3a: {  	[spmem:s7] =	stream.linear.scatter [tilespmem:s6], [sflag:$0x1], $0x1000, $0x38;
	[tilespmem:$0xB800] =	vst v63  }
0x3b: {  	_ =	swait.ge [sflag:s5], $0x1000  }
0x3c: {  	[sflag:s5] =	ssyncset.done $0x0  }
0x3d: {  	s8 =	sadd.s32 $0x1000, s7;
	[sflag:s5] =	ssyncadd.s32 $0xFFFFF000  }
0x3e: {  	[spmem:s8] =	stream.linear.scatter [tilespmem:s6], [sflag:$0x1], $0x1000, $0x38;
	[tilespmem:$0xB800] =	vst v63  }
0x3f: {  	_ =	swait.ge [sflag:s5], $0x1000  }
0x40: {  	[sflag:s5] =	ssyncset.done $0x0  }
0x41: {  	s9 =	sadd.s32 $0x2000, s7;
	[sflag:s5] =	ssyncadd.s32 $0xFFFFF000  }
0x42: {  	[spmem:s9] =	stream.linear.scatter [tilespmem:s6], [sflag:$0x1], $0x1000, $0x38;
	[tilespmem:$0xB800] =	vst v63  }
0x43: {  	_ =	swait.ge [sflag:s5], $0x1000  }
0x44: {  	[sflag:s5] =	ssyncset.done $0x0  }
0x45: {  	s10 =	sadd.s32 $0x3000, s7;
	[sflag:s5] =	ssyncadd.s32 $0xFFFFF000  }
0x46: {  	[spmem:s10] =	stream.linear.scatter [tilespmem:s6], [sflag:$0x1], $0x1000, $0x38;
	[tilespmem:$0xB800] =	vst v63  }
0x47: {  	_ =	swait.ge [sflag:s5], $0x1000  }
0x48: {  	[sflag:s5] =	ssyncset.done $0x0  }
0x49: {  	[sflag:s5] =	ssyncadd.s32 $0xFFFFF000  }
0x4a: {  	[bflag:$0x0] =	sbarrier.arrive $0xFFFF  }
0x4b: {  	s12 =	simm.s32 $0x1800;
	s11 =	simm.s32 $0x400;
	s21 =	rddreg [dreg:$0x5]  }
0x4c: {  	[tilespmem:s6], [sflag:$0x1] =	stream.strided.gather [hbm4b:s21+s11], $0x3000, s12, s11, $0x38;
	[tilespmem:$0xB800] =	vst v63  }
0x4d: {  	_ =	swait.ge [sflag:s5], $0x3000  }
0x4e: {  	[sflag:s5] =	ssyncset.done $0x0  }
0x4f: {  	s13 =	simm.s32 $0x60;
	[sflag:s5] =	ssyncadd.s32 $0xFFFFD000  }
0x50: {  	[spmem:s3] =	stream.indirect.scatter.add.f32 [tilespmem:s6], [sflag:$0x1], $0x80, s4, s13, $0xb8;
	[tilespmem:$0xB800] =	vst v63  }
0x51: {  	_ =	swait.ge [sflag:s5], $0x3000  }
0x52: {  	[sflag:s5] =	ssyncset.done $0x0  }
0x53: {  	s22 =	rddreg [dreg:$0x6];
	[sflag:s5] =	ssyncadd.s32 $0xFFFFD000  }
0x54: {  	[tilespmem:s6], [sflag:$0x1] =	stream.strided.gather [hbm4b:s22+s11], $0x3000, s12, s11, $0x38;
	[tilespmem:$0xB800] =	vst v63  }
0x55: {  	_ =	swait.ge [sflag:s5], $0x3000  }
0x56: {  	[sflag:s5] =	ssyncset.done $0x0  }
0x57: {  	s14 =	simm.s32 $0x80;
	[sflag:s5] =	ssyncadd.s32 $0xFFFFD000  }
0x58: {  	[spmem:s3] =	stream.indirect.scatter.add.f32 [tilespmem:s6], [sflag:$0x1], $0x80, s14, s13, $0xb8;
	[tilespmem:$0xB800] =	vst v63  }
0x59: {  	_ =	swait.ge [sflag:s5], $0x3000  }
0x5a: {  	[sflag:s5] =	ssyncset.done $0x0  }
0x5b: {  	s15 =	rddreg [dreg:$0x7];
	[sflag:s5] =	ssyncadd.s32 $0xFFFFD000  }
0x5c: {  	[tilespmem:s6], [sflag:$0x1] =	stream.strided.gather [hbm4b:s15+s11], $0x3000, s12, s11, $0x38;
	[tilespmem:$0xB800] =	vst v63  }
0x5d: {  	_ =	swait.ge [sflag:s5], $0x3000  }
0x5e: {  	[sflag:s5] =	ssyncset.done $0x0  }
0x5f: {  	s15 =	simm.s32 $0x100;
	[sflag:s5] =	ssyncadd.s32 $0xFFFFD000  }
0x60: {  	[spmem:s3] =	stream.indirect.scatter.add.f32 [tilespmem:s6], [sflag:$0x1], $0x80, s15, s13, $0xb8;
	[tilespmem:$0xB800] =	vst v63  }
0x61: {  	_ =	swait.ge [sflag:s5], $0x3000  }
0x62: {  	[sflag:s5] =	ssyncset.done $0x0  }
0x63: {  	s16 =	rddreg [dreg:$0x8];
	[sflag:s5] =	ssyncadd.s32 $0xFFFFD000  }
0x64: {  	[tilespmem:s6], [sflag:$0x1] =	stream.strided.gather [hbm4b:s16+s11], $0x3000, s12, s11, $0x38;
	[tilespmem:$0xB800] =	vst v63  }
0x65: {  	_ =	swait.ge [sflag:s5], $0x3000  }
0x66: {  	[sflag:s5] =	ssyncset.done $0x0  }
0x67: {  	s16 =	simm.s32 $0x180;
	[sflag:s5] =	ssyncadd.s32 $0xFFFFD000  }
0x68: {  	[spmem:s3] =	stream.indirect.scatter.add.f32 [tilespmem:s6], [sflag:$0x1], $0x80, s16, s13, $0xb8;
	[tilespmem:$0xB800] =	vst v63  }
0x69: {  	_ =	swait.ge [sflag:s5], $0x3000  }
0x6a: {  	[sflag:s5] =	ssyncset.done $0x0  }
0x6b: {  	s17 =	rddreg [dreg:$0x9];
	[sflag:s5] =	ssyncadd.s32 $0xFFFFD000  }
0x6c: {  	[tilespmem:s6], [sflag:$0x1] =	stream.strided.gather [hbm4b:s17+s11], $0x3000, s12, s11, $0x38;
	[tilespmem:$0xB800] =	vst v63  }
0x6d: {  	_ =	swait.ge [sflag:s5], $0x3000  }
0x6e: {  	[sflag:s5] =	ssyncset.done $0x0  }
0x6f: {  	s17 =	simm.s32 $0x200;
	[sflag:s5] =	ssyncadd.s32 $0xFFFFD000  }
0x70: {  	[spmem:s3] =	stream.indirect.scatter.add.f32 [tilespmem:s6], [sflag:$0x1], $0x80, s17, s13, $0xb8;
	[tilespmem:$0xB800] =	vst v63  }
0x71: {  	_ =	swait.ge [sflag:s5], $0x3000  }
0x72: {  	[sflag:s5] =	ssyncset.done $0x0  }
0x73: {  	s18 =	rddreg [dreg:$0xa];
	[sflag:s5] =	ssyncadd.s32 $0xFFFFD000  }
0x74: {  	[tilespmem:s6], [sflag:$0x1] =	stream.strided.gather [hbm4b:s18+s11], $0x3000, s12, s11, $0x38;
	[tilespmem:$0xB800] =	vst v63  }
0x75: {  	_ =	swait.ge [sflag:s5], $0x3000  }
0x76: {  	[sflag:s5] =	ssyncset.done $0x0  }
0x77: {  	s18 =	simm.s32 $0x280;
	[sflag:s5] =	ssyncadd.s32 $0xFFFFD000  }
0x78: {  	[spmem:s3] =	stream.indirect.scatter.add.f32 [tilespmem:s6], [sflag:$0x1], $0x80, s18, s13, $0xb8;
	[tilespmem:$0xB800] =	vst v63  }
0x79: {  	_ =	swait.ge [sflag:s5], $0x3000  }
0x7a: {  	[sflag:s5] =	ssyncset.done $0x0  }
0x7b: {  	s19 =	rddreg [dreg:$0xb];
	[sflag:s5] =	ssyncadd.s32 $0xFFFFD000  }
0x7c: {  	[tilespmem:s6], [sflag:$0x1] =	stream.strided.gather [hbm4b:s19+s11], $0x3000, s12, s11, $0x38;
	[tilespmem:$0xB800] =	vst v63  }
0x7d: {  	_ =	swait.ge [sflag:s5], $0x3000  }
0x7e: {  	[sflag:s5] =	ssyncset.done $0x0  }
0x7f: {  	s19 =	simm.s32 $0x300;
	[sflag:s5] =	ssyncadd.s32 $0xFFFFD000  }
0x80: {  	[spmem:s3] =	stream.indirect.scatter.add.f32 [tilespmem:s6], [sflag:$0x1], $0x80, s19, s13, $0xb8;
	[tilespmem:$0xB800] =	vst v63  }
0x81: {  	_ =	swait.ge [sflag:s5], $0x3000  }
0x82: {  	[sflag:s5] =	ssyncset.done $0x0  }
0x83: {  	s20 =	rddreg [dreg:$0xc];
	[sflag:s5] =	ssyncadd.s32 $0xFFFFD000  }
0x84: {  	[tilespmem:s6], [sflag:$0x1] =	stream.strided.gather [hbm4b:s20+s11], $0x3000, s12, s11, $0x38;
	[tilespmem:$0xB800] =	vst v63  }
0x85: {  	_ =	swait.ge [sflag:s5], $0x3000  }
0x86: {  	[sflag:s5] =	ssyncset.done $0x0  }
0x87: {  	s20 =	simm.s32 $0x380;
	[sflag:s5] =	ssyncadd.s32 $0xFFFFD000  }
0x88: {  	[spmem:s3] =	stream.indirect.scatter.add.f32 [tilespmem:s6], [sflag:$0x1], $0x80, s20, s13, $0xb8;
	[tilespmem:$0xB800] =	vst v63  }
0x89: {  	_ =	swait.ge [sflag:s5], $0x3000  }
0x8a: {  	[sflag:s5] =	ssyncset.done $0x0  }
0x8b: {  	s21 =	rddreg [dreg:$0xd];
	[sflag:s5] =	ssyncadd.s32 $0xFFFFD000  }
0x8c: {  	[tilespmem:s6], [sflag:$0x1] =	stream.strided.gather [hbm4b:s21+s11], $0x3000, s12, s11, $0x38;
	[tilespmem:$0xB800] =	vst v63  }
0x8d: {  	_ =	swait.ge [sflag:s5], $0x3000  }
0x8e: {  	[sflag:s5] =	ssyncset.done $0x0  }
0x8f: {  	[sflag:s5] =	ssyncadd.s32 $0xFFFFD000  }
0x90: {  	[spmem:s3] =	stream.indirect.scatter.add.f32 [tilespmem:s6], [sflag:$0x1], $0x80, s11, s13, $0xb8;
	[tilespmem:$0xB800] =	vst v63  }
0x91: {  	_ =	swait.ge [sflag:s5], $0x3000  }
0x92: {  	[sflag:s5] =	ssyncset.done $0x0  }
0x93: {  	s23 =	rddreg [dreg:$0xe];
	[sflag:s5] =	ssyncadd.s32 $0xFFFFD000  }
0x94: {  	[tilespmem:s6], [sflag:$0x1] =	stream.strided.gather [hbm4b:s23+s11], $0x3000, s12, s11, $0x38;
	[tilespmem:$0xB800] =	vst v63  }
0x95: {  	_ =	swait.ge [sflag:s5], $0x3000  }
0x96: {  	[sflag:s5] =	ssyncset.done $0x0  }
0x97: {  	s21 =	simm.s32 $0x480;
	[sflag:s5] =	ssyncadd.s32 $0xFFFFD000  }
0x98: {  	[spmem:s3] =	stream.indirect.scatter.add.f32 [tilespmem:s6], [sflag:$0x1], $0x80, s21, s13, $0xb8;
	[tilespmem:$0xB800] =	vst v63  }
0x99: {  	_ =	swait.ge [sflag:s5], $0x3000  }
0x9a: {  	[sflag:s5] =	ssyncset.done $0x0  }
0x9b: {  	[sflag:s5] =	ssyncadd.s32 $0xFFFFD000  }
0x9c: {  	s22 =	simm.s32 $0x3800;
	[bflag:$0x0] =	sbarrier.arrive $0xFFFF  }
0x9d: {  	[tilespmem:s22], [sflag:$0x1] =	stream.linear.gather [spmem:s7], $0x4000, $0x38;
	[tilespmem:$0xB800] =	vst v63  }
0x9e: {  	_ =	swait.ge [sflag:s5], $0x4000  }
0x9f: {  	[sflag:s5] =	ssyncset.done $0x0  }
0xa0: {  	s23 =	simm.s32 $0xC00;
	s0 =	rddreg [dreg:$0xf];
	[sflag:s5] =	ssyncadd.s32 $0xFFFFC000  }
0xa1: {  	[hbm4b:s0+s11] =	stream.strided.scatter [tilespmem:s22], [sflag:$0x1], $0x4000, s23, s11, $0x38;
	[tilespmem:$0xB800] =	vst v63  }
0xa2: {  	_ =	swait.ge [sflag:s5], $0x4000  }
0xa3: {  	[sflag:s5] =	ssyncset.done $0x0  }
0xa4: {  	[sflag:s5] =	ssyncadd.s32 $0xFFFFC000  }
0xa5: {  	[tilespmem:s6], [sflag:$0x1] =	stream.linear.gather [hbm4b:s2+s4], $0x1000, $0x38;
	[tilespmem:$0xB800] =	vst v63  }
0xa6: {  	_ =	swait.ge [sflag:s5], $0x1000  }
0xa7: {  	[sflag:s5] =	ssyncset.done $0x0  }
0xa8: {  	[sflag:s5] =	ssyncadd.s32 $0xFFFFF000  }
0xa9: {  	[spmem:s7] =	stream.linear.scatter [tilespmem:s6], [sflag:$0x1], $0x1000, $0x38;
	[tilespmem:$0xB800] =	vst v63  }
0xaa: {  	_ =	swait.ge [sflag:s5], $0x1000  }
0xab: {  	[sflag:s5] =	ssyncset.done $0x0  }
0xac: {  	[sflag:s5] =	ssyncadd.s32 $0xFFFFF000  }
0xad: {  	[spmem:s8] =	stream.linear.scatter [tilespmem:s6], [sflag:$0x1], $0x1000, $0x38;
	[tilespmem:$0xB800] =	vst v63  }
0xae: {  	_ =	swait.ge [sflag:s5], $0x1000  }
0xaf: {  	[sflag:s5] =	ssyncset.done $0x0  }
0xb0: {  	[sflag:s5] =	ssyncadd.s32 $0xFFFFF000  }
0xb1: {  	[spmem:s9] =	stream.linear.scatter [tilespmem:s6], [sflag:$0x1], $0x1000, $0x38;
	[tilespmem:$0xB800] =	vst v63  }
0xb2: {  	_ =	swait.ge [sflag:s5], $0x1000  }
0xb3: {  	[sflag:s5] =	ssyncset.done $0x0  }
0xb4: {  	[sflag:s5] =	ssyncadd.s32 $0xFFFFF000  }
0xb5: {  	[spmem:s10] =	stream.linear.scatter [tilespmem:s6], [sflag:$0x1], $0x1000, $0x38;
	[tilespmem:$0xB800] =	vst v63  }
0xb6: {  	_ =	swait.ge [sflag:s5], $0x1000  }
0xb7: {  	[sflag:s5] =	ssyncset.done $0x0  }
0xb8: {  	[sflag:s5] =	ssyncadd.s32 $0xFFFFF000  }
0xb9: {  	[bflag:$0x0] =	sbarrier.arrive $0xFFFF  }
0xba: {  	s0 =	rddreg [dreg:$0x10]  }
0xbb: {  	[tilespmem:s6], [sflag:$0x1] =	stream.strided.gather [hbm4b:s0+s11], $0x3000, s12, s11, $0x38;
	[tilespmem:$0xB800] =	vst v63  }
0xbc: {  	_ =	swait.ge [sflag:s5], $0x3000  }
0xbd: {  	[sflag:s5] =	ssyncset.done $0x0  }
0xbe: {  	[sflag:s5] =	ssyncadd.s32 $0xFFFFD000  }
0xbf: {  	[spmem:s3] =	stream.indirect.scatter.add.f32 [tilespmem:s6], [sflag:$0x1], $0x80, s4, s13, $0xb8;
	[tilespmem:$0xB800] =	vst v63  }
0xc0: {  	_ =	swait.ge [sflag:s5], $0x3000  }
0xc1: {  	[sflag:s5] =	ssyncset.done $0x0  }
0xc2: {  	s0 =	rddreg [dreg:$0x11];
	[sflag:s5] =	ssyncadd.s32 $0xFFFFD000  }
0xc3: {  	[tilespmem:s6], [sflag:$0x1] =	stream.strided.gather [hbm4b:s0+s11], $0x3000, s12, s11, $0x38;
	[tilespmem:$0xB800] =	vst v63  }
0xc4: {  	_ =	swait.ge [sflag:s5], $0x3000  }
0xc5: {  	[sflag:s5] =	ssyncset.done $0x0  }
0xc6: {  	[sflag:s5] =	ssyncadd.s32 $0xFFFFD000  }
0xc7: {  	[spmem:s3] =	stream.indirect.scatter.add.f32 [tilespmem:s6], [sflag:$0x1], $0x80, s14, s13, $0xb8;
	[tilespmem:$0xB800] =	vst v63  }
0xc8: {  	_ =	swait.ge [sflag:s5], $0x3000  }
0xc9: {  	[sflag:s5] =	ssyncset.done $0x0  }
0xca: {  	s0 =	rddreg [dreg:$0x12];
	[sflag:s5] =	ssyncadd.s32 $0xFFFFD000  }
0xcb: {  	[tilespmem:s6], [sflag:$0x1] =	stream.strided.gather [hbm4b:s0+s11], $0x3000, s12, s11, $0x38;
	[tilespmem:$0xB800] =	vst v63  }
0xcc: {  	_ =	swait.ge [sflag:s5], $0x3000  }
0xcd: {  	[sflag:s5] =	ssyncset.done $0x0  }
0xce: {  	[sflag:s5] =	ssyncadd.s32 $0xFFFFD000  }
0xcf: {  	[spmem:s3] =	stream.indirect.scatter.add.f32 [tilespmem:s6], [sflag:$0x1], $0x80, s15, s13, $0xb8;
	[tilespmem:$0xB800] =	vst v63  }
0xd0: {  	_ =	swait.ge [sflag:s5], $0x3000  }
0xd1: {  	[sflag:s5] =	ssyncset.done $0x0  }
0xd2: {  	s0 =	rddreg [dreg:$0x13];
	[sflag:s5] =	ssyncadd.s32 $0xFFFFD000  }
0xd3: {  	[tilespmem:s6], [sflag:$0x1] =	stream.strided.gather [hbm4b:s0+s11], $0x3000, s12, s11, $0x38;
	[tilespmem:$0xB800] =	vst v63  }
0xd4: {  	_ =	swait.ge [sflag:s5], $0x3000  }
0xd5: {  	[sflag:s5] =	ssyncset.done $0x0  }
0xd6: {  	[sflag:s5] =	ssyncadd.s32 $0xFFFFD000  }
0xd7: {  	[spmem:s3] =	stream.indirect.scatter.add.f32 [tilespmem:s6], [sflag:$0x1], $0x80, s16, s13, $0xb8;
	[tilespmem:$0xB800] =	vst v63  }
0xd8: {  	_ =	swait.ge [sflag:s5], $0x3000  }
0xd9: {  	[sflag:s5] =	ssyncset.done $0x0  }
0xda: {  	s0 =	rddreg [dreg:$0x14];
	[sflag:s5] =	ssyncadd.s32 $0xFFFFD000  }
0xdb: {  	[tilespmem:s6], [sflag:$0x1] =	stream.strided.gather [hbm4b:s0+s11], $0x3000, s12, s11, $0x38;
	[tilespmem:$0xB800] =	vst v63  }
0xdc: {  	_ =	swait.ge [sflag:s5], $0x3000  }
0xdd: {  	[sflag:s5] =	ssyncset.done $0x0  }
0xde: {  	[sflag:s5] =	ssyncadd.s32 $0xFFFFD000  }
0xdf: {  	[spmem:s3] =	stream.indirect.scatter.add.f32 [tilespmem:s6], [sflag:$0x1], $0x80, s17, s13, $0xb8;
	[tilespmem:$0xB800] =	vst v63  }
0xe0: {  	_ =	swait.ge [sflag:s5], $0x3000  }
0xe1: {  	[sflag:s5] =	ssyncset.done $0x0  }
0xe2: {  	s0 =	rddreg [dreg:$0x15];
	[sflag:s5] =	ssyncadd.s32 $0xFFFFD000  }
0xe3: {  	[tilespmem:s6], [sflag:$0x1] =	stream.strided.gather [hbm4b:s0+s11], $0x3000, s12, s11, $0x38;
	[tilespmem:$0xB800] =	vst v63  }
0xe4: {  	_ =	swait.ge [sflag:s5], $0x3000  }
0xe5: {  	[sflag:s5] =	ssyncset.done $0x0  }
0xe6: {  	[sflag:s5] =	ssyncadd.s32 $0xFFFFD000  }
0xe7: {  	[spmem:s3] =	stream.indirect.scatter.add.f32 [tilespmem:s6], [sflag:$0x1], $0x80, s18, s13, $0xb8;
	[tilespmem:$0xB800] =	vst v63  }
0xe8: {  	_ =	swait.ge [sflag:s5], $0x3000  }
0xe9: {  	[sflag:s5] =	ssyncset.done $0x0  }
0xea: {  	s0 =	rddreg [dreg:$0x16];
	[sflag:s5] =	ssyncadd.s32 $0xFFFFD000  }
0xeb: {  	[tilespmem:s6], [sflag:$0x1] =	stream.strided.gather [hbm4b:s0+s11], $0x3000, s12, s11, $0x38;
	[tilespmem:$0xB800] =	vst v63  }
0xec: {  	_ =	swait.ge [sflag:s5], $0x3000  }
0xed: {  	[sflag:s5] =	ssyncset.done $0x0  }
0xee: {  	[sflag:s5] =	ssyncadd.s32 $0xFFFFD000  }
0xef: {  	[spmem:s3] =	stream.indirect.scatter.add.f32 [tilespmem:s6], [sflag:$0x1], $0x80, s19, s13, $0xb8;
	[tilespmem:$0xB800] =	vst v63  }
0xf0: {  	_ =	swait.ge [sflag:s5], $0x3000  }
0xf1: {  	[sflag:s5] =	ssyncset.done $0x0  }
0xf2: {  	s0 =	rddreg [dreg:$0x17];
	[sflag:s5] =	ssyncadd.s32 $0xFFFFD000  }
0xf3: {  	[tilespmem:s6], [sflag:$0x1] =	stream.strided.gather [hbm4b:s0+s11], $0x3000, s12, s11, $0x38;
	[tilespmem:$0xB800] =	vst v63  }
0xf4: {  	_ =	swait.ge [sflag:s5], $0x3000  }
0xf5: {  	[sflag:s5] =	ssyncset.done $0x0  }
0xf6: {  	[sflag:s5] =	ssyncadd.s32 $0xFFFFD000  }
0xf7: {  	[spmem:s3] =	stream.indirect.scatter.add.f32 [tilespmem:s6], [sflag:$0x1], $0x80, s20, s13, $0xb8;
	[tilespmem:$0xB800] =	vst v63  }
0xf8: {  	_ =	swait.ge [sflag:s5], $0x3000  }
0xf9: {  	[sflag:s5] =	ssyncset.done $0x0  }
0xfa: {  	s0 =	rddreg [dreg:$0x18];
	[sflag:s5] =	ssyncadd.s32 $0xFFFFD000  }
0xfb: {  	[tilespmem:s6], [sflag:$0x1] =	stream.strided.gather [hbm4b:s0+s11], $0x3000, s12, s11, $0x38;
	[tilespmem:$0xB800] =	vst v63  }
0xfc: {  	_ =	swait.ge [sflag:s5], $0x3000  }
0xfd: {  	[sflag:s5] =	ssyncset.done $0x0  }
0xfe: {  	[sflag:s5] =	ssyncadd.s32 $0xFFFFD000  }
0xff: {  	[spmem:s3] =	stream.indirect.scatter.add.f32 [tilespmem:s6], [sflag:$0x1], $0x80, s11, s13, $0xb8;
	[tilespmem:$0xB800] =	vst v63  }
0x100: {  	_ =	swait.ge [sflag:s5], $0x3000  }
0x101: {  	[sflag:s5] =	ssyncset.done $0x0  }
0x102: {  	s0 =	rddreg [dreg:$0x19];
	[sflag:s5] =	ssyncadd.s32 $0xFFFFD000  }
0x103: {  	[tilespmem:s6], [sflag:$0x1] =	stream.strided.gather [hbm4b:s0+s11], $0x3000, s12, s11, $0x38;
	[tilespmem:$0xB800] =	vst v63  }
0x104: {  	_ =	swait.ge [sflag:s5], $0x3000  }
0x105: {  	[sflag:s5] =	ssyncset.done $0x0  }
0x106: {  	[sflag:s5] =	ssyncadd.s32 $0xFFFFD000  }
0x107: {  	[spmem:s3] =	stream.indirect.scatter.add.f32 [tilespmem:s6], [sflag:$0x1], $0x80, s21, s13, $0xb8;
	[tilespmem:$0xB800] =	vst v63  }
0x108: {  	_ =	swait.ge [sflag:s5], $0x3000  }
0x109: {  	[sflag:s5] =	ssyncset.done $0x0  }
0x10a: {  	[sflag:s5] =	ssyncadd.s32 $0xFFFFD000  }
0x10b: {  	[bflag:$0x0] =	sbarrier.arrive $0xFFFF  }
0x10c: {  	[tilespmem:s22], [sflag:$0x1] =	stream.linear.gather [spmem:s7], $0x4000, $0x38;
	[tilespmem:$0xB800] =	vst v63  }
0x10d: {  	_ =	swait.ge [sflag:s5], $0x4000  }
0x10e: {  	[sflag:s5] =	ssyncset.done $0x0  }
0x10f: {  	s0 =	rddreg [dreg:$0x1a];
	[sflag:s5] =	ssyncadd.s32 $0xFFFFC000  }
0x110: {  	[hbm4b:s0+s11] =	stream.strided.scatter [tilespmem:s22], [sflag:$0x1], $0x4000, s23, s11, $0x38;
	[tilespmem:$0xB800] =	vst v63  }
0x111: {  	_ =	swait.ge [sflag:s5], $0x4000  }
0x112: {  	[sflag:s5] =	ssyncset.done $0x0  }
0x113: {  	[sflag:s5] =	ssyncadd.s32 $0xFFFFC000  }
0x114: {  	[tilespmem:s6], [sflag:$0x1] =	stream.linear.gather [hbm4b:s2+s4], $0x1000, $0x38;
	[tilespmem:$0xB800] =	vst v63  }
0x115: {  	_ =	swait.ge [sflag:s5], $0x1000  }
0x116: {  	[sflag:s5] =	ssyncset.done $0x0  }
0x117: {  	[sflag:s5] =	ssyncadd.s32 $0xFFFFF000  }
0x118: {  	[spmem:s7] =	stream.linear.scatter [tilespmem:s6], [sflag:$0x1], $0x1000, $0x38;
	[tilespmem:$0xB800] =	vst v63  }
0x119: {  	_ =	swait.ge [sflag:s5], $0x1000  }
0x11a: {  	[sflag:s5] =	ssyncset.done $0x0  }
0x11b: {  	[sflag:s5] =	ssyncadd.s32 $0xFFFFF000  }
0x11c: {  	[spmem:s8] =	stream.linear.scatter [tilespmem:s6], [sflag:$0x1], $0x1000, $0x38;
	[tilespmem:$0xB800] =	vst v63  }
0x11d: {  	_ =	swait.ge [sflag:s5], $0x1000  }
0x11e: {  	[sflag:s5] =	ssyncset.done $0x0  }
0x11f: {  	[sflag:s5] =	ssyncadd.s32 $0xFFFFF000  }
0x120: {  	[spmem:s9] =	stream.linear.scatter [tilespmem:s6], [sflag:$0x1], $0x1000, $0x38;
	[tilespmem:$0xB800] =	vst v63  }
0x121: {  	_ =	swait.ge [sflag:s5], $0x1000  }
0x122: {  	[sflag:s5] =	ssyncset.done $0x0  }
0x123: {  	[sflag:s5] =	ssyncadd.s32 $0xFFFFF000  }
0x124: {  	[spmem:s10] =	stream.linear.scatter [tilespmem:s6], [sflag:$0x1], $0x1000, $0x38;
	[tilespmem:$0xB800] =	vst v63  }
0x125: {  	_ =	swait.ge [sflag:s5], $0x1000  }
0x126: {  	[sflag:s5] =	ssyncset.done $0x0  }
0x127: {  	[sflag:s5] =	ssyncadd.s32 $0xFFFFF000  }
0x128: {  	[bflag:$0x0] =	sbarrier.arrive $0xFFFF  }
0x129: {  	s0 =	rddreg [dreg:$0x1b]  }
0x12a: {  	[tilespmem:s6], [sflag:$0x1] =	stream.strided.gather [hbm4b:s0+s11], $0x3000, s12, s11, $0x38;
	[tilespmem:$0xB800] =	vst v63  }
0x12b: {  	_ =	swait.ge [sflag:s5], $0x3000  }
0x12c: {  	[sflag:s5] =	ssyncset.done $0x0  }
0x12d: {  	[sflag:s5] =	ssyncadd.s32 $0xFFFFD000  }
0x12e: {  	[spmem:s3] =	stream.indirect.scatter.add.f32 [tilespmem:s6], [sflag:$0x1], $0x80, s4, s13, $0xb8;
	[tilespmem:$0xB800] =	vst v63  }
0x12f: {  	_ =	swait.ge [sflag:s5], $0x3000  }
0x130: {  	[sflag:s5] =	ssyncset.done $0x0  }
0x131: {  	s0 =	rddreg [dreg:$0x1c];
	[sflag:s5] =	ssyncadd.s32 $0xFFFFD000  }
0x132: {  	[tilespmem:s6], [sflag:$0x1] =	stream.strided.gather [hbm4b:s0+s11], $0x3000, s12, s11, $0x38;
	[tilespmem:$0xB800] =	vst v63  }
0x133: {  	_ =	swait.ge [sflag:s5], $0x3000  }
0x134: {  	[sflag:s5] =	ssyncset.done $0x0  }
0x135: {  	[sflag:s5] =	ssyncadd.s32 $0xFFFFD000  }
0x136: {  	[spmem:s3] =	stream.indirect.scatter.add.f32 [tilespmem:s6], [sflag:$0x1], $0x80, s14, s13, $0xb8;
	[tilespmem:$0xB800] =	vst v63  }
0x137: {  	_ =	swait.ge [sflag:s5], $0x3000  }
0x138: {  	[sflag:s5] =	ssyncset.done $0x0  }
0x139: {  	s0 =	rddreg [dreg:$0x1d];
	[sflag:s5] =	ssyncadd.s32 $0xFFFFD000  }
0x13a: {  	[tilespmem:s6], [sflag:$0x1] =	stream.strided.gather [hbm4b:s0+s11], $0x3000, s12, s11, $0x38;
	[tilespmem:$0xB800] =	vst v63  }
0x13b: {  	_ =	swait.ge [sflag:s5], $0x3000  }
0x13c: {  	[sflag:s5] =	ssyncset.done $0x0  }
0x13d: {  	[sflag:s5] =	ssyncadd.s32 $0xFFFFD000  }
0x13e: {  	[spmem:s3] =	stream.indirect.scatter.add.f32 [tilespmem:s6], [sflag:$0x1], $0x80, s15, s13, $0xb8;
	[tilespmem:$0xB800] =	vst v63  }
0x13f: {  	_ =	swait.ge [sflag:s5], $0x3000  }
0x140: {  	[sflag:s5] =	ssyncset.done $0x0  }
0x141: {  	s0 =	rddreg [dreg:$0x1e];
	[sflag:s5] =	ssyncadd.s32 $0xFFFFD000  }
0x142: {  	[tilespmem:s6], [sflag:$0x1] =	stream.strided.gather [hbm4b:s0+s11], $0x3000, s12, s11, $0x38;
	[tilespmem:$0xB800] =	vst v63  }
0x143: {  	_ =	swait.ge [sflag:s5], $0x3000  }
0x144: {  	[sflag:s5] =	ssyncset.done $0x0  }
0x145: {  	[sflag:s5] =	ssyncadd.s32 $0xFFFFD000  }
0x146: {  	[spmem:s3] =	stream.indirect.scatter.add.f32 [tilespmem:s6], [sflag:$0x1], $0x80, s16, s13, $0xb8;
	[tilespmem:$0xB800] =	vst v63  }
0x147: {  	s24 =	sor.u32 s1, s24;
	_ =	swait.ge [sflag:s5], $0x3000  }
0x148: {  	s0 =	sshrl.u32 s24, $0x3;
	[sflag:s5] =	ssyncset.done $0x0  }
0x149: {  	s24 =	sadd.s32 s30, s0;
	[sflag:s5] =	ssyncadd.s32 $0xFFFFD000  }
0x14a: {  	[tilespmem:s6], [sflag:$0x1] =	stream.strided.gather [hbm4b:s24+s11], $0x3000, s12, s11, $0x38;
	[tilespmem:$0xB800] =	vst v63  }
0x14b: {  	_ =	swait.ge [sflag:s5], $0x3000  }
0x14c: {  	[sflag:s5] =	ssyncset.done $0x0  }
0x14d: {  	[sflag:s5] =	ssyncadd.s32 $0xFFFFD000  }
0x14e: {  	[spmem:s3] =	stream.indirect.scatter.add.f32 [tilespmem:s6], [sflag:$0x1], $0x80, s17, s13, $0xb8;
	[tilespmem:$0xB800] =	vst v63  }
0x14f: {  	s25 =	sor.u32 s1, s25;
	_ =	swait.ge [sflag:s5], $0x3000  }
0x150: {  	s0 =	sshrl.u32 s25, $0x3;
	[sflag:s5] =	ssyncset.done $0x0  }
0x151: {  	s25 =	sadd.s32 s30, s0;
	[sflag:s5] =	ssyncadd.s32 $0xFFFFD000  }
0x152: {  	[tilespmem:s6], [sflag:$0x1] =	stream.strided.gather [hbm4b:s25+s11], $0x3000, s12, s11, $0x38;
	[tilespmem:$0xB800] =	vst v63  }
0x153: {  	_ =	swait.ge [sflag:s5], $0x3000  }
0x154: {  	[sflag:s5] =	ssyncset.done $0x0  }
0x155: {  	[sflag:s5] =	ssyncadd.s32 $0xFFFFD000  }
0x156: {  	[spmem:s3] =	stream.indirect.scatter.add.f32 [tilespmem:s6], [sflag:$0x1], $0x80, s18, s13, $0xb8;
	[tilespmem:$0xB800] =	vst v63  }
0x157: {  	s26 =	sor.u32 s1, s26;
	_ =	swait.ge [sflag:s5], $0x3000  }
0x158: {  	s0 =	sshrl.u32 s26, $0x3;
	[sflag:s5] =	ssyncset.done $0x0  }
0x159: {  	s26 =	sadd.s32 s30, s0;
	[sflag:s5] =	ssyncadd.s32 $0xFFFFD000  }
0x15a: {  	[tilespmem:s6], [sflag:$0x1] =	stream.strided.gather [hbm4b:s26+s11], $0x3000, s12, s11, $0x38;
	[tilespmem:$0xB800] =	vst v63  }
0x15b: {  	_ =	swait.ge [sflag:s5], $0x3000  }
0x15c: {  	[sflag:s5] =	ssyncset.done $0x0  }
0x15d: {  	[sflag:s5] =	ssyncadd.s32 $0xFFFFD000  }
0x15e: {  	[spmem:s3] =	stream.indirect.scatter.add.f32 [tilespmem:s6], [sflag:$0x1], $0x80, s19, s13, $0xb8;
	[tilespmem:$0xB800] =	vst v63  }
0x15f: {  	s0 =	sor.u32 s1, s28;
	_ =	swait.ge [sflag:s5], $0x3000  }
0x160: {  	s0 =	sshrl.u32 s0, $0x3;
	[sflag:s5] =	ssyncset.done $0x0  }
0x161: {  	s28 =	sadd.s32 s30, s0;
	[sflag:s5] =	ssyncadd.s32 $0xFFFFD000  }
0x162: {  	[tilespmem:s6], [sflag:$0x1] =	stream.strided.gather [hbm4b:s28+s11], $0x3000, s12, s11, $0x38;
	[tilespmem:$0xB800] =	vst v63  }
0x163: {  	_ =	swait.ge [sflag:s5], $0x3000  }
0x164: {  	[sflag:s5] =	ssyncset.done $0x0  }
0x165: {  	[sflag:s5] =	ssyncadd.s32 $0xFFFFD000  }
0x166: {  	[spmem:s3] =	stream.indirect.scatter.add.f32 [tilespmem:s6], [sflag:$0x1], $0x80, s20, s13, $0xb8;
	[tilespmem:$0xB800] =	vst v63  }
0x167: {  	s0 =	sor.u32 s1, s29;
	_ =	swait.ge [sflag:s5], $0x3000  }
0x168: {  	s0 =	sshrl.u32 s0, $0x3;
	[sflag:s5] =	ssyncset.done $0x0  }
0x169: {  	s29 =	sadd.s32 s30, s0;
	[sflag:s5] =	ssyncadd.s32 $0xFFFFD000  }
0x16a: {  	[tilespmem:s6], [sflag:$0x1] =	stream.strided.gather [hbm4b:s29+s11], $0x3000, s12, s11, $0x38;
	[tilespmem:$0xB800] =	vst v63  }
0x16b: {  	_ =	swait.ge [sflag:s5], $0x3000  }
0x16c: {  	[sflag:s5] =	ssyncset.done $0x0  }
0x16d: {  	[sflag:s5] =	ssyncadd.s32 $0xFFFFD000  }
0x16e: {  	[spmem:s3] =	stream.indirect.scatter.add.f32 [tilespmem:s6], [sflag:$0x1], $0x80, s11, s13, $0xb8;
	[tilespmem:$0xB800] =	vst v63  }
0x16f: {  	s1 =	sor.u32 s1, s31;
	_ =	swait.ge [sflag:s5], $0x3000  }
0x170: {  	s0 =	sshrl.u32 s1, $0x3;
	[sflag:s5] =	ssyncset.done $0x0  }
0x171: {  	s30 =	sadd.s32 s30, s0;
	[sflag:s5] =	ssyncadd.s32 $0xFFFFD000  }
0x172: {  	[tilespmem:s6], [sflag:$0x1] =	stream.strided.gather [hbm4b:s30+s11], $0x3000, s12, s11, $0x38;
	[tilespmem:$0xB800] =	vst v63  }
0x173: {  	_ =	swait.ge [sflag:s5], $0x3000  }
0x174: {  	[sflag:s5] =	ssyncset.done $0x0  }
0x175: {  	[sflag:s5] =	ssyncadd.s32 $0xFFFFD000  }
0x176: {  	[spmem:s3] =	stream.indirect.scatter.add.f32 [tilespmem:s6], [sflag:$0x1], $0x80, s21, s13, $0xb8;
	[tilespmem:$0xB800] =	vst v63  }
0x177: {  	_ =	swait.ge [sflag:s5], $0x3000  }
0x178: {  	[sflag:s5] =	ssyncset.done $0x0;
	s1 =	rddreg [dreg:$0x1f]  }
0x179: {  	[sflag:s5] =	ssyncadd.s32 $0xFFFFD000;
	s0 =	ssub.s32 $0x2, s1  }
0x17a: {  	[bflag:$0x0] =	sbarrier.arrive $0xFFFF;
	s1 =	sshrl.u32 s0, $0x1  }
0x17b: {  	[tilespmem:s22], [sflag:$0x1] =	stream.linear.gather [spmem:s7], $0x4000, $0x38;
	[tilespmem:$0xB800] =	vst v63  }
0x17c: {  	s0 =	ssub.s32 s0, s1  }
0x17d: {  	_ =	swait.ge [sflag:s5], $0x4000;
	s0 =	smax.u32 s0, $0x1  }
0x17e: {  	s1 =	sld [smem:$0x7FD];
	p0 =	sne.s32 s0, $0x1  }
.Ltmp0:
0x17f: {  	_ = 	snop;
	(pc) =	sbr.rel @!p0 .LBB2_2-.Ltmp0, $4  }
0x180: {  	[sflag:s5] =	ssyncset.done $0x0  }
0x181: {  	[sflag:s5] =	ssyncadd.s32 $0xFFFFC000;
	s31 =	sadd.s32 $0x34700, s1  }
0x182: {  	[hbm4b:s31+s11] =	stream.strided.scatter [tilespmem:s22], [sflag:$0x1], $0x4000, s23, s11, $0x38;
	[tilespmem:$0xB800] =	vst v63  }
0x183: {  	s1 =	sadd.s32 $0xFFFFFFFF, s0;
	_ =	swait.ge [sflag:s5], $0x4000  }
.LBB2_1:
0x184: {  	[sflag:s5] =	ssyncset.done $0x0  }
0x185: {  	s0 =	rddreg [dreg:$0x4];
	[sflag:s5] =	ssyncadd.s32 $0xFFFFC000  }
0x186: {  	[tilespmem:s4], [sflag:$0x1] =	stream.linear.gather [hbm4b:s0+s4], $0x500, $0x38;
	[tilespmem:$0xB800] =	vst v63  }
0x187: {  	_ =	swait.ge [sflag:s5], $0x500  }
0x188: {  	[sflag:s5] =	ssyncset.done $0x0  }
0x189: {  	[sflag:s5] =	ssyncadd.s32 $0xFFFFFB00  }
0x18a: {  	[tilespmem:s6], [sflag:$0x1] =	stream.linear.gather [hbm4b:s2+s4], $0x1000, $0x38;
	[tilespmem:$0xB800] =	vst v63  }
0x18b: {  	_ =	swait.ge [sflag:s5], $0x1000  }
0x18c: {  	[sflag:s5] =	ssyncset.done $0x0  }
0x18d: {  	[sflag:s5] =	ssyncadd.s32 $0xFFFFF000  }
0x18e: {  	[spmem:s7] =	stream.linear.scatter [tilespmem:s6], [sflag:$0x1], $0x1000, $0x38;
	[tilespmem:$0xB800] =	vst v63  }
0x18f: {  	_ =	swait.ge [sflag:s5], $0x1000  }
0x190: {  	[sflag:s5] =	ssyncset.done $0x0  }
0x191: {  	[sflag:s5] =	ssyncadd.s32 $0xFFFFF000  }
0x192: {  	[spmem:s8] =	stream.linear.scatter [tilespmem:s6], [sflag:$0x1], $0x1000, $0x38;
	[tilespmem:$0xB800] =	vst v63  }
0x193: {  	_ =	swait.ge [sflag:s5], $0x1000  }
0x194: {  	[sflag:s5] =	ssyncset.done $0x0  }
0x195: {  	[sflag:s5] =	ssyncadd.s32 $0xFFFFF000  }
0x196: {  	[spmem:s9] =	stream.linear.scatter [tilespmem:s6], [sflag:$0x1], $0x1000, $0x38;
	[tilespmem:$0xB800] =	vst v63  }
0x197: {  	_ =	swait.ge [sflag:s5], $0x1000  }
0x198: {  	[sflag:s5] =	ssyncset.done $0x0  }
0x199: {  	[sflag:s5] =	ssyncadd.s32 $0xFFFFF000  }
0x19a: {  	[spmem:s10] =	stream.linear.scatter [tilespmem:s6], [sflag:$0x1], $0x1000, $0x38;
	[tilespmem:$0xB800] =	vst v63  }
0x19b: {  	_ =	swait.ge [sflag:s5], $0x1000  }
0x19c: {  	[sflag:s5] =	ssyncset.done $0x0  }
0x19d: {  	[sflag:s5] =	ssyncadd.s32 $0xFFFFF000  }
0x19e: {  	[bflag:$0x0] =	sbarrier.arrive $0xFFFF  }
0x19f: {  	s0 =	rddreg [dreg:$0x5]  }
0x1a0: {  	[tilespmem:s6], [sflag:$0x1] =	stream.strided.gather [hbm4b:s0+s11], $0x3000, s12, s11, $0x38;
	[tilespmem:$0xB800] =	vst v63  }
0x1a1: {  	_ =	swait.ge [sflag:s5], $0x3000  }
0x1a2: {  	[sflag:s5] =	ssyncset.done $0x0  }
0x1a3: {  	[sflag:s5] =	ssyncadd.s32 $0xFFFFD000  }
0x1a4: {  	[spmem:s3] =	stream.indirect.scatter.add.f32 [tilespmem:s6], [sflag:$0x1], $0x80, s4, s13, $0xb8;
	[tilespmem:$0xB800] =	vst v63  }
0x1a5: {  	_ =	swait.ge [sflag:s5], $0x3000  }
0x1a6: {  	[sflag:s5] =	ssyncset.done $0x0  }
0x1a7: {  	s0 =	rddreg [dreg:$0x6];
	[sflag:s5] =	ssyncadd.s32 $0xFFFFD000  }
0x1a8: {  	[tilespmem:s6], [sflag:$0x1] =	stream.strided.gather [hbm4b:s0+s11], $0x3000, s12, s11, $0x38;
	[tilespmem:$0xB800] =	vst v63  }
0x1a9: {  	_ =	swait.ge [sflag:s5], $0x3000  }
0x1aa: {  	[sflag:s5] =	ssyncset.done $0x0  }
0x1ab: {  	[sflag:s5] =	ssyncadd.s32 $0xFFFFD000  }
0x1ac: {  	[spmem:s3] =	stream.indirect.scatter.add.f32 [tilespmem:s6], [sflag:$0x1], $0x80, s14, s13, $0xb8;
	[tilespmem:$0xB800] =	vst v63  }
0x1ad: {  	_ =	swait.ge [sflag:s5], $0x3000  }
0x1ae: {  	[sflag:s5] =	ssyncset.done $0x0  }
0x1af: {  	s0 =	rddreg [dreg:$0x7];
	[sflag:s5] =	ssyncadd.s32 $0xFFFFD000  }
0x1b0: {  	[tilespmem:s6], [sflag:$0x1] =	stream.strided.gather [hbm4b:s0+s11], $0x3000, s12, s11, $0x38;
	[tilespmem:$0xB800] =	vst v63  }
0x1b1: {  	_ =	swait.ge [sflag:s5], $0x3000  }
0x1b2: {  	[sflag:s5] =	ssyncset.done $0x0  }
0x1b3: {  	[sflag:s5] =	ssyncadd.s32 $0xFFFFD000  }
0x1b4: {  	[spmem:s3] =	stream.indirect.scatter.add.f32 [tilespmem:s6], [sflag:$0x1], $0x80, s15, s13, $0xb8;
	[tilespmem:$0xB800] =	vst v63  }
0x1b5: {  	_ =	swait.ge [sflag:s5], $0x3000  }
0x1b6: {  	[sflag:s5] =	ssyncset.done $0x0  }
0x1b7: {  	s0 =	rddreg [dreg:$0x8];
	[sflag:s5] =	ssyncadd.s32 $0xFFFFD000  }
0x1b8: {  	[tilespmem:s6], [sflag:$0x1] =	stream.strided.gather [hbm4b:s0+s11], $0x3000, s12, s11, $0x38;
	[tilespmem:$0xB800] =	vst v63  }
0x1b9: {  	_ =	swait.ge [sflag:s5], $0x3000  }
0x1ba: {  	[sflag:s5] =	ssyncset.done $0x0  }
0x1bb: {  	[sflag:s5] =	ssyncadd.s32 $0xFFFFD000  }
0x1bc: {  	[spmem:s3] =	stream.indirect.scatter.add.f32 [tilespmem:s6], [sflag:$0x1], $0x80, s16, s13, $0xb8;
	[tilespmem:$0xB800] =	vst v63  }
0x1bd: {  	_ =	swait.ge [sflag:s5], $0x3000  }
0x1be: {  	[sflag:s5] =	ssyncset.done $0x0  }
0x1bf: {  	s0 =	rddreg [dreg:$0x9];
	[sflag:s5] =	ssyncadd.s32 $0xFFFFD000  }
0x1c0: {  	[tilespmem:s6], [sflag:$0x1] =	stream.strided.gather [hbm4b:s0+s11], $0x3000, s12, s11, $0x38;
	[tilespmem:$0xB800] =	vst v63  }
0x1c1: {  	_ =	swait.ge [sflag:s5], $0x3000  }
0x1c2: {  	[sflag:s5] =	ssyncset.done $0x0  }
0x1c3: {  	[sflag:s5] =	ssyncadd.s32 $0xFFFFD000  }
0x1c4: {  	[spmem:s3] =	stream.indirect.scatter.add.f32 [tilespmem:s6], [sflag:$0x1], $0x80, s17, s13, $0xb8;
	[tilespmem:$0xB800] =	vst v63  }
0x1c5: {  	_ =	swait.ge [sflag:s5], $0x3000  }
0x1c6: {  	[sflag:s5] =	ssyncset.done $0x0  }
0x1c7: {  	s0 =	rddreg [dreg:$0xa];
	[sflag:s5] =	ssyncadd.s32 $0xFFFFD000  }
0x1c8: {  	[tilespmem:s6], [sflag:$0x1] =	stream.strided.gather [hbm4b:s0+s11], $0x3000, s12, s11, $0x38;
	[tilespmem:$0xB800] =	vst v63  }
0x1c9: {  	_ =	swait.ge [sflag:s5], $0x3000  }
0x1ca: {  	[sflag:s5] =	ssyncset.done $0x0  }
0x1cb: {  	[sflag:s5] =	ssyncadd.s32 $0xFFFFD000  }
0x1cc: {  	[spmem:s3] =	stream.indirect.scatter.add.f32 [tilespmem:s6], [sflag:$0x1], $0x80, s18, s13, $0xb8;
	[tilespmem:$0xB800] =	vst v63  }
0x1cd: {  	_ =	swait.ge [sflag:s5], $0x3000  }
0x1ce: {  	[sflag:s5] =	ssyncset.done $0x0  }
0x1cf: {  	s0 =	rddreg [dreg:$0xb];
	[sflag:s5] =	ssyncadd.s32 $0xFFFFD000  }
0x1d0: {  	[tilespmem:s6], [sflag:$0x1] =	stream.strided.gather [hbm4b:s0+s11], $0x3000, s12, s11, $0x38;
	[tilespmem:$0xB800] =	vst v63  }
0x1d1: {  	_ =	swait.ge [sflag:s5], $0x3000  }
0x1d2: {  	[sflag:s5] =	ssyncset.done $0x0  }
0x1d3: {  	[sflag:s5] =	ssyncadd.s32 $0xFFFFD000  }
0x1d4: {  	[spmem:s3] =	stream.indirect.scatter.add.f32 [tilespmem:s6], [sflag:$0x1], $0x80, s19, s13, $0xb8;
	[tilespmem:$0xB800] =	vst v63  }
0x1d5: {  	_ =	swait.ge [sflag:s5], $0x3000  }
0x1d6: {  	[sflag:s5] =	ssyncset.done $0x0  }
0x1d7: {  	s0 =	rddreg [dreg:$0xc];
	[sflag:s5] =	ssyncadd.s32 $0xFFFFD000  }
0x1d8: {  	[tilespmem:s6], [sflag:$0x1] =	stream.strided.gather [hbm4b:s0+s11], $0x3000, s12, s11, $0x38;
	[tilespmem:$0xB800] =	vst v63  }
0x1d9: {  	_ =	swait.ge [sflag:s5], $0x3000  }
0x1da: {  	[sflag:s5] =	ssyncset.done $0x0  }
0x1db: {  	[sflag:s5] =	ssyncadd.s32 $0xFFFFD000  }
0x1dc: {  	[spmem:s3] =	stream.indirect.scatter.add.f32 [tilespmem:s6], [sflag:$0x1], $0x80, s20, s13, $0xb8;
	[tilespmem:$0xB800] =	vst v63  }
0x1dd: {  	_ =	swait.ge [sflag:s5], $0x3000  }
0x1de: {  	[sflag:s5] =	ssyncset.done $0x0  }
0x1df: {  	s0 =	rddreg [dreg:$0xd];
	[sflag:s5] =	ssyncadd.s32 $0xFFFFD000  }
0x1e0: {  	[tilespmem:s6], [sflag:$0x1] =	stream.strided.gather [hbm4b:s0+s11], $0x3000, s12, s11, $0x38;
	[tilespmem:$0xB800] =	vst v63  }
0x1e1: {  	_ =	swait.ge [sflag:s5], $0x3000  }
0x1e2: {  	[sflag:s5] =	ssyncset.done $0x0  }
0x1e3: {  	[sflag:s5] =	ssyncadd.s32 $0xFFFFD000  }
0x1e4: {  	[spmem:s3] =	stream.indirect.scatter.add.f32 [tilespmem:s6], [sflag:$0x1], $0x80, s11, s13, $0xb8;
	[tilespmem:$0xB800] =	vst v63  }
0x1e5: {  	_ =	swait.ge [sflag:s5], $0x3000  }
0x1e6: {  	[sflag:s5] =	ssyncset.done $0x0  }
0x1e7: {  	s0 =	rddreg [dreg:$0xe];
	[sflag:s5] =	ssyncadd.s32 $0xFFFFD000  }
0x1e8: {  	[tilespmem:s6], [sflag:$0x1] =	stream.strided.gather [hbm4b:s0+s11], $0x3000, s12, s11, $0x38;
	[tilespmem:$0xB800] =	vst v63  }
0x1e9: {  	_ =	swait.ge [sflag:s5], $0x3000  }
0x1ea: {  	[sflag:s5] =	ssyncset.done $0x0  }
0x1eb: {  	[sflag:s5] =	ssyncadd.s32 $0xFFFFD000  }
0x1ec: {  	[spmem:s3] =	stream.indirect.scatter.add.f32 [tilespmem:s6], [sflag:$0x1], $0x80, s21, s13, $0xb8;
	[tilespmem:$0xB800] =	vst v63  }
0x1ed: {  	_ =	swait.ge [sflag:s5], $0x3000  }
0x1ee: {  	[sflag:s5] =	ssyncset.done $0x0  }
0x1ef: {  	[sflag:s5] =	ssyncadd.s32 $0xFFFFD000  }
0x1f0: {  	[bflag:$0x0] =	sbarrier.arrive $0xFFFF  }
0x1f1: {  	[tilespmem:s22], [sflag:$0x1] =	stream.linear.gather [spmem:s7], $0x4000, $0x38;
	[tilespmem:$0xB800] =	vst v63  }
0x1f2: {  	_ =	swait.ge [sflag:s5], $0x4000  }
0x1f3: {  	[sflag:s5] =	ssyncset.done $0x0  }
0x1f4: {  	s0 =	rddreg [dreg:$0xf];
	[sflag:s5] =	ssyncadd.s32 $0xFFFFC000  }
0x1f5: {  	[hbm4b:s0+s11] =	stream.strided.scatter [tilespmem:s22], [sflag:$0x1], $0x4000, s23, s11, $0x38;
	[tilespmem:$0xB800] =	vst v63  }
0x1f6: {  	_ =	swait.ge [sflag:s5], $0x4000  }
0x1f7: {  	[sflag:s5] =	ssyncset.done $0x0  }
0x1f8: {  	[sflag:s5] =	ssyncadd.s32 $0xFFFFC000  }
0x1f9: {  	[tilespmem:s6], [sflag:$0x1] =	stream.linear.gather [hbm4b:s2+s4], $0x1000, $0x38;
	[tilespmem:$0xB800] =	vst v63  }
0x1fa: {  	_ =	swait.ge [sflag:s5], $0x1000  }
0x1fb: {  	[sflag:s5] =	ssyncset.done $0x0  }
0x1fc: {  	[sflag:s5] =	ssyncadd.s32 $0xFFFFF000  }
0x1fd: {  	[spmem:s7] =	stream.linear.scatter [tilespmem:s6], [sflag:$0x1], $0x1000, $0x38;
	[tilespmem:$0xB800] =	vst v63  }
0x1fe: {  	_ =	swait.ge [sflag:s5], $0x1000  }
0x1ff: {  	[sflag:s5] =	ssyncset.done $0x0  }
0x200: {  	[sflag:s5] =	ssyncadd.s32 $0xFFFFF000  }
0x201: {  	[spmem:s8] =	stream.linear.scatter [tilespmem:s6], [sflag:$0x1], $0x1000, $0x38;
	[tilespmem:$0xB800] =	vst v63  }
0x202: {  	_ =	swait.ge [sflag:s5], $0x1000  }
0x203: {  	[sflag:s5] =	ssyncset.done $0x0  }
0x204: {  	[sflag:s5] =	ssyncadd.s32 $0xFFFFF000  }
0x205: {  	[spmem:s9] =	stream.linear.scatter [tilespmem:s6], [sflag:$0x1], $0x1000, $0x38;
	[tilespmem:$0xB800] =	vst v63  }
0x206: {  	_ =	swait.ge [sflag:s5], $0x1000  }
0x207: {  	[sflag:s5] =	ssyncset.done $0x0  }
0x208: {  	[sflag:s5] =	ssyncadd.s32 $0xFFFFF000  }
0x209: {  	[spmem:s10] =	stream.linear.scatter [tilespmem:s6], [sflag:$0x1], $0x1000, $0x38;
	[tilespmem:$0xB800] =	vst v63  }
0x20a: {  	_ =	swait.ge [sflag:s5], $0x1000  }
0x20b: {  	[sflag:s5] =	ssyncset.done $0x0  }
0x20c: {  	[sflag:s5] =	ssyncadd.s32 $0xFFFFF000  }
0x20d: {  	[bflag:$0x0] =	sbarrier.arrive $0xFFFF  }
0x20e: {  	s0 =	rddreg [dreg:$0x10]  }
0x20f: {  	[tilespmem:s6], [sflag:$0x1] =	stream.strided.gather [hbm4b:s0+s11], $0x3000, s12, s11, $0x38;
	[tilespmem:$0xB800] =	vst v63  }
0x210: {  	_ =	swait.ge [sflag:s5], $0x3000  }
0x211: {  	[sflag:s5] =	ssyncset.done $0x0  }
0x212: {  	[sflag:s5] =	ssyncadd.s32 $0xFFFFD000  }
0x213: {  	[spmem:s3] =	stream.indirect.scatter.add.f32 [tilespmem:s6], [sflag:$0x1], $0x80, s4, s13, $0xb8;
	[tilespmem:$0xB800] =	vst v63  }
0x214: {  	_ =	swait.ge [sflag:s5], $0x3000  }
0x215: {  	[sflag:s5] =	ssyncset.done $0x0  }
0x216: {  	s0 =	rddreg [dreg:$0x11];
	[sflag:s5] =	ssyncadd.s32 $0xFFFFD000  }
0x217: {  	[tilespmem:s6], [sflag:$0x1] =	stream.strided.gather [hbm4b:s0+s11], $0x3000, s12, s11, $0x38;
	[tilespmem:$0xB800] =	vst v63  }
0x218: {  	_ =	swait.ge [sflag:s5], $0x3000  }
0x219: {  	[sflag:s5] =	ssyncset.done $0x0  }
0x21a: {  	[sflag:s5] =	ssyncadd.s32 $0xFFFFD000  }
0x21b: {  	[spmem:s3] =	stream.indirect.scatter.add.f32 [tilespmem:s6], [sflag:$0x1], $0x80, s14, s13, $0xb8;
	[tilespmem:$0xB800] =	vst v63  }
0x21c: {  	_ =	swait.ge [sflag:s5], $0x3000  }
0x21d: {  	[sflag:s5] =	ssyncset.done $0x0  }
0x21e: {  	s0 =	rddreg [dreg:$0x12];
	[sflag:s5] =	ssyncadd.s32 $0xFFFFD000  }
0x21f: {  	[tilespmem:s6], [sflag:$0x1] =	stream.strided.gather [hbm4b:s0+s11], $0x3000, s12, s11, $0x38;
	[tilespmem:$0xB800] =	vst v63  }
0x220: {  	_ =	swait.ge [sflag:s5], $0x3000  }
0x221: {  	[sflag:s5] =	ssyncset.done $0x0  }
0x222: {  	[sflag:s5] =	ssyncadd.s32 $0xFFFFD000  }
0x223: {  	[spmem:s3] =	stream.indirect.scatter.add.f32 [tilespmem:s6], [sflag:$0x1], $0x80, s15, s13, $0xb8;
	[tilespmem:$0xB800] =	vst v63  }
0x224: {  	_ =	swait.ge [sflag:s5], $0x3000  }
0x225: {  	[sflag:s5] =	ssyncset.done $0x0  }
0x226: {  	s0 =	rddreg [dreg:$0x13];
	[sflag:s5] =	ssyncadd.s32 $0xFFFFD000  }
0x227: {  	[tilespmem:s6], [sflag:$0x1] =	stream.strided.gather [hbm4b:s0+s11], $0x3000, s12, s11, $0x38;
	[tilespmem:$0xB800] =	vst v63  }
0x228: {  	_ =	swait.ge [sflag:s5], $0x3000  }
0x229: {  	[sflag:s5] =	ssyncset.done $0x0  }
0x22a: {  	[sflag:s5] =	ssyncadd.s32 $0xFFFFD000  }
0x22b: {  	[spmem:s3] =	stream.indirect.scatter.add.f32 [tilespmem:s6], [sflag:$0x1], $0x80, s16, s13, $0xb8;
	[tilespmem:$0xB800] =	vst v63  }
0x22c: {  	_ =	swait.ge [sflag:s5], $0x3000  }
0x22d: {  	[sflag:s5] =	ssyncset.done $0x0  }
0x22e: {  	s0 =	rddreg [dreg:$0x14];
	[sflag:s5] =	ssyncadd.s32 $0xFFFFD000  }
0x22f: {  	[tilespmem:s6], [sflag:$0x1] =	stream.strided.gather [hbm4b:s0+s11], $0x3000, s12, s11, $0x38;
	[tilespmem:$0xB800] =	vst v63  }
0x230: {  	_ =	swait.ge [sflag:s5], $0x3000  }
0x231: {  	[sflag:s5] =	ssyncset.done $0x0  }
0x232: {  	[sflag:s5] =	ssyncadd.s32 $0xFFFFD000  }
0x233: {  	[spmem:s3] =	stream.indirect.scatter.add.f32 [tilespmem:s6], [sflag:$0x1], $0x80, s17, s13, $0xb8;
	[tilespmem:$0xB800] =	vst v63  }
0x234: {  	_ =	swait.ge [sflag:s5], $0x3000  }
0x235: {  	[sflag:s5] =	ssyncset.done $0x0  }
0x236: {  	s0 =	rddreg [dreg:$0x15];
	[sflag:s5] =	ssyncadd.s32 $0xFFFFD000  }
0x237: {  	[tilespmem:s6], [sflag:$0x1] =	stream.strided.gather [hbm4b:s0+s11], $0x3000, s12, s11, $0x38;
	[tilespmem:$0xB800] =	vst v63  }
0x238: {  	_ =	swait.ge [sflag:s5], $0x3000  }
0x239: {  	[sflag:s5] =	ssyncset.done $0x0  }
0x23a: {  	[sflag:s5] =	ssyncadd.s32 $0xFFFFD000  }
0x23b: {  	[spmem:s3] =	stream.indirect.scatter.add.f32 [tilespmem:s6], [sflag:$0x1], $0x80, s18, s13, $0xb8;
	[tilespmem:$0xB800] =	vst v63  }
0x23c: {  	_ =	swait.ge [sflag:s5], $0x3000  }
0x23d: {  	[sflag:s5] =	ssyncset.done $0x0  }
0x23e: {  	s0 =	rddreg [dreg:$0x16];
	[sflag:s5] =	ssyncadd.s32 $0xFFFFD000  }
0x23f: {  	[tilespmem:s6], [sflag:$0x1] =	stream.strided.gather [hbm4b:s0+s11], $0x3000, s12, s11, $0x38;
	[tilespmem:$0xB800] =	vst v63  }
0x240: {  	_ =	swait.ge [sflag:s5], $0x3000  }
0x241: {  	[sflag:s5] =	ssyncset.done $0x0  }
0x242: {  	[sflag:s5] =	ssyncadd.s32 $0xFFFFD000  }
0x243: {  	[spmem:s3] =	stream.indirect.scatter.add.f32 [tilespmem:s6], [sflag:$0x1], $0x80, s19, s13, $0xb8;
	[tilespmem:$0xB800] =	vst v63  }
0x244: {  	_ =	swait.ge [sflag:s5], $0x3000  }
0x245: {  	[sflag:s5] =	ssyncset.done $0x0  }
0x246: {  	s0 =	rddreg [dreg:$0x17];
	[sflag:s5] =	ssyncadd.s32 $0xFFFFD000  }
0x247: {  	[tilespmem:s6], [sflag:$0x1] =	stream.strided.gather [hbm4b:s0+s11], $0x3000, s12, s11, $0x38;
	[tilespmem:$0xB800] =	vst v63  }
0x248: {  	_ =	swait.ge [sflag:s5], $0x3000  }
0x249: {  	[sflag:s5] =	ssyncset.done $0x0  }
0x24a: {  	[sflag:s5] =	ssyncadd.s32 $0xFFFFD000  }
0x24b: {  	[spmem:s3] =	stream.indirect.scatter.add.f32 [tilespmem:s6], [sflag:$0x1], $0x80, s20, s13, $0xb8;
	[tilespmem:$0xB800] =	vst v63  }
0x24c: {  	_ =	swait.ge [sflag:s5], $0x3000  }
0x24d: {  	[sflag:s5] =	ssyncset.done $0x0  }
0x24e: {  	s0 =	rddreg [dreg:$0x18];
	[sflag:s5] =	ssyncadd.s32 $0xFFFFD000  }
0x24f: {  	[tilespmem:s6], [sflag:$0x1] =	stream.strided.gather [hbm4b:s0+s11], $0x3000, s12, s11, $0x38;
	[tilespmem:$0xB800] =	vst v63  }
0x250: {  	_ =	swait.ge [sflag:s5], $0x3000  }
0x251: {  	[sflag:s5] =	ssyncset.done $0x0  }
0x252: {  	[sflag:s5] =	ssyncadd.s32 $0xFFFFD000  }
0x253: {  	[spmem:s3] =	stream.indirect.scatter.add.f32 [tilespmem:s6], [sflag:$0x1], $0x80, s11, s13, $0xb8;
	[tilespmem:$0xB800] =	vst v63  }
0x254: {  	_ =	swait.ge [sflag:s5], $0x3000  }
0x255: {  	[sflag:s5] =	ssyncset.done $0x0  }
0x256: {  	s0 =	rddreg [dreg:$0x19];
	[sflag:s5] =	ssyncadd.s32 $0xFFFFD000  }
0x257: {  	[tilespmem:s6], [sflag:$0x1] =	stream.strided.gather [hbm4b:s0+s11], $0x3000, s12, s11, $0x38;
	[tilespmem:$0xB800] =	vst v63  }
0x258: {  	_ =	swait.ge [sflag:s5], $0x3000  }
0x259: {  	[sflag:s5] =	ssyncset.done $0x0  }
0x25a: {  	[sflag:s5] =	ssyncadd.s32 $0xFFFFD000  }
0x25b: {  	[spmem:s3] =	stream.indirect.scatter.add.f32 [tilespmem:s6], [sflag:$0x1], $0x80, s21, s13, $0xb8;
	[tilespmem:$0xB800] =	vst v63  }
0x25c: {  	_ =	swait.ge [sflag:s5], $0x3000  }
0x25d: {  	[sflag:s5] =	ssyncset.done $0x0  }
0x25e: {  	[sflag:s5] =	ssyncadd.s32 $0xFFFFD000  }
0x25f: {  	[bflag:$0x0] =	sbarrier.arrive $0xFFFF  }
0x260: {  	[tilespmem:s22], [sflag:$0x1] =	stream.linear.gather [spmem:s7], $0x4000, $0x38;
	[tilespmem:$0xB800] =	vst v63  }
0x261: {  	_ =	swait.ge [sflag:s5], $0x4000  }
0x262: {  	[sflag:s5] =	ssyncset.done $0x0  }
0x263: {  	s0 =	rddreg [dreg:$0x1a];
	[sflag:s5] =	ssyncadd.s32 $0xFFFFC000  }
0x264: {  	[hbm4b:s0+s11] =	stream.strided.scatter [tilespmem:s22], [sflag:$0x1], $0x4000, s23, s11, $0x38;
	[tilespmem:$0xB800] =	vst v63  }
0x265: {  	_ =	swait.ge [sflag:s5], $0x4000  }
0x266: {  	[sflag:s5] =	ssyncset.done $0x0  }
0x267: {  	[sflag:s5] =	ssyncadd.s32 $0xFFFFC000  }
0x268: {  	[tilespmem:s6], [sflag:$0x1] =	stream.linear.gather [hbm4b:s2+s4], $0x1000, $0x38;
	[tilespmem:$0xB800] =	vst v63  }
0x269: {  	_ =	swait.ge [sflag:s5], $0x1000  }
0x26a: {  	[sflag:s5] =	ssyncset.done $0x0  }
0x26b: {  	[sflag:s5] =	ssyncadd.s32 $0xFFFFF000  }
0x26c: {  	[spmem:s7] =	stream.linear.scatter [tilespmem:s6], [sflag:$0x1], $0x1000, $0x38;
	[tilespmem:$0xB800] =	vst v63  }
0x26d: {  	_ =	swait.ge [sflag:s5], $0x1000  }
0x26e: {  	[sflag:s5] =	ssyncset.done $0x0  }
0x26f: {  	[sflag:s5] =	ssyncadd.s32 $0xFFFFF000  }
0x270: {  	[spmem:s8] =	stream.linear.scatter [tilespmem:s6], [sflag:$0x1], $0x1000, $0x38;
	[tilespmem:$0xB800] =	vst v63  }
0x271: {  	_ =	swait.ge [sflag:s5], $0x1000  }
0x272: {  	[sflag:s5] =	ssyncset.done $0x0  }
0x273: {  	[sflag:s5] =	ssyncadd.s32 $0xFFFFF000  }
0x274: {  	[spmem:s9] =	stream.linear.scatter [tilespmem:s6], [sflag:$0x1], $0x1000, $0x38;
	[tilespmem:$0xB800] =	vst v63  }
0x275: {  	_ =	swait.ge [sflag:s5], $0x1000  }
0x276: {  	[sflag:s5] =	ssyncset.done $0x0  }
0x277: {  	[sflag:s5] =	ssyncadd.s32 $0xFFFFF000  }
0x278: {  	[spmem:s10] =	stream.linear.scatter [tilespmem:s6], [sflag:$0x1], $0x1000, $0x38;
	[tilespmem:$0xB800] =	vst v63  }
0x279: {  	_ =	swait.ge [sflag:s5], $0x1000  }
0x27a: {  	[sflag:s5] =	ssyncset.done $0x0  }
0x27b: {  	[sflag:s5] =	ssyncadd.s32 $0xFFFFF000  }
0x27c: {  	[bflag:$0x0] =	sbarrier.arrive $0xFFFF  }
0x27d: {  	s0 =	rddreg [dreg:$0x1b]  }
0x27e: {  	[tilespmem:s6], [sflag:$0x1] =	stream.strided.gather [hbm4b:s0+s11], $0x3000, s12, s11, $0x38;
	[tilespmem:$0xB800] =	vst v63  }
0x27f: {  	_ =	swait.ge [sflag:s5], $0x3000  }
0x280: {  	[sflag:s5] =	ssyncset.done $0x0  }
0x281: {  	[sflag:s5] =	ssyncadd.s32 $0xFFFFD000  }
0x282: {  	[spmem:s3] =	stream.indirect.scatter.add.f32 [tilespmem:s6], [sflag:$0x1], $0x80, s4, s13, $0xb8;
	[tilespmem:$0xB800] =	vst v63  }
0x283: {  	_ =	swait.ge [sflag:s5], $0x3000  }
0x284: {  	[sflag:s5] =	ssyncset.done $0x0  }
0x285: {  	s0 =	rddreg [dreg:$0x1c];
	[sflag:s5] =	ssyncadd.s32 $0xFFFFD000  }
0x286: {  	[tilespmem:s6], [sflag:$0x1] =	stream.strided.gather [hbm4b:s0+s11], $0x3000, s12, s11, $0x38;
	[tilespmem:$0xB800] =	vst v63  }
0x287: {  	_ =	swait.ge [sflag:s5], $0x3000  }
0x288: {  	[sflag:s5] =	ssyncset.done $0x0  }
0x289: {  	[sflag:s5] =	ssyncadd.s32 $0xFFFFD000  }
0x28a: {  	[spmem:s3] =	stream.indirect.scatter.add.f32 [tilespmem:s6], [sflag:$0x1], $0x80, s14, s13, $0xb8;
	[tilespmem:$0xB800] =	vst v63  }
0x28b: {  	_ =	swait.ge [sflag:s5], $0x3000  }
0x28c: {  	[sflag:s5] =	ssyncset.done $0x0  }
0x28d: {  	s0 =	rddreg [dreg:$0x1d];
	[sflag:s5] =	ssyncadd.s32 $0xFFFFD000  }
0x28e: {  	[tilespmem:s6], [sflag:$0x1] =	stream.strided.gather [hbm4b:s0+s11], $0x3000, s12, s11, $0x38;
	[tilespmem:$0xB800] =	vst v63  }
0x28f: {  	_ =	swait.ge [sflag:s5], $0x3000  }
0x290: {  	[sflag:s5] =	ssyncset.done $0x0  }
0x291: {  	[sflag:s5] =	ssyncadd.s32 $0xFFFFD000  }
0x292: {  	[spmem:s3] =	stream.indirect.scatter.add.f32 [tilespmem:s6], [sflag:$0x1], $0x80, s15, s13, $0xb8;
	[tilespmem:$0xB800] =	vst v63  }
0x293: {  	_ =	swait.ge [sflag:s5], $0x3000  }
0x294: {  	[sflag:s5] =	ssyncset.done $0x0  }
0x295: {  	s0 =	rddreg [dreg:$0x1e];
	[sflag:s5] =	ssyncadd.s32 $0xFFFFD000  }
0x296: {  	[tilespmem:s6], [sflag:$0x1] =	stream.strided.gather [hbm4b:s0+s11], $0x3000, s12, s11, $0x38;
	[tilespmem:$0xB800] =	vst v63  }
0x297: {  	_ =	swait.ge [sflag:s5], $0x3000  }
0x298: {  	[sflag:s5] =	ssyncset.done $0x0  }
0x299: {  	[sflag:s5] =	ssyncadd.s32 $0xFFFFD000  }
0x29a: {  	[spmem:s3] =	stream.indirect.scatter.add.f32 [tilespmem:s6], [sflag:$0x1], $0x80, s16, s13, $0xb8;
	[tilespmem:$0xB800] =	vst v63  }
0x29b: {  	_ =	swait.ge [sflag:s5], $0x3000  }
0x29c: {  	[sflag:s5] =	ssyncset.done $0x0  }
0x29d: {  	[sflag:s5] =	ssyncadd.s32 $0xFFFFD000  }
0x29e: {  	[tilespmem:s6], [sflag:$0x1] =	stream.strided.gather [hbm4b:s24+s11], $0x3000, s12, s11, $0x38;
	[tilespmem:$0xB800] =	vst v63  }
0x29f: {  	_ =	swait.ge [sflag:s5], $0x3000  }
0x2a0: {  	[sflag:s5] =	ssyncset.done $0x0  }
0x2a1: {  	[sflag:s5] =	ssyncadd.s32 $0xFFFFD000  }
0x2a2: {  	[spmem:s3] =	stream.indirect.scatter.add.f32 [tilespmem:s6], [sflag:$0x1], $0x80, s17, s13, $0xb8;
	[tilespmem:$0xB800] =	vst v63  }
0x2a3: {  	_ =	swait.ge [sflag:s5], $0x3000  }
0x2a4: {  	[sflag:s5] =	ssyncset.done $0x0  }
0x2a5: {  	[sflag:s5] =	ssyncadd.s32 $0xFFFFD000  }
0x2a6: {  	[tilespmem:s6], [sflag:$0x1] =	stream.strided.gather [hbm4b:s25+s11], $0x3000, s12, s11, $0x38;
	[tilespmem:$0xB800] =	vst v63  }
0x2a7: {  	_ =	swait.ge [sflag:s5], $0x3000  }
0x2a8: {  	[sflag:s5] =	ssyncset.done $0x0  }
0x2a9: {  	[sflag:s5] =	ssyncadd.s32 $0xFFFFD000  }
0x2aa: {  	[spmem:s3] =	stream.indirect.scatter.add.f32 [tilespmem:s6], [sflag:$0x1], $0x80, s18, s13, $0xb8;
	[tilespmem:$0xB800] =	vst v63  }
0x2ab: {  	_ =	swait.ge [sflag:s5], $0x3000  }
0x2ac: {  	[sflag:s5] =	ssyncset.done $0x0  }
0x2ad: {  	[sflag:s5] =	ssyncadd.s32 $0xFFFFD000  }
0x2ae: {  	[tilespmem:s6], [sflag:$0x1] =	stream.strided.gather [hbm4b:s26+s11], $0x3000, s12, s11, $0x38;
	[tilespmem:$0xB800] =	vst v63  }
0x2af: {  	_ =	swait.ge [sflag:s5], $0x3000  }
0x2b0: {  	[sflag:s5] =	ssyncset.done $0x0  }
0x2b1: {  	[sflag:s5] =	ssyncadd.s32 $0xFFFFD000  }
0x2b2: {  	[spmem:s3] =	stream.indirect.scatter.add.f32 [tilespmem:s6], [sflag:$0x1], $0x80, s19, s13, $0xb8;
	[tilespmem:$0xB800] =	vst v63  }
0x2b3: {  	_ =	swait.ge [sflag:s5], $0x3000  }
0x2b4: {  	[sflag:s5] =	ssyncset.done $0x0  }
0x2b5: {  	[sflag:s5] =	ssyncadd.s32 $0xFFFFD000  }
0x2b6: {  	[tilespmem:s6], [sflag:$0x1] =	stream.strided.gather [hbm4b:s28+s11], $0x3000, s12, s11, $0x38;
	[tilespmem:$0xB800] =	vst v63  }
0x2b7: {  	_ =	swait.ge [sflag:s5], $0x3000  }
0x2b8: {  	[sflag:s5] =	ssyncset.done $0x0  }
0x2b9: {  	[sflag:s5] =	ssyncadd.s32 $0xFFFFD000  }
0x2ba: {  	[spmem:s3] =	stream.indirect.scatter.add.f32 [tilespmem:s6], [sflag:$0x1], $0x80, s20, s13, $0xb8;
	[tilespmem:$0xB800] =	vst v63  }
0x2bb: {  	_ =	swait.ge [sflag:s5], $0x3000  }
0x2bc: {  	[sflag:s5] =	ssyncset.done $0x0  }
0x2bd: {  	[sflag:s5] =	ssyncadd.s32 $0xFFFFD000  }
0x2be: {  	[tilespmem:s6], [sflag:$0x1] =	stream.strided.gather [hbm4b:s29+s11], $0x3000, s12, s11, $0x38;
	[tilespmem:$0xB800] =	vst v63  }
0x2bf: {  	_ =	swait.ge [sflag:s5], $0x3000  }
0x2c0: {  	[sflag:s5] =	ssyncset.done $0x0  }
0x2c1: {  	[sflag:s5] =	ssyncadd.s32 $0xFFFFD000  }
0x2c2: {  	[spmem:s3] =	stream.indirect.scatter.add.f32 [tilespmem:s6], [sflag:$0x1], $0x80, s11, s13, $0xb8;
	[tilespmem:$0xB800] =	vst v63  }
0x2c3: {  	_ =	swait.ge [sflag:s5], $0x3000  }
0x2c4: {  	[sflag:s5] =	ssyncset.done $0x0  }
0x2c5: {  	[sflag:s5] =	ssyncadd.s32 $0xFFFFD000  }
0x2c6: {  	[tilespmem:s6], [sflag:$0x1] =	stream.strided.gather [hbm4b:s30+s11], $0x3000, s12, s11, $0x38;
	[tilespmem:$0xB800] =	vst v63  }
0x2c7: {  	_ =	swait.ge [sflag:s5], $0x3000  }
0x2c8: {  	[sflag:s5] =	ssyncset.done $0x0  }
0x2c9: {  	[sflag:s5] =	ssyncadd.s32 $0xFFFFD000  }
0x2ca: {  	[spmem:s3] =	stream.indirect.scatter.add.f32 [tilespmem:s6], [sflag:$0x1], $0x80, s21, s13, $0xb8;
	[tilespmem:$0xB800] =	vst v63  }
0x2cb: {  	_ =	swait.ge [sflag:s5], $0x3000  }
0x2cc: {  	[sflag:s5] =	ssyncset.done $0x0  }
0x2cd: {  	[sflag:s5] =	ssyncadd.s32 $0xFFFFD000  }
0x2ce: {  	p0 =	sne.s32 s1, $0x1;
	[bflag:$0x0] =	sbarrier.arrive $0xFFFF  }
0x2cf: {  	[tilespmem:s22], [sflag:$0x1] =	stream.linear.gather [spmem:s7], $0x4000, $0x38;
	[tilespmem:$0xB800] =	vst v63  }
.Ltmp1:
0x2d0: {  	_ =	swait.ge [sflag:s5], $0x4000;
	(pc) =	sbr.rel @p0 .LBB2_1-.Ltmp1, $4  }
0x2d1: {  	[sflag:s5] =	ssyncset.done $0x0  }
0x2d2: {  	[sflag:s5] =	ssyncadd.s32 $0xFFFFC000  }
0x2d3: {  	[hbm4b:s31+s11] =	stream.strided.scatter [tilespmem:s22], [sflag:$0x1], $0x4000, s23, s11, $0x38;
	[tilespmem:$0xB800] =	vst v63  }
0x2d4: {  	s1 =	sadd.s32 $0xFFFFFFFF, s1;
	_ =	swait.ge [sflag:s5], $0x4000  }
.LBB2_2:
0x2d5: {  	[sflag:s5] =	ssyncset.done $0x0  }
0x2d6: {  	[sflag:s5] =	ssyncadd.s32 $0xFFFFC000  }
0x2d7: {  	_ =	sfence.sel $0x180000  }
0x2d8: {  	[bflag:$0x0] =	sbarrier.arrive $0xFFFF  }
0x2d9: {  	_ =	strace $0x9000004D  }
0x2da: {  	s0 =	stileid.u32;
	[bflag:$0x2] =	sbarrier.arrive $0xFFFF  }
0x2db: {  	p0 =	sne.s32 s0, $0x0;
	s0 =	rddreg [dreg:$0x3]  }
0x2dc: {  	s0 =	sadd.s32 @!p0 $0x100000, s0  }
0x2dd: {  	[sflag:s0] =	ssyncadd.tile.s32 @!p0 $0x1;
	_ =	shalt  }
.Lfunc_end2:
_tile_overlayer_lowered:
.L_overlay_start_2:
0x2de: {  	(tag) =	ssettag $0x2  }
0x2df: {  	s0 =	rddreg [dreg:$0x0];
	s2 =	stileid.u32  }
0x2e0: {  	s1 =	rddreg [dreg:$0x1];
	p0 =	sne.s32 s2, $0x0  }
0x2e1: {  	s3 =	rddreg [dreg:$0x2];
	[bflag:$0x3] =	sbarrier.arrive $0xFFFF;
	s2 =	simm.s32 @!p0 $0x1C01  }
0x2e2: {  	[timem:s3], [sflag:s2] =	dma.local @!p0 [hbm:s0], s1  }
0x2e3: {  	s0 =	simm.s32 @!p0 $0x1  }
0x2e4: {  	_ =	swait.ge @!p0 [sflag:s0], s1  }
0x2e5: {  	s1 =	ssub.s32 @!p0 $0x0, s1;
	[sflag:s0] =	ssyncset.done @!p0 $0x0  }
0x2e6: {  	[sflag:s0] =	ssyncadd.s32 @!p0 s1  }
0x2e7: {  	[bflag:$0x3] =	sbarrier.arrive $0xFFFF  }
0x2e8: {  	_ =	shalt  }

// kernel: kernel.8.cloned.1.call-start
scs
__scs_entry_jumppad:
0x0: {  	(pc) =	sbr.rel $0x88, $3  }
0x1: {  	(tag) =	ssettag $0x0;
	lr =	simm.s32 $0x1  }
0x2: {  	[smem:$0x3F97] =	sst lr;
	_ =	strace $0xD0000000  }
0x3: {  	_ = 	snop  }
0x4: {  	_ = 	snop  }
0x5: {  	_ = 	snop  }
0x6: {  	_ = 	snop  }
0x7: {  	_ = 	snop  }
__scs_overlays_trampoline_lowered:
0x8: {  	[smem:$0x3FA6] =	sst s0  }
0x9: {  	[smem:$0x3FA7] =	sst s1  }
0xa: {  	[smem:$0x3FA8] =	sst s2  }
0xb: {  	[smem:$0x3FA9] =	sst s3  }
0xc: {  	[smem:$0x3FAA] =	sst s4  }
0xd: {  	[smem:$0x3FAB] =	sst s5  }
0xe: {  	[smem:$0x3FAC] =	sst s6  }
0xf: {  	[smem:$0x3FAD] =	sst s7  }
0x10: {  	[smem:$0x3FAE] =	sst s8  }
0x11: {  	[smem:$0x3FAF] =	sst s9;
	s0 =	simm.s32 @!p0 $0x0  }
0x12: {  	s1 =	sld [smem:$0x3F95];
	s0 =	simm.s32 @p0 $0x1  }
0x13: {  	[smem:$0x3FB0] =	sst s0;
	s0 =	simm.s32 @!p1 $0x0  }
0x14: {  	s2 =	sld [smem:$0x3F94];
	s0 =	simm.s32 @p1 $0x1  }
0x15: {  	[smem:$0x3FB1] =	sst s0;
	s0 =	simm.s32 @!p2 $0x0  }
0x16: {  	s3 =	sld [smem:$0x3FDB];
	s0 =	simm.s32 @p2 $0x1  }
0x17: {  	s4 =	simm.s32 $0x1BF5;
	[smem:$0x3FB3] =	sst s0  }
0x18: {  	s0 =	sld [smem:$0x3F96];
	_ =	swait.ge [sflag:s4], $0x0  }
0x19: {  	s7 =	sld [smem:$0x3F97]  }
0x1a: {  	s8 =	sadd.s32 $0xFFFFE003, lr  }
0x1b: {  	s9 =	sadd.s32 $0xFFFFFEF7, lr;
	s5 =	simm.s32 $0xFFFFFFFF;
	p2 =	slt.u32 s8, $0xFFFFF086  }
0x1c: {  	p1 =	slt.u32 s9, $0xF7A;
	s5 =	simm.s32 @!p2 $0x0  }
0x1d: {  	s5 =	simm.s32 @p1 $0x1;
	p0 =	seq.s32 s7, s2  }
0x1e: {  	s7 =	smul.u32 @!p0 $0xF7A, s2;
	p2 =	seq.s32 @!p0 s5, $0x0  }
0x1f: {  	s9 =	smul.u32 $0xF7A, s1;
	s8 =	simm.s32 @!p0 $0x1BF5;
	p2 =	por !p2, p0  }
0x20: {  	[sflag:s8] =	ssyncset.s32 @!p0 $0xFFFFF086;
	s6 =	sadd.s32 @!p0 s3, s7;
	s7 =	simm.s32 @!p0 $0x108  }
0x21: {  	s3 =	sadd.s32 s3, s9;
	s6 =	sadd.s32 @!p0 $0x88, s6;
	s7 =	simm.s32 @p2 $0x1082  }
0x22: {  	[simem:s7], [sflag:s8] =	dma.local @!p0 [hbm:s6], $0xF7A  }
0x23: {  	s9 =	sor.u32 $0xD0000000, s2;
	s6 =	simm.s32 $0x108;
	_ =	swait.ge @!p0 [sflag:s8], $0x0  }
0x24: {  	s3 =	sadd.s32 $0x88, s3;
	s6 =	simm.s32 @!p1 $0x1082;
	[sflag:s4] =	ssyncset.s32 $0xFFFFF086  }
0x25: {  	[simem:s6], [sflag:s4] =	dma.local [hbm:s3], $0xF7A  }
0x26: {  	[smem:$0x3F97] =	sst s1;
	(tag) =	ssettag s2;
	_ =	strace s9  }
0x27: {  	s1 =	sld [smem:$0x3FA7]  }
0x28: {  	s2 =	sld [smem:$0x3FA8]  }
0x29: {  	s4 =	sld [smem:$0x3FAA]  }
0x2a: {  	p0 =	seq.s32 s5, $0x0;
	s5 =	sld [smem:$0x3FAB]  }
0x2b: {  	s6 =	sld [smem:$0x3FAC]  }
0x2c: {  	s7 =	sld [smem:$0x3FAD]  }
0x2d: {  	s3 =	simm.s32 $0x108;
	s8 =	sld [smem:$0x3FAE]  }
0x2e: {  	s3 =	simm.s32 @!p0 $0x1082;
	s9 =	sld [smem:$0x3FAF]  }
0x2f: {  	lr =	sadd.s32 s0, s3;
	s0 =	sld [smem:$0x3FA6]  }
0x30: {  	s3 =	sld [smem:$0x3FA9]  }
0x31: {  	[smem:$0x3FB2] =	sst s10  }
0x32: {  	s10 =	sld [smem:$0x3FB0];
	_ =	sdelay $0x3  }
0x33: {  	p0 =	seq.s32 s10, $0x1;
	s10 =	sld [smem:$0x3FB2];
	_ =	sdelay $0x3  }
0x34: {  	[smem:$0x3FB2] =	sst s10  }
0x35: {  	s10 =	sld [smem:$0x3FB1];
	_ =	sdelay $0x3  }
0x36: {  	p1 =	seq.s32 s10, $0x1;
	s10 =	sld [smem:$0x3FB2];
	_ =	sdelay $0x3  }
0x37: {  	[smem:$0x3FB2] =	sst s10  }
0x38: {  	s10 =	sld [smem:$0x3FB3]  }
0x39: {  	_ = 	snop;
	(pc) =	sbr.ind lr, $3  }
0x3a: {  	_ = 	snop  }
0x3b: {  	_ = 	snop  }
0x3c: {  	p2 =	seq.s32 s10, $0x1;
	s10 =	sld [smem:$0x3FB2]  }
0x3d: {  	_ =	shalt  }
0x3e: {  	_ =	shalt  }
0x3f: {  	_ =	shalt  }
0x40: {  	_ =	shalt  }
0x41: {  	_ =	shalt  }
0x42: {  	_ =	shalt  }
0x43: {  	_ =	shalt  }
0x44: {  	_ =	shalt  }
0x45: {  	_ =	shalt  }
0x46: {  	_ =	shalt  }
0x47: {  	_ =	shalt  }
0x48: {  	_ =	shalt  }
0x49: {  	_ =	shalt  }
0x4a: {  	_ =	shalt  }
0x4b: {  	_ =	shalt  }
0x4c: {  	_ =	shalt  }
0x4d: {  	_ =	shalt  }
0x4e: {  	_ =	shalt  }
0x4f: {  	_ =	shalt  }
0x50: {  	_ =	shalt  }
0x51: {  	_ =	shalt  }
0x52: {  	_ =	shalt  }
0x53: {  	_ =	shalt  }
0x54: {  	_ =	shalt  }
0x55: {  	_ =	shalt  }
0x56: {  	_ =	shalt  }
0x57: {  	_ =	shalt  }
0x58: {  	_ =	shalt  }
0x59: {  	_ =	shalt  }
0x5a: {  	_ =	shalt  }
0x5b: {  	_ =	shalt  }
0x5c: {  	_ =	shalt  }
0x5d: {  	_ =	shalt  }
0x5e: {  	_ =	shalt  }
0x5f: {  	_ =	shalt  }
0x60: {  	_ =	shalt  }
0x61: {  	_ =	shalt  }
0x62: {  	_ =	shalt  }
0x63: {  	_ =	shalt  }
0x64: {  	_ =	shalt  }
0x65: {  	_ =	shalt  }
0x66: {  	_ =	shalt  }
0x67: {  	_ =	shalt  }
0x68: {  	_ =	shalt  }
0x69: {  	_ =	shalt  }
0x6a: {  	_ =	shalt  }
0x6b: {  	_ =	shalt  }
0x6c: {  	_ =	shalt  }
0x6d: {  	_ =	shalt  }
0x6e: {  	_ =	shalt  }
0x6f: {  	_ =	shalt  }
0x70: {  	_ =	shalt  }
0x71: {  	_ =	shalt  }
0x72: {  	_ =	shalt  }
0x73: {  	_ =	shalt  }
0x74: {  	_ =	shalt  }
0x75: {  	_ =	shalt  }
0x76: {  	_ =	shalt  }
0x77: {  	_ =	shalt  }
0x78: {  	_ =	shalt  }
0x79: {  	_ =	shalt  }
0x7a: {  	_ =	shalt  }
0x7b: {  	_ =	shalt  }
0x7c: {  	_ =	shalt  }
0x7d: {  	_ =	shalt  }
0x7e: {  	_ =	shalt  }
0x7f: {  	_ =	shalt  }
0x80: {  	_ =	shalt  }
0x81: {  	_ =	shalt  }
0x82: {  	_ =	shalt  }
0x83: {  	_ =	shalt  }
0x84: {  	_ =	shalt  }
0x85: {  	_ =	shalt  }
0x86: {  	_ =	shalt  }
0x87: {  	_ =	shalt  }
.Lfunc_end0:
.L_simem_size_0:
called_computation_lowered:
.L_overlay_start_0:
0x88: {  	s2 =	sld [smem:$0x3FD9]  }
0x89: {  	s3 =	sld [smem:$0x3FFE];
	_ =	sdelay $0x1  }
0x8a: {  	s1 =	srdreg.scid  }
0x8b: {  	s0 =	sand.u32 $0x1, s1  }
0x8c: {  	s14 =	sshll.u32 s0, $0xA;
	s2 =	sadd.s32 s3, s2  }
0x8d: {  	s2 =	sadd.s32 s2, s14  }
0x8e: {  	[smem:$0x3FBE] =	sst s2  }
0x8f: {  	_ = 	snop  }
0x90: {  	s2 =	sld [smem:$0x3FD0];
	_ =	sdelay $0x2  }
0x91: {  	s15 =	simm.s32 $0xA;
	s4 =	simm.s32 $0x10  }
0x92: {  	[smem:s4], [sflag:s15] =	dma.local [hbm:s2], $0x1  }
0x93: {  	_ =	swait.eq [sflag:s15], $0x1  }
0x94: {  	[sflag:s15] =	ssyncset.done $0x0  }
0x95: {  	[sflag:s15] =	ssyncadd.s32 $0xFFFFFFFF  }
0x96: {  	s16 =	sld [smem:$0x10];
	(tm) =	ssettm $0x1  }
0x97: {  	s17 =	sld [smem:$0x3FFB];
	_ =	sdelay $0x3  }
0x98: {  	_ =	strace s17  }
0x99: {  	s3 =	sld [smem:$0x3FFC];
	_ =	sdelay $0x3  }
0x9a: {  	_ =	strace s3  }
0x9b: {  	s3 =	sld [smem:$0x3FFD];
	_ =	sdelay $0x3  }
0x9c: {  	_ =	strace s3  }
0x9d: {  	_ =	strace $0x8FFFFFFF  }
0x9e: {  	s18 =	sld [smem:$0x3FDB];
	_ =	sdelay $0x1  }
0x9f: {  	s19 =	simm.s32 $_scs_section_size  }
0xa0: {  	s5 =	simm.s32 $_size__tile_overlayer_lowered;
	s6 =	simm.s32 $_tile_overlayer_lowered  }
0xa1: {  	s22 =	simm.s32 $0x1BFF;
	s21 =	sshll.u32 s6, $0x1;
	s3 =	sadd.s32 s19, s18  }
0xa2: {  	s7 =	simm.s32 $0x0;
	s20 =	sshll.u32 s5, $0x1;
	s5 =	sadd.s32 s21, s3  }
0xa3: {  	[timem:s7], [sflag:s22] =	dma.local [hbm:s5], s20  }
0xa4: {  	_ =	swait.ge [sflag:s22], s20  }
0xa5: {  	s4 =	ssub.s32 $0x0, s20;
	[sflag:s22] =	ssyncset.done $0x0  }
0xa6: {  	[sflag:s22] =	ssyncadd.s32 s4;
	_ =	sdelay $0x1  }
0xa7: {  	s23 =	simm.s32 $0x1B8B  }
0xa8: {  	_ =	swait.ge [sflag:s23], $0x1  }
0xa9: {  	[sflag:s23] =	ssyncset.done $0x0  }
0xaa: {  	s25 =	simm.s32 $0x1B8E;
	s24 =	sld [smem:$0x3FFE];
	[sflag:s23] =	ssyncadd.s32 $0xFFFFFFFF  }
0xab: {  	s26 =	simm.s32 $execute0_lowered;
	[smem:$0x3FD2] =	sst s25  }
0xac: {  	s5 =	sshll.u32 s26, $0x1;
	_ =	strace $0x80000046;
	[dreg:$0x1] =	wrdreg $0xFFFFFFFF  }
0xad: {  	s28 =	simm.s32 $_size_execute0_lowered;
	s3 =	sadd.s32 s3, s5;
	[dreg:$0x0] =	wrdreg $0x0  }
0xae: {  	s5 =	sshll.u32 s28, $0x1;
	[dreg:$0x2] =	wrdreg s3  }
0xaf: {  	[dreg:$0x3] =	wrdreg s5  }
0xb0: {  	[dreg:$0x4] =	wrdreg $0xC0  }
0xb1: {  	_ =	task [dreg:s7], $0x5FFFF  }
0xb2: {  	[dreg:$0x1] =	wrdreg $0xFFFFFFFF  }
0xb3: {  	[dreg:$0x0] =	wrdreg $0x60  }
0xb4: {  	[dreg:$0x2] =	wrdreg s16  }
0xb5: {  	[dreg:$0x3] =	wrdreg s24  }
0xb6: {  	[dreg:$0x4] =	wrdreg $0x14000  }
0xb7: {  	[dreg:$0x5] =	wrdreg $0x17C00  }
0xb8: {  	[dreg:$0x6] =	wrdreg $0x9  }
0xb9: {  	_ =	task.clear_ibuf [dreg:s7], $0x7FFFF;
	_ =	strace $0x90000046  }
0xba: {  	s29 =	simm.s32 $0x9;
	_ =	strace $0x80000048  }
0xbb: {  	_ =	swait.ge [sflag:s29], $0x1  }
0xbc: {  	[sflag:s29] =	ssyncadd.s32 $0xFFFFFFFF  }
0xbd: {  	_ =	strace $0x90000048  }
0xbe: {  	_ =	sfence  }
0xbf: {  	s30 =	sld [smem:$0x0];
	_ =	sdelay $0x2  }
0xc0: {  	s31 =	sshll.u32 s1, $0xD;
	s1 =	sshrl.u32 s1, $0x2  }
0xc1: {  	s3 =	sand.u32 $0x4000, s31;
	s1 =	sadd.s32 s1, s30  }
0xc2: {  	s0 =	sor.u32 s3, s0;
	s1 =	sshll.u32 s1, $0x11  }
0xc3: {  	s0 =	sor.u32 s1, s0  }
0xc4: {  	s0 =	sadd.s32 $0x8F2B, s0  }
0xc5: {  	[sflag:s0] =	ssyncadd.remote.s32 $0x1  }
0xc6: {  	_ =	sfence.sel $0xFFFF  }
0xc7: {  	[dreg:$0x0] =	wrdreg $0xFFFFFFFF;
	(pc) =	sbr.abs _section_cstart, $3  }
0xc8: {  	[dreg:$0x1] =	wrdreg $0xFFFFFFFF  }
0xc9: {  	_ =	task.clear_ibuf [dreg:s7], $0x2FFFF;
	_ =	strace $0x9FFFFFFF  }
0xca: {  	(tm) =	ssettm $0x7FFFFFFF  }
0xcb: {  	_ =	shalt  }
tec
execute0_lowered:
.L_overlay_start_1:
0x0: {  	(tag) =	ssettag $0x1  }
0x1: {  	s1 =	srdreg.scid  }
0x2: {  	s1 =	sand.u32 $0x1, s1  }
0x3: {  	s12 =	rddreg [dreg:$0x0];
	p0 =	seq.s32 s1, $0x1  }
.Ltmp0:
0x4: {  	s2 =	rddreg [dreg:$0x1];
	(pc) =	sbr.rel @p0 .LBB2_2-.Ltmp0, $4  }
0x5: {  	s9 =	rddreg [dreg:$0x2]  }
0x6: {  	s6 =	rddreg [dreg:$0x3];
	s3 =	simm.s32 $0x0  }
0x7: {  	[smem:$0x7FF] =	sst s3  }
0x8: {  	s0 =	rddreg [dreg:$0x4];
	_ =	strace $0x80000047;
	s1 =	stileid.u32  }
0x9: {  	s11 =	smul.u32 $0x3C0, s1;
	_ =	sdelay $0x1  }
0xa: {  	s4 =	sadd.s32 $0x34E00, s2;
	s5 =	sshrl.u32 s11, $0x3  }
0xb: {  	s7 =	simm.s32 $0xC00;
	s4 =	sadd.s32 s4, s5  }
0xc: {  	[tilespmem:s7], [sflag:$0x1] =	stream.linear.gather [hbm4b:s4+s3], $0x3C0, $0x38;
	[tilespmem:$0x1B80] =	vst v63  }
0xd: {  	s4 =	simm.s32 $0x1  }
0xe: {  	_ =	swait.ge [sflag:s4], $0x3C0  }
0xf: {  	s8 =	sadd.s32 $0x34600, s2;
	[sflag:s4] =	ssyncset.done $0x0  }
0x10: {  	s10 =	sadd.s32 s8, s5;
	s8 =	simm.s32 $0x1000;
	[sflag:s4] =	ssyncadd.s32 $0xFFFFFC40  }
0x11: {  	[tilespmem:s8], [sflag:$0x1] =	stream.linear.gather [hbm4b:s10+s3], $0x3C0, $0x38;
	[tilespmem:$0x1B80] =	vst v63  }
0x12: {  	_ =	swait.ge [sflag:s4], $0x3C0  }
0x13: {  	[sflag:s4] =	ssyncset.done $0x0  }
0x14: {  	s10 =	sadd.s32 s11, s9;
	[sflag:s4] =	ssyncadd.s32 $0xFFFFFC40  }
0x15: {  	[spmem:s10] =	stream.linear.scatter [tilespmem:s7], [sflag:$0x1], $0x3C0, $0x38;
	[tilespmem:$0x1B80] =	vst v63  }
0x16: {  	_ =	swait.ge [sflag:s4], $0x3C0  }
0x17: {  	[sflag:s4] =	ssyncset.done $0x0  }
0x18: {  	s11 =	sadd.s32 s11, s6;
	[sflag:s4] =	ssyncadd.s32 $0xFFFFFC40  }
0x19: {  	[spmem:s11] =	stream.linear.scatter [tilespmem:s8], [sflag:$0x1], $0x3C0, $0x38;
	[tilespmem:$0x1B80] =	vst v63  }
0x1a: {  	_ =	swait.ge [sflag:s4], $0x3C0  }
0x1b: {  	[sflag:s4] =	ssyncset.done $0x0  }
0x1c: {  	s13 =	sshll.u32 s1, $0x7;
	[sflag:s4] =	ssyncadd.s32 $0xFFFFFC40  }
0x1d: {  	s12 =	sadd.s32 s12, s13;
	[bflag:$0x0] =	sbarrier.arrive $0xFFFF  }
0x1e: {  	[tilespmem:s3], [sflag:$0x1] =	stream.linear.gather [hbm4b:s12+s3], $0x300, $0x38;
	[tilespmem:$0x1B80] =	vst v63  }
0x1f: {  	_ =	swait.ge [sflag:s4], $0x300  }
0x20: {  	s28 =	sadd.s32 $0x33E00, s2;
	[sflag:s4] =	ssyncset.done $0x0  }
0x21: {  	s14 =	simm.s32 $0x400;
	s12 =	sadd.s32 s28, s13;
	[sflag:s4] =	ssyncadd.s32 $0xFFFFFD00  }
0x22: {  	[tilespmem:s14], [sflag:$0x1] =	stream.linear.gather [hbm4b:s12+s3], $0x300, $0x38;
	[tilespmem:$0x1B80] =	vst v63  }
0x23: {  	_ =	swait.ge [sflag:s4], $0x300  }
0x24: {  	s29 =	sadd.s32 $0x33600, s2;
	[sflag:s4] =	ssyncset.done $0x0  }
0x25: {  	s30 =	simm.s32 $0x800;
	s12 =	sadd.s32 s29, s13;
	[sflag:s4] =	ssyncadd.s32 $0xFFFFFD00  }
0x26: {  	[tilespmem:s30], [sflag:$0x1] =	stream.linear.gather [hbm4b:s12+s3], $0x300, $0x38;
	[tilespmem:$0x1B80] =	vst v63  }
0x27: {  	_ =	swait.ge [sflag:s4], $0x300  }
0x28: {  	[sflag:s4] =	ssyncset.done $0x0  }
0x29: {  	s31 =	simm.s32 $0x80;
	[sflag:s4] =	ssyncadd.s32 $0xFFFFFD00  }
0x2a: {  	[spmem:s9] =	stream.indirect.scatter.add.s32 [tilespmem:s14], [sflag:$0x1], $0x1, s3, s31, $0xb8;
	[tilespmem:$0x1B80] =	vst v63  }
0x2b: {  	_ =	swait.ge [sflag:s4], $0x80  }
0x2c: {  	[sflag:s4] =	ssyncset.done $0x0  }
0x2d: {  	[sflag:s4] =	ssyncadd.s32 $0xFFFFFF80  }
0x2e: {  	[spmem:s6] =	stream.indirect.scatter.add.f32 [tilespmem:s30], [sflag:$0x1], $0x1, s3, s31, $0xb8;
	[tilespmem:$0x1B80] =	vst v63  }
0x2f: {  	_ =	swait.ge [sflag:s4], $0x80  }
0x30: {  	[sflag:s4] =	ssyncset.done $0x0  }
0x31: {  	s15 =	simm.s32 $0x480;
	[sflag:s4] =	ssyncadd.s32 $0xFFFFFF80  }
0x32: {  	[spmem:s9] =	stream.indirect.scatter.add.s32 [tilespmem:s15], [sflag:$0x1], $0x1, s31, s31, $0xb8;
	[tilespmem:$0x1B80] =	vst v63  }
0x33: {  	_ =	swait.ge [sflag:s4], $0x80  }
0x34: {  	[sflag:s4] =	ssyncset.done $0x0  }
0x35: {  	s16 =	simm.s32 $0x880;
	[sflag:s4] =	ssyncadd.s32 $0xFFFFFF80  }
0x36: {  	[spmem:s6] =	stream.indirect.scatter.add.f32 [tilespmem:s16], [sflag:$0x1], $0x1, s31, s31, $0xb8;
	[tilespmem:$0x1B80] =	vst v63  }
0x37: {  	_ =	swait.ge [sflag:s4], $0x80  }
0x38: {  	[sflag:s4] =	ssyncset.done $0x0  }
0x39: {  	s17 =	simm.s32 $0x100;
	s18 =	simm.s32 $0x500;
	[sflag:s4] =	ssyncadd.s32 $0xFFFFFF80  }
0x3a: {  	[spmem:s9] =	stream.indirect.scatter.add.s32 [tilespmem:s18], [sflag:$0x1], $0x1, s17, s31, $0xb8;
	[tilespmem:$0x1B80] =	vst v63  }
0x3b: {  	_ =	swait.ge [sflag:s4], $0x80  }
0x3c: {  	[sflag:s4] =	ssyncset.done $0x0  }
0x3d: {  	s19 =	simm.s32 $0x900;
	[sflag:s4] =	ssyncadd.s32 $0xFFFFFF80  }
0x3e: {  	[spmem:s6] =	stream.indirect.scatter.add.f32 [tilespmem:s19], [sflag:$0x1], $0x1, s17, s31, $0xb8;
	[tilespmem:$0x1B80] =	vst v63  }
0x3f: {  	_ =	swait.ge [sflag:s4], $0x80  }
0x40: {  	[sflag:s4] =	ssyncset.done $0x0  }
0x41: {  	s20 =	simm.s32 $0x180;
	s21 =	simm.s32 $0x580;
	[sflag:s4] =	ssyncadd.s32 $0xFFFFFF80  }
0x42: {  	[spmem:s9] =	stream.indirect.scatter.add.s32 [tilespmem:s21], [sflag:$0x1], $0x1, s20, s31, $0xb8;
	[tilespmem:$0x1B80] =	vst v63  }
0x43: {  	_ =	swait.ge [sflag:s4], $0x80  }
0x44: {  	[sflag:s4] =	ssyncset.done $0x0  }
0x45: {  	s22 =	simm.s32 $0x980;
	[sflag:s4] =	ssyncadd.s32 $0xFFFFFF80  }
0x46: {  	[spmem:s6] =	stream.indirect.scatter.add.f32 [tilespmem:s22], [sflag:$0x1], $0x1, s20, s31, $0xb8;
	[tilespmem:$0x1B80] =	vst v63  }
0x47: {  	_ =	swait.ge [sflag:s4], $0x80  }
0x48: {  	[sflag:s4] =	ssyncset.done $0x0  }
0x49: {  	s23 =	simm.s32 $0x200;
	s24 =	simm.s32 $0x600;
	[sflag:s4] =	ssyncadd.s32 $0xFFFFFF80  }
0x4a: {  	[spmem:s9] =	stream.indirect.scatter.add.s32 [tilespmem:s24], [sflag:$0x1], $0x1, s23, s31, $0xb8;
	[tilespmem:$0x1B80] =	vst v63  }
0x4b: {  	_ =	swait.ge [sflag:s4], $0x80  }
0x4c: {  	[sflag:s4] =	ssyncset.done $0x0  }
0x4d: {  	s25 =	simm.s32 $0xA00;
	[sflag:s4] =	ssyncadd.s32 $0xFFFFFF80  }
0x4e: {  	[spmem:s6] =	stream.indirect.scatter.add.f32 [tilespmem:s25], [sflag:$0x1], $0x1, s23, s31, $0xb8;
	[tilespmem:$0x1B80] =	vst v63  }
0x4f: {  	_ =	swait.ge [sflag:s4], $0x80  }
0x50: {  	[sflag:s4] =	ssyncset.done $0x0  }
0x51: {  	s26 =	simm.s32 $0x280;
	s28 =	simm.s32 $0x680;
	[sflag:s4] =	ssyncadd.s32 $0xFFFFFF80  }
0x52: {  	[spmem:s9] =	stream.indirect.scatter.add.s32 [tilespmem:s28], [sflag:$0x1], $0x1, s26, s31, $0xb8;
	[tilespmem:$0x1B80] =	vst v63  }
0x53: {  	_ =	swait.ge [sflag:s4], $0x80  }
0x54: {  	[sflag:s4] =	ssyncset.done $0x0  }
0x55: {  	s29 =	simm.s32 $0xA80;
	[sflag:s4] =	ssyncadd.s32 $0xFFFFFF80  }
0x56: {  	[spmem:s6] =	stream.indirect.scatter.add.f32 [tilespmem:s29], [sflag:$0x1], $0x1, s26, s31, $0xb8;
	[tilespmem:$0x1B80] =	vst v63  }
0x57: {  	_ =	swait.ge [sflag:s4], $0x80  }
0x58: {  	[sflag:s4] =	ssyncset.done $0x0  }
0x59: {  	[sflag:s4] =	ssyncadd.s32 $0xFFFFFF80  }
0x5a: {  	[bflag:$0x0] =	sbarrier.arrive $0xFFFF  }
0x5b: {  	[tilespmem:s7], [sflag:$0x1] =	stream.linear.gather [spmem:s10], $0x3C0, $0x38;
	[tilespmem:$0x1B80] =	vst v63  }
0x5c: {  	_ =	swait.ge [sflag:s4], $0x3C0  }
0x5d: {  	[sflag:s4] =	ssyncset.done $0x0  }
0x5e: {  	[sflag:s4] =	ssyncadd.s32 $0xFFFFFC40  }
0x5f: {  	[tilespmem:s8], [sflag:$0x1] =	stream.linear.gather [spmem:s11], $0x3C0, $0x38;
	[tilespmem:$0x1B80] =	vst v63  }
0x60: {  	_ =	swait.ge [sflag:s4], $0x3C0  }
0x61: {  	s30 =	sadd.s32 $0x35600, s2;
	[sflag:s4] =	ssyncset.done $0x0  }
0x62: {  	s6 =	sadd.s32 s30, s5;
	[sflag:s4] =	ssyncadd.s32 $0xFFFFFC40  }
0x63: {  	[hbm4b:s6+s3] =	stream.linear.scatter [tilespmem:s7], [sflag:$0x1], $0x3C0, $0x38;
	[tilespmem:$0x1B80] =	vst v63  }
0x64: {  	_ =	swait.ge [sflag:s4], $0x3C0  }
0x65: {  	s31 =	sadd.s32 $0x35E00, s2;
	[sflag:s4] =	ssyncset.done $0x0  }
0x66: {  	s2 =	sadd.s32 s31, s5;
	[sflag:s4] =	ssyncadd.s32 $0xFFFFFC40  }
0x67: {  	[hbm4b:s2+s3] =	stream.linear.scatter [tilespmem:s8], [sflag:$0x1], $0x3C0, $0x38;
	[tilespmem:$0x1B80] =	vst v63  }
0x68: {  	_ =	swait.ge [sflag:s4], $0x3C0  }
0x69: {  	[sflag:s4] =	ssyncset.done $0x0  }
0x6a: {  	[sflag:s4] =	ssyncadd.s32 $0xFFFFFC40  }
.LBB2_2:
0x6b: {  	_ =	sfence.sel $0x180000  }
0x6c: {  	[bflag:$0x0] =	sbarrier.arrive $0xFFFF  }
0x6d: {  	p0 =	sne.s32 s1, $0x0;
	_ =	strace $0x90000047  }
0x6e: {  	s0 =	sadd.s32 @!p0 $0x100000, s0;
	[bflag:$0x2] =	sbarrier.arrive $0xFFFF  }
0x6f: {  	[sflag:s0] =	ssyncadd.tile.s32 @!p0 $0x1;
	_ =	shalt  }
.Lfunc_end2:
_tile_overlayer_lowered:
.L_overlay_start_2:
0x70: {  	(tag) =	ssettag $0x2  }
0x71: {  	s0 =	rddreg [dreg:$0x0];
	s2 =	stileid.u32  }
0x72: {  	s1 =	rddreg [dreg:$0x1];
	p0 =	sne.s32 s2, $0x0  }
0x73: {  	s3 =	rddreg [dreg:$0x2];
	[bflag:$0x3] =	sbarrier.arrive $0xFFFF;
	s2 =	simm.s32 @!p0 $0x1C01  }
0x74: {  	[timem:s3], [sflag:s2] =	dma.local @!p0 [hbm:s0], s1  }
0x75: {  	s0 =	simm.s32 @!p0 $0x1  }
0x76: {  	_ =	swait.ge @!p0 [sflag:s0], s1  }
0x77: {  	s1 =	ssub.s32 @!p0 $0x0, s1;
	[sflag:s0] =	ssyncset.done @!p0 $0x0  }
0x78: {  	[sflag:s0] =	ssyncadd.s32 @!p0 s1  }
0x79: {  	[bflag:$0x3] =	sbarrier.arrive $0xFFFF  }
0x7a: {  	_ =	shalt  }

</sc_bundles>
